<compile_context>
chip_gen: v7x
topology: tpu7x:2x2x1
jax: 0.10.2.dev20260603
libtpu: 0.0.44.dev20260713+nightly
codegen_flags: <defaults>
</compile_context>

<pallas_src>
import functools

import jax
import jax.numpy as jnp
from jax import lax
from jax.experimental import pallas as pl
from jax.experimental.pallas import tpu as pltpu
from jax.experimental.pallas import tpu_sc as plsc

RESO = 128
STEP = 0.01
N_STEPS = 256
N_RAYS = 16384

NW = 32
CHUNK_R = 16
NVEC = N_STEPS // 16
GRID_WORDS = RESO * RESO * RESO // 32


def _sc_sample(code, grid_words, ts_tab, te_tab, rid0, n_rows):
    rows_per_w = n_rows // NW
    n_chunks = rows_per_w // CHUNK_R
    mesh = plsc.VectorSubcoreMesh(core_axis_name="c", subcore_axis_name="s")

    @functools.partial(
        pl.kernel,
        mesh=mesh,
        compiler_params=pltpu.CompilerParams(needs_layout_passes=False),
        out_type=(
            jax.ShapeDtypeStruct((n_rows, N_STEPS), jnp.int32),
            jax.ShapeDtypeStruct((n_rows, N_STEPS), jnp.float32),
            jax.ShapeDtypeStruct((n_rows, N_STEPS), jnp.float32),
        ),
        scratch_types=[
            pltpu.VMEM((GRID_WORDS,), jnp.int32),
            pltpu.VMEM((N_STEPS,), jnp.float32),
            pltpu.VMEM((N_STEPS,), jnp.float32),
            pltpu.VMEM((2, CHUNK_R, N_STEPS), jnp.int32),
            pltpu.VMEM((2, CHUNK_R, N_STEPS), jnp.int32),
            pltpu.VMEM((2, CHUNK_R, N_STEPS), jnp.float32),
            pltpu.VMEM((2, CHUNK_R, N_STEPS), jnp.float32),
            pltpu.SemaphoreType.DMA,
            pltpu.SemaphoreType.DMA,
            pltpu.SemaphoreType.DMA,
            pltpu.SemaphoreType.DMA,
        ],
    )
    def k(code_hbm, grid_hbm, tst_hbm, tet_hbm, ri_hbm, ts_hbm, te_hbm,
          grid_v, tst_v, tet_v, cbuf, ribuf, tsbuf, tebuf,
          insem0, insem1, outsem0, outsem1):
        wid = lax.axis_index("s") * 2 + lax.axis_index("c")
        base0 = wid * rows_per_w
        insems = (insem0, insem1)
        outsems = (outsem0, outsem1)

        def in_copy(cc, b):
            return pltpu.make_async_copy(
                code_hbm.at[pl.ds(base0 + cc * CHUNK_R, CHUNK_R)],
                cbuf.at[b], insems[b])

        def out_copies(cc, b):
            sl = pl.ds(base0 + cc * CHUNK_R, CHUNK_R)
            return (pltpu.make_async_copy(ribuf.at[b], ri_hbm.at[sl], outsems[b]),
                    pltpu.make_async_copy(tsbuf.at[b], ts_hbm.at[sl], outsems[b]),
                    pltpu.make_async_copy(tebuf.at[b], te_hbm.at[sl], outsems[b]))

        in_copy(0, 0).start()
        pltpu.sync_copy(grid_hbm, grid_v)
        pltpu.sync_copy(tst_hbm, tst_v)
        pltpu.sync_copy(tet_hbm, tet_v)
        tsvs = [tst_v[pl.ds(v * 16, 16)] for v in range(NVEC)]
        tevs = [tet_v[pl.ds(v * 16, 16)] for v in range(NVEC)]

        def compute_chunk(cc, b):
            rowbase = base0 + cc * CHUNK_R

            @plsc.parallel_loop(0, CHUNK_R, 1, unroll=8)
            def row_body(r):
                ridv = jnp.full((16,), rid0 + rowbase + r, dtype=jnp.int32)
                for v in range(NVEC):
                    sl = pl.ds(v * 16, 16)
                    cd = cbuf[b, r, sl]
                    word = plsc.load_gather(grid_v, [cd >> 6])
                    m = ((word >> ((cd >> 1) & 31)) & cd & 1) == 1
                    ribuf[b, r, sl] = jnp.where(m, ridv, -1)
                    tsbuf[b, r, sl] = jnp.where(m, tsvs[v], 0.0)
                    tebuf[b, r, sl] = jnp.where(m, tevs[v], 0.0)

        def step(i, b):
            cc = i * 2 + b

            @pl.when(cc < n_chunks - 1)
            def _():
                in_copy(cc + 1, b ^ 1).start()

            in_copy(cc, b).wait()

            @pl.when(i >= 1)
            def _():
                for h in out_copies(cc - 2, b):
                    h.wait()

            compute_chunk(cc, b)
            for h in out_copies(cc, b):
                h.start()

        def body2(i, carry):
            step(i, 0)
            step(i, 1)
            return carry

        lax.fori_loop(0, n_chunks // 2, body2, 0)
        for h in out_copies(n_chunks - 2, 0):
            h.wait()
        for h in out_copies(n_chunks - 1, 1):
            h.wait()

    return k(code, grid_words, ts_tab, te_tab)


def _code_half(rays_o, d, t_mid, aabb):
    pos = rays_o[:, None, :] + d[:, None, :] * t_mid[None, :, None]
    size = aabb[1] - aabb[0]
    g = (pos - aabb[0][None, None, :]) / size[None, None, :] * RESO
    idx = jnp.clip(g.astype(jnp.int32), 0, RESO - 1)
    inside = jnp.all((pos >= aabb[0][None, None, :])
                     & (pos < aabb[1][None, None, :]), axis=-1)
    widx = idx[..., 0] * 512 + idx[..., 1] * 4 + (idx[..., 2] >> 5)
    return (widx << 6) | ((idx[..., 2] & 31) << 1) | inside.astype(jnp.int32)


def kernel(rays_o, rays_d, occ_grid, aabb, near_far):
    d = rays_d / (jnp.linalg.norm(rays_d, axis=-1, keepdims=True) + 1e-8)
    t_mid = near_far[0] + (jnp.arange(N_STEPS, dtype=jnp.float32) + 0.5) * STEP
    gw = occ_grid.reshape(-1, 32).astype(jnp.uint32)
    words = (gw << jnp.arange(32, dtype=jnp.uint32)[None, :]).sum(
        axis=1, dtype=jnp.uint32)
    words = lax.bitcast_convert_type(words, jnp.int32)
    tst = t_mid - 0.5 * STEP
    tet = t_mid + 0.5 * STEP
    code = _code_half(rays_o, d, t_mid, aabb)
    ri, ts, te = _sc_sample(code, words, tst, tet, 0, N_RAYS)
    return ri, ts, te, ri >= 0

# --- scband reference (transcript-rebuilt; emitter-appended) ---
"""Pipeline reference for scband-occgrid-sampler-84275848282452 (READ-ONLY COPY).

The authoritative reference and input builder live on the scoring server;
editing this copy changes nothing except your own understanding.
"""

import jax, jax.numpy as jnp
import numpy as np

RESO = 128
STEP = 0.01
N_STEPS = 256
N_RAYS = 16384


def setup_inputs(seed: int = 0) -> dict:
    key = jax.random.key(seed)
    k1, k2, k3 = jax.random.split(key, 3)
    rays_o = jax.random.uniform(k1, (N_RAYS, 3), dtype=jnp.float32, minval=-0.5, maxval=0.5)
    rays_d = jax.random.normal(k2, (N_RAYS, 3), dtype=jnp.float32)
    occ_grid = jax.random.bernoulli(k3, 0.15, (RESO, RESO, RESO))
    aabb = jnp.array([[-1.5, -1.5, -1.5], [1.5, 1.5, 1.5]], dtype=jnp.float32)
    near_far = jnp.array([0.05, 0.05 + N_STEPS * STEP], dtype=jnp.float32)
    return {"rays_o": rays_o, "rays_d": rays_d, "occ_grid": occ_grid, "aabb": aabb, "near_far": near_far}


def reference(rays_o, rays_d, occ_grid, aabb, near_far):
    # Dense-shape equivalent of nerfacc.OccGridEstimator.sampling with
    # sigma_fn=None / alpha_fn=None (occupancy-grid-only filtering),
    # stratified=False (is_train=False), fixed render_step_size.
    N = rays_o.shape[0]
    d = rays_d / (jnp.linalg.norm(rays_d, axis=-1, keepdims=True) + 1e-8)
    # midpoints of uniform march intervals along each ray
    t_mid = near_far[0] + (jnp.arange(N_STEPS, dtype=jnp.float32) + 0.5) * STEP  # [S]
    pos = rays_o[:, None, :] + d[:, None, :] * t_mid[None, :, None]  # [N, S, 3]
    size = aabb[1] - aabb[0]
    g = (pos - aabb[0][None, None, :]) / size[None, None, :] * RESO
    idx = jnp.clip(g.astype(jnp.int32), 0, RESO - 1)  # [N, S, 3]
    inside = jnp.all((pos >= aabb[0][None, None, :]) & (pos < aabb[1][None, None, :]), axis=-1)  # [N, S]
    # memory-bound 3D grid gather: 4.2M random lookups into 128^3 bool grid
    occ = occ_grid[idx[..., 0], idx[..., 1], idx[..., 2]] & inside  # [N, S]
    occf = occ.astype(jnp.float32)
    t_starts = jnp.broadcast_to(t_mid - 0.5 * STEP, (N, N_STEPS)) * occf
    t_ends = jnp.broadcast_to(t_mid + 0.5 * STEP, (N, N_STEPS)) * occf
    ray_indices = jnp.where(occ, jnp.arange(N, dtype=jnp.int32)[:, None], -1)  # -1 marks pruned samples
    return ray_indices, t_starts, t_ends, occ

if __name__ == "__main__":
    import jax
    _d = setup_inputs()
    print(jax.jit(kernel)(*tuple(_d.values())))

</pallas_src>

<mosaic_0001>
#map = affine_map<(d0, d1) -> (0, 0)>
#map1 = affine_map<(d0, d1) -> (0)>
module attributes {stable_mosaic.version = 14 : i64} {
  func.func @k(%arg0: i32, %arg1: i32, %arg2: memref<16384x256xi32, #tpu.memory_space<hbm>>, %arg3: memref<65536xi32, #tpu.memory_space<hbm>>, %arg4: memref<256xf32, #tpu.memory_space<hbm>>, %arg5: memref<256xf32, #tpu.memory_space<hbm>>, %arg6: memref<16384x256xi32, #tpu.memory_space<hbm>>, %arg7: memref<16384x256xf32, #tpu.memory_space<hbm>>, %arg8: memref<16384x256xf32, #tpu.memory_space<hbm>>, %arg9: memref<65536xi32, #tpu.memory_space<vmem>>, %arg10: memref<256xf32, #tpu.memory_space<vmem>>, %arg11: memref<256xf32, #tpu.memory_space<vmem>>, %arg12: memref<2x16x256xi32, #tpu.memory_space<vmem>>, %arg13: memref<2x16x256xi32, #tpu.memory_space<vmem>>, %arg14: memref<2x16x256xf32, #tpu.memory_space<vmem>>, %arg15: memref<2x16x256xf32, #tpu.memory_space<vmem>>, %arg16: memref<!tpu.dma_semaphore, #tpu.memory_space<semaphore_mem>>, %arg17: memref<!tpu.dma_semaphore, #tpu.memory_space<semaphore_mem>>, %arg18: memref<!tpu.dma_semaphore, #tpu.memory_space<semaphore_mem>>, %arg19: memref<!tpu.dma_semaphore, #tpu.memory_space<semaphore_mem>>) attributes {dimension_semantics = [#tpu.dimension_semantics<core_parallel>, #tpu.dimension_semantics<subcore_parallel>], iteration_bounds = array<i64: 2, 16>, scalar_prefetch = 0 : i64, scratch_operands = 11 : i64, tpu.core_type = #tpu.core_type<sc_vector_subcore>, window_params = [{transform_indices = #map}, {transform_indices = #map1}, {transform_indices = #map1}, {transform_indices = #map1}, {transform_indices = #map}, {transform_indices = #map}, {transform_indices = #map}]} {
    %mul3A = arith.constant 2 : i32
    %mul3A_0 = arith.muli %arg1, %mul3A : i32
    %add3A = arith.addi %mul3A_0, %arg0 : i32
    %mul3A_1 = arith.constant 512 : i32
    %mul3A_2 = arith.muli %add3A, %mul3A_1 : i32
    %add3A_3 = arith.constant 0 : i32
    %add3A_4 = arith.addi %mul3A_2, %add3A_3 : i32
    %dma_start3A = arith.constant 0 : i32
    %dma_start3A_5 = arith.constant 0 : i32
    %dma_start3A_6 = arith.constant 0 : i32
    %dma_start3A_7 = tpu.memref_slice %arg12[%dma_start3A, %dma_start3A_5, %dma_start3A_6] : memref<2x16x256xi32, #tpu.memory_space<vmem>> -> memref<1x16x256xi32, #tpu.memory_space<vmem>>
    %dma_start3A_8 = tpu.memref_squeeze %dma_start3A_7 : memref<1x16x256xi32, #tpu.memory_space<vmem>> -> memref<16x256xi32, #tpu.memory_space<vmem>>
    %dma_start3A_9 = arith.constant 0 : i32
    %dma_start3A_10 = tpu.memref_slice %arg2[%add3A_4, %dma_start3A_9] : memref<16384x256xi32, #tpu.memory_space<hbm>> -> memref<16x256xi32, #tpu.memory_space<hbm>>
    %dma_start3A_11 = arith.constant 0 : i32
    %dma_start3A_12 = arith.constant 0 : i32
    %dma_start3A_13 = tpu.memref_slice %arg12[%dma_start3A, %dma_start3A_11, %dma_start3A_12] : memref<2x16x256xi32, #tpu.memory_space<vmem>> -> memref<1x16x256xi32, #tpu.memory_space<vmem>>
    %dma_start3A_14 = tpu.memref_squeeze %dma_start3A_13 : memref<1x16x256xi32, #tpu.memory_space<vmem>> -> memref<16x256xi32, #tpu.memory_space<vmem>>
    %dma_start3A_15 = arith.constant 0 : i32
    %dma_start3A_16 = tpu.memref_slice %arg2[%add3A_4, %dma_start3A_15] : memref<16384x256xi32, #tpu.memory_space<hbm>> -> memref<16x256xi32, #tpu.memory_space<hbm>>
    tpu.enqueue_dma source(%dma_start3A_16 : memref<16x256xi32, #tpu.memory_space<hbm>>) target(%dma_start3A_14 : memref<16x256xi32, #tpu.memory_space<vmem>>) target_semaphore(%arg16 : memref<!tpu.dma_semaphore, #tpu.memory_space<semaphore_mem>>)
    "tpu.region"() ({
      %run_scoped3A = tpu.sem_alloc : memref<!tpu.dma_semaphore, #tpu.memory_space<semaphore_mem>>
      tpu.enqueue_dma source(%arg3 : memref<65536xi32, #tpu.memory_space<hbm>>) target(%arg9 : memref<65536xi32, #tpu.memory_space<vmem>>) target_semaphore(%run_scoped3A : memref<!tpu.dma_semaphore, #tpu.memory_space<semaphore_mem>>)
      tpu.wait_dma2 semaphore(%run_scoped3A : memref<!tpu.dma_semaphore, #tpu.memory_space<semaphore_mem>>) src(%arg3 : memref<65536xi32, #tpu.memory_space<hbm>>) dst(%arg9 : memref<65536xi32, #tpu.memory_space<vmem>>)
      tpu.yield
    }) : () -> ()
    "tpu.region"() ({
      %run_scoped3A = tpu.sem_alloc : memref<!tpu.dma_semaphore, #tpu.memory_space<semaphore_mem>>
      tpu.enqueue_dma source(%arg4 : memref<256xf32, #tpu.memory_space<hbm>>) target(%arg10 : memref<256xf32, #tpu.memory_space<vmem>>) target_semaphore(%run_scoped3A : memref<!tpu.dma_semaphore, #tpu.memory_space<semaphore_mem>>)
      tpu.wait_dma2 semaphore(%run_scoped3A : memref<!tpu.dma_semaphore, #tpu.memory_space<semaphore_mem>>) src(%arg4 : memref<256xf32, #tpu.memory_space<hbm>>) dst(%arg10 : memref<256xf32, #tpu.memory_space<vmem>>)
      tpu.yield
    }) : () -> ()
    "tpu.region"() ({
      %run_scoped3A = tpu.sem_alloc : memref<!tpu.dma_semaphore, #tpu.memory_space<semaphore_mem>>
      tpu.enqueue_dma source(%arg5 : memref<256xf32, #tpu.memory_space<hbm>>) target(%arg11 : memref<256xf32, #tpu.memory_space<vmem>>) target_semaphore(%run_scoped3A : memref<!tpu.dma_semaphore, #tpu.memory_space<semaphore_mem>>)
      tpu.wait_dma2 semaphore(%run_scoped3A : memref<!tpu.dma_semaphore, #tpu.memory_space<semaphore_mem>>) src(%arg5 : memref<256xf32, #tpu.memory_space<hbm>>) dst(%arg11 : memref<256xf32, #tpu.memory_space<vmem>>)
      tpu.yield
    }) : () -> ()
    %get3A = arith.constant 0 : index
    %get3A_17 = tpu.vector_load %arg10[%get3A] {strides = array<i32>} : memref<256xf32, #tpu.memory_space<vmem>>, vector<16xf32>,
    %get3A_18 = arith.constant 16 : index
    %get3A_19 = tpu.vector_load %arg10[%get3A_18] {strides = array<i32>} : memref<256xf32, #tpu.memory_space<vmem>>, vector<16xf32>,
    %get3A_20 = arith.constant 32 : index
    %get3A_21 = tpu.vector_load %arg10[%get3A_20] {strides = array<i32>} : memref<256xf32, #tpu.memory_space<vmem>>, vector<16xf32>,
    %get3A_22 = arith.constant 48 : index
    %get3A_23 = tpu.vector_load %arg10[%get3A_22] {strides = array<i32>} : memref<256xf32, #tpu.memory_space<vmem>>, vector<16xf32>,
    %get3A_24 = arith.constant 64 : index
    %get3A_25 = tpu.vector_load %arg10[%get3A_24] {strides = array<i32>} : memref<256xf32, #tpu.memory_space<vmem>>, vector<16xf32>,
    %get3A_26 = arith.constant 80 : index
    %get3A_27 = tpu.vector_load %arg10[%get3A_26] {strides = array<i32>} : memref<256xf32, #tpu.memory_space<vmem>>, vector<16xf32>,
    %get3A_28 = arith.constant 96 : index
    %get3A_29 = tpu.vector_load %arg10[%get3A_28] {strides = array<i32>} : memref<256xf32, #tpu.memory_space<vmem>>, vector<16xf32>,
    %get3A_30 = arith.constant 112 : index
    %get3A_31 = tpu.vector_load %arg10[%get3A_30] {strides = array<i32>} : memref<256xf32, #tpu.memory_space<vmem>>, vector<16xf32>,
    %get3A_32 = arith.constant 128 : index
    %get3A_33 = tpu.vector_load %arg10[%get3A_32] {strides = array<i32>} : memref<256xf32, #tpu.memory_space<vmem>>, vector<16xf32>,
    %get3A_34 = arith.constant 144 : index
    %get3A_35 = tpu.vector_load %arg10[%get3A_34] {strides = array<i32>} : memref<256xf32, #tpu.memory_space<vmem>>, vector<16xf32>,
    %get3A_36 = arith.constant 160 : index
    %get3A_37 = tpu.vector_load %arg10[%get3A_36] {strides = array<i32>} : memref<256xf32, #tpu.memory_space<vmem>>, vector<16xf32>,
    %get3A_38 = arith.constant 176 : index
    %get3A_39 = tpu.vector_load %arg10[%get3A_38] {strides = array<i32>} : memref<256xf32, #tpu.memory_space<vmem>>, vector<16xf32>,
    %get3A_40 = arith.constant 192 : index
    %get3A_41 = tpu.vector_load %arg10[%get3A_40] {strides = array<i32>} : memref<256xf32, #tpu.memory_space<vmem>>, vector<16xf32>,
    %get3A_42 = arith.constant 208 : index
    %get3A_43 = tpu.vector_load %arg10[%get3A_42] {strides = array<i32>} : memref<256xf32, #tpu.memory_space<vmem>>, vector<16xf32>,
    %get3A_44 = arith.constant 224 : index
    %get3A_45 = tpu.vector_load %arg10[%get3A_44] {strides = array<i32>} : memref<256xf32, #tpu.memory_space<vmem>>, vector<16xf32>,
    %get3A_46 = arith.constant 240 : index
    %get3A_47 = tpu.vector_load %arg10[%get3A_46] {strides = array<i32>} : memref<256xf32, #tpu.memory_space<vmem>>, vector<16xf32>,
    %get3A_48 = arith.constant 0 : index
    %get3A_49 = tpu.vector_load %arg11[%get3A_48] {strides = array<i32>} : memref<256xf32, #tpu.memory_space<vmem>>, vector<16xf32>,
    %get3A_50 = arith.constant 16 : index
    %get3A_51 = tpu.vector_load %arg11[%get3A_50] {strides = array<i32>} : memref<256xf32, #tpu.memory_space<vmem>>, vector<16xf32>,
    %get3A_52 = arith.constant 32 : index
    %get3A_53 = tpu.vector_load %arg11[%get3A_52] {strides = array<i32>} : memref<256xf32, #tpu.memory_space<vmem>>, vector<16xf32>,
    %get3A_54 = arith.constant 48 : index
    %get3A_55 = tpu.vector_load %arg11[%get3A_54] {strides = array<i32>} : memref<256xf32, #tpu.memory_space<vmem>>, vector<16xf32>,
    %get3A_56 = arith.constant 64 : index
    %get3A_57 = tpu.vector_load %arg11[%get3A_56] {strides = array<i32>} : memref<256xf32, #tpu.memory_space<vmem>>, vector<16xf32>,
    %get3A_58 = arith.constant 80 : index
    %get3A_59 = tpu.vector_load %arg11[%get3A_58] {strides = array<i32>} : memref<256xf32, #tpu.memory_space<vmem>>, vector<16xf32>,
    %get3A_60 = arith.constant 96 : index
    %get3A_61 = tpu.vector_load %arg11[%get3A_60] {strides = array<i32>} : memref<256xf32, #tpu.memory_space<vmem>>, vector<16xf32>,
    %get3A_62 = arith.constant 112 : index
    %get3A_63 = tpu.vector_load %arg11[%get3A_62] {strides = array<i32>} : memref<256xf32, #tpu.memory_space<vmem>>, vector<16xf32>,
    %get3A_64 = arith.constant 128 : index
    %get3A_65 = tpu.vector_load %arg11[%get3A_64] {strides = array<i32>} : memref<256xf32, #tpu.memory_space<vmem>>, vector<16xf32>,
    %get3A_66 = arith.constant 144 : index
    %get3A_67 = tpu.vector_load %arg11[%get3A_66] {strides = array<i32>} : memref<256xf32, #tpu.memory_space<vmem>>, vector<16xf32>,
    %get3A_68 = arith.constant 160 : index
    %get3A_69 = tpu.vector_load %arg11[%get3A_68] {strides = array<i32>} : memref<256xf32, #tpu.memory_space<vmem>>, vector<16xf32>,
    %get3A_70 = arith.constant 176 : index
    %get3A_71 = tpu.vector_load %arg11[%get3A_70] {strides = array<i32>} : memref<256xf32, #tpu.memory_space<vmem>>, vector<16xf32>,
    %get3A_72 = arith.constant 192 : index
    %get3A_73 = tpu.vector_load %arg11[%get3A_72] {strides = array<i32>} : memref<256xf32, #tpu.memory_space<vmem>>, vector<16xf32>,
    %get3A_74 = arith.constant 208 : index
    %get3A_75 = tpu.vector_load %arg11[%get3A_74] {strides = array<i32>} : memref<256xf32, #tpu.memory_space<vmem>>, vector<16xf32>,
    %get3A_76 = arith.constant 224 : index
    %get3A_77 = tpu.vector_load %arg11[%get3A_76] {strides = array<i32>} : memref<256xf32, #tpu.memory_space<vmem>>, vector<16xf32>,
    %get3A_78 = arith.constant 240 : index
    %get3A_79 = tpu.vector_load %arg11[%get3A_78] {strides = array<i32>} : memref<256xf32, #tpu.memory_space<vmem>>, vector<16xf32>,
    %scan3A = arith.constant 0 : i32
    %scan3A_80 = arith.constant 0 : i32
    %scan3A_81 = arith.constant 16 : i32
    %scan3A_82 = arith.addi %scan3A_80, %scan3A_81 : i32
    %scan3A_83 = arith.constant 1 : i32
    scf.for %scan3A_166 = %scan3A_80 to %scan3A_82 step %scan3A_83  : i32 {
      %mul3A_167 = arith.constant 2 : i32
      %mul3A_168 = arith.muli %scan3A_166, %mul3A_167 : i32
      %add3A_169 = arith.constant 0 : i32
      %add3A_170 = arith.addi %mul3A_168, %add3A_169 : i32
      %lt3A = arith.constant 31 : i32
      %lt3A_171 = arith.cmpi slt, %add3A_170, %lt3A : i32
      %convert_element_type3A = arith.extui %lt3A_171 : i1 to i32
      %cond3A = arith.constant 0 : i32
      %cond3A_172 = arith.cmpi ne, %convert_element_type3A, %cond3A : i32
      scf.if %cond3A_172 {
        %add3A_318 = arith.constant 1 : i32
        %add3A_319 = arith.addi %add3A_170, %add3A_318 : i32
        %mul3A_320 = arith.constant 16 : i32
        %mul3A_321 = arith.muli %add3A_319, %mul3A_320 : i32
        %add3A_322 = arith.addi %mul3A_2, %mul3A_321 : i32
        %dma_start3A_323 = arith.constant 1 : i32
        %dma_start3A_324 = arith.constant 0 : i32
        %dma_start3A_325 = arith.constant 0 : i32
        %dma_start3A_326 = tpu.memref_slice %arg12[%dma_start3A_323, %dma_start3A_324, %dma_start3A_325] : memref<2x16x256xi32, #tpu.memory_space<vmem>> -> memref<1x16x256xi32, #tpu.memory_space<vmem>>
        %dma_start3A_327 = tpu.memref_squeeze %dma_start3A_326 : memref<1x16x256xi32, #tpu.memory_space<vmem>> -> memref<16x256xi32, #tpu.memory_space<vmem>>
        %dma_start3A_328 = arith.constant 0 : i32
        %dma_start3A_329 = tpu.memref_slice %arg2[%add3A_322, %dma_start3A_328] : memref<16384x256xi32, #tpu.memory_space<hbm>> -> memref<16x256xi32, #tpu.memory_space<hbm>>
        %dma_start3A_330 = arith.constant 0 : i32
        %dma_start3A_331 = arith.constant 0 : i32
        %dma_start3A_332 = tpu.memref_slice %arg12[%dma_start3A_323, %dma_start3A_330, %dma_start3A_331] : memref<2x16x256xi32, #tpu.memory_space<vmem>> -> memref<1x16x256xi32, #tpu.memory_space<vmem>>
        %dma_start3A_333 = tpu.memref_squeeze %dma_start3A_332 : memref<1x16x256xi32, #tpu.memory_space<vmem>> -> memref<16x256xi32, #tpu.memory_space<vmem>>
        %dma_start3A_334 = arith.constant 0 : i32
        %dma_start3A_335 = tpu.memref_slice %arg2[%add3A_322, %dma_start3A_334] : memref<16384x256xi32, #tpu.memory_space<hbm>> -> memref<16x256xi32, #tpu.memory_space<hbm>>
        tpu.enqueue_dma source(%dma_start3A_335 : memref<16x256xi32, #tpu.memory_space<hbm>>) target(%dma_start3A_333 : memref<16x256xi32, #tpu.memory_space<vmem>>) target_semaphore(%arg17 : memref<!tpu.dma_semaphore, #tpu.memory_space<semaphore_mem>>)
      } else {
      }
      %mul3A_173 = arith.constant 16 : i32
      %mul3A_174 = arith.muli %add3A_170, %mul3A_173 : i32
      %add3A_175 = arith.addi %mul3A_2, %mul3A_174 : i32
      %dma_wait3A_176 = arith.constant 0 : i32
      %dma_wait3A_177 = arith.constant 0 : i32
      %dma_wait3A_178 = arith.constant 0 : i32
      %dma_wait3A_179 = tpu.memref_slice %arg12[%dma_wait3A_176, %dma_wait3A_177, %dma_wait3A_178] : memref<2x16x256xi32, #tpu.memory_space<vmem>> -> memref<1x16x256xi32, #tpu.memory_space<vmem>>
      %dma_wait3A_180 = tpu.memref_squeeze %dma_wait3A_179 : memref<1x16x256xi32, #tpu.memory_space<vmem>> -> memref<16x256xi32, #tpu.memory_space<vmem>>
      %dma_wait3A_181 = arith.constant 0 : i32
      %dma_wait3A_182 = tpu.memref_slice %arg2[%add3A_175, %dma_wait3A_181] : memref<16384x256xi32, #tpu.memory_space<hbm>> -> memref<16x256xi32, #tpu.memory_space<hbm>>
      %dma_wait3A_183 = arith.constant 0 : i32
      %dma_wait3A_184 = arith.constant 0 : i32
      %dma_wait3A_185 = tpu.memref_slice %arg12[%dma_wait3A_176, %dma_wait3A_183, %dma_wait3A_184] : memref<2x16x256xi32, #tpu.memory_space<vmem>> -> memref<1x16x256xi32, #tpu.memory_space<vmem>>
      %dma_wait3A_186 = tpu.memref_squeeze %dma_wait3A_185 : memref<1x16x256xi32, #tpu.memory_space<vmem>> -> memref<16x256xi32, #tpu.memory_space<vmem>>
      %dma_wait3A_187 = arith.constant 0 : i32
      %dma_wait3A_188 = tpu.memref_slice %arg2[%add3A_175, %dma_wait3A_187] : memref<16384x256xi32, #tpu.memory_space<hbm>> -> memref<16x256xi32, #tpu.memory_space<hbm>>
      tpu.wait_dma2 semaphore(%arg16 : memref<!tpu.dma_semaphore, #tpu.memory_space<semaphore_mem>>) src(%dma_wait3A_188 : memref<16x256xi32, #tpu.memory_space<hbm>>) dst(%dma_wait3A_186 : memref<16x256xi32, #tpu.memory_space<vmem>>)
      %ge3A = arith.constant 1 : i32
      %ge3A_189 = arith.cmpi sge, %scan3A_166, %ge3A : i32
      %convert_element_type3A_190 = arith.extui %ge3A_189 : i1 to i32
      %cond3A_191 = arith.constant 0 : i32
      %cond3A_192 = arith.cmpi ne, %convert_element_type3A_190, %cond3A_191 : i32
      scf.if %cond3A_192 {
        %sub3A = arith.constant 2 : i32
        %sub3A_318 = arith.subi %add3A_170, %sub3A : i32
        %mul3A_319 = arith.constant 16 : i32
        %mul3A_320 = arith.muli %sub3A_318, %mul3A_319 : i32
        %add3A_321 = arith.addi %mul3A_2, %mul3A_320 : i32
        %dma_wait3A_322 = arith.constant 0 : i32
        %dma_wait3A_323 = arith.constant 0 : i32
        %dma_wait3A_324 = arith.constant 0 : i32
        %dma_wait3A_325 = tpu.memref_slice %arg13[%dma_wait3A_322, %dma_wait3A_323, %dma_wait3A_324] : memref<2x16x256xi32, #tpu.memory_space<vmem>> -> memref<1x16x256xi32, #tpu.memory_space<vmem>>
        %dma_wait3A_326 = tpu.memref_squeeze %dma_wait3A_325 : memref<1x16x256xi32, #tpu.memory_space<vmem>> -> memref<16x256xi32, #tpu.memory_space<vmem>>
        %dma_wait3A_327 = arith.constant 0 : i32
        %dma_wait3A_328 = tpu.memref_slice %arg6[%add3A_321, %dma_wait3A_327] : memref<16384x256xi32, #tpu.memory_space<hbm>> -> memref<16x256xi32, #tpu.memory_space<hbm>>
        %dma_wait3A_329 = arith.constant 0 : i32
        %dma_wait3A_330 = tpu.memref_slice %arg6[%add3A_321, %dma_wait3A_329] : memref<16384x256xi32, #tpu.memory_space<hbm>> -> memref<16x256xi32, #tpu.memory_space<hbm>>
        %dma_wait3A_331 = arith.constant 0 : i32
        %dma_wait3A_332 = arith.constant 0 : i32
        %dma_wait3A_333 = tpu.memref_slice %arg13[%dma_wait3A_322, %dma_wait3A_331, %dma_wait3A_332] : memref<2x16x256xi32, #tpu.memory_space<vmem>> -> memref<1x16x256xi32, #tpu.memory_space<vmem>>
        %dma_wait3A_334 = tpu.memref_squeeze %dma_wait3A_333 : memref<1x16x256xi32, #tpu.memory_space<vmem>> -> memref<16x256xi32, #tpu.memory_space<vmem>>
        tpu.wait_dma2 semaphore(%arg18 : memref<!tpu.dma_semaphore, #tpu.memory_space<semaphore_mem>>) src(%dma_wait3A_334 : memref<16x256xi32, #tpu.memory_space<vmem>>) dst(%dma_wait3A_330 : memref<16x256xi32, #tpu.memory_space<hbm>>)
        %dma_wait3A_335 = arith.constant 0 : i32
        %dma_wait3A_336 = arith.constant 0 : i32
        %dma_wait3A_337 = arith.constant 0 : i32
        %dma_wait3A_338 = tpu.memref_slice %arg14[%dma_wait3A_335, %dma_wait3A_336, %dma_wait3A_337] : memref<2x16x256xf32, #tpu.memory_space<vmem>> -> memref<1x16x256xf32, #tpu.memory_space<vmem>>
        %dma_wait3A_339 = tpu.memref_squeeze %dma_wait3A_338 : memref<1x16x256xf32, #tpu.memory_space<vmem>> -> memref<16x256xf32, #tpu.memory_space<vmem>>
        %dma_wait3A_340 = arith.constant 0 : i32
        %dma_wait3A_341 = tpu.memref_slice %arg7[%add3A_321, %dma_wait3A_340] : memref<16384x256xf32, #tpu.memory_space<hbm>> -> memref<16x256xf32, #tpu.memory_space<hbm>>
        %dma_wait3A_342 = arith.constant 0 : i32
        %dma_wait3A_343 = tpu.memref_slice %arg7[%add3A_321, %dma_wait3A_342] : memref<16384x256xf32, #tpu.memory_space<hbm>> -> memref<16x256xf32, #tpu.memory_space<hbm>>
        %dma_wait3A_344 = arith.constant 0 : i32
        %dma_wait3A_345 = arith.constant 0 : i32
        %dma_wait3A_346 = tpu.memref_slice %arg14[%dma_wait3A_335, %dma_wait3A_344, %dma_wait3A_345] : memref<2x16x256xf32, #tpu.memory_space<vmem>> -> memref<1x16x256xf32, #tpu.memory_space<vmem>>
        %dma_wait3A_347 = tpu.memref_squeeze %dma_wait3A_346 : memref<1x16x256xf32, #tpu.memory_space<vmem>> -> memref<16x256xf32, #tpu.memory_space<vmem>>
        tpu.wait_dma2 semaphore(%arg18 : memref<!tpu.dma_semaphore, #tpu.memory_space<semaphore_mem>>) src(%dma_wait3A_347 : memref<16x256xf32, #tpu.memory_space<vmem>>) dst(%dma_wait3A_343 : memref<16x256xf32, #tpu.memory_space<hbm>>)
        %dma_wait3A_348 = arith.constant 0 : i32
        %dma_wait3A_349 = arith.constant 0 : i32
        %dma_wait3A_350 = arith.constant 0 : i32
        %dma_wait3A_351 = tpu.memref_slice %arg15[%dma_wait3A_348, %dma_wait3A_349, %dma_wait3A_350] : memref<2x16x256xf32, #tpu.memory_space<vmem>> -> memref<1x16x256xf32, #tpu.memory_space<vmem>>
        %dma_wait3A_352 = tpu.memref_squeeze %dma_wait3A_351 : memref<1x16x256xf32, #tpu.memory_space<vmem>> -> memref<16x256xf32, #tpu.memory_space<vmem>>
        %dma_wait3A_353 = arith.constant 0 : i32
        %dma_wait3A_354 = tpu.memref_slice %arg8[%add3A_321, %dma_wait3A_353] : memref<16384x256xf32, #tpu.memory_space<hbm>> -> memref<16x256xf32, #tpu.memory_space<hbm>>
        %dma_wait3A_355 = arith.constant 0 : i32
        %dma_wait3A_356 = tpu.memref_slice %arg8[%add3A_321, %dma_wait3A_355] : memref<16384x256xf32, #tpu.memory_space<hbm>> -> memref<16x256xf32, #tpu.memory_space<hbm>>
        %dma_wait3A_357 = arith.constant 0 : i32
        %dma_wait3A_358 = arith.constant 0 : i32
        %dma_wait3A_359 = tpu.memref_slice %arg15[%dma_wait3A_348, %dma_wait3A_357, %dma_wait3A_358] : memref<2x16x256xf32, #tpu.memory_space<vmem>> -> memref<1x16x256xf32, #tpu.memory_space<vmem>>
        %dma_wait3A_360 = tpu.memref_squeeze %dma_wait3A_359 : memref<1x16x256xf32, #tpu.memory_space<vmem>> -> memref<16x256xf32, #tpu.memory_space<vmem>>
        tpu.wait_dma2 semaphore(%arg18 : memref<!tpu.dma_semaphore, #tpu.memory_space<semaphore_mem>>) src(%dma_wait3A_360 : memref<16x256xf32, #tpu.memory_space<vmem>>) dst(%dma_wait3A_356 : memref<16x256xf32, #tpu.memory_space<hbm>>)
      } else {
      }
      %mul3A_193 = arith.constant 16 : i32
      %mul3A_194 = arith.muli %add3A_170, %mul3A_193 : i32
      %add3A_195 = arith.addi %mul3A_2, %mul3A_194 : i32
      %parallel_loop3A = arith.constant 0 : i32
      %parallel_loop3A_196 = arith.constant 16 : i32
      %parallel_loop3A_197 = arith.constant 1 : i32
      scf.for %parallel_loop3A_318 = %parallel_loop3A to %parallel_loop3A_196 step %parallel_loop3A_197  : i32 {
        %parallel_loop3A_319 = arith.constant 0 : i32
        %parallel_loop3A_320 = arith.addi %parallel_loop3A_319, %add3A_195 : i32
        %parallel_loop3A_321 = arith.addi %parallel_loop3A_320, %parallel_loop3A_318 : i32
        %parallel_loop3A_322 = vector.broadcast %parallel_loop3A_321 : i32 to vector<16xi32>
        %parallel_loop3A_323 = arith.constant 0 : i32
        %parallel_loop3A_324 = arith.index_cast %parallel_loop3A_323 : i32 to index
        %parallel_loop3A_325 = arith.index_cast %parallel_loop3A_318 : i32 to index
        %parallel_loop3A_326 = arith.constant 0 : index
        %parallel_loop3A_327 = tpu.vector_load %arg12[%parallel_loop3A_324, %parallel_loop3A_325, %parallel_loop3A_326] {strides = array<i32>} : memref<2x16x256xi32, #tpu.memory_space<vmem>>, vector<16xi32>,
        %parallel_loop3A_328 = arith.constant 6 : i32
        %parallel_loop3A_329 = vector.broadcast %parallel_loop3A_328 : i32 to vector<16xi32>
        %parallel_loop3A_330 = arith.shrsi %parallel_loop3A_327, %parallel_loop3A_329 : vector<16xi32>
        %parallel_loop3A_331 = tpu.vector_load_idx %arg9[%parallel_loop3A_330] : memref<65536xi32, #tpu.memory_space<vmem>>[vector<16xi32>], vector<16xi32>,
        %parallel_loop3A_332 = arith.constant 1 : i32
        %parallel_loop3A_333 = vector.broadcast %parallel_loop3A_332 : i32 to vector<16xi32>
        %parallel_loop3A_334 = arith.shrsi %parallel_loop3A_327, %parallel_loop3A_333 : vector<16xi32>
        %parallel_loop3A_335 = arith.constant 31 : i32
        %parallel_loop3A_336 = vector.broadcast %parallel_loop3A_335 : i32 to vector<16xi32>
        %parallel_loop3A_337 = arith.andi %parallel_loop3A_334, %parallel_loop3A_336 : vector<16xi32>
        %parallel_loop3A_338 = arith.shrsi %parallel_loop3A_331, %parallel_loop3A_337 : vector<16xi32>
        %parallel_loop3A_339 = arith.andi %parallel_loop3A_338, %parallel_loop3A_327 : vector<16xi32>
        %parallel_loop3A_340 = arith.constant 1 : i32
        %parallel_loop3A_341 = vector.broadcast %parallel_loop3A_340 : i32 to vector<16xi32>
        %parallel_loop3A_342 = arith.andi %parallel_loop3A_339, %parallel_loop3A_341 : vector<16xi32>
        %parallel_loop3A_343 = arith.constant 1 : i32
        %parallel_loop3A_344 = vector.broadcast %parallel_loop3A_343 : i32 to vector<16xi32>
        %parallel_loop3A_345 = arith.cmpi eq, %parallel_loop3A_342, %parallel_loop3A_344 : vector<16xi32>
        %parallel_loop3A_346 = arith.constant -1 : i32
        %parallel_loop3A_347 = vector.broadcast %parallel_loop3A_346 : i32 to vector<16xi32>
        %parallel_loop3A_348 = arith.select %parallel_loop3A_345, %parallel_loop3A_322, %parallel_loop3A_347 : vector<16xi1>, vector<16xi32>
        %parallel_loop3A_349 = arith.constant 0 : i32
        %parallel_loop3A_350 = arith.index_cast %parallel_loop3A_349 : i32 to index
        %parallel_loop3A_351 = arith.index_cast %parallel_loop3A_318 : i32 to index
        %parallel_loop3A_352 = arith.constant 0 : index
        %parallel_loop3A_353 = tpu.vector_load %arg13[%parallel_loop3A_350, %parallel_loop3A_351, %parallel_loop3A_352] {strides = array<i32>} : memref<2x16x256xi32, #tpu.memory_space<vmem>>, vector<16xi32>,
        tpu.vector_store %arg13[%parallel_loop3A_350, %parallel_loop3A_351, %parallel_loop3A_352], %parallel_loop3A_348 {strides = array<i32>} : memref<2x16x256xi32, #tpu.memory_space<vmem>>, vector<16xi32>,
        %parallel_loop3A_354 = arith.constant 0.000000e+00 : f32
        %parallel_loop3A_355 = vector.broadcast %parallel_loop3A_354 : f32 to vector<16xf32>
        %parallel_loop3A_356 = arith.select %parallel_loop3A_345, %get3A_17, %parallel_loop3A_355 : vector<16xi1>, vector<16xf32>
        %parallel_loop3A_357 = arith.constant 0 : i32
        %parallel_loop3A_358 = arith.index_cast %parallel_loop3A_357 : i32 to index
        %parallel_loop3A_359 = arith.index_cast %parallel_loop3A_318 : i32 to index
        %parallel_loop3A_360 = arith.constant 0 : index
        %parallel_loop3A_361 = tpu.vector_load %arg14[%parallel_loop3A_358, %parallel_loop3A_359, %parallel_loop3A_360] {strides = array<i32>} : memref<2x16x256xf32, #tpu.memory_space<vmem>>, vector<16xf32>,
        tpu.vector_store %arg14[%parallel_loop3A_358, %parallel_loop3A_359, %parallel_loop3A_360], %parallel_loop3A_356 {strides = array<i32>} : memref<2x16x256xf32, #tpu.memory_space<vmem>>, vector<16xf32>,
        %parallel_loop3A_362 = arith.constant 0.000000e+00 : f32
        %parallel_loop3A_363 = vector.broadcast %parallel_loop3A_362 : f32 to vector<16xf32>
        %parallel_loop3A_364 = arith.select %parallel_loop3A_345, %get3A_49, %parallel_loop3A_363 : vector<16xi1>, vector<16xf32>
        %parallel_loop3A_365 = arith.constant 0 : i32
        %parallel_loop3A_366 = arith.index_cast %parallel_loop3A_365 : i32 to index
        %parallel_loop3A_367 = arith.index_cast %parallel_loop3A_318 : i32 to index
        %parallel_loop3A_368 = arith.constant 0 : index
        %parallel_loop3A_369 = tpu.vector_load %arg15[%parallel_loop3A_366, %parallel_loop3A_367, %parallel_loop3A_368] {strides = array<i32>} : memref<2x16x256xf32, #tpu.memory_space<vmem>>, vector<16xf32>,
        tpu.vector_store %arg15[%parallel_loop3A_366, %parallel_loop3A_367, %parallel_loop3A_368], %parallel_loop3A_364 {strides = array<i32>} : memref<2x16x256xf32, #tpu.memory_space<vmem>>, vector<16xf32>,
        %parallel_loop3A_370 = arith.constant 0 : i32
        %parallel_loop3A_371 = arith.index_cast %parallel_loop3A_370 : i32 to index
        %parallel_loop3A_372 = arith.index_cast %parallel_loop3A_318 : i32 to index
        %parallel_loop3A_373 = arith.constant 16 : index
        %parallel_loop3A_374 = tpu.vector_load %arg12[%parallel_loop3A_371, %parallel_loop3A_372, %parallel_loop3A_373] {strides = array<i32>} : memref<2x16x256xi32, #tpu.memory_space<vmem>>, vector<16xi32>,
        %parallel_loop3A_375 = arith.constant 6 : i32
        %parallel_loop3A_376 = vector.broadcast %parallel_loop3A_375 : i32 to vector<16xi32>
        %parallel_loop3A_377 = arith.shrsi %parallel_loop3A_374, %parallel_loop3A_376 : vector<16xi32>
        %parallel_loop3A_378 = tpu.vector_load_idx %arg9[%parallel_loop3A_377] : memref<65536xi32, #tpu.memory_space<vmem>>[vector<16xi32>], vector<16xi32>,
        %parallel_loop3A_379 = arith.constant 1 : i32
        %parallel_loop3A_380 = vector.broadcast %parallel_loop3A_379 : i32 to vector<16xi32>
        %parallel_loop3A_381 = arith.shrsi %parallel_loop3A_374, %parallel_loop3A_380 : vector<16xi32>
        %parallel_loop3A_382 = arith.constant 31 : i32
        %parallel_loop3A_383 = vector.broadcast %parallel_loop3A_382 : i32 to vector<16xi32>
        %parallel_loop3A_384 = arith.andi %parallel_loop3A_381, %parallel_loop3A_383 : vector<16xi32>
        %parallel_loop3A_385 = arith.shrsi %parallel_loop3A_378, %parallel_loop3A_384 : vector<16xi32>
        %parallel_loop3A_386 = arith.andi %parallel_loop3A_385, %parallel_loop3A_374 : vector<16xi32>
        %parallel_loop3A_387 = arith.constant 1 : i32
        %parallel_loop3A_388 = vector.broadcast %parallel_loop3A_387 : i32 to vector<16xi32>
        %parallel_loop3A_389 = arith.andi %parallel_loop3A_386, %parallel_loop3A_388 : vector<16xi32>
        %parallel_loop3A_390 = arith.constant 1 : i32
        %parallel_loop3A_391 = vector.broadcast %parallel_loop3A_390 : i32 to vector<16xi32>
        %parallel_loop3A_392 = arith.cmpi eq, %parallel_loop3A_389, %parallel_loop3A_391 : vector<16xi32>
        %parallel_loop3A_393 = arith.constant -1 : i32
        %parallel_loop3A_394 = vector.broadcast %parallel_loop3A_393 : i32 to vector<16xi32>
        %parallel_loop3A_395 = arith.select %parallel_loop3A_392, %parallel_loop3A_322, %parallel_loop3A_394 : vector<16xi1>, vector<16xi32>
        %parallel_loop3A_396 = arith.constant 0 : i32
        %parallel_loop3A_397 = arith.index_cast %parallel_loop3A_396 : i32 to index
        %parallel_loop3A_398 = arith.index_cast %parallel_loop3A_318 : i32 to index
        %parallel_loop3A_399 = arith.constant 16 : index
        %parallel_loop3A_400 = tpu.vector_load %arg13[%parallel_loop3A_397, %parallel_loop3A_398, %parallel_loop3A_399] {strides = array<i32>} : memref<2x16x256xi32, #tpu.memory_space<vmem>>, vector<16xi32>,
        tpu.vector_store %arg13[%parallel_loop3A_397, %parallel_loop3A_398, %parallel_loop3A_399], %parallel_loop3A_395 {strides = array<i32>} : memref<2x16x256xi32, #tpu.memory_space<vmem>>, vector<16xi32>,
        %parallel_loop3A_401 = arith.constant 0.000000e+00 : f32
        %parallel_loop3A_402 = vector.broadcast %parallel_loop3A_401 : f32 to vector<16xf32>
        %parallel_loop3A_403 = arith.select %parallel_loop3A_392, %get3A_19, %parallel_loop3A_402 : vector<16xi1>, vector<16xf32>
        %parallel_loop3A_404 = arith.constant 0 : i32
        %parallel_loop3A_405 = arith.index_cast %parallel_loop3A_404 : i32 to index
        %parallel_loop3A_406 = arith.index_cast %parallel_loop3A_318 : i32 to index
        %parallel_loop3A_407 = arith.constant 16 : index
        %parallel_loop3A_408 = tpu.vector_load %arg14[%parallel_loop3A_405, %parallel_loop3A_406, %parallel_loop3A_407] {strides = array<i32>} : memref<2x16x256xf32, #tpu.memory_space<vmem>>, vector<16xf32>,
        tpu.vector_store %arg14[%parallel_loop3A_405, %parallel_loop3A_406, %parallel_loop3A_407], %parallel_loop3A_403 {strides = array<i32>} : memref<2x16x256xf32, #tpu.memory_space<vmem>>, vector<16xf32>,
        %parallel_loop3A_409 = arith.constant 0.000000e+00 : f32
        %parallel_loop3A_410 = vector.broadcast %parallel_loop3A_409 : f32 to vector<16xf32>
        %parallel_loop3A_411 = arith.select %parallel_loop3A_392, %get3A_51, %parallel_loop3A_410 : vector<16xi1>, vector<16xf32>
        %parallel_loop3A_412 = arith.constant 0 : i32
        %parallel_loop3A_413 = arith.index_cast %parallel_loop3A_412 : i32 to index
        %parallel_loop3A_414 = arith.index_cast %parallel_loop3A_318 : i32 to index
        %parallel_loop3A_415 = arith.constant 16 : index
        %parallel_loop3A_416 = tpu.vector_load %arg15[%parallel_loop3A_413, %parallel_loop3A_414, %parallel_loop3A_415] {strides = array<i32>} : memref<2x16x256xf32, #tpu.memory_space<vmem>>, vector<16xf32>,
        tpu.vector_store %arg15[%parallel_loop3A_413, %parallel_loop3A_414, %parallel_loop3A_415], %parallel_loop3A_411 {strides = array<i32>} : memref<2x16x256xf32, #tpu.memory_space<vmem>>, vector<16xf32>,
        %parallel_loop3A_417 = arith.constant 0 : i32
        %parallel_loop3A_418 = arith.index_cast %parallel_loop3A_417 : i32 to index
        %parallel_loop3A_419 = arith.index_cast %parallel_loop3A_318 : i32 to index
        %parallel_loop3A_420 = arith.constant 32 : index
        %parallel_loop3A_421 = tpu.vector_load %arg12[%parallel_loop3A_418, %parallel_loop3A_419, %parallel_loop3A_420] {strides = array<i32>} : memref<2x16x256xi32, #tpu.memory_space<vmem>>, vector<16xi32>,
        %parallel_loop3A_422 = arith.constant 6 : i32
        %parallel_loop3A_423 = vector.broadcast %parallel_loop3A_422 : i32 to vector<16xi32>
        %parallel_loop3A_424 = arith.shrsi %parallel_loop3A_421, %parallel_loop3A_423 : vector<16xi32>
        %parallel_loop3A_425 = tpu.vector_load_idx %arg9[%parallel_loop3A_424] : memref<65536xi32, #tpu.memory_space<vmem>>[vector<16xi32>], vector<16xi32>,
        %parallel_loop3A_426 = arith.constant 1 : i32
        %parallel_loop3A_427 = vector.broadcast %parallel_loop3A_426 : i32 to vector<16xi32>
        %parallel_loop3A_428 = arith.shrsi %parallel_loop3A_421, %parallel_loop3A_427 : vector<16xi32>
        %parallel_loop3A_429 = arith.constant 31 : i32
        %parallel_loop3A_430 = vector.broadcast %parallel_loop3A_429 : i32 to vector<16xi32>
        %parallel_loop3A_431 = arith.andi %parallel_loop3A_428, %parallel_loop3A_430 : vector<16xi32>
        %parallel_loop3A_432 = arith.shrsi %parallel_loop3A_425, %parallel_loop3A_431 : vector<16xi32>
        %parallel_loop3A_433 = arith.andi %parallel_loop3A_432, %parallel_loop3A_421 : vector<16xi32>
        %parallel_loop3A_434 = arith.constant 1 : i32
        %parallel_loop3A_435 = vector.broadcast %parallel_loop3A_434 : i32 to vector<16xi32>
        %parallel_loop3A_436 = arith.andi %parallel_loop3A_433, %parallel_loop3A_435 : vector<16xi32>
        %parallel_loop3A_437 = arith.constant 1 : i32
        %parallel_loop3A_438 = vector.broadcast %parallel_loop3A_437 : i32 to vector<16xi32>
        %parallel_loop3A_439 = arith.cmpi eq, %parallel_loop3A_436, %parallel_loop3A_438 : vector<16xi32>
        %parallel_loop3A_440 = arith.constant -1 : i32
        %parallel_loop3A_441 = vector.broadcast %parallel_loop3A_440 : i32 to vector<16xi32>
        %parallel_loop3A_442 = arith.select %parallel_loop3A_439, %parallel_loop3A_322, %parallel_loop3A_441 : vector<16xi1>, vector<16xi32>
        %parallel_loop3A_443 = arith.constant 0 : i32
        %parallel_loop3A_444 = arith.index_cast %parallel_loop3A_443 : i32 to index
        %parallel_loop3A_445 = arith.index_cast %parallel_loop3A_318 : i32 to index
        %parallel_loop3A_446 = arith.constant 32 : index
        %parallel_loop3A_447 = tpu.vector_load %arg13[%parallel_loop3A_444, %parallel_loop3A_445, %parallel_loop3A_446] {strides = array<i32>} : memref<2x16x256xi32, #tpu.memory_space<vmem>>, vector<16xi32>,
        tpu.vector_store %arg13[%parallel_loop3A_444, %parallel_loop3A_445, %parallel_loop3A_446], %parallel_loop3A_442 {strides = array<i32>} : memref<2x16x256xi32, #tpu.memory_space<vmem>>, vector<16xi32>,
        %parallel_loop3A_448 = arith.constant 0.000000e+00 : f32
        %parallel_loop3A_449 = vector.broadcast %parallel_loop3A_448 : f32 to vector<16xf32>
        %parallel_loop3A_450 = arith.select %parallel_loop3A_439, %get3A_21, %parallel_loop3A_449 : vector<16xi1>, vector<16xf32>
        %parallel_loop3A_451 = arith.constant 0 : i32
        %parallel_loop3A_452 = arith.index_cast %parallel_loop3A_451 : i32 to index
        %parallel_loop3A_453 = arith.index_cast %parallel_loop3A_318 : i32 to index
        %parallel_loop3A_454 = arith.constant 32 : index
        %parallel_loop3A_455 = tpu.vector_load %arg14[%parallel_loop3A_452, %parallel_loop3A_453, %parallel_loop3A_454] {strides = array<i32>} : memref<2x16x256xf32, #tpu.memory_space<vmem>>, vector<16xf32>,
        tpu.vector_store %arg14[%parallel_loop3A_452, %parallel_loop3A_453, %parallel_loop3A_454], %parallel_loop3A_450 {strides = array<i32>} : memref<2x16x256xf32, #tpu.memory_space<vmem>>, vector<16xf32>,
        %parallel_loop3A_456 = arith.constant 0.000000e+00 : f32
        %parallel_loop3A_457 = vector.broadcast %parallel_loop3A_456 : f32 to vector<16xf32>
        %parallel_loop3A_458 = arith.select %parallel_loop3A_439, %get3A_53, %parallel_loop3A_457 : vector<16xi1>, vector<16xf32>
        %parallel_loop3A_459 = arith.constant 0 : i32
        %parallel_loop3A_460 = arith.index_cast %parallel_loop3A_459 : i32 to index
        %parallel_loop3A_461 = arith.index_cast %parallel_loop3A_318 : i32 to index
        %parallel_loop3A_462 = arith.constant 32 : index
        %parallel_loop3A_463 = tpu.vector_load %arg15[%parallel_loop3A_460, %parallel_loop3A_461, %parallel_loop3A_462] {strides = array<i32>} : memref<2x16x256xf32, #tpu.memory_space<vmem>>, vector<16xf32>,
        tpu.vector_store %arg15[%parallel_loop3A_460, %parallel_loop3A_461, %parallel_loop3A_462], %parallel_loop3A_458 {strides = array<i32>} : memref<2x16x256xf32, #tpu.memory_space<vmem>>, vector<16xf32>,
        %parallel_loop3A_464 = arith.constant 0 : i32
        %parallel_loop3A_465 = arith.index_cast %parallel_loop3A_464 : i32 to index
        %parallel_loop3A_466 = arith.index_cast %parallel_loop3A_318 : i32 to index
        %parallel_loop3A_467 = arith.constant 48 : index
        %parallel_loop3A_468 = tpu.vector_load %arg12[%parallel_loop3A_465, %parallel_loop3A_466, %parallel_loop3A_467] {strides = array<i32>} : memref<2x16x256xi32, #tpu.memory_space<vmem>>, vector<16xi32>,
        %parallel_loop3A_469 = arith.constant 6 : i32
        %parallel_loop3A_470 = vector.broadcast %parallel_loop3A_469 : i32 to vector<16xi32>
        %parallel_loop3A_471 = arith.shrsi %parallel_loop3A_468, %parallel_loop3A_470 : vector<16xi32>
        %parallel_loop3A_472 = tpu.vector_load_idx %arg9[%parallel_loop3A_471] : memref<65536xi32, #tpu.memory_space<vmem>>[vector<16xi32>], vector<16xi32>,
        %parallel_loop3A_473 = arith.constant 1 : i32
        %parallel_loop3A_474 = vector.broadcast %parallel_loop3A_473 : i32 to vector<16xi32>
        %parallel_loop3A_475 = arith.shrsi %parallel_loop3A_468, %parallel_loop3A_474 : vector<16xi32>
        %parallel_loop3A_476 = arith.constant 31 : i32
        %parallel_loop3A_477 = vector.broadcast %parallel_loop3A_476 : i32 to vector<16xi32>
        %parallel_loop3A_478 = arith.andi %parallel_loop3A_475, %parallel_loop3A_477 : vector<16xi32>
        %parallel_loop3A_479 = arith.shrsi %parallel_loop3A_472, %parallel_loop3A_478 : vector<16xi32>
        %parallel_loop3A_480 = arith.andi %parallel_loop3A_479, %parallel_loop3A_468 : vector<16xi32>
        %parallel_loop3A_481 = arith.constant 1 : i32
        %parallel_loop3A_482 = vector.broadcast %parallel_loop3A_481 : i32 to vector<16xi32>
        %parallel_loop3A_483 = arith.andi %parallel_loop3A_480, %parallel_loop3A_482 : vector<16xi32>
        %parallel_loop3A_484 = arith.constant 1 : i32
        %parallel_loop3A_485 = vector.broadcast %parallel_loop3A_484 : i32 to vector<16xi32>
        %parallel_loop3A_486 = arith.cmpi eq, %parallel_loop3A_483, %parallel_loop3A_485 : vector<16xi32>
        %parallel_loop3A_487 = arith.constant -1 : i32
        %parallel_loop3A_488 = vector.broadcast %parallel_loop3A_487 : i32 to vector<16xi32>
        %parallel_loop3A_489 = arith.select %parallel_loop3A_486, %parallel_loop3A_322, %parallel_loop3A_488 : vector<16xi1>, vector<16xi32>
        %parallel_loop3A_490 = arith.constant 0 : i32
        %parallel_loop3A_491 = arith.index_cast %parallel_loop3A_490 : i32 to index
        %parallel_loop3A_492 = arith.index_cast %parallel_loop3A_318 : i32 to index
        %parallel_loop3A_493 = arith.constant 48 : index
        %parallel_loop3A_494 = tpu.vector_load %arg13[%parallel_loop3A_491, %parallel_loop3A_492, %parallel_loop3A_493] {strides = array<i32>} : memref<2x16x256xi32, #tpu.memory_space<vmem>>, vector<16xi32>,
        tpu.vector_store %arg13[%parallel_loop3A_491, %parallel_loop3A_492, %parallel_loop3A_493], %parallel_loop3A_489 {strides = array<i32>} : memref<2x16x256xi32, #tpu.memory_space<vmem>>, vector<16xi32>,
        %parallel_loop3A_495 = arith.constant 0.000000e+00 : f32
        %parallel_loop3A_496 = vector.broadcast %parallel_loop3A_495 : f32 to vector<16xf32>
        %parallel_loop3A_497 = arith.select %parallel_loop3A_486, %get3A_23, %parallel_loop3A_496 : vector<16xi1>, vector<16xf32>
        %parallel_loop3A_498 = arith.constant 0 : i32
        %parallel_loop3A_499 = arith.index_cast %parallel_loop3A_498 : i32 to index
        %parallel_loop3A_500 = arith.index_cast %parallel_loop3A_318 : i32 to index
        %parallel_loop3A_501 = arith.constant 48 : index
        %parallel_loop3A_502 = tpu.vector_load %arg14[%parallel_loop3A_499, %parallel_loop3A_500, %parallel_loop3A_501] {strides = array<i32>} : memref<2x16x256xf32, #tpu.memory_space<vmem>>, vector<16xf32>,
        tpu.vector_store %arg14[%parallel_loop3A_499, %parallel_loop3A_500, %parallel_loop3A_501], %parallel_loop3A_497 {strides = array<i32>} : memref<2x16x256xf32, #tpu.memory_space<vmem>>, vector<16xf32>,
        %parallel_loop3A_503 = arith.constant 0.000000e+00 : f32
        %parallel_loop3A_504 = vector.broadcast %parallel_loop3A_503 : f32 to vector<16xf32>
        %parallel_loop3A_505 = arith.select %parallel_loop3A_486, %get3A_55, %parallel_loop3A_504 : vector<16xi1>, vector<16xf32>
        %parallel_loop3A_506 = arith.constant 0 : i32
        %parallel_loop3A_507 = arith.index_cast %parallel_loop3A_506 : i32 to index
        %parallel_loop3A_508 = arith.index_cast %parallel_loop3A_318 : i32 to index
        %parallel_loop3A_509 = arith.constant 48 : index
        %parallel_loop3A_510 = tpu.vector_load %arg15[%parallel_loop3A_507, %parallel_loop3A_508, %parallel_loop3A_509] {strides = array<i32>} : memref<2x16x256xf32, #tpu.memory_space<vmem>>, vector<16xf32>,
        tpu.vector_store %arg15[%parallel_loop3A_507, %parallel_loop3A_508, %parallel_loop3A_509], %parallel_loop3A_505 {strides = array<i32>} : memref<2x16x256xf32, #tpu.memory_space<vmem>>, vector<16xf32>,
        %parallel_loop3A_511 = arith.constant 0 : i32
        %parallel_loop3A_512 = arith.index_cast %parallel_loop3A_511 : i32 to index
        %parallel_loop3A_513 = arith.index_cast %parallel_loop3A_318 : i32 to index
        %parallel_loop3A_514 = arith.constant 64 : index
        %parallel_loop3A_515 = tpu.vector_load %arg12[%parallel_loop3A_512, %parallel_loop3A_513, %parallel_loop3A_514] {strides = array<i32>} : memref<2x16x256xi32, #tpu.memory_space<vmem>>, vector<16xi32>,
        %parallel_loop3A_516 = arith.constant 6 : i32
        %parallel_loop3A_517 = vector.broadcast %parallel_loop3A_516 : i32 to vector<16xi32>
        %parallel_loop3A_518 = arith.shrsi %parallel_loop3A_515, %parallel_loop3A_517 : vector<16xi32>
        %parallel_loop3A_519 = tpu.vector_load_idx %arg9[%parallel_loop3A_518] : memref<65536xi32, #tpu.memory_space<vmem>>[vector<16xi32>], vector<16xi32>,
        %parallel_loop3A_520 = arith.constant 1 : i32
        %parallel_loop3A_521 = vector.broadcast %parallel_loop3A_520 : i32 to vector<16xi32>
        %parallel_loop3A_522 = arith.shrsi %parallel_loop3A_515, %parallel_loop3A_521 : vector<16xi32>
        %parallel_loop3A_523 = arith.constant 31 : i32
        %parallel_loop3A_524 = vector.broadcast %parallel_loop3A_523 : i32 to vector<16xi32>
        %parallel_loop3A_525 = arith.andi %parallel_loop3A_522, %parallel_loop3A_524 : vector<16xi32>
        %parallel_loop3A_526 = arith.shrsi %parallel_loop3A_519, %parallel_loop3A_525 : vector<16xi32>
        %parallel_loop3A_527 = arith.andi %parallel_loop3A_526, %parallel_loop3A_515 : vector<16xi32>
        %parallel_loop3A_528 = arith.constant 1 : i32
        %parallel_loop3A_529 = vector.broadcast %parallel_loop3A_528 : i32 to vector<16xi32>
        %parallel_loop3A_530 = arith.andi %parallel_loop3A_527, %parallel_loop3A_529 : vector<16xi32>
        %parallel_loop3A_531 = arith.constant 1 : i32
        %parallel_loop3A_532 = vector.broadcast %parallel_loop3A_531 : i32 to vector<16xi32>
        %parallel_loop3A_533 = arith.cmpi eq, %parallel_loop3A_530, %parallel_loop3A_532 : vector<16xi32>
        %parallel_loop3A_534 = arith.constant -1 : i32
        %parallel_loop3A_535 = vector.broadcast %parallel_loop3A_534 : i32 to vector<16xi32>
        %parallel_loop3A_536 = arith.select %parallel_loop3A_533, %parallel_loop3A_322, %parallel_loop3A_535 : vector<16xi1>, vector<16xi32>
        %parallel_loop3A_537 = arith.constant 0 : i32
        %parallel_loop3A_538 = arith.index_cast %parallel_loop3A_537 : i32 to index
        %parallel_loop3A_539 = arith.index_cast %parallel_loop3A_318 : i32 to index
        %parallel_loop3A_540 = arith.constant 64 : index
        %parallel_loop3A_541 = tpu.vector_load %arg13[%parallel_loop3A_538, %parallel_loop3A_539, %parallel_loop3A_540] {strides = array<i32>} : memref<2x16x256xi32, #tpu.memory_space<vmem>>, vector<16xi32>,
        tpu.vector_store %arg13[%parallel_loop3A_538, %parallel_loop3A_539, %parallel_loop3A_540], %parallel_loop3A_536 {strides = array<i32>} : memref<2x16x256xi32, #tpu.memory_space<vmem>>, vector<16xi32>,
        %parallel_loop3A_542 = arith.constant 0.000000e+00 : f32
        %parallel_loop3A_543 = vector.broadcast %parallel_loop3A_542 : f32 to vector<16xf32>
        %parallel_loop3A_544 = arith.select %parallel_loop3A_533, %get3A_25, %parallel_loop3A_543 : vector<16xi1>, vector<16xf32>
        %parallel_loop3A_545 = arith.constant 0 : i32
        %parallel_loop3A_546 = arith.index_cast %parallel_loop3A_545 : i32 to index
        %parallel_loop3A_547 = arith.index_cast %parallel_loop3A_318 : i32 to index
        %parallel_loop3A_548 = arith.constant 64 : index
        %parallel_loop3A_549 = tpu.vector_load %arg14[%parallel_loop3A_546, %parallel_loop3A_547, %parallel_loop3A_548] {strides = array<i32>} : memref<2x16x256xf32, #tpu.memory_space<vmem>>, vector<16xf32>,
        tpu.vector_store %arg14[%parallel_loop3A_546, %parallel_loop3A_547, %parallel_loop3A_548], %parallel_loop3A_544 {strides = array<i32>} : memref<2x16x256xf32, #tpu.memory_space<vmem>>, vector<16xf32>,
        %parallel_loop3A_550 = arith.constant 0.000000e+00 : f32
        %parallel_loop3A_551 = vector.broadcast %parallel_loop3A_550 : f32 to vector<16xf32>
        %parallel_loop3A_552 = arith.select %parallel_loop3A_533, %get3A_57, %parallel_loop3A_551 : vector<16xi1>, vector<16xf32>
        %parallel_loop3A_553 = arith.constant 0 : i32
        %parallel_loop3A_554 = arith.index_cast %parallel_loop3A_553 : i32 to index
        %parallel_loop3A_555 = arith.index_cast %parallel_loop3A_318 : i32 to index
        %parallel_loop3A_556 = arith.constant 64 : index
        %parallel_loop3A_557 = tpu.vector_load %arg15[%parallel_loop3A_554, %parallel_loop3A_555, %parallel_loop3A_556] {strides = array<i32>} : memref<2x16x256xf32, #tpu.memory_space<vmem>>, vector<16xf32>,
        tpu.vector_store %arg15[%parallel_loop3A_554, %parallel_loop3A_555, %parallel_loop3A_556], %parallel_loop3A_552 {strides = array<i32>} : memref<2x16x256xf32, #tpu.memory_space<vmem>>, vector<16xf32>,
        %parallel_loop3A_558 = arith.constant 0 : i32
        %parallel_loop3A_559 = arith.index_cast %parallel_loop3A_558 : i32 to index
        %parallel_loop3A_560 = arith.index_cast %parallel_loop3A_318 : i32 to index
        %parallel_loop3A_561 = arith.constant 80 : index
        %parallel_loop3A_562 = tpu.vector_load %arg12[%parallel_loop3A_559, %parallel_loop3A_560, %parallel_loop3A_561] {strides = array<i32>} : memref<2x16x256xi32, #tpu.memory_space<vmem>>, vector<16xi32>,
        %parallel_loop3A_563 = arith.constant 6 : i32
        %parallel_loop3A_564 = vector.broadcast %parallel_loop3A_563 : i32 to vector<16xi32>
        %parallel_loop3A_565 = arith.shrsi %parallel_loop3A_562, %parallel_loop3A_564 : vector<16xi32>
        %parallel_loop3A_566 = tpu.vector_load_idx %arg9[%parallel_loop3A_565] : memref<65536xi32, #tpu.memory_space<vmem>>[vector<16xi32>], vector<16xi32>,
        %parallel_loop3A_567 = arith.constant 1 : i32
        %parallel_loop3A_568 = vector.broadcast %parallel_loop3A_567 : i32 to vector<16xi32>
        %parallel_loop3A_569 = arith.shrsi %parallel_loop3A_562, %parallel_loop3A_568 : vector<16xi32>
        %parallel_loop3A_570 = arith.constant 31 : i32
        %parallel_loop3A_571 = vector.broadcast %parallel_loop3A_570 : i32 to vector<16xi32>
        %parallel_loop3A_572 = arith.andi %parallel_loop3A_569, %parallel_loop3A_571 : vector<16xi32>
        %parallel_loop3A_573 = arith.shrsi %parallel_loop3A_566, %parallel_loop3A_572 : vector<16xi32>
        %parallel_loop3A_574 = arith.andi %parallel_loop3A_573, %parallel_loop3A_562 : vector<16xi32>
        %parallel_loop3A_575 = arith.constant 1 : i32
        %parallel_loop3A_576 = vector.broadcast %parallel_loop3A_575 : i32 to vector<16xi32>
        %parallel_loop3A_577 = arith.andi %parallel_loop3A_574, %parallel_loop3A_576 : vector<16xi32>
        %parallel_loop3A_578 = arith.constant 1 : i32
        %parallel_loop3A_579 = vector.broadcast %parallel_loop3A_578 : i32 to vector<16xi32>
        %parallel_loop3A_580 = arith.cmpi eq, %parallel_loop3A_577, %parallel_loop3A_579 : vector<16xi32>
        %parallel_loop3A_581 = arith.constant -1 : i32
        %parallel_loop3A_582 = vector.broadcast %parallel_loop3A_581 : i32 to vector<16xi32>
        %parallel_loop3A_583 = arith.select %parallel_loop3A_580, %parallel_loop3A_322, %parallel_loop3A_582 : vector<16xi1>, vector<16xi32>
        %parallel_loop3A_584 = arith.constant 0 : i32
        %parallel_loop3A_585 = arith.index_cast %parallel_loop3A_584 : i32 to index
        %parallel_loop3A_586 = arith.index_cast %parallel_loop3A_318 : i32 to index
        %parallel_loop3A_587 = arith.constant 80 : index
        %parallel_loop3A_588 = tpu.vector_load %arg13[%parallel_loop3A_585, %parallel_loop3A_586, %parallel_loop3A_587] {strides = array<i32>} : memref<2x16x256xi32, #tpu.memory_space<vmem>>, vector<16xi32>,
        tpu.vector_store %arg13[%parallel_loop3A_585, %parallel_loop3A_586, %parallel_loop3A_587], %parallel_loop3A_583 {strides = array<i32>} : memref<2x16x256xi32, #tpu.memory_space<vmem>>, vector<16xi32>,
        %parallel_loop3A_589 = arith.constant 0.000000e+00 : f32
        %parallel_loop3A_590 = vector.broadcast %parallel_loop3A_589 : f32 to vector<16xf32>
        %parallel_loop3A_591 = arith.select %parallel_loop3A_580, %get3A_27, %parallel_loop3A_590 : vector<16xi1>, vector<16xf32>
        %parallel_loop3A_592 = arith.constant 0 : i32
        %parallel_loop3A_593 = arith.index_cast %parallel_loop3A_592 : i32 to index
        %parallel_loop3A_594 = arith.index_cast %parallel_loop3A_318 : i32 to index
        %parallel_loop3A_595 = arith.constant 80 : index
        %parallel_loop3A_596 = tpu.vector_load %arg14[%parallel_loop3A_593, %parallel_loop3A_594, %parallel_loop3A_595] {strides = array<i32>} : memref<2x16x256xf32, #tpu.memory_space<vmem>>, vector<16xf32>,
        tpu.vector_store %arg14[%parallel_loop3A_593, %parallel_loop3A_594, %parallel_loop3A_595], %parallel_loop3A_591 {strides = array<i32>} : memref<2x16x256xf32, #tpu.memory_space<vmem>>, vector<16xf32>,
        %parallel_loop3A_597 = arith.constant 0.000000e+00 : f32
        %parallel_loop3A_598 = vector.broadcast %parallel_loop3A_597 : f32 to vector<16xf32>
        %parallel_loop3A_599 = arith.select %parallel_loop3A_580, %get3A_59, %parallel_loop3A_598 : vector<16xi1>, vector<16xf32>
        %parallel_loop3A_600 = arith.constant 0 : i32
        %parallel_loop3A_601 = arith.index_cast %parallel_loop3A_600 : i32 to index
        %parallel_loop3A_602 = arith.index_cast %parallel_loop3A_318 : i32 to index
        %parallel_loop3A_603 = arith.constant 80 : index
        %parallel_loop3A_604 = tpu.vector_load %arg15[%parallel_loop3A_601, %parallel_loop3A_602, %parallel_loop3A_603] {strides = array<i32>} : memref<2x16x256xf32, #tpu.memory_space<vmem>>, vector<16xf32>,
        tpu.vector_store %arg15[%parallel_loop3A_601, %parallel_loop3A_602, %parallel_loop3A_603], %parallel_loop3A_599 {strides = array<i32>} : memref<2x16x256xf32, #tpu.memory_space<vmem>>, vector<16xf32>,
        %parallel_loop3A_605 = arith.constant 0 : i32
        %parallel_loop3A_606 = arith.index_cast %parallel_loop3A_605 : i32 to index
        %parallel_loop3A_607 = arith.index_cast %parallel_loop3A_318 : i32 to index
        %parallel_loop3A_608 = arith.constant 96 : index
        %parallel_loop3A_609 = tpu.vector_load %arg12[%parallel_loop3A_606, %parallel_loop3A_607, %parallel_loop3A_608] {strides = array<i32>} : memref<2x16x256xi32, #tpu.memory_space<vmem>>, vector<16xi32>,
        %parallel_loop3A_610 = arith.constant 6 : i32
        %parallel_loop3A_611 = vector.broadcast %parallel_loop3A_610 : i32 to vector<16xi32>
        %parallel_loop3A_612 = arith.shrsi %parallel_loop3A_609, %parallel_loop3A_611 : vector<16xi32>
        %parallel_loop3A_613 = tpu.vector_load_idx %arg9[%parallel_loop3A_612] : memref<65536xi32, #tpu.memory_space<vmem>>[vector<16xi32>], vector<16xi32>,
        %parallel_loop3A_614 = arith.constant 1 : i32
        %parallel_loop3A_615 = vector.broadcast %parallel_loop3A_614 : i32 to vector<16xi32>
        %parallel_loop3A_616 = arith.shrsi %parallel_loop3A_609, %parallel_loop3A_615 : vector<16xi32>
        %parallel_loop3A_617 = arith.constant 31 : i32
        %parallel_loop3A_618 = vector.broadcast %parallel_loop3A_617 : i32 to vector<16xi32>
        %parallel_loop3A_619 = arith.andi %parallel_loop3A_616, %parallel_loop3A_618 : vector<16xi32>
        %parallel_loop3A_620 = arith.shrsi %parallel_loop3A_613, %parallel_loop3A_619 : vector<16xi32>
        %parallel_loop3A_621 = arith.andi %parallel_loop3A_620, %parallel_loop3A_609 : vector<16xi32>
        %parallel_loop3A_622 = arith.constant 1 : i32
        %parallel_loop3A_623 = vector.broadcast %parallel_loop3A_622 : i32 to vector<16xi32>
        %parallel_loop3A_624 = arith.andi %parallel_loop3A_621, %parallel_loop3A_623 : vector<16xi32>
        %parallel_loop3A_625 = arith.constant 1 : i32
        %parallel_loop3A_626 = vector.broadcast %parallel_loop3A_625 : i32 to vector<16xi32>
        %parallel_loop3A_627 = arith.cmpi eq, %parallel_loop3A_624, %parallel_loop3A_626 : vector<16xi32>
        %parallel_loop3A_628 = arith.constant -1 : i32
        %parallel_loop3A_629 = vector.broadcast %parallel_loop3A_628 : i32 to vector<16xi32>
        %parallel_loop3A_630 = arith.select %parallel_loop3A_627, %parallel_loop3A_322, %parallel_loop3A_629 : vector<16xi1>, vector<16xi32>
        %parallel_loop3A_631 = arith.constant 0 : i32
        %parallel_loop3A_632 = arith.index_cast %parallel_loop3A_631 : i32 to index
        %parallel_loop3A_633 = arith.index_cast %parallel_loop3A_318 : i32 to index
        %parallel_loop3A_634 = arith.constant 96 : index
        %parallel_loop3A_635 = tpu.vector_load %arg13[%parallel_loop3A_632, %parallel_loop3A_633, %parallel_loop3A_634] {strides = array<i32>} : memref<2x16x256xi32, #tpu.memory_space<vmem>>, vector<16xi32>,
        tpu.vector_store %arg13[%parallel_loop3A_632, %parallel_loop3A_633, %parallel_loop3A_634], %parallel_loop3A_630 {strides = array<i32>} : memref<2x16x256xi32, #tpu.memory_space<vmem>>, vector<16xi32>,
        %parallel_loop3A_636 = arith.constant 0.000000e+00 : f32
        %parallel_loop3A_637 = vector.broadcast %parallel_loop3A_636 : f32 to vector<16xf32>
        %parallel_loop3A_638 = arith.select %parallel_loop3A_627, %get3A_29, %parallel_loop3A_637 : vector<16xi1>, vector<16xf32>
        %parallel_loop3A_639 = arith.constant 0 : i32
        %parallel_loop3A_640 = arith.index_cast %parallel_loop3A_639 : i32 to index
        %parallel_loop3A_641 = arith.index_cast %parallel_loop3A_318 : i32 to index
        %parallel_loop3A_642 = arith.constant 96 : index
        %parallel_loop3A_643 = tpu.vector_load %arg14[%parallel_loop3A_640, %parallel_loop3A_641, %parallel_loop3A_642] {strides = array<i32>} : memref<2x16x256xf32, #tpu.memory_space<vmem>>, vector<16xf32>,
        tpu.vector_store %arg14[%parallel_loop3A_640, %parallel_loop3A_641, %parallel_loop3A_642], %parallel_loop3A_638 {strides = array<i32>} : memref<2x16x256xf32, #tpu.memory_space<vmem>>, vector<16xf32>,
        %parallel_loop3A_644 = arith.constant 0.000000e+00 : f32
        %parallel_loop3A_645 = vector.broadcast %parallel_loop3A_644 : f32 to vector<16xf32>
        %parallel_loop3A_646 = arith.select %parallel_loop3A_627, %get3A_61, %parallel_loop3A_645 : vector<16xi1>, vector<16xf32>
        %parallel_loop3A_647 = arith.constant 0 : i32
        %parallel_loop3A_648 = arith.index_cast %parallel_loop3A_647 : i32 to index
        %parallel_loop3A_649 = arith.index_cast %parallel_loop3A_318 : i32 to index
        %parallel_loop3A_650 = arith.constant 96 : index
        %parallel_loop3A_651 = tpu.vector_load %arg15[%parallel_loop3A_648, %parallel_loop3A_649, %parallel_loop3A_650] {strides = array<i32>} : memref<2x16x256xf32, #tpu.memory_space<vmem>>, vector<16xf32>,
        tpu.vector_store %arg15[%parallel_loop3A_648, %parallel_loop3A_649, %parallel_loop3A_650], %parallel_loop3A_646 {strides = array<i32>} : memref<2x16x256xf32, #tpu.memory_space<vmem>>, vector<16xf32>,
        %parallel_loop3A_652 = arith.constant 0 : i32
        %parallel_loop3A_653 = arith.index_cast %parallel_loop3A_652 : i32 to index
        %parallel_loop3A_654 = arith.index_cast %parallel_loop3A_318 : i32 to index
        %parallel_loop3A_655 = arith.constant 112 : index
        %parallel_loop3A_656 = tpu.vector_load %arg12[%parallel_loop3A_653, %parallel_loop3A_654, %parallel_loop3A_655] {strides = array<i32>} : memref<2x16x256xi32, #tpu.memory_space<vmem>>, vector<16xi32>,
        %parallel_loop3A_657 = arith.constant 6 : i32
        %parallel_loop3A_658 = vector.broadcast %parallel_loop3A_657 : i32 to vector<16xi32>
        %parallel_loop3A_659 = arith.shrsi %parallel_loop3A_656, %parallel_loop3A_658 : vector<16xi32>
        %parallel_loop3A_660 = tpu.vector_load_idx %arg9[%parallel_loop3A_659] : memref<65536xi32, #tpu.memory_space<vmem>>[vector<16xi32>], vector<16xi32>,
        %parallel_loop3A_661 = arith.constant 1 : i32
        %parallel_loop3A_662 = vector.broadcast %parallel_loop3A_661 : i32 to vector<16xi32>
        %parallel_loop3A_663 = arith.shrsi %parallel_loop3A_656, %parallel_loop3A_662 : vector<16xi32>
        %parallel_loop3A_664 = arith.constant 31 : i32
        %parallel_loop3A_665 = vector.broadcast %parallel_loop3A_664 : i32 to vector<16xi32>
        %parallel_loop3A_666 = arith.andi %parallel_loop3A_663, %parallel_loop3A_665 : vector<16xi32>
        %parallel_loop3A_667 = arith.shrsi %parallel_loop3A_660, %parallel_loop3A_666 : vector<16xi32>
        %parallel_loop3A_668 = arith.andi %parallel_loop3A_667, %parallel_loop3A_656 : vector<16xi32>
        %parallel_loop3A_669 = arith.constant 1 : i32
        %parallel_loop3A_670 = vector.broadcast %parallel_loop3A_669 : i32 to vector<16xi32>
        %parallel_loop3A_671 = arith.andi %parallel_loop3A_668, %parallel_loop3A_670 : vector<16xi32>
        %parallel_loop3A_672 = arith.constant 1 : i32
        %parallel_loop3A_673 = vector.broadcast %parallel_loop3A_672 : i32 to vector<16xi32>
        %parallel_loop3A_674 = arith.cmpi eq, %parallel_loop3A_671, %parallel_loop3A_673 : vector<16xi32>
        %parallel_loop3A_675 = arith.constant -1 : i32
        %parallel_loop3A_676 = vector.broadcast %parallel_loop3A_675 : i32 to vector<16xi32>
        %parallel_loop3A_677 = arith.select %parallel_loop3A_674, %parallel_loop3A_322, %parallel_loop3A_676 : vector<16xi1>, vector<16xi32>
        %parallel_loop3A_678 = arith.constant 0 : i32
        %parallel_loop3A_679 = arith.index_cast %parallel_loop3A_678 : i32 to index
        %parallel_loop3A_680 = arith.index_cast %parallel_loop3A_318 : i32 to index
        %parallel_loop3A_681 = arith.constant 112 : index
        %parallel_loop3A_682 = tpu.vector_load %arg13[%parallel_loop3A_679, %parallel_loop3A_680, %parallel_loop3A_681] {strides = array<i32>} : memref<2x16x256xi32, #tpu.memory_space<vmem>>, vector<16xi32>,
        tpu.vector_store %arg13[%parallel_loop3A_679, %parallel_loop3A_680, %parallel_loop3A_681], %parallel_loop3A_677 {strides = array<i32>} : memref<2x16x256xi32, #tpu.memory_space<vmem>>, vector<16xi32>,
        %parallel_loop3A_683 = arith.constant 0.000000e+00 : f32
        %parallel_loop3A_684 = vector.broadcast %parallel_loop3A_683 : f32 to vector<16xf32>
        %parallel_loop3A_685 = arith.select %parallel_loop3A_674, %get3A_31, %parallel_loop3A_684 : vector<16xi1>, vector<16xf32>
        %parallel_loop3A_686 = arith.constant 0 : i32
        %parallel_loop3A_687 = arith.index_cast %parallel_loop3A_686 : i32 to index
        %parallel_loop3A_688 = arith.index_cast %parallel_loop3A_318 : i32 to index
        %parallel_loop3A_689 = arith.constant 112 : index
        %parallel_loop3A_690 = tpu.vector_load %arg14[%parallel_loop3A_687, %parallel_loop3A_688, %parallel_loop3A_689] {strides = array<i32>} : memref<2x16x256xf32, #tpu.memory_space<vmem>>, vector<16xf32>,
        tpu.vector_store %arg14[%parallel_loop3A_687, %parallel_loop3A_688, %parallel_loop3A_689], %parallel_loop3A_685 {strides = array<i32>} : memref<2x16x256xf32, #tpu.memory_space<vmem>>, vector<16xf32>,
        %parallel_loop3A_691 = arith.constant 0.000000e+00 : f32
        %parallel_loop3A_692 = vector.broadcast %parallel_loop3A_691 : f32 to vector<16xf32>
        %parallel_loop3A_693 = arith.select %parallel_loop3A_674, %get3A_63, %parallel_loop3A_692 : vector<16xi1>, vector<16xf32>
        %parallel_loop3A_694 = arith.constant 0 : i32
        %parallel_loop3A_695 = arith.index_cast %parallel_loop3A_694 : i32 to index
        %parallel_loop3A_696 = arith.index_cast %parallel_loop3A_318 : i32 to index
        %parallel_loop3A_697 = arith.constant 112 : index
        %parallel_loop3A_698 = tpu.vector_load %arg15[%parallel_loop3A_695, %parallel_loop3A_696, %parallel_loop3A_697] {strides = array<i32>} : memref<2x16x256xf32, #tpu.memory_space<vmem>>, vector<16xf32>,
        tpu.vector_store %arg15[%parallel_loop3A_695, %parallel_loop3A_696, %parallel_loop3A_697], %parallel_loop3A_693 {strides = array<i32>} : memref<2x16x256xf32, #tpu.memory_space<vmem>>, vector<16xf32>,
        %parallel_loop3A_699 = arith.constant 0 : i32
        %parallel_loop3A_700 = arith.index_cast %parallel_loop3A_699 : i32 to index
        %parallel_loop3A_701 = arith.index_cast %parallel_loop3A_318 : i32 to index
        %parallel_loop3A_702 = arith.constant 128 : index
        %parallel_loop3A_703 = tpu.vector_load %arg12[%parallel_loop3A_700, %parallel_loop3A_701, %parallel_loop3A_702] {strides = array<i32>} : memref<2x16x256xi32, #tpu.memory_space<vmem>>, vector<16xi32>,
        %parallel_loop3A_704 = arith.constant 6 : i32
        %parallel_loop3A_705 = vector.broadcast %parallel_loop3A_704 : i32 to vector<16xi32>
        %parallel_loop3A_706 = arith.shrsi %parallel_loop3A_703, %parallel_loop3A_705 : vector<16xi32>
        %parallel_loop3A_707 = tpu.vector_load_idx %arg9[%parallel_loop3A_706] : memref<65536xi32, #tpu.memory_space<vmem>>[vector<16xi32>], vector<16xi32>,
        %parallel_loop3A_708 = arith.constant 1 : i32
        %parallel_loop3A_709 = vector.broadcast %parallel_loop3A_708 : i32 to vector<16xi32>
        %parallel_loop3A_710 = arith.shrsi %parallel_loop3A_703, %parallel_loop3A_709 : vector<16xi32>
        %parallel_loop3A_711 = arith.constant 31 : i32
        %parallel_loop3A_712 = vector.broadcast %parallel_loop3A_711 : i32 to vector<16xi32>
        %parallel_loop3A_713 = arith.andi %parallel_loop3A_710, %parallel_loop3A_712 : vector<16xi32>
        %parallel_loop3A_714 = arith.shrsi %parallel_loop3A_707, %parallel_loop3A_713 : vector<16xi32>
        %parallel_loop3A_715 = arith.andi %parallel_loop3A_714, %parallel_loop3A_703 : vector<16xi32>
        %parallel_loop3A_716 = arith.constant 1 : i32
        %parallel_loop3A_717 = vector.broadcast %parallel_loop3A_716 : i32 to vector<16xi32>
        %parallel_loop3A_718 = arith.andi %parallel_loop3A_715, %parallel_loop3A_717 : vector<16xi32>
        %parallel_loop3A_719 = arith.constant 1 : i32
        %parallel_loop3A_720 = vector.broadcast %parallel_loop3A_719 : i32 to vector<16xi32>
        %parallel_loop3A_721 = arith.cmpi eq, %parallel_loop3A_718, %parallel_loop3A_720 : vector<16xi32>
        %parallel_loop3A_722 = arith.constant -1 : i32
        %parallel_loop3A_723 = vector.broadcast %parallel_loop3A_722 : i32 to vector<16xi32>
        %parallel_loop3A_724 = arith.select %parallel_loop3A_721, %parallel_loop3A_322, %parallel_loop3A_723 : vector<16xi1>, vector<16xi32>
        %parallel_loop3A_725 = arith.constant 0 : i32
        %parallel_loop3A_726 = arith.index_cast %parallel_loop3A_725 : i32 to index
        %parallel_loop3A_727 = arith.index_cast %parallel_loop3A_318 : i32 to index
        %parallel_loop3A_728 = arith.constant 128 : index
        %parallel_loop3A_729 = tpu.vector_load %arg13[%parallel_loop3A_726, %parallel_loop3A_727, %parallel_loop3A_728] {strides = array<i32>} : memref<2x16x256xi32, #tpu.memory_space<vmem>>, vector<16xi32>,
        tpu.vector_store %arg13[%parallel_loop3A_726, %parallel_loop3A_727, %parallel_loop3A_728], %parallel_loop3A_724 {strides = array<i32>} : memref<2x16x256xi32, #tpu.memory_space<vmem>>, vector<16xi32>,
        %parallel_loop3A_730 = arith.constant 0.000000e+00 : f32
        %parallel_loop3A_731 = vector.broadcast %parallel_loop3A_730 : f32 to vector<16xf32>
        %parallel_loop3A_732 = arith.select %parallel_loop3A_721, %get3A_33, %parallel_loop3A_731 : vector<16xi1>, vector<16xf32>
        %parallel_loop3A_733 = arith.constant 0 : i32
        %parallel_loop3A_734 = arith.index_cast %parallel_loop3A_733 : i32 to index
        %parallel_loop3A_735 = arith.index_cast %parallel_loop3A_318 : i32 to index
        %parallel_loop3A_736 = arith.constant 128 : index
        %parallel_loop3A_737 = tpu.vector_load %arg14[%parallel_loop3A_734, %parallel_loop3A_735, %parallel_loop3A_736] {strides = array<i32>} : memref<2x16x256xf32, #tpu.memory_space<vmem>>, vector<16xf32>,
        tpu.vector_store %arg14[%parallel_loop3A_734, %parallel_loop3A_735, %parallel_loop3A_736], %parallel_loop3A_732 {strides = array<i32>} : memref<2x16x256xf32, #tpu.memory_space<vmem>>, vector<16xf32>,
        %parallel_loop3A_738 = arith.constant 0.000000e+00 : f32
        %parallel_loop3A_739 = vector.broadcast %parallel_loop3A_738 : f32 to vector<16xf32>
        %parallel_loop3A_740 = arith.select %parallel_loop3A_721, %get3A_65, %parallel_loop3A_739 : vector<16xi1>, vector<16xf32>
        %parallel_loop3A_741 = arith.constant 0 : i32
        %parallel_loop3A_742 = arith.index_cast %parallel_loop3A_741 : i32 to index
        %parallel_loop3A_743 = arith.index_cast %parallel_loop3A_318 : i32 to index
        %parallel_loop3A_744 = arith.constant 128 : index
        %parallel_loop3A_745 = tpu.vector_load %arg15[%parallel_loop3A_742, %parallel_loop3A_743, %parallel_loop3A_744] {strides = array<i32>} : memref<2x16x256xf32, #tpu.memory_space<vmem>>, vector<16xf32>,
        tpu.vector_store %arg15[%parallel_loop3A_742, %parallel_loop3A_743, %parallel_loop3A_744], %parallel_loop3A_740 {strides = array<i32>} : memref<2x16x256xf32, #tpu.memory_space<vmem>>, vector<16xf32>,
        %parallel_loop3A_746 = arith.constant 0 : i32
        %parallel_loop3A_747 = arith.index_cast %parallel_loop3A_746 : i32 to index
        %parallel_loop3A_748 = arith.index_cast %parallel_loop3A_318 : i32 to index
        %parallel_loop3A_749 = arith.constant 144 : index
        %parallel_loop3A_750 = tpu.vector_load %arg12[%parallel_loop3A_747, %parallel_loop3A_748, %parallel_loop3A_749] {strides = array<i32>} : memref<2x16x256xi32, #tpu.memory_space<vmem>>, vector<16xi32>,
        %parallel_loop3A_751 = arith.constant 6 : i32
        %parallel_loop3A_752 = vector.broadcast %parallel_loop3A_751 : i32 to vector<16xi32>
        %parallel_loop3A_753 = arith.shrsi %parallel_loop3A_750, %parallel_loop3A_752 : vector<16xi32>
        %parallel_loop3A_754 = tpu.vector_load_idx %arg9[%parallel_loop3A_753] : memref<65536xi32, #tpu.memory_space<vmem>>[vector<16xi32>], vector<16xi32>,
        %parallel_loop3A_755 = arith.constant 1 : i32
        %parallel_loop3A_756 = vector.broadcast %parallel_loop3A_755 : i32 to vector<16xi32>
        %parallel_loop3A_757 = arith.shrsi %parallel_loop3A_750, %parallel_loop3A_756 : vector<16xi32>
        %parallel_loop3A_758 = arith.constant 31 : i32
        %parallel_loop3A_759 = vector.broadcast %parallel_loop3A_758 : i32 to vector<16xi32>
        %parallel_loop3A_760 = arith.andi %parallel_loop3A_757, %parallel_loop3A_759 : vector<16xi32>
        %parallel_loop3A_761 = arith.shrsi %parallel_loop3A_754, %parallel_loop3A_760 : vector<16xi32>
        %parallel_loop3A_762 = arith.andi %parallel_loop3A_761, %parallel_loop3A_750 : vector<16xi32>
        %parallel_loop3A_763 = arith.constant 1 : i32
        %parallel_loop3A_764 = vector.broadcast %parallel_loop3A_763 : i32 to vector<16xi32>
        %parallel_loop3A_765 = arith.andi %parallel_loop3A_762, %parallel_loop3A_764 : vector<16xi32>
        %parallel_loop3A_766 = arith.constant 1 : i32
        %parallel_loop3A_767 = vector.broadcast %parallel_loop3A_766 : i32 to vector<16xi32>
        %parallel_loop3A_768 = arith.cmpi eq, %parallel_loop3A_765, %parallel_loop3A_767 : vector<16xi32>
        %parallel_loop3A_769 = arith.constant -1 : i32
        %parallel_loop3A_770 = vector.broadcast %parallel_loop3A_769 : i32 to vector<16xi32>
        %parallel_loop3A_771 = arith.select %parallel_loop3A_768, %parallel_loop3A_322, %parallel_loop3A_770 : vector<16xi1>, vector<16xi32>
        %parallel_loop3A_772 = arith.constant 0 : i32
        %parallel_loop3A_773 = arith.index_cast %parallel_loop3A_772 : i32 to index
        %parallel_loop3A_774 = arith.index_cast %parallel_loop3A_318 : i32 to index
        %parallel_loop3A_775 = arith.constant 144 : index
        %parallel_loop3A_776 = tpu.vector_load %arg13[%parallel_loop3A_773, %parallel_loop3A_774, %parallel_loop3A_775] {strides = array<i32>} : memref<2x16x256xi32, #tpu.memory_space<vmem>>, vector<16xi32>,
        tpu.vector_store %arg13[%parallel_loop3A_773, %parallel_loop3A_774, %parallel_loop3A_775], %parallel_loop3A_771 {strides = array<i32>} : memref<2x16x256xi32, #tpu.memory_space<vmem>>, vector<16xi32>,
        %parallel_loop3A_777 = arith.constant 0.000000e+00 : f32
        %parallel_loop3A_778 = vector.broadcast %parallel_loop3A_777 : f32 to vector<16xf32>
        %parallel_loop3A_779 = arith.select %parallel_loop3A_768, %get3A_35, %parallel_loop3A_778 : vector<16xi1>, vector<16xf32>
        %parallel_loop3A_780 = arith.constant 0 : i32
        %parallel_loop3A_781 = arith.index_cast %parallel_loop3A_780 : i32 to index
        %parallel_loop3A_782 = arith.index_cast %parallel_loop3A_318 : i32 to index
        %parallel_loop3A_783 = arith.constant 144 : index
        %parallel_loop3A_784 = tpu.vector_load %arg14[%parallel_loop3A_781, %parallel_loop3A_782, %parallel_loop3A_783] {strides = array<i32>} : memref<2x16x256xf32, #tpu.memory_space<vmem>>, vector<16xf32>,
        tpu.vector_store %arg14[%parallel_loop3A_781, %parallel_loop3A_782, %parallel_loop3A_783], %parallel_loop3A_779 {strides = array<i32>} : memref<2x16x256xf32, #tpu.memory_space<vmem>>, vector<16xf32>,
        %parallel_loop3A_785 = arith.constant 0.000000e+00 : f32
        %parallel_loop3A_786 = vector.broadcast %parallel_loop3A_785 : f32 to vector<16xf32>
        %parallel_loop3A_787 = arith.select %parallel_loop3A_768, %get3A_67, %parallel_loop3A_786 : vector<16xi1>, vector<16xf32>
        %parallel_loop3A_788 = arith.constant 0 : i32
        %parallel_loop3A_789 = arith.index_cast %parallel_loop3A_788 : i32 to index
        %parallel_loop3A_790 = arith.index_cast %parallel_loop3A_318 : i32 to index
        %parallel_loop3A_791 = arith.constant 144 : index
        %parallel_loop3A_792 = tpu.vector_load %arg15[%parallel_loop3A_789, %parallel_loop3A_790, %parallel_loop3A_791] {strides = array<i32>} : memref<2x16x256xf32, #tpu.memory_space<vmem>>, vector<16xf32>,
        tpu.vector_store %arg15[%parallel_loop3A_789, %parallel_loop3A_790, %parallel_loop3A_791], %parallel_loop3A_787 {strides = array<i32>} : memref<2x16x256xf32, #tpu.memory_space<vmem>>, vector<16xf32>,
        %parallel_loop3A_793 = arith.constant 0 : i32
        %parallel_loop3A_794 = arith.index_cast %parallel_loop3A_793 : i32 to index
        %parallel_loop3A_795 = arith.index_cast %parallel_loop3A_318 : i32 to index
        %parallel_loop3A_796 = arith.constant 160 : index
        %parallel_loop3A_797 = tpu.vector_load %arg12[%parallel_loop3A_794, %parallel_loop3A_795, %parallel_loop3A_796] {strides = array<i32>} : memref<2x16x256xi32, #tpu.memory_space<vmem>>, vector<16xi32>,
        %parallel_loop3A_798 = arith.constant 6 : i32
        %parallel_loop3A_799 = vector.broadcast %parallel_loop3A_798 : i32 to vector<16xi32>
        %parallel_loop3A_800 = arith.shrsi %parallel_loop3A_797, %parallel_loop3A_799 : vector<16xi32>
        %parallel_loop3A_801 = tpu.vector_load_idx %arg9[%parallel_loop3A_800] : memref<65536xi32, #tpu.memory_space<vmem>>[vector<16xi32>], vector<16xi32>,
        %parallel_loop3A_802 = arith.constant 1 : i32
        %parallel_loop3A_803 = vector.broadcast %parallel_loop3A_802 : i32 to vector<16xi32>
        %parallel_loop3A_804 = arith.shrsi %parallel_loop3A_797, %parallel_loop3A_803 : vector<16xi32>
        %parallel_loop3A_805 = arith.constant 31 : i32
        %parallel_loop3A_806 = vector.broadcast %parallel_loop3A_805 : i32 to vector<16xi32>
        %parallel_loop3A_807 = arith.andi %parallel_loop3A_804, %parallel_loop3A_806 : vector<16xi32>
        %parallel_loop3A_808 = arith.shrsi %parallel_loop3A_801, %parallel_loop3A_807 : vector<16xi32>
        %parallel_loop3A_809 = arith.andi %parallel_loop3A_808, %parallel_loop3A_797 : vector<16xi32>
        %parallel_loop3A_810 = arith.constant 1 : i32
        %parallel_loop3A_811 = vector.broadcast %parallel_loop3A_810 : i32 to vector<16xi32>
        %parallel_loop3A_812 = arith.andi %parallel_loop3A_809, %parallel_loop3A_811 : vector<16xi32>
        %parallel_loop3A_813 = arith.constant 1 : i32
        %parallel_loop3A_814 = vector.broadcast %parallel_loop3A_813 : i32 to vector<16xi32>
        %parallel_loop3A_815 = arith.cmpi eq, %parallel_loop3A_812, %parallel_loop3A_814 : vector<16xi32>
        %parallel_loop3A_816 = arith.constant -1 : i32
        %parallel_loop3A_817 = vector.broadcast %parallel_loop3A_816 : i32 to vector<16xi32>
        %parallel_loop3A_818 = arith.select %parallel_loop3A_815, %parallel_loop3A_322, %parallel_loop3A_817 : vector<16xi1>, vector<16xi32>
        %parallel_loop3A_819 = arith.constant 0 : i32
        %parallel_loop3A_820 = arith.index_cast %parallel_loop3A_819 : i32 to index
        %parallel_loop3A_821 = arith.index_cast %parallel_loop3A_318 : i32 to index
        %parallel_loop3A_822 = arith.constant 160 : index
        %parallel_loop3A_823 = tpu.vector_load %arg13[%parallel_loop3A_820, %parallel_loop3A_821, %parallel_loop3A_822] {strides = array<i32>} : memref<2x16x256xi32, #tpu.memory_space<vmem>>, vector<16xi32>,
        tpu.vector_store %arg13[%parallel_loop3A_820, %parallel_loop3A_821, %parallel_loop3A_822], %parallel_loop3A_818 {strides = array<i32>} : memref<2x16x256xi32, #tpu.memory_space<vmem>>, vector<16xi32>,
        %parallel_loop3A_824 = arith.constant 0.000000e+00 : f32
        %parallel_loop3A_825 = vector.broadcast %parallel_loop3A_824 : f32 to vector<16xf32>
        %parallel_loop3A_826 = arith.select %parallel_loop3A_815, %get3A_37, %parallel_loop3A_825 : vector<16xi1>, vector<16xf32>
        %parallel_loop3A_827 = arith.constant 0 : i32
        %parallel_loop3A_828 = arith.index_cast %parallel_loop3A_827 : i32 to index
        %parallel_loop3A_829 = arith.index_cast %parallel_loop3A_318 : i32 to index
        %parallel_loop3A_830 = arith.constant 160 : index
        %parallel_loop3A_831 = tpu.vector_load %arg14[%parallel_loop3A_828, %parallel_loop3A_829, %parallel_loop3A_830] {strides = array<i32>} : memref<2x16x256xf32, #tpu.memory_space<vmem>>, vector<16xf32>,
        tpu.vector_store %arg14[%parallel_loop3A_828, %parallel_loop3A_829, %parallel_loop3A_830], %parallel_loop3A_826 {strides = array<i32>} : memref<2x16x256xf32, #tpu.memory_space<vmem>>, vector<16xf32>,
        %parallel_loop3A_832 = arith.constant 0.000000e+00 : f32
        %parallel_loop3A_833 = vector.broadcast %parallel_loop3A_832 : f32 to vector<16xf32>
        %parallel_loop3A_834 = arith.select %parallel_loop3A_815, %get3A_69, %parallel_loop3A_833 : vector<16xi1>, vector<16xf32>
        %parallel_loop3A_835 = arith.constant 0 : i32
        %parallel_loop3A_836 = arith.index_cast %parallel_loop3A_835 : i32 to index
        %parallel_loop3A_837 = arith.index_cast %parallel_loop3A_318 : i32 to index
        %parallel_loop3A_838 = arith.constant 160 : index
        %parallel_loop3A_839 = tpu.vector_load %arg15[%parallel_loop3A_836, %parallel_loop3A_837, %parallel_loop3A_838] {strides = array<i32>} : memref<2x16x256xf32, #tpu.memory_space<vmem>>, vector<16xf32>,
        tpu.vector_store %arg15[%parallel_loop3A_836, %parallel_loop3A_837, %parallel_loop3A_838], %parallel_loop3A_834 {strides = array<i32>} : memref<2x16x256xf32, #tpu.memory_space<vmem>>, vector<16xf32>,
        %parallel_loop3A_840 = arith.constant 0 : i32
        %parallel_loop3A_841 = arith.index_cast %parallel_loop3A_840 : i32 to index
        %parallel_loop3A_842 = arith.index_cast %parallel_loop3A_318 : i32 to index
        %parallel_loop3A_843 = arith.constant 176 : index
        %parallel_loop3A_844 = tpu.vector_load %arg12[%parallel_loop3A_841, %parallel_loop3A_842, %parallel_loop3A_843] {strides = array<i32>} : memref<2x16x256xi32, #tpu.memory_space<vmem>>, vector<16xi32>,
        %parallel_loop3A_845 = arith.constant 6 : i32
        %parallel_loop3A_846 = vector.broadcast %parallel_loop3A_845 : i32 to vector<16xi32>
        %parallel_loop3A_847 = arith.shrsi %parallel_loop3A_844, %parallel_loop3A_846 : vector<16xi32>
        %parallel_loop3A_848 = tpu.vector_load_idx %arg9[%parallel_loop3A_847] : memref<65536xi32, #tpu.memory_space<vmem>>[vector<16xi32>], vector<16xi32>,
        %parallel_loop3A_849 = arith.constant 1 : i32
        %parallel_loop3A_850 = vector.broadcast %parallel_loop3A_849 : i32 to vector<16xi32>
        %parallel_loop3A_851 = arith.shrsi %parallel_loop3A_844, %parallel_loop3A_850 : vector<16xi32>
        %parallel_loop3A_852 = arith.constant 31 : i32
        %parallel_loop3A_853 = vector.broadcast %parallel_loop3A_852 : i32 to vector<16xi32>
        %parallel_loop3A_854 = arith.andi %parallel_loop3A_851, %parallel_loop3A_853 : vector<16xi32>
        %parallel_loop3A_855 = arith.shrsi %parallel_loop3A_848, %parallel_loop3A_854 : vector<16xi32>
        %parallel_loop3A_856 = arith.andi %parallel_loop3A_855, %parallel_loop3A_844 : vector<16xi32>
        %parallel_loop3A_857 = arith.constant 1 : i32
        %parallel_loop3A_858 = vector.broadcast %parallel_loop3A_857 : i32 to vector<16xi32>
        %parallel_loop3A_859 = arith.andi %parallel_loop3A_856, %parallel_loop3A_858 : vector<16xi32>
        %parallel_loop3A_860 = arith.constant 1 : i32
        %parallel_loop3A_861 = vector.broadcast %parallel_loop3A_860 : i32 to vector<16xi32>
        %parallel_loop3A_862 = arith.cmpi eq, %parallel_loop3A_859, %parallel_loop3A_861 : vector<16xi32>
        %parallel_loop3A_863 = arith.constant -1 : i32
        %parallel_loop3A_864 = vector.broadcast %parallel_loop3A_863 : i32 to vector<16xi32>
        %parallel_loop3A_865 = arith.select %parallel_loop3A_862, %parallel_loop3A_322, %parallel_loop3A_864 : vector<16xi1>, vector<16xi32>
        %parallel_loop3A_866 = arith.constant 0 : i32
        %parallel_loop3A_867 = arith.index_cast %parallel_loop3A_866 : i32 to index
        %parallel_loop3A_868 = arith.index_cast %parallel_loop3A_318 : i32 to index
        %parallel_loop3A_869 = arith.constant 176 : index
        %parallel_loop3A_870 = tpu.vector_load %arg13[%parallel_loop3A_867, %parallel_loop3A_868, %parallel_loop3A_869] {strides = array<i32>} : memref<2x16x256xi32, #tpu.memory_space<vmem>>, vector<16xi32>,
        tpu.vector_store %arg13[%parallel_loop3A_867, %parallel_loop3A_868, %parallel_loop3A_869], %parallel_loop3A_865 {strides = array<i32>} : memref<2x16x256xi32, #tpu.memory_space<vmem>>, vector<16xi32>,
        %parallel_loop3A_871 = arith.constant 0.000000e+00 : f32
        %parallel_loop3A_872 = vector.broadcast %parallel_loop3A_871 : f32 to vector<16xf32>
        %parallel_loop3A_873 = arith.select %parallel_loop3A_862, %get3A_39, %parallel_loop3A_872 : vector<16xi1>, vector<16xf32>
        %parallel_loop3A_874 = arith.constant 0 : i32
        %parallel_loop3A_875 = arith.index_cast %parallel_loop3A_874 : i32 to index
        %parallel_loop3A_876 = arith.index_cast %parallel_loop3A_318 : i32 to index
        %parallel_loop3A_877 = arith.constant 176 : index
        %parallel_loop3A_878 = tpu.vector_load %arg14[%parallel_loop3A_875, %parallel_loop3A_876, %parallel_loop3A_877] {strides = array<i32>} : memref<2x16x256xf32, #tpu.memory_space<vmem>>, vector<16xf32>,
        tpu.vector_store %arg14[%parallel_loop3A_875, %parallel_loop3A_876, %parallel_loop3A_877], %parallel_loop3A_873 {strides = array<i32>} : memref<2x16x256xf32, #tpu.memory_space<vmem>>, vector<16xf32>,
        %parallel_loop3A_879 = arith.constant 0.000000e+00 : f32
        %parallel_loop3A_880 = vector.broadcast %parallel_loop3A_879 : f32 to vector<16xf32>
        %parallel_loop3A_881 = arith.select %parallel_loop3A_862, %get3A_71, %parallel_loop3A_880 : vector<16xi1>, vector<16xf32>
        %parallel_loop3A_882 = arith.constant 0 : i32
        %parallel_loop3A_883 = arith.index_cast %parallel_loop3A_882 : i32 to index
        %parallel_loop3A_884 = arith.index_cast %parallel_loop3A_318 : i32 to index
        %parallel_loop3A_885 = arith.constant 176 : index
        %parallel_loop3A_886 = tpu.vector_load %arg15[%parallel_loop3A_883, %parallel_loop3A_884, %parallel_loop3A_885] {strides = array<i32>} : memref<2x16x256xf32, #tpu.memory_space<vmem>>, vector<16xf32>,
        tpu.vector_store %arg15[%parallel_loop3A_883, %parallel_loop3A_884, %parallel_loop3A_885], %parallel_loop3A_881 {strides = array<i32>} : memref<2x16x256xf32, #tpu.memory_space<vmem>>, vector<16xf32>,
        %parallel_loop3A_887 = arith.constant 0 : i32
        %parallel_loop3A_888 = arith.index_cast %parallel_loop3A_887 : i32 to index
        %parallel_loop3A_889 = arith.index_cast %parallel_loop3A_318 : i32 to index
        %parallel_loop3A_890 = arith.constant 192 : index
        %parallel_loop3A_891 = tpu.vector_load %arg12[%parallel_loop3A_888, %parallel_loop3A_889, %parallel_loop3A_890] {strides = array<i32>} : memref<2x16x256xi32, #tpu.memory_space<vmem>>, vector<16xi32>,
        %parallel_loop3A_892 = arith.constant 6 : i32
        %parallel_loop3A_893 = vector.broadcast %parallel_loop3A_892 : i32 to vector<16xi32>
        %parallel_loop3A_894 = arith.shrsi %parallel_loop3A_891, %parallel_loop3A_893 : vector<16xi32>
        %parallel_loop3A_895 = tpu.vector_load_idx %arg9[%parallel_loop3A_894] : memref<65536xi32, #tpu.memory_space<vmem>>[vector<16xi32>], vector<16xi32>,
        %parallel_loop3A_896 = arith.constant 1 : i32
        %parallel_loop3A_897 = vector.broadcast %parallel_loop3A_896 : i32 to vector<16xi32>
        %parallel_loop3A_898 = arith.shrsi %parallel_loop3A_891, %parallel_loop3A_897 : vector<16xi32>
        %parallel_loop3A_899 = arith.constant 31 : i32
        %parallel_loop3A_900 = vector.broadcast %parallel_loop3A_899 : i32 to vector<16xi32>
        %parallel_loop3A_901 = arith.andi %parallel_loop3A_898, %parallel_loop3A_900 : vector<16xi32>
        %parallel_loop3A_902 = arith.shrsi %parallel_loop3A_895, %parallel_loop3A_901 : vector<16xi32>
        %parallel_loop3A_903 = arith.andi %parallel_loop3A_902, %parallel_loop3A_891 : vector<16xi32>
        %parallel_loop3A_904 = arith.constant 1 : i32
        %parallel_loop3A_905 = vector.broadcast %parallel_loop3A_904 : i32 to vector<16xi32>
        %parallel_loop3A_906 = arith.andi %parallel_loop3A_903, %parallel_loop3A_905 : vector<16xi32>
        %parallel_loop3A_907 = arith.constant 1 : i32
        %parallel_loop3A_908 = vector.broadcast %parallel_loop3A_907 : i32 to vector<16xi32>
        %parallel_loop3A_909 = arith.cmpi eq, %parallel_loop3A_906, %parallel_loop3A_908 : vector<16xi32>
        %parallel_loop3A_910 = arith.constant -1 : i32
        %parallel_loop3A_911 = vector.broadcast %parallel_loop3A_910 : i32 to vector<16xi32>
        %parallel_loop3A_912 = arith.select %parallel_loop3A_909, %parallel_loop3A_322, %parallel_loop3A_911 : vector<16xi1>, vector<16xi32>
        %parallel_loop3A_913 = arith.constant 0 : i32
        %parallel_loop3A_914 = arith.index_cast %parallel_loop3A_913 : i32 to index
        %parallel_loop3A_915 = arith.index_cast %parallel_loop3A_318 : i32 to index
        %parallel_loop3A_916 = arith.constant 192 : index
        %parallel_loop3A_917 = tpu.vector_load %arg13[%parallel_loop3A_914, %parallel_loop3A_915, %parallel_loop3A_916] {strides = array<i32>} : memref<2x16x256xi32, #tpu.memory_space<vmem>>, vector<16xi32>,
        tpu.vector_store %arg13[%parallel_loop3A_914, %parallel_loop3A_915, %parallel_loop3A_916], %parallel_loop3A_912 {strides = array<i32>} : memref<2x16x256xi32, #tpu.memory_space<vmem>>, vector<16xi32>,
        %parallel_loop3A_918 = arith.constant 0.000000e+00 : f32
        %parallel_loop3A_919 = vector.broadcast %parallel_loop3A_918 : f32 to vector<16xf32>
        %parallel_loop3A_920 = arith.select %parallel_loop3A_909, %get3A_41, %parallel_loop3A_919 : vector<16xi1>, vector<16xf32>
        %parallel_loop3A_921 = arith.constant 0 : i32
        %parallel_loop3A_922 = arith.index_cast %parallel_loop3A_921 : i32 to index
        %parallel_loop3A_923 = arith.index_cast %parallel_loop3A_318 : i32 to index
        %parallel_loop3A_924 = arith.constant 192 : index
        %parallel_loop3A_925 = tpu.vector_load %arg14[%parallel_loop3A_922, %parallel_loop3A_923, %parallel_loop3A_924] {strides = array<i32>} : memref<2x16x256xf32, #tpu.memory_space<vmem>>, vector<16xf32>,
        tpu.vector_store %arg14[%parallel_loop3A_922, %parallel_loop3A_923, %parallel_loop3A_924], %parallel_loop3A_920 {strides = array<i32>} : memref<2x16x256xf32, #tpu.memory_space<vmem>>, vector<16xf32>,
        %parallel_loop3A_926 = arith.constant 0.000000e+00 : f32
        %parallel_loop3A_927 = vector.broadcast %parallel_loop3A_926 : f32 to vector<16xf32>
        %parallel_loop3A_928 = arith.select %parallel_loop3A_909, %get3A_73, %parallel_loop3A_927 : vector<16xi1>, vector<16xf32>
        %parallel_loop3A_929 = arith.constant 0 : i32
        %parallel_loop3A_930 = arith.index_cast %parallel_loop3A_929 : i32 to index
        %parallel_loop3A_931 = arith.index_cast %parallel_loop3A_318 : i32 to index
        %parallel_loop3A_932 = arith.constant 192 : index
        %parallel_loop3A_933 = tpu.vector_load %arg15[%parallel_loop3A_930, %parallel_loop3A_931, %parallel_loop3A_932] {strides = array<i32>} : memref<2x16x256xf32, #tpu.memory_space<vmem>>, vector<16xf32>,
        tpu.vector_store %arg15[%parallel_loop3A_930, %parallel_loop3A_931, %parallel_loop3A_932], %parallel_loop3A_928 {strides = array<i32>} : memref<2x16x256xf32, #tpu.memory_space<vmem>>, vector<16xf32>,
        %parallel_loop3A_934 = arith.constant 0 : i32
        %parallel_loop3A_935 = arith.index_cast %parallel_loop3A_934 : i32 to index
        %parallel_loop3A_936 = arith.index_cast %parallel_loop3A_318 : i32 to index
        %parallel_loop3A_937 = arith.constant 208 : index
        %parallel_loop3A_938 = tpu.vector_load %arg12[%parallel_loop3A_935, %parallel_loop3A_936, %parallel_loop3A_937] {strides = array<i32>} : memref<2x16x256xi32, #tpu.memory_space<vmem>>, vector<16xi32>,
        %parallel_loop3A_939 = arith.constant 6 : i32
        %parallel_loop3A_940 = vector.broadcast %parallel_loop3A_939 : i32 to vector<16xi32>
        %parallel_loop3A_941 = arith.shrsi %parallel_loop3A_938, %parallel_loop3A_940 : vector<16xi32>
        %parallel_loop3A_942 = tpu.vector_load_idx %arg9[%parallel_loop3A_941] : memref<65536xi32, #tpu.memory_space<vmem>>[vector<16xi32>], vector<16xi32>,
        %parallel_loop3A_943 = arith.constant 1 : i32
        %parallel_loop3A_944 = vector.broadcast %parallel_loop3A_943 : i32 to vector<16xi32>
        %parallel_loop3A_945 = arith.shrsi %parallel_loop3A_938, %parallel_loop3A_944 : vector<16xi32>
        %parallel_loop3A_946 = arith.constant 31 : i32
        %parallel_loop3A_947 = vector.broadcast %parallel_loop3A_946 : i32 to vector<16xi32>
        %parallel_loop3A_948 = arith.andi %parallel_loop3A_945, %parallel_loop3A_947 : vector<16xi32>
        %parallel_loop3A_949 = arith.shrsi %parallel_loop3A_942, %parallel_loop3A_948 : vector<16xi32>
        %parallel_loop3A_950 = arith.andi %parallel_loop3A_949, %parallel_loop3A_938 : vector<16xi32>
        %parallel_loop3A_951 = arith.constant 1 : i32
        %parallel_loop3A_952 = vector.broadcast %parallel_loop3A_951 : i32 to vector<16xi32>
        %parallel_loop3A_953 = arith.andi %parallel_loop3A_950, %parallel_loop3A_952 : vector<16xi32>
        %parallel_loop3A_954 = arith.constant 1 : i32
        %parallel_loop3A_955 = vector.broadcast %parallel_loop3A_954 : i32 to vector<16xi32>
        %parallel_loop3A_956 = arith.cmpi eq, %parallel_loop3A_953, %parallel_loop3A_955 : vector<16xi32>
        %parallel_loop3A_957 = arith.constant -1 : i32
        %parallel_loop3A_958 = vector.broadcast %parallel_loop3A_957 : i32 to vector<16xi32>
        %parallel_loop3A_959 = arith.select %parallel_loop3A_956, %parallel_loop3A_322, %parallel_loop3A_958 : vector<16xi1>, vector<16xi32>
        %parallel_loop3A_960 = arith.constant 0 : i32
        %parallel_loop3A_961 = arith.index_cast %parallel_loop3A_960 : i32 to index
        %parallel_loop3A_962 = arith.index_cast %parallel_loop3A_318 : i32 to index
        %parallel_loop3A_963 = arith.constant 208 : index
        %parallel_loop3A_964 = tpu.vector_load %arg13[%parallel_loop3A_961, %parallel_loop3A_962, %parallel_loop3A_963] {strides = array<i32>} : memref<2x16x256xi32, #tpu.memory_space<vmem>>, vector<16xi32>,
        tpu.vector_store %arg13[%parallel_loop3A_961, %parallel_loop3A_962, %parallel_loop3A_963], %parallel_loop3A_959 {strides = array<i32>} : memref<2x16x256xi32, #tpu.memory_space<vmem>>, vector<16xi32>,
        %parallel_loop3A_965 = arith.constant 0.000000e+00 : f32
        %parallel_loop3A_966 = vector.broadcast %parallel_loop3A_965 : f32 to vector<16xf32>
        %parallel_loop3A_967 = arith.select %parallel_loop3A_956, %get3A_43, %parallel_loop3A_966 : vector<16xi1>, vector<16xf32>
        %parallel_loop3A_968 = arith.constant 0 : i32
        %parallel_loop3A_969 = arith.index_cast %parallel_loop3A_968 : i32 to index
        %parallel_loop3A_970 = arith.index_cast %parallel_loop3A_318 : i32 to index
        %parallel_loop3A_971 = arith.constant 208 : index
        %parallel_loop3A_972 = tpu.vector_load %arg14[%parallel_loop3A_969, %parallel_loop3A_970, %parallel_loop3A_971] {strides = array<i32>} : memref<2x16x256xf32, #tpu.memory_space<vmem>>, vector<16xf32>,
        tpu.vector_store %arg14[%parallel_loop3A_969, %parallel_loop3A_970, %parallel_loop3A_971], %parallel_loop3A_967 {strides = array<i32>} : memref<2x16x256xf32, #tpu.memory_space<vmem>>, vector<16xf32>,
        %parallel_loop3A_973 = arith.constant 0.000000e+00 : f32
        %parallel_loop3A_974 = vector.broadcast %parallel_loop3A_973 : f32 to vector<16xf32>
        %parallel_loop3A_975 = arith.select %parallel_loop3A_956, %get3A_75, %parallel_loop3A_974 : vector<16xi1>, vector<16xf32>
        %parallel_loop3A_976 = arith.constant 0 : i32
        %parallel_loop3A_977 = arith.index_cast %parallel_loop3A_976 : i32 to index
        %parallel_loop3A_978 = arith.index_cast %parallel_loop3A_318 : i32 to index
        %parallel_loop3A_979 = arith.constant 208 : index
        %parallel_loop3A_980 = tpu.vector_load %arg15[%parallel_loop3A_977, %parallel_loop3A_978, %parallel_loop3A_979] {strides = array<i32>} : memref<2x16x256xf32, #tpu.memory_space<vmem>>, vector<16xf32>,
        tpu.vector_store %arg15[%parallel_loop3A_977, %parallel_loop3A_978, %parallel_loop3A_979], %parallel_loop3A_975 {strides = array<i32>} : memref<2x16x256xf32, #tpu.memory_space<vmem>>, vector<16xf32>,
        %parallel_loop3A_981 = arith.constant 0 : i32
        %parallel_loop3A_982 = arith.index_cast %parallel_loop3A_981 : i32 to index
        %parallel_loop3A_983 = arith.index_cast %parallel_loop3A_318 : i32 to index
        %parallel_loop3A_984 = arith.constant 224 : index
        %parallel_loop3A_985 = tpu.vector_load %arg12[%parallel_loop3A_982, %parallel_loop3A_983, %parallel_loop3A_984] {strides = array<i32>} : memref<2x16x256xi32, #tpu.memory_space<vmem>>, vector<16xi32>,
        %parallel_loop3A_986 = arith.constant 6 : i32
        %parallel_loop3A_987 = vector.broadcast %parallel_loop3A_986 : i32 to vector<16xi32>
        %parallel_loop3A_988 = arith.shrsi %parallel_loop3A_985, %parallel_loop3A_987 : vector<16xi32>
        %parallel_loop3A_989 = tpu.vector_load_idx %arg9[%parallel_loop3A_988] : memref<65536xi32, #tpu.memory_space<vmem>>[vector<16xi32>], vector<16xi32>,
        %parallel_loop3A_990 = arith.constant 1 : i32
        %parallel_loop3A_991 = vector.broadcast %parallel_loop3A_990 : i32 to vector<16xi32>
        %parallel_loop3A_992 = arith.shrsi %parallel_loop3A_985, %parallel_loop3A_991 : vector<16xi32>
        %parallel_loop3A_993 = arith.constant 31 : i32
        %parallel_loop3A_994 = vector.broadcast %parallel_loop3A_993 : i32 to vector<16xi32>
        %parallel_loop3A_995 = arith.andi %parallel_loop3A_992, %parallel_loop3A_994 : vector<16xi32>
        %parallel_loop3A_996 = arith.shrsi %parallel_loop3A_989, %parallel_loop3A_995 : vector<16xi32>
        %parallel_loop3A_997 = arith.andi %parallel_loop3A_996, %parallel_loop3A_985 : vector<16xi32>
        %parallel_loop3A_998 = arith.constant 1 : i32
        %parallel_loop3A_999 = vector.broadcast %parallel_loop3A_998 : i32 to vector<16xi32>
        %parallel_loop3A_1000 = arith.andi %parallel_loop3A_997, %parallel_loop3A_999 : vector<16xi32>
        %parallel_loop3A_1001 = arith.constant 1 : i32
        %parallel_loop3A_1002 = vector.broadcast %parallel_loop3A_1001 : i32 to vector<16xi32>
        %parallel_loop3A_1003 = arith.cmpi eq, %parallel_loop3A_1000, %parallel_loop3A_1002 : vector<16xi32>
        %parallel_loop3A_1004 = arith.constant -1 : i32
        %parallel_loop3A_1005 = vector.broadcast %parallel_loop3A_1004 : i32 to vector<16xi32>
        %parallel_loop3A_1006 = arith.select %parallel_loop3A_1003, %parallel_loop3A_322, %parallel_loop3A_1005 : vector<16xi1>, vector<16xi32>
        %parallel_loop3A_1007 = arith.constant 0 : i32
        %parallel_loop3A_1008 = arith.index_cast %parallel_loop3A_1007 : i32 to index
        %parallel_loop3A_1009 = arith.index_cast %parallel_loop3A_318 : i32 to index
        %parallel_loop3A_1010 = arith.constant 224 : index
        %parallel_loop3A_1011 = tpu.vector_load %arg13[%parallel_loop3A_1008, %parallel_loop3A_1009, %parallel_loop3A_1010] {strides = array<i32>} : memref<2x16x256xi32, #tpu.memory_space<vmem>>, vector<16xi32>,
        tpu.vector_store %arg13[%parallel_loop3A_1008, %parallel_loop3A_1009, %parallel_loop3A_1010], %parallel_loop3A_1006 {strides = array<i32>} : memref<2x16x256xi32, #tpu.memory_space<vmem>>, vector<16xi32>,
        %parallel_loop3A_1012 = arith.constant 0.000000e+00 : f32
        %parallel_loop3A_1013 = vector.broadcast %parallel_loop3A_1012 : f32 to vector<16xf32>
        %parallel_loop3A_1014 = arith.select %parallel_loop3A_1003, %get3A_45, %parallel_loop3A_1013 : vector<16xi1>, vector<16xf32>
        %parallel_loop3A_1015 = arith.constant 0 : i32
        %parallel_loop3A_1016 = arith.index_cast %parallel_loop3A_1015 : i32 to index
        %parallel_loop3A_1017 = arith.index_cast %parallel_loop3A_318 : i32 to index
        %parallel_loop3A_1018 = arith.constant 224 : index
        %parallel_loop3A_1019 = tpu.vector_load %arg14[%parallel_loop3A_1016, %parallel_loop3A_1017, %parallel_loop3A_1018] {strides = array<i32>} : memref<2x16x256xf32, #tpu.memory_space<vmem>>, vector<16xf32>,
        tpu.vector_store %arg14[%parallel_loop3A_1016, %parallel_loop3A_1017, %parallel_loop3A_1018], %parallel_loop3A_1014 {strides = array<i32>} : memref<2x16x256xf32, #tpu.memory_space<vmem>>, vector<16xf32>,
        %parallel_loop3A_1020 = arith.constant 0.000000e+00 : f32
        %parallel_loop3A_1021 = vector.broadcast %parallel_loop3A_1020 : f32 to vector<16xf32>
        %parallel_loop3A_1022 = arith.select %parallel_loop3A_1003, %get3A_77, %parallel_loop3A_1021 : vector<16xi1>, vector<16xf32>
        %parallel_loop3A_1023 = arith.constant 0 : i32
        %parallel_loop3A_1024 = arith.index_cast %parallel_loop3A_1023 : i32 to index
        %parallel_loop3A_1025 = arith.index_cast %parallel_loop3A_318 : i32 to index
        %parallel_loop3A_1026 = arith.constant 224 : index
        %parallel_loop3A_1027 = tpu.vector_load %arg15[%parallel_loop3A_1024, %parallel_loop3A_1025, %parallel_loop3A_1026] {strides = array<i32>} : memref<2x16x256xf32, #tpu.memory_space<vmem>>, vector<16xf32>,
        tpu.vector_store %arg15[%parallel_loop3A_1024, %parallel_loop3A_1025, %parallel_loop3A_1026], %parallel_loop3A_1022 {strides = array<i32>} : memref<2x16x256xf32, #tpu.memory_space<vmem>>, vector<16xf32>,
        %parallel_loop3A_1028 = arith.constant 0 : i32
        %parallel_loop3A_1029 = arith.index_cast %parallel_loop3A_1028 : i32 to index
        %parallel_loop3A_1030 = arith.index_cast %parallel_loop3A_318 : i32 to index
        %parallel_loop3A_1031 = arith.constant 240 : index
        %parallel_loop3A_1032 = tpu.vector_load %arg12[%parallel_loop3A_1029, %parallel_loop3A_1030, %parallel_loop3A_1031] {strides = array<i32>} : memref<2x16x256xi32, #tpu.memory_space<vmem>>, vector<16xi32>,
        %parallel_loop3A_1033 = arith.constant 6 : i32
        %parallel_loop3A_1034 = vector.broadcast %parallel_loop3A_1033 : i32 to vector<16xi32>
        %parallel_loop3A_1035 = arith.shrsi %parallel_loop3A_1032, %parallel_loop3A_1034 : vector<16xi32>
        %parallel_loop3A_1036 = tpu.vector_load_idx %arg9[%parallel_loop3A_1035] : memref<65536xi32, #tpu.memory_space<vmem>>[vector<16xi32>], vector<16xi32>,
        %parallel_loop3A_1037 = arith.constant 1 : i32
        %parallel_loop3A_1038 = vector.broadcast %parallel_loop3A_1037 : i32 to vector<16xi32>
        %parallel_loop3A_1039 = arith.shrsi %parallel_loop3A_1032, %parallel_loop3A_1038 : vector<16xi32>
        %parallel_loop3A_1040 = arith.constant 31 : i32
        %parallel_loop3A_1041 = vector.broadcast %parallel_loop3A_1040 : i32 to vector<16xi32>
        %parallel_loop3A_1042 = arith.andi %parallel_loop3A_1039, %parallel_loop3A_1041 : vector<16xi32>
        %parallel_loop3A_1043 = arith.shrsi %parallel_loop3A_1036, %parallel_loop3A_1042 : vector<16xi32>
        %parallel_loop3A_1044 = arith.andi %parallel_loop3A_1043, %parallel_loop3A_1032 : vector<16xi32>
        %parallel_loop3A_1045 = arith.constant 1 : i32
        %parallel_loop3A_1046 = vector.broadcast %parallel_loop3A_1045 : i32 to vector<16xi32>
        %parallel_loop3A_1047 = arith.andi %parallel_loop3A_1044, %parallel_loop3A_1046 : vector<16xi32>
        %parallel_loop3A_1048 = arith.constant 1 : i32
        %parallel_loop3A_1049 = vector.broadcast %parallel_loop3A_1048 : i32 to vector<16xi32>
        %parallel_loop3A_1050 = arith.cmpi eq, %parallel_loop3A_1047, %parallel_loop3A_1049 : vector<16xi32>
        %parallel_loop3A_1051 = arith.constant -1 : i32
        %parallel_loop3A_1052 = vector.broadcast %parallel_loop3A_1051 : i32 to vector<16xi32>
        %parallel_loop3A_1053 = arith.select %parallel_loop3A_1050, %parallel_loop3A_322, %parallel_loop3A_1052 : vector<16xi1>, vector<16xi32>
        %parallel_loop3A_1054 = arith.constant 0 : i32
        %parallel_loop3A_1055 = arith.index_cast %parallel_loop3A_1054 : i32 to index
        %parallel_loop3A_1056 = arith.index_cast %parallel_loop3A_318 : i32 to index
        %parallel_loop3A_1057 = arith.constant 240 : index
        %parallel_loop3A_1058 = tpu.vector_load %arg13[%parallel_loop3A_1055, %parallel_loop3A_1056, %parallel_loop3A_1057] {strides = array<i32>} : memref<2x16x256xi32, #tpu.memory_space<vmem>>, vector<16xi32>,
        tpu.vector_store %arg13[%parallel_loop3A_1055, %parallel_loop3A_1056, %parallel_loop3A_1057], %parallel_loop3A_1053 {strides = array<i32>} : memref<2x16x256xi32, #tpu.memory_space<vmem>>, vector<16xi32>,
        %parallel_loop3A_1059 = arith.constant 0.000000e+00 : f32
        %parallel_loop3A_1060 = vector.broadcast %parallel_loop3A_1059 : f32 to vector<16xf32>
        %parallel_loop3A_1061 = arith.select %parallel_loop3A_1050, %get3A_47, %parallel_loop3A_1060 : vector<16xi1>, vector<16xf32>
        %parallel_loop3A_1062 = arith.constant 0 : i32
        %parallel_loop3A_1063 = arith.index_cast %parallel_loop3A_1062 : i32 to index
        %parallel_loop3A_1064 = arith.index_cast %parallel_loop3A_318 : i32 to index
        %parallel_loop3A_1065 = arith.constant 240 : index
        %parallel_loop3A_1066 = tpu.vector_load %arg14[%parallel_loop3A_1063, %parallel_loop3A_1064, %parallel_loop3A_1065] {strides = array<i32>} : memref<2x16x256xf32, #tpu.memory_space<vmem>>, vector<16xf32>,
        tpu.vector_store %arg14[%parallel_loop3A_1063, %parallel_loop3A_1064, %parallel_loop3A_1065], %parallel_loop3A_1061 {strides = array<i32>} : memref<2x16x256xf32, #tpu.memory_space<vmem>>, vector<16xf32>,
        %parallel_loop3A_1067 = arith.constant 0.000000e+00 : f32
        %parallel_loop3A_1068 = vector.broadcast %parallel_loop3A_1067 : f32 to vector<16xf32>
        %parallel_loop3A_1069 = arith.select %parallel_loop3A_1050, %get3A_79, %parallel_loop3A_1068 : vector<16xi1>, vector<16xf32>
        %parallel_loop3A_1070 = arith.constant 0 : i32
        %parallel_loop3A_1071 = arith.index_cast %parallel_loop3A_1070 : i32 to index
        %parallel_loop3A_1072 = arith.index_cast %parallel_loop3A_318 : i32 to index
        %parallel_loop3A_1073 = arith.constant 240 : index
        %parallel_loop3A_1074 = tpu.vector_load %arg15[%parallel_loop3A_1071, %parallel_loop3A_1072, %parallel_loop3A_1073] {strides = array<i32>} : memref<2x16x256xf32, #tpu.memory_space<vmem>>, vector<16xf32>,
        tpu.vector_store %arg15[%parallel_loop3A_1071, %parallel_loop3A_1072, %parallel_loop3A_1073], %parallel_loop3A_1069 {strides = array<i32>} : memref<2x16x256xf32, #tpu.memory_space<vmem>>, vector<16xf32>,
      } {sc.loop_unroll_factor = 8 : i64, sc.parallel_access}
      %mul3A_198 = arith.constant 16 : i32
      %mul3A_199 = arith.muli %add3A_170, %mul3A_198 : i32
      %add3A_200 = arith.addi %mul3A_2, %mul3A_199 : i32
      %dma_start3A_201 = arith.constant 0 : i32
      %dma_start3A_202 = arith.constant 0 : i32
      %dma_start3A_203 = arith.constant 0 : i32
      %dma_start3A_204 = tpu.memref_slice %arg13[%dma_start3A_201, %dma_start3A_202, %dma_start3A_203] : memref<2x16x256xi32, #tpu.memory_space<vmem>> -> memref<1x16x256xi32, #tpu.memory_space<vmem>>
      %dma_start3A_205 = tpu.memref_squeeze %dma_start3A_204 : memref<1x16x256xi32, #tpu.memory_space<vmem>> -> memref<16x256xi32, #tpu.memory_space<vmem>>
      %dma_start3A_206 = arith.constant 0 : i32
      %dma_start3A_207 = tpu.memref_slice %arg6[%add3A_200, %dma_start3A_206] : memref<16384x256xi32, #tpu.memory_space<hbm>> -> memref<16x256xi32, #tpu.memory_space<hbm>>
      %dma_start3A_208 = arith.constant 0 : i32
      %dma_start3A_209 = tpu.memref_slice %arg6[%add3A_200, %dma_start3A_208] : memref<16384x256xi32, #tpu.memory_space<hbm>> -> memref<16x256xi32, #tpu.memory_space<hbm>>
      %dma_start3A_210 = arith.constant 0 : i32
      %dma_start3A_211 = arith.constant 0 : i32
      %dma_start3A_212 = tpu.memref_slice %arg13[%dma_start3A_201, %dma_start3A_210, %dma_start3A_211] : memref<2x16x256xi32, #tpu.memory_space<vmem>> -> memref<1x16x256xi32, #tpu.memory_space<vmem>>
      %dma_start3A_213 = tpu.memref_squeeze %dma_start3A_212 : memref<1x16x256xi32, #tpu.memory_space<vmem>> -> memref<16x256xi32, #tpu.memory_space<vmem>>
      tpu.enqueue_dma source(%dma_start3A_213 : memref<16x256xi32, #tpu.memory_space<vmem>>) target(%dma_start3A_209 : memref<16x256xi32, #tpu.memory_space<hbm>>) target_semaphore(%arg18 : memref<!tpu.dma_semaphore, #tpu.memory_space<semaphore_mem>>)
      %dma_start3A_214 = arith.constant 0 : i32
      %dma_start3A_215 = arith.constant 0 : i32
      %dma_start3A_216 = arith.constant 0 : i32
      %dma_start3A_217 = tpu.memref_slice %arg14[%dma_start3A_214, %dma_start3A_215, %dma_start3A_216] : memref<2x16x256xf32, #tpu.memory_space<vmem>> -> memref<1x16x256xf32, #tpu.memory_space<vmem>>
      %dma_start3A_218 = tpu.memref_squeeze %dma_start3A_217 : memref<1x16x256xf32, #tpu.memory_space<vmem>> -> memref<16x256xf32, #tpu.memory_space<vmem>>
      %dma_start3A_219 = arith.constant 0 : i32
      %dma_start3A_220 = tpu.memref_slice %arg7[%add3A_200, %dma_start3A_219] : memref<16384x256xf32, #tpu.memory_space<hbm>> -> memref<16x256xf32, #tpu.memory_space<hbm>>
      %dma_start3A_221 = arith.constant 0 : i32
      %dma_start3A_222 = tpu.memref_slice %arg7[%add3A_200, %dma_start3A_221] : memref<16384x256xf32, #tpu.memory_space<hbm>> -> memref<16x256xf32, #tpu.memory_space<hbm>>
      %dma_start3A_223 = arith.constant 0 : i32
      %dma_start3A_224 = arith.constant 0 : i32
      %dma_start3A_225 = tpu.memref_slice %arg14[%dma_start3A_214, %dma_start3A_223, %dma_start3A_224] : memref<2x16x256xf32, #tpu.memory_space<vmem>> -> memref<1x16x256xf32, #tpu.memory_space<vmem>>
      %dma_start3A_226 = tpu.memref_squeeze %dma_start3A_225 : memref<1x16x256xf32, #tpu.memory_space<vmem>> -> memref<16x256xf32, #tpu.memory_space<vmem>>
      tpu.enqueue_dma source(%dma_start3A_226 : memref<16x256xf32, #tpu.memory_space<vmem>>) target(%dma_start3A_222 : memref<16x256xf32, #tpu.memory_space<hbm>>) target_semaphore(%arg18 : memref<!tpu.dma_semaphore, #tpu.memory_space<semaphore_mem>>)
      %dma_start3A_227 = arith.constant 0 : i32
      %dma_start3A_228 = arith.constant 0 : i32
      %dma_start3A_229 = arith.constant 0 : i32
      %dma_start3A_230 = tpu.memref_slice %arg15[%dma_start3A_227, %dma_start3A_228, %dma_start3A_229] : memref<2x16x256xf32, #tpu.memory_space<vmem>> -> memref<1x16x256xf32, #tpu.memory_space<vmem>>
      %dma_start3A_231 = tpu.memref_squeeze %dma_start3A_230 : memref<1x16x256xf32, #tpu.memory_space<vmem>> -> memref<16x256xf32, #tpu.memory_space<vmem>>
      %dma_start3A_232 = arith.constant 0 : i32
      %dma_start3A_233 = tpu.memref_slice %arg8[%add3A_200, %dma_start3A_232] : memref<16384x256xf32, #tpu.memory_space<hbm>> -> memref<16x256xf32, #tpu.memory_space<hbm>>
      %dma_start3A_234 = arith.constant 0 : i32
      %dma_start3A_235 = tpu.memref_slice %arg8[%add3A_200, %dma_start3A_234] : memref<16384x256xf32, #tpu.memory_space<hbm>> -> memref<16x256xf32, #tpu.memory_space<hbm>>
      %dma_start3A_236 = arith.constant 0 : i32
      %dma_start3A_237 = arith.constant 0 : i32
      %dma_start3A_238 = tpu.memref_slice %arg15[%dma_start3A_227, %dma_start3A_236, %dma_start3A_237] : memref<2x16x256xf32, #tpu.memory_space<vmem>> -> memref<1x16x256xf32, #tpu.memory_space<vmem>>
      %dma_start3A_239 = tpu.memref_squeeze %dma_start3A_238 : memref<1x16x256xf32, #tpu.memory_space<vmem>> -> memref<16x256xf32, #tpu.memory_space<vmem>>
      tpu.enqueue_dma source(%dma_start3A_239 : memref<16x256xf32, #tpu.memory_space<vmem>>) target(%dma_start3A_235 : memref<16x256xf32, #tpu.memory_space<hbm>>) target_semaphore(%arg18 : memref<!tpu.dma_semaphore, #tpu.memory_space<semaphore_mem>>)
      %mul3A_240 = arith.constant 2 : i32
      %mul3A_241 = arith.muli %scan3A_166, %mul3A_240 : i32
      %add3A_242 = arith.constant 1 : i32
      %add3A_243 = arith.addi %mul3A_241, %add3A_242 : i32
      %lt3A_244 = arith.constant 31 : i32
      %lt3A_245 = arith.cmpi slt, %add3A_243, %lt3A_244 : i32
      %convert_element_type3A_246 = arith.extui %lt3A_245 : i1 to i32
      %cond3A_247 = arith.constant 0 : i32
      %cond3A_248 = arith.cmpi ne, %convert_element_type3A_246, %cond3A_247 : i32
      scf.if %cond3A_248 {
        %add3A_318 = arith.constant 1 : i32
        %add3A_319 = arith.addi %add3A_243, %add3A_318 : i32
        %mul3A_320 = arith.constant 16 : i32
        %mul3A_321 = arith.muli %add3A_319, %mul3A_320 : i32
        %add3A_322 = arith.addi %mul3A_2, %mul3A_321 : i32
        %dma_start3A_323 = arith.constant 0 : i32
        %dma_start3A_324 = arith.constant 0 : i32
        %dma_start3A_325 = arith.constant 0 : i32
        %dma_start3A_326 = tpu.memref_slice %arg12[%dma_start3A_323, %dma_start3A_324, %dma_start3A_325] : memref<2x16x256xi32, #tpu.memory_space<vmem>> -> memref<1x16x256xi32, #tpu.memory_space<vmem>>
        %dma_start3A_327 = tpu.memref_squeeze %dma_start3A_326 : memref<1x16x256xi32, #tpu.memory_space<vmem>> -> memref<16x256xi32, #tpu.memory_space<vmem>>
        %dma_start3A_328 = arith.constant 0 : i32
        %dma_start3A_329 = tpu.memref_slice %arg2[%add3A_322, %dma_start3A_328] : memref<16384x256xi32, #tpu.memory_space<hbm>> -> memref<16x256xi32, #tpu.memory_space<hbm>>
        %dma_start3A_330 = arith.constant 0 : i32
        %dma_start3A_331 = arith.constant 0 : i32
        %dma_start3A_332 = tpu.memref_slice %arg12[%dma_start3A_323, %dma_start3A_330, %dma_start3A_331] : memref<2x16x256xi32, #tpu.memory_space<vmem>> -> memref<1x16x256xi32, #tpu.memory_space<vmem>>
        %dma_start3A_333 = tpu.memref_squeeze %dma_start3A_332 : memref<1x16x256xi32, #tpu.memory_space<vmem>> -> memref<16x256xi32, #tpu.memory_space<vmem>>
        %dma_start3A_334 = arith.constant 0 : i32
        %dma_start3A_335 = tpu.memref_slice %arg2[%add3A_322, %dma_start3A_334] : memref<16384x256xi32, #tpu.memory_space<hbm>> -> memref<16x256xi32, #tpu.memory_space<hbm>>
        tpu.enqueue_dma source(%dma_start3A_335 : memref<16x256xi32, #tpu.memory_space<hbm>>) target(%dma_start3A_333 : memref<16x256xi32, #tpu.memory_space<vmem>>) target_semaphore(%arg16 : memref<!tpu.dma_semaphore, #tpu.memory_space<semaphore_mem>>)
      } else {
      }
      %mul3A_249 = arith.constant 16 : i32
      %mul3A_250 = arith.muli %add3A_243, %mul3A_249 : i32
      %add3A_251 = arith.addi %mul3A_2, %mul3A_250 : i32
      %dma_wait3A_252 = arith.constant 1 : i32
      %dma_wait3A_253 = arith.constant 0 : i32
      %dma_wait3A_254 = arith.constant 0 : i32
      %dma_wait3A_255 = tpu.memref_slice %arg12[%dma_wait3A_252, %dma_wait3A_253, %dma_wait3A_254] : memref<2x16x256xi32, #tpu.memory_space<vmem>> -> memref<1x16x256xi32, #tpu.memory_space<vmem>>
      %dma_wait3A_256 = tpu.memref_squeeze %dma_wait3A_255 : memref<1x16x256xi32, #tpu.memory_space<vmem>> -> memref<16x256xi32, #tpu.memory_space<vmem>>
      %dma_wait3A_257 = arith.constant 0 : i32
      %dma_wait3A_258 = tpu.memref_slice %arg2[%add3A_251, %dma_wait3A_257] : memref<16384x256xi32, #tpu.memory_space<hbm>> -> memref<16x256xi32, #tpu.memory_space<hbm>>
      %dma_wait3A_259 = arith.constant 0 : i32
      %dma_wait3A_260 = arith.constant 0 : i32
      %dma_wait3A_261 = tpu.memref_slice %arg12[%dma_wait3A_252, %dma_wait3A_259, %dma_wait3A_260] : memref<2x16x256xi32, #tpu.memory_space<vmem>> -> memref<1x16x256xi32, #tpu.memory_space<vmem>>
      %dma_wait3A_262 = tpu.memref_squeeze %dma_wait3A_261 : memref<1x16x256xi32, #tpu.memory_space<vmem>> -> memref<16x256xi32, #tpu.memory_space<vmem>>
      %dma_wait3A_263 = arith.constant 0 : i32
      %dma_wait3A_264 = tpu.memref_slice %arg2[%add3A_251, %dma_wait3A_263] : memref<16384x256xi32, #tpu.memory_space<hbm>> -> memref<16x256xi32, #tpu.memory_space<hbm>>
      tpu.wait_dma2 semaphore(%arg17 : memref<!tpu.dma_semaphore, #tpu.memory_space<semaphore_mem>>) src(%dma_wait3A_264 : memref<16x256xi32, #tpu.memory_space<hbm>>) dst(%dma_wait3A_262 : memref<16x256xi32, #tpu.memory_space<vmem>>)
      %ge3A_265 = arith.constant 1 : i32
      %ge3A_266 = arith.cmpi sge, %scan3A_166, %ge3A_265 : i32
      %convert_element_type3A_267 = arith.extui %ge3A_266 : i1 to i32
      %cond3A_268 = arith.constant 0 : i32
      %cond3A_269 = arith.cmpi ne, %convert_element_type3A_267, %cond3A_268 : i32
      scf.if %cond3A_269 {
        %sub3A = arith.constant 2 : i32
        %sub3A_318 = arith.subi %add3A_243, %sub3A : i32
        %mul3A_319 = arith.constant 16 : i32
        %mul3A_320 = arith.muli %sub3A_318, %mul3A_319 : i32
        %add3A_321 = arith.addi %mul3A_2, %mul3A_320 : i32
        %dma_wait3A_322 = arith.constant 1 : i32
        %dma_wait3A_323 = arith.constant 0 : i32
        %dma_wait3A_324 = arith.constant 0 : i32
        %dma_wait3A_325 = tpu.memref_slice %arg13[%dma_wait3A_322, %dma_wait3A_323, %dma_wait3A_324] : memref<2x16x256xi32, #tpu.memory_space<vmem>> -> memref<1x16x256xi32, #tpu.memory_space<vmem>>
        %dma_wait3A_326 = tpu.memref_squeeze %dma_wait3A_325 : memref<1x16x256xi32, #tpu.memory_space<vmem>> -> memref<16x256xi32, #tpu.memory_space<vmem>>
        %dma_wait3A_327 = arith.constant 0 : i32
        %dma_wait3A_328 = tpu.memref_slice %arg6[%add3A_321, %dma_wait3A_327] : memref<16384x256xi32, #tpu.memory_space<hbm>> -> memref<16x256xi32, #tpu.memory_space<hbm>>
        %dma_wait3A_329 = arith.constant 0 : i32
        %dma_wait3A_330 = tpu.memref_slice %arg6[%add3A_321, %dma_wait3A_329] : memref<16384x256xi32, #tpu.memory_space<hbm>> -> memref<16x256xi32, #tpu.memory_space<hbm>>
        %dma_wait3A_331 = arith.constant 0 : i32
        %dma_wait3A_332 = arith.constant 0 : i32
        %dma_wait3A_333 = tpu.memref_slice %arg13[%dma_wait3A_322, %dma_wait3A_331, %dma_wait3A_332] : memref<2x16x256xi32, #tpu.memory_space<vmem>> -> memref<1x16x256xi32, #tpu.memory_space<vmem>>
        %dma_wait3A_334 = tpu.memref_squeeze %dma_wait3A_333 : memref<1x16x256xi32, #tpu.memory_space<vmem>> -> memref<16x256xi32, #tpu.memory_space<vmem>>
        tpu.wait_dma2 semaphore(%arg19 : memref<!tpu.dma_semaphore, #tpu.memory_space<semaphore_mem>>) src(%dma_wait3A_334 : memref<16x256xi32, #tpu.memory_space<vmem>>) dst(%dma_wait3A_330 : memref<16x256xi32, #tpu.memory_space<hbm>>)
        %dma_wait3A_335 = arith.constant 1 : i32
        %dma_wait3A_336 = arith.constant 0 : i32
        %dma_wait3A_337 = arith.constant 0 : i32
        %dma_wait3A_338 = tpu.memref_slice %arg14[%dma_wait3A_335, %dma_wait3A_336, %dma_wait3A_337] : memref<2x16x256xf32, #tpu.memory_space<vmem>> -> memref<1x16x256xf32, #tpu.memory_space<vmem>>
        %dma_wait3A_339 = tpu.memref_squeeze %dma_wait3A_338 : memref<1x16x256xf32, #tpu.memory_space<vmem>> -> memref<16x256xf32, #tpu.memory_space<vmem>>
        %dma_wait3A_340 = arith.constant 0 : i32
        %dma_wait3A_341 = tpu.memref_slice %arg7[%add3A_321, %dma_wait3A_340] : memref<16384x256xf32, #tpu.memory_space<hbm>> -> memref<16x256xf32, #tpu.memory_space<hbm>>
        %dma_wait3A_342 = arith.constant 0 : i32
        %dma_wait3A_343 = tpu.memref_slice %arg7[%add3A_321, %dma_wait3A_342] : memref<16384x256xf32, #tpu.memory_space<hbm>> -> memref<16x256xf32, #tpu.memory_space<hbm>>
        %dma_wait3A_344 = arith.constant 0 : i32
        %dma_wait3A_345 = arith.constant 0 : i32
        %dma_wait3A_346 = tpu.memref_slice %arg14[%dma_wait3A_335, %dma_wait3A_344, %dma_wait3A_345] : memref<2x16x256xf32, #tpu.memory_space<vmem>> -> memref<1x16x256xf32, #tpu.memory_space<vmem>>
        %dma_wait3A_347 = tpu.memref_squeeze %dma_wait3A_346 : memref<1x16x256xf32, #tpu.memory_space<vmem>> -> memref<16x256xf32, #tpu.memory_space<vmem>>
        tpu.wait_dma2 semaphore(%arg19 : memref<!tpu.dma_semaphore, #tpu.memory_space<semaphore_mem>>) src(%dma_wait3A_347 : memref<16x256xf32, #tpu.memory_space<vmem>>) dst(%dma_wait3A_343 : memref<16x256xf32, #tpu.memory_space<hbm>>)
        %dma_wait3A_348 = arith.constant 1 : i32
        %dma_wait3A_349 = arith.constant 0 : i32
        %dma_wait3A_350 = arith.constant 0 : i32
        %dma_wait3A_351 = tpu.memref_slice %arg15[%dma_wait3A_348, %dma_wait3A_349, %dma_wait3A_350] : memref<2x16x256xf32, #tpu.memory_space<vmem>> -> memref<1x16x256xf32, #tpu.memory_space<vmem>>
        %dma_wait3A_352 = tpu.memref_squeeze %dma_wait3A_351 : memref<1x16x256xf32, #tpu.memory_space<vmem>> -> memref<16x256xf32, #tpu.memory_space<vmem>>
        %dma_wait3A_353 = arith.constant 0 : i32
        %dma_wait3A_354 = tpu.memref_slice %arg8[%add3A_321, %dma_wait3A_353] : memref<16384x256xf32, #tpu.memory_space<hbm>> -> memref<16x256xf32, #tpu.memory_space<hbm>>
        %dma_wait3A_355 = arith.constant 0 : i32
        %dma_wait3A_356 = tpu.memref_slice %arg8[%add3A_321, %dma_wait3A_355] : memref<16384x256xf32, #tpu.memory_space<hbm>> -> memref<16x256xf32, #tpu.memory_space<hbm>>
        %dma_wait3A_357 = arith.constant 0 : i32
        %dma_wait3A_358 = arith.constant 0 : i32
        %dma_wait3A_359 = tpu.memref_slice %arg15[%dma_wait3A_348, %dma_wait3A_357, %dma_wait3A_358] : memref<2x16x256xf32, #tpu.memory_space<vmem>> -> memref<1x16x256xf32, #tpu.memory_space<vmem>>
        %dma_wait3A_360 = tpu.memref_squeeze %dma_wait3A_359 : memref<1x16x256xf32, #tpu.memory_space<vmem>> -> memref<16x256xf32, #tpu.memory_space<vmem>>
        tpu.wait_dma2 semaphore(%arg19 : memref<!tpu.dma_semaphore, #tpu.memory_space<semaphore_mem>>) src(%dma_wait3A_360 : memref<16x256xf32, #tpu.memory_space<vmem>>) dst(%dma_wait3A_356 : memref<16x256xf32, #tpu.memory_space<hbm>>)
      } else {
      }
      %mul3A_270 = arith.constant 16 : i32
      %mul3A_271 = arith.muli %add3A_243, %mul3A_270 : i32
      %add3A_272 = arith.addi %mul3A_2, %mul3A_271 : i32
      %parallel_loop3A_273 = arith.constant 0 : i32
      %parallel_loop3A_274 = arith.constant 16 : i32
      %parallel_loop3A_275 = arith.constant 1 : i32
      scf.for %parallel_loop3A_318 = %parallel_loop3A_273 to %parallel_loop3A_274 step %parallel_loop3A_275  : i32 {
        %parallel_loop3A_319 = arith.constant 0 : i32
        %parallel_loop3A_320 = arith.addi %parallel_loop3A_319, %add3A_272 : i32
        %parallel_loop3A_321 = arith.addi %parallel_loop3A_320, %parallel_loop3A_318 : i32
        %parallel_loop3A_322 = vector.broadcast %parallel_loop3A_321 : i32 to vector<16xi32>
        %parallel_loop3A_323 = arith.constant 1 : i32
        %parallel_loop3A_324 = arith.index_cast %parallel_loop3A_323 : i32 to index
        %parallel_loop3A_325 = arith.index_cast %parallel_loop3A_318 : i32 to index
        %parallel_loop3A_326 = arith.constant 0 : index
        %parallel_loop3A_327 = tpu.vector_load %arg12[%parallel_loop3A_324, %parallel_loop3A_325, %parallel_loop3A_326] {strides = array<i32>} : memref<2x16x256xi32, #tpu.memory_space<vmem>>, vector<16xi32>,
        %parallel_loop3A_328 = arith.constant 6 : i32
        %parallel_loop3A_329 = vector.broadcast %parallel_loop3A_328 : i32 to vector<16xi32>
        %parallel_loop3A_330 = arith.shrsi %parallel_loop3A_327, %parallel_loop3A_329 : vector<16xi32>
        %parallel_loop3A_331 = tpu.vector_load_idx %arg9[%parallel_loop3A_330] : memref<65536xi32, #tpu.memory_space<vmem>>[vector<16xi32>], vector<16xi32>,
        %parallel_loop3A_332 = arith.constant 1 : i32
        %parallel_loop3A_333 = vector.broadcast %parallel_loop3A_332 : i32 to vector<16xi32>
        %parallel_loop3A_334 = arith.shrsi %parallel_loop3A_327, %parallel_loop3A_333 : vector<16xi32>
        %parallel_loop3A_335 = arith.constant 31 : i32
        %parallel_loop3A_336 = vector.broadcast %parallel_loop3A_335 : i32 to vector<16xi32>
        %parallel_loop3A_337 = arith.andi %parallel_loop3A_334, %parallel_loop3A_336 : vector<16xi32>
        %parallel_loop3A_338 = arith.shrsi %parallel_loop3A_331, %parallel_loop3A_337 : vector<16xi32>
        %parallel_loop3A_339 = arith.andi %parallel_loop3A_338, %parallel_loop3A_327 : vector<16xi32>
        %parallel_loop3A_340 = arith.constant 1 : i32
        %parallel_loop3A_341 = vector.broadcast %parallel_loop3A_340 : i32 to vector<16xi32>
        %parallel_loop3A_342 = arith.andi %parallel_loop3A_339, %parallel_loop3A_341 : vector<16xi32>
        %parallel_loop3A_343 = arith.constant 1 : i32
        %parallel_loop3A_344 = vector.broadcast %parallel_loop3A_343 : i32 to vector<16xi32>
        %parallel_loop3A_345 = arith.cmpi eq, %parallel_loop3A_342, %parallel_loop3A_344 : vector<16xi32>
        %parallel_loop3A_346 = arith.constant -1 : i32
        %parallel_loop3A_347 = vector.broadcast %parallel_loop3A_346 : i32 to vector<16xi32>
        %parallel_loop3A_348 = arith.select %parallel_loop3A_345, %parallel_loop3A_322, %parallel_loop3A_347 : vector<16xi1>, vector<16xi32>
        %parallel_loop3A_349 = arith.constant 1 : i32
        %parallel_loop3A_350 = arith.index_cast %parallel_loop3A_349 : i32 to index
        %parallel_loop3A_351 = arith.index_cast %parallel_loop3A_318 : i32 to index
        %parallel_loop3A_352 = arith.constant 0 : index
        %parallel_loop3A_353 = tpu.vector_load %arg13[%parallel_loop3A_350, %parallel_loop3A_351, %parallel_loop3A_352] {strides = array<i32>} : memref<2x16x256xi32, #tpu.memory_space<vmem>>, vector<16xi32>,
        tpu.vector_store %arg13[%parallel_loop3A_350, %parallel_loop3A_351, %parallel_loop3A_352], %parallel_loop3A_348 {strides = array<i32>} : memref<2x16x256xi32, #tpu.memory_space<vmem>>, vector<16xi32>,
        %parallel_loop3A_354 = arith.constant 0.000000e+00 : f32
        %parallel_loop3A_355 = vector.broadcast %parallel_loop3A_354 : f32 to vector<16xf32>
        %parallel_loop3A_356 = arith.select %parallel_loop3A_345, %get3A_17, %parallel_loop3A_355 : vector<16xi1>, vector<16xf32>
        %parallel_loop3A_357 = arith.constant 1 : i32
        %parallel_loop3A_358 = arith.index_cast %parallel_loop3A_357 : i32 to index
        %parallel_loop3A_359 = arith.index_cast %parallel_loop3A_318 : i32 to index
        %parallel_loop3A_360 = arith.constant 0 : index
        %parallel_loop3A_361 = tpu.vector_load %arg14[%parallel_loop3A_358, %parallel_loop3A_359, %parallel_loop3A_360] {strides = array<i32>} : memref<2x16x256xf32, #tpu.memory_space<vmem>>, vector<16xf32>,
        tpu.vector_store %arg14[%parallel_loop3A_358, %parallel_loop3A_359, %parallel_loop3A_360], %parallel_loop3A_356 {strides = array<i32>} : memref<2x16x256xf32, #tpu.memory_space<vmem>>, vector<16xf32>,
        %parallel_loop3A_362 = arith.constant 0.000000e+00 : f32
        %parallel_loop3A_363 = vector.broadcast %parallel_loop3A_362 : f32 to vector<16xf32>
        %parallel_loop3A_364 = arith.select %parallel_loop3A_345, %get3A_49, %parallel_loop3A_363 : vector<16xi1>, vector<16xf32>
        %parallel_loop3A_365 = arith.constant 1 : i32
        %parallel_loop3A_366 = arith.index_cast %parallel_loop3A_365 : i32 to index
        %parallel_loop3A_367 = arith.index_cast %parallel_loop3A_318 : i32 to index
        %parallel_loop3A_368 = arith.constant 0 : index
        %parallel_loop3A_369 = tpu.vector_load %arg15[%parallel_loop3A_366, %parallel_loop3A_367, %parallel_loop3A_368] {strides = array<i32>} : memref<2x16x256xf32, #tpu.memory_space<vmem>>, vector<16xf32>,
        tpu.vector_store %arg15[%parallel_loop3A_366, %parallel_loop3A_367, %parallel_loop3A_368], %parallel_loop3A_364 {strides = array<i32>} : memref<2x16x256xf32, #tpu.memory_space<vmem>>, vector<16xf32>,
        %parallel_loop3A_370 = arith.constant 1 : i32
        %parallel_loop3A_371 = arith.index_cast %parallel_loop3A_370 : i32 to index
        %parallel_loop3A_372 = arith.index_cast %parallel_loop3A_318 : i32 to index
        %parallel_loop3A_373 = arith.constant 16 : index
        %parallel_loop3A_374 = tpu.vector_load %arg12[%parallel_loop3A_371, %parallel_loop3A_372, %parallel_loop3A_373] {strides = array<i32>} : memref<2x16x256xi32, #tpu.memory_space<vmem>>, vector<16xi32>,
        %parallel_loop3A_375 = arith.constant 6 : i32
        %parallel_loop3A_376 = vector.broadcast %parallel_loop3A_375 : i32 to vector<16xi32>
        %parallel_loop3A_377 = arith.shrsi %parallel_loop3A_374, %parallel_loop3A_376 : vector<16xi32>
        %parallel_loop3A_378 = tpu.vector_load_idx %arg9[%parallel_loop3A_377] : memref<65536xi32, #tpu.memory_space<vmem>>[vector<16xi32>], vector<16xi32>,
        %parallel_loop3A_379 = arith.constant 1 : i32
        %parallel_loop3A_380 = vector.broadcast %parallel_loop3A_379 : i32 to vector<16xi32>
        %parallel_loop3A_381 = arith.shrsi %parallel_loop3A_374, %parallel_loop3A_380 : vector<16xi32>
        %parallel_loop3A_382 = arith.constant 31 : i32
        %parallel_loop3A_383 = vector.broadcast %parallel_loop3A_382 : i32 to vector<16xi32>
        %parallel_loop3A_384 = arith.andi %parallel_loop3A_381, %parallel_loop3A_383 : vector<16xi32>
        %parallel_loop3A_385 = arith.shrsi %parallel_loop3A_378, %parallel_loop3A_384 : vector<16xi32>
        %parallel_loop3A_386 = arith.andi %parallel_loop3A_385, %parallel_loop3A_374 : vector<16xi32>
        %parallel_loop3A_387 = arith.constant 1 : i32
        %parallel_loop3A_388 = vector.broadcast %parallel_loop3A_387 : i32 to vector<16xi32>
        %parallel_loop3A_389 = arith.andi %parallel_loop3A_386, %parallel_loop3A_388 : vector<16xi32>
        %parallel_loop3A_390 = arith.constant 1 : i32
        %parallel_loop3A_391 = vector.broadcast %parallel_loop3A_390 : i32 to vector<16xi32>
        %parallel_loop3A_392 = arith.cmpi eq, %parallel_loop3A_389, %parallel_loop3A_391 : vector<16xi32>
        %parallel_loop3A_393 = arith.constant -1 : i32
        %parallel_loop3A_394 = vector.broadcast %parallel_loop3A_393 : i32 to vector<16xi32>
        %parallel_loop3A_395 = arith.select %parallel_loop3A_392, %parallel_loop3A_322, %parallel_loop3A_394 : vector<16xi1>, vector<16xi32>
        %parallel_loop3A_396 = arith.constant 1 : i32
        %parallel_loop3A_397 = arith.index_cast %parallel_loop3A_396 : i32 to index
        %parallel_loop3A_398 = arith.index_cast %parallel_loop3A_318 : i32 to index
        %parallel_loop3A_399 = arith.constant 16 : index
        %parallel_loop3A_400 = tpu.vector_load %arg13[%parallel_loop3A_397, %parallel_loop3A_398, %parallel_loop3A_399] {strides = array<i32>} : memref<2x16x256xi32, #tpu.memory_space<vmem>>, vector<16xi32>,
        tpu.vector_store %arg13[%parallel_loop3A_397, %parallel_loop3A_398, %parallel_loop3A_399], %parallel_loop3A_395 {strides = array<i32>} : memref<2x16x256xi32, #tpu.memory_space<vmem>>, vector<16xi32>,
        %parallel_loop3A_401 = arith.constant 0.000000e+00 : f32
        %parallel_loop3A_402 = vector.broadcast %parallel_loop3A_401 : f32 to vector<16xf32>
        %parallel_loop3A_403 = arith.select %parallel_loop3A_392, %get3A_19, %parallel_loop3A_402 : vector<16xi1>, vector<16xf32>
        %parallel_loop3A_404 = arith.constant 1 : i32
        %parallel_loop3A_405 = arith.index_cast %parallel_loop3A_404 : i32 to index
        %parallel_loop3A_406 = arith.index_cast %parallel_loop3A_318 : i32 to index
        %parallel_loop3A_407 = arith.constant 16 : index
        %parallel_loop3A_408 = tpu.vector_load %arg14[%parallel_loop3A_405, %parallel_loop3A_406, %parallel_loop3A_407] {strides = array<i32>} : memref<2x16x256xf32, #tpu.memory_space<vmem>>, vector<16xf32>,
        tpu.vector_store %arg14[%parallel_loop3A_405, %parallel_loop3A_406, %parallel_loop3A_407], %parallel_loop3A_403 {strides = array<i32>} : memref<2x16x256xf32, #tpu.memory_space<vmem>>, vector<16xf32>,
        %parallel_loop3A_409 = arith.constant 0.000000e+00 : f32
        %parallel_loop3A_410 = vector.broadcast %parallel_loop3A_409 : f32 to vector<16xf32>
        %parallel_loop3A_411 = arith.select %parallel_loop3A_392, %get3A_51, %parallel_loop3A_410 : vector<16xi1>, vector<16xf32>
        %parallel_loop3A_412 = arith.constant 1 : i32
        %parallel_loop3A_413 = arith.index_cast %parallel_loop3A_412 : i32 to index
        %parallel_loop3A_414 = arith.index_cast %parallel_loop3A_318 : i32 to index
        %parallel_loop3A_415 = arith.constant 16 : index
        %parallel_loop3A_416 = tpu.vector_load %arg15[%parallel_loop3A_413, %parallel_loop3A_414, %parallel_loop3A_415] {strides = array<i32>} : memref<2x16x256xf32, #tpu.memory_space<vmem>>, vector<16xf32>,
        tpu.vector_store %arg15[%parallel_loop3A_413, %parallel_loop3A_414, %parallel_loop3A_415], %parallel_loop3A_411 {strides = array<i32>} : memref<2x16x256xf32, #tpu.memory_space<vmem>>, vector<16xf32>,
        %parallel_loop3A_417 = arith.constant 1 : i32
        %parallel_loop3A_418 = arith.index_cast %parallel_loop3A_417 : i32 to index
        %parallel_loop3A_419 = arith.index_cast %parallel_loop3A_318 : i32 to index
        %parallel_loop3A_420 = arith.constant 32 : index
        %parallel_loop3A_421 = tpu.vector_load %arg12[%parallel_loop3A_418, %parallel_loop3A_419, %parallel_loop3A_420] {strides = array<i32>} : memref<2x16x256xi32, #tpu.memory_space<vmem>>, vector<16xi32>,
        %parallel_loop3A_422 = arith.constant 6 : i32
        %parallel_loop3A_423 = vector.broadcast %parallel_loop3A_422 : i32 to vector<16xi32>
        %parallel_loop3A_424 = arith.shrsi %parallel_loop3A_421, %parallel_loop3A_423 : vector<16xi32>
        %parallel_loop3A_425 = tpu.vector_load_idx %arg9[%parallel_loop3A_424] : memref<65536xi32, #tpu.memory_space<vmem>>[vector<16xi32>], vector<16xi32>,
        %parallel_loop3A_426 = arith.constant 1 : i32
        %parallel_loop3A_427 = vector.broadcast %parallel_loop3A_426 : i32 to vector<16xi32>
        %parallel_loop3A_428 = arith.shrsi %parallel_loop3A_421, %parallel_loop3A_427 : vector<16xi32>
        %parallel_loop3A_429 = arith.constant 31 : i32
        %parallel_loop3A_430 = vector.broadcast %parallel_loop3A_429 : i32 to vector<16xi32>
        %parallel_loop3A_431 = arith.andi %parallel_loop3A_428, %parallel_loop3A_430 : vector<16xi32>
        %parallel_loop3A_432 = arith.shrsi %parallel_loop3A_425, %parallel_loop3A_431 : vector<16xi32>
        %parallel_loop3A_433 = arith.andi %parallel_loop3A_432, %parallel_loop3A_421 : vector<16xi32>
        %parallel_loop3A_434 = arith.constant 1 : i32
        %parallel_loop3A_435 = vector.broadcast %parallel_loop3A_434 : i32 to vector<16xi32>
        %parallel_loop3A_436 = arith.andi %parallel_loop3A_433, %parallel_loop3A_435 : vector<16xi32>
        %parallel_loop3A_437 = arith.constant 1 : i32
        %parallel_loop3A_438 = vector.broadcast %parallel_loop3A_437 : i32 to vector<16xi32>
        %parallel_loop3A_439 = arith.cmpi eq, %parallel_loop3A_436, %parallel_loop3A_438 : vector<16xi32>
        %parallel_loop3A_440 = arith.constant -1 : i32
        %parallel_loop3A_441 = vector.broadcast %parallel_loop3A_440 : i32 to vector<16xi32>
        %parallel_loop3A_442 = arith.select %parallel_loop3A_439, %parallel_loop3A_322, %parallel_loop3A_441 : vector<16xi1>, vector<16xi32>
        %parallel_loop3A_443 = arith.constant 1 : i32
        %parallel_loop3A_444 = arith.index_cast %parallel_loop3A_443 : i32 to index
        %parallel_loop3A_445 = arith.index_cast %parallel_loop3A_318 : i32 to index
        %parallel_loop3A_446 = arith.constant 32 : index
        %parallel_loop3A_447 = tpu.vector_load %arg13[%parallel_loop3A_444, %parallel_loop3A_445, %parallel_loop3A_446] {strides = array<i32>} : memref<2x16x256xi32, #tpu.memory_space<vmem>>, vector<16xi32>,
        tpu.vector_store %arg13[%parallel_loop3A_444, %parallel_loop3A_445, %parallel_loop3A_446], %parallel_loop3A_442 {strides = array<i32>} : memref<2x16x256xi32, #tpu.memory_space<vmem>>, vector<16xi32>,
        %parallel_loop3A_448 = arith.constant 0.000000e+00 : f32
        %parallel_loop3A_449 = vector.broadcast %parallel_loop3A_448 : f32 to vector<16xf32>
        %parallel_loop3A_450 = arith.select %parallel_loop3A_439, %get3A_21, %parallel_loop3A_449 : vector<16xi1>, vector<16xf32>
        %parallel_loop3A_451 = arith.constant 1 : i32
        %parallel_loop3A_452 = arith.index_cast %parallel_loop3A_451 : i32 to index
        %parallel_loop3A_453 = arith.index_cast %parallel_loop3A_318 : i32 to index
        %parallel_loop3A_454 = arith.constant 32 : index
        %parallel_loop3A_455 = tpu.vector_load %arg14[%parallel_loop3A_452, %parallel_loop3A_453, %parallel_loop3A_454] {strides = array<i32>} : memref<2x16x256xf32, #tpu.memory_space<vmem>>, vector<16xf32>,
        tpu.vector_store %arg14[%parallel_loop3A_452, %parallel_loop3A_453, %parallel_loop3A_454], %parallel_loop3A_450 {strides = array<i32>} : memref<2x16x256xf32, #tpu.memory_space<vmem>>, vector<16xf32>,
        %parallel_loop3A_456 = arith.constant 0.000000e+00 : f32
        %parallel_loop3A_457 = vector.broadcast %parallel_loop3A_456 : f32 to vector<16xf32>
        %parallel_loop3A_458 = arith.select %parallel_loop3A_439, %get3A_53, %parallel_loop3A_457 : vector<16xi1>, vector<16xf32>
        %parallel_loop3A_459 = arith.constant 1 : i32
        %parallel_loop3A_460 = arith.index_cast %parallel_loop3A_459 : i32 to index
        %parallel_loop3A_461 = arith.index_cast %parallel_loop3A_318 : i32 to index
        %parallel_loop3A_462 = arith.constant 32 : index
        %parallel_loop3A_463 = tpu.vector_load %arg15[%parallel_loop3A_460, %parallel_loop3A_461, %parallel_loop3A_462] {strides = array<i32>} : memref<2x16x256xf32, #tpu.memory_space<vmem>>, vector<16xf32>,
        tpu.vector_store %arg15[%parallel_loop3A_460, %parallel_loop3A_461, %parallel_loop3A_462], %parallel_loop3A_458 {strides = array<i32>} : memref<2x16x256xf32, #tpu.memory_space<vmem>>, vector<16xf32>,
        %parallel_loop3A_464 = arith.constant 1 : i32
        %parallel_loop3A_465 = arith.index_cast %parallel_loop3A_464 : i32 to index
        %parallel_loop3A_466 = arith.index_cast %parallel_loop3A_318 : i32 to index
        %parallel_loop3A_467 = arith.constant 48 : index
        %parallel_loop3A_468 = tpu.vector_load %arg12[%parallel_loop3A_465, %parallel_loop3A_466, %parallel_loop3A_467] {strides = array<i32>} : memref<2x16x256xi32, #tpu.memory_space<vmem>>, vector<16xi32>,
        %parallel_loop3A_469 = arith.constant 6 : i32
        %parallel_loop3A_470 = vector.broadcast %parallel_loop3A_469 : i32 to vector<16xi32>
        %parallel_loop3A_471 = arith.shrsi %parallel_loop3A_468, %parallel_loop3A_470 : vector<16xi32>
        %parallel_loop3A_472 = tpu.vector_load_idx %arg9[%parallel_loop3A_471] : memref<65536xi32, #tpu.memory_space<vmem>>[vector<16xi32>], vector<16xi32>,
        %parallel_loop3A_473 = arith.constant 1 : i32
        %parallel_loop3A_474 = vector.broadcast %parallel_loop3A_473 : i32 to vector<16xi32>
        %parallel_loop3A_475 = arith.shrsi %parallel_loop3A_468, %parallel_loop3A_474 : vector<16xi32>
        %parallel_loop3A_476 = arith.constant 31 : i32
        %parallel_loop3A_477 = vector.broadcast %parallel_loop3A_476 : i32 to vector<16xi32>
        %parallel_loop3A_478 = arith.andi %parallel_loop3A_475, %parallel_loop3A_477 : vector<16xi32>
        %parallel_loop3A_479 = arith.shrsi %parallel_loop3A_472, %parallel_loop3A_478 : vector<16xi32>
        %parallel_loop3A_480 = arith.andi %parallel_loop3A_479, %parallel_loop3A_468 : vector<16xi32>
        %parallel_loop3A_481 = arith.constant 1 : i32
        %parallel_loop3A_482 = vector.broadcast %parallel_loop3A_481 : i32 to vector<16xi32>
        %parallel_loop3A_483 = arith.andi %parallel_loop3A_480, %parallel_loop3A_482 : vector<16xi32>
        %parallel_loop3A_484 = arith.constant 1 : i32
        %parallel_loop3A_485 = vector.broadcast %parallel_loop3A_484 : i32 to vector<16xi32>
        %parallel_loop3A_486 = arith.cmpi eq, %parallel_loop3A_483, %parallel_loop3A_485 : vector<16xi32>
        %parallel_loop3A_487 = arith.constant -1 : i32
        %parallel_loop3A_488 = vector.broadcast %parallel_loop3A_487 : i32 to vector<16xi32>
        %parallel_loop3A_489 = arith.select %parallel_loop3A_486, %parallel_loop3A_322, %parallel_loop3A_488 : vector<16xi1>, vector<16xi32>
        %parallel_loop3A_490 = arith.constant 1 : i32
        %parallel_loop3A_491 = arith.index_cast %parallel_loop3A_490 : i32 to index
        %parallel_loop3A_492 = arith.index_cast %parallel_loop3A_318 : i32 to index
        %parallel_loop3A_493 = arith.constant 48 : index
        %parallel_loop3A_494 = tpu.vector_load %arg13[%parallel_loop3A_491, %parallel_loop3A_492, %parallel_loop3A_493] {strides = array<i32>} : memref<2x16x256xi32, #tpu.memory_space<vmem>>, vector<16xi32>,
        tpu.vector_store %arg13[%parallel_loop3A_491, %parallel_loop3A_492, %parallel_loop3A_493], %parallel_loop3A_489 {strides = array<i32>} : memref<2x16x256xi32, #tpu.memory_space<vmem>>, vector<16xi32>,
        %parallel_loop3A_495 = arith.constant 0.000000e+00 : f32
        %parallel_loop3A_496 = vector.broadcast %parallel_loop3A_495 : f32 to vector<16xf32>
        %parallel_loop3A_497 = arith.select %parallel_loop3A_486, %get3A_23, %parallel_loop3A_496 : vector<16xi1>, vector<16xf32>
        %parallel_loop3A_498 = arith.constant 1 : i32
        %parallel_loop3A_499 = arith.index_cast %parallel_loop3A_498 : i32 to index
        %parallel_loop3A_500 = arith.index_cast %parallel_loop3A_318 : i32 to index
        %parallel_loop3A_501 = arith.constant 48 : index
        %parallel_loop3A_502 = tpu.vector_load %arg14[%parallel_loop3A_499, %parallel_loop3A_500, %parallel_loop3A_501] {strides = array<i32>} : memref<2x16x256xf32, #tpu.memory_space<vmem>>, vector<16xf32>,
        tpu.vector_store %arg14[%parallel_loop3A_499, %parallel_loop3A_500, %parallel_loop3A_501], %parallel_loop3A_497 {strides = array<i32>} : memref<2x16x256xf32, #tpu.memory_space<vmem>>, vector<16xf32>,
        %parallel_loop3A_503 = arith.constant 0.000000e+00 : f32
        %parallel_loop3A_504 = vector.broadcast %parallel_loop3A_503 : f32 to vector<16xf32>
        %parallel_loop3A_505 = arith.select %parallel_loop3A_486, %get3A_55, %parallel_loop3A_504 : vector<16xi1>, vector<16xf32>
        %parallel_loop3A_506 = arith.constant 1 : i32
        %parallel_loop3A_507 = arith.index_cast %parallel_loop3A_506 : i32 to index
        %parallel_loop3A_508 = arith.index_cast %parallel_loop3A_318 : i32 to index
        %parallel_loop3A_509 = arith.constant 48 : index
        %parallel_loop3A_510 = tpu.vector_load %arg15[%parallel_loop3A_507, %parallel_loop3A_508, %parallel_loop3A_509] {strides = array<i32>} : memref<2x16x256xf32, #tpu.memory_space<vmem>>, vector<16xf32>,
        tpu.vector_store %arg15[%parallel_loop3A_507, %parallel_loop3A_508, %parallel_loop3A_509], %parallel_loop3A_505 {strides = array<i32>} : memref<2x16x256xf32, #tpu.memory_space<vmem>>, vector<16xf32>,
        %parallel_loop3A_511 = arith.constant 1 : i32
        %parallel_loop3A_512 = arith.index_cast %parallel_loop3A_511 : i32 to index
        %parallel_loop3A_513 = arith.index_cast %parallel_loop3A_318 : i32 to index
        %parallel_loop3A_514 = arith.constant 64 : index
        %parallel_loop3A_515 = tpu.vector_load %arg12[%parallel_loop3A_512, %parallel_loop3A_513, %parallel_loop3A_514] {strides = array<i32>} : memref<2x16x256xi32, #tpu.memory_space<vmem>>, vector<16xi32>,
        %parallel_loop3A_516 = arith.constant 6 : i32
        %parallel_loop3A_517 = vector.broadcast %parallel_loop3A_516 : i32 to vector<16xi32>
        %parallel_loop3A_518 = arith.shrsi %parallel_loop3A_515, %parallel_loop3A_517 : vector<16xi32>
        %parallel_loop3A_519 = tpu.vector_load_idx %arg9[%parallel_loop3A_518] : memref<65536xi32, #tpu.memory_space<vmem>>[vector<16xi32>], vector<16xi32>,
        %parallel_loop3A_520 = arith.constant 1 : i32
        %parallel_loop3A_521 = vector.broadcast %parallel_loop3A_520 : i32 to vector<16xi32>
        %parallel_loop3A_522 = arith.shrsi %parallel_loop3A_515, %parallel_loop3A_521 : vector<16xi32>
        %parallel_loop3A_523 = arith.constant 31 : i32
        %parallel_loop3A_524 = vector.broadcast %parallel_loop3A_523 : i32 to vector<16xi32>
        %parallel_loop3A_525 = arith.andi %parallel_loop3A_522, %parallel_loop3A_524 : vector<16xi32>
        %parallel_loop3A_526 = arith.shrsi %parallel_loop3A_519, %parallel_loop3A_525 : vector<16xi32>
        %parallel_loop3A_527 = arith.andi %parallel_loop3A_526, %parallel_loop3A_515 : vector<16xi32>
        %parallel_loop3A_528 = arith.constant 1 : i32
        %parallel_loop3A_529 = vector.broadcast %parallel_loop3A_528 : i32 to vector<16xi32>
        %parallel_loop3A_530 = arith.andi %parallel_loop3A_527, %parallel_loop3A_529 : vector<16xi32>
        %parallel_loop3A_531 = arith.constant 1 : i32
        %parallel_loop3A_532 = vector.broadcast %parallel_loop3A_531 : i32 to vector<16xi32>
        %parallel_loop3A_533 = arith.cmpi eq, %parallel_loop3A_530, %parallel_loop3A_532 : vector<16xi32>
        %parallel_loop3A_534 = arith.constant -1 : i32
        %parallel_loop3A_535 = vector.broadcast %parallel_loop3A_534 : i32 to vector<16xi32>
        %parallel_loop3A_536 = arith.select %parallel_loop3A_533, %parallel_loop3A_322, %parallel_loop3A_535 : vector<16xi1>, vector<16xi32>
        %parallel_loop3A_537 = arith.constant 1 : i32
        %parallel_loop3A_538 = arith.index_cast %parallel_loop3A_537 : i32 to index
        %parallel_loop3A_539 = arith.index_cast %parallel_loop3A_318 : i32 to index
        %parallel_loop3A_540 = arith.constant 64 : index
        %parallel_loop3A_541 = tpu.vector_load %arg13[%parallel_loop3A_538, %parallel_loop3A_539, %parallel_loop3A_540] {strides = array<i32>} : memref<2x16x256xi32, #tpu.memory_space<vmem>>, vector<16xi32>,
        tpu.vector_store %arg13[%parallel_loop3A_538, %parallel_loop3A_539, %parallel_loop3A_540], %parallel_loop3A_536 {strides = array<i32>} : memref<2x16x256xi32, #tpu.memory_space<vmem>>, vector<16xi32>,
        %parallel_loop3A_542 = arith.constant 0.000000e+00 : f32
        %parallel_loop3A_543 = vector.broadcast %parallel_loop3A_542 : f32 to vector<16xf32>
        %parallel_loop3A_544 = arith.select %parallel_loop3A_533, %get3A_25, %parallel_loop3A_543 : vector<16xi1>, vector<16xf32>
        %parallel_loop3A_545 = arith.constant 1 : i32
        %parallel_loop3A_546 = arith.index_cast %parallel_loop3A_545 : i32 to index
        %parallel_loop3A_547 = arith.index_cast %parallel_loop3A_318 : i32 to index
        %parallel_loop3A_548 = arith.constant 64 : index
        %parallel_loop3A_549 = tpu.vector_load %arg14[%parallel_loop3A_546, %parallel_loop3A_547, %parallel_loop3A_548] {strides = array<i32>} : memref<2x16x256xf32, #tpu.memory_space<vmem>>, vector<16xf32>,
        tpu.vector_store %arg14[%parallel_loop3A_546, %parallel_loop3A_547, %parallel_loop3A_548], %parallel_loop3A_544 {strides = array<i32>} : memref<2x16x256xf32, #tpu.memory_space<vmem>>, vector<16xf32>,
        %parallel_loop3A_550 = arith.constant 0.000000e+00 : f32
        %parallel_loop3A_551 = vector.broadcast %parallel_loop3A_550 : f32 to vector<16xf32>
        %parallel_loop3A_552 = arith.select %parallel_loop3A_533, %get3A_57, %parallel_loop3A_551 : vector<16xi1>, vector<16xf32>
        %parallel_loop3A_553 = arith.constant 1 : i32
        %parallel_loop3A_554 = arith.index_cast %parallel_loop3A_553 : i32 to index
        %parallel_loop3A_555 = arith.index_cast %parallel_loop3A_318 : i32 to index
        %parallel_loop3A_556 = arith.constant 64 : index
        %parallel_loop3A_557 = tpu.vector_load %arg15[%parallel_loop3A_554, %parallel_loop3A_555, %parallel_loop3A_556] {strides = array<i32>} : memref<2x16x256xf32, #tpu.memory_space<vmem>>, vector<16xf32>,
        tpu.vector_store %arg15[%parallel_loop3A_554, %parallel_loop3A_555, %parallel_loop3A_556], %parallel_loop3A_552 {strides = array<i32>} : memref<2x16x256xf32, #tpu.memory_space<vmem>>, vector<16xf32>,
        %parallel_loop3A_558 = arith.constant 1 : i32
        %parallel_loop3A_559 = arith.index_cast %parallel_loop3A_558 : i32 to index
        %parallel_loop3A_560 = arith.index_cast %parallel_loop3A_318 : i32 to index
        %parallel_loop3A_561 = arith.constant 80 : index
        %parallel_loop3A_562 = tpu.vector_load %arg12[%parallel_loop3A_559, %parallel_loop3A_560, %parallel_loop3A_561] {strides = array<i32>} : memref<2x16x256xi32, #tpu.memory_space<vmem>>, vector<16xi32>,
        %parallel_loop3A_563 = arith.constant 6 : i32
        %parallel_loop3A_564 = vector.broadcast %parallel_loop3A_563 : i32 to vector<16xi32>
        %parallel_loop3A_565 = arith.shrsi %parallel_loop3A_562, %parallel_loop3A_564 : vector<16xi32>
        %parallel_loop3A_566 = tpu.vector_load_idx %arg9[%parallel_loop3A_565] : memref<65536xi32, #tpu.memory_space<vmem>>[vector<16xi32>], vector<16xi32>,
        %parallel_loop3A_567 = arith.constant 1 : i32
        %parallel_loop3A_568 = vector.broadcast %parallel_loop3A_567 : i32 to vector<16xi32>
        %parallel_loop3A_569 = arith.shrsi %parallel_loop3A_562, %parallel_loop3A_568 : vector<16xi32>
        %parallel_loop3A_570 = arith.constant 31 : i32
        %parallel_loop3A_571 = vector.broadcast %parallel_loop3A_570 : i32 to vector<16xi32>
        %parallel_loop3A_572 = arith.andi %parallel_loop3A_569, %parallel_loop3A_571 : vector<16xi32>
        %parallel_loop3A_573 = arith.shrsi %parallel_loop3A_566, %parallel_loop3A_572 : vector<16xi32>
        %parallel_loop3A_574 = arith.andi %parallel_loop3A_573, %parallel_loop3A_562 : vector<16xi32>
        %parallel_loop3A_575 = arith.constant 1 : i32
        %parallel_loop3A_576 = vector.broadcast %parallel_loop3A_575 : i32 to vector<16xi32>
        %parallel_loop3A_577 = arith.andi %parallel_loop3A_574, %parallel_loop3A_576 : vector<16xi32>
        %parallel_loop3A_578 = arith.constant 1 : i32
        %parallel_loop3A_579 = vector.broadcast %parallel_loop3A_578 : i32 to vector<16xi32>
        %parallel_loop3A_580 = arith.cmpi eq, %parallel_loop3A_577, %parallel_loop3A_579 : vector<16xi32>
        %parallel_loop3A_581 = arith.constant -1 : i32
        %parallel_loop3A_582 = vector.broadcast %parallel_loop3A_581 : i32 to vector<16xi32>
        %parallel_loop3A_583 = arith.select %parallel_loop3A_580, %parallel_loop3A_322, %parallel_loop3A_582 : vector<16xi1>, vector<16xi32>
        %parallel_loop3A_584 = arith.constant 1 : i32
        %parallel_loop3A_585 = arith.index_cast %parallel_loop3A_584 : i32 to index
        %parallel_loop3A_586 = arith.index_cast %parallel_loop3A_318 : i32 to index
        %parallel_loop3A_587 = arith.constant 80 : index
        %parallel_loop3A_588 = tpu.vector_load %arg13[%parallel_loop3A_585, %parallel_loop3A_586, %parallel_loop3A_587] {strides = array<i32>} : memref<2x16x256xi32, #tpu.memory_space<vmem>>, vector<16xi32>,
        tpu.vector_store %arg13[%parallel_loop3A_585, %parallel_loop3A_586, %parallel_loop3A_587], %parallel_loop3A_583 {strides = array<i32>} : memref<2x16x256xi32, #tpu.memory_space<vmem>>, vector<16xi32>,
        %parallel_loop3A_589 = arith.constant 0.000000e+00 : f32
        %parallel_loop3A_590 = vector.broadcast %parallel_loop3A_589 : f32 to vector<16xf32>
        %parallel_loop3A_591 = arith.select %parallel_loop3A_580, %get3A_27, %parallel_loop3A_590 : vector<16xi1>, vector<16xf32>
        %parallel_loop3A_592 = arith.constant 1 : i32
        %parallel_loop3A_593 = arith.index_cast %parallel_loop3A_592 : i32 to index
        %parallel_loop3A_594 = arith.index_cast %parallel_loop3A_318 : i32 to index
        %parallel_loop3A_595 = arith.constant 80 : index
        %parallel_loop3A_596 = tpu.vector_load %arg14[%parallel_loop3A_593, %parallel_loop3A_594, %parallel_loop3A_595] {strides = array<i32>} : memref<2x16x256xf32, #tpu.memory_space<vmem>>, vector<16xf32>,
        tpu.vector_store %arg14[%parallel_loop3A_593, %parallel_loop3A_594, %parallel_loop3A_595], %parallel_loop3A_591 {strides = array<i32>} : memref<2x16x256xf32, #tpu.memory_space<vmem>>, vector<16xf32>,
        %parallel_loop3A_597 = arith.constant 0.000000e+00 : f32
        %parallel_loop3A_598 = vector.broadcast %parallel_loop3A_597 : f32 to vector<16xf32>
        %parallel_loop3A_599 = arith.select %parallel_loop3A_580, %get3A_59, %parallel_loop3A_598 : vector<16xi1>, vector<16xf32>
        %parallel_loop3A_600 = arith.constant 1 : i32
        %parallel_loop3A_601 = arith.index_cast %parallel_loop3A_600 : i32 to index
        %parallel_loop3A_602 = arith.index_cast %parallel_loop3A_318 : i32 to index
        %parallel_loop3A_603 = arith.constant 80 : index
        %parallel_loop3A_604 = tpu.vector_load %arg15[%parallel_loop3A_601, %parallel_loop3A_602, %parallel_loop3A_603] {strides = array<i32>} : memref<2x16x256xf32, #tpu.memory_space<vmem>>, vector<16xf32>,
        tpu.vector_store %arg15[%parallel_loop3A_601, %parallel_loop3A_602, %parallel_loop3A_603], %parallel_loop3A_599 {strides = array<i32>} : memref<2x16x256xf32, #tpu.memory_space<vmem>>, vector<16xf32>,
        %parallel_loop3A_605 = arith.constant 1 : i32
        %parallel_loop3A_606 = arith.index_cast %parallel_loop3A_605 : i32 to index
        %parallel_loop3A_607 = arith.index_cast %parallel_loop3A_318 : i32 to index
        %parallel_loop3A_608 = arith.constant 96 : index
        %parallel_loop3A_609 = tpu.vector_load %arg12[%parallel_loop3A_606, %parallel_loop3A_607, %parallel_loop3A_608] {strides = array<i32>} : memref<2x16x256xi32, #tpu.memory_space<vmem>>, vector<16xi32>,
        %parallel_loop3A_610 = arith.constant 6 : i32
        %parallel_loop3A_611 = vector.broadcast %parallel_loop3A_610 : i32 to vector<16xi32>
        %parallel_loop3A_612 = arith.shrsi %parallel_loop3A_609, %parallel_loop3A_611 : vector<16xi32>
        %parallel_loop3A_613 = tpu.vector_load_idx %arg9[%parallel_loop3A_612] : memref<65536xi32, #tpu.memory_space<vmem>>[vector<16xi32>], vector<16xi32>,
        %parallel_loop3A_614 = arith.constant 1 : i32
        %parallel_loop3A_615 = vector.broadcast %parallel_loop3A_614 : i32 to vector<16xi32>
        %parallel_loop3A_616 = arith.shrsi %parallel_loop3A_609, %parallel_loop3A_615 : vector<16xi32>
        %parallel_loop3A_617 = arith.constant 31 : i32
        %parallel_loop3A_618 = vector.broadcast %parallel_loop3A_617 : i32 to vector<16xi32>
        %parallel_loop3A_619 = arith.andi %parallel_loop3A_616, %parallel_loop3A_618 : vector<16xi32>
        %parallel_loop3A_620 = arith.shrsi %parallel_loop3A_613, %parallel_loop3A_619 : vector<16xi32>
        %parallel_loop3A_621 = arith.andi %parallel_loop3A_620, %parallel_loop3A_609 : vector<16xi32>
        %parallel_loop3A_622 = arith.constant 1 : i32
        %parallel_loop3A_623 = vector.broadcast %parallel_loop3A_622 : i32 to vector<16xi32>
        %parallel_loop3A_624 = arith.andi %parallel_loop3A_621, %parallel_loop3A_623 : vector<16xi32>
        %parallel_loop3A_625 = arith.constant 1 : i32
        %parallel_loop3A_626 = vector.broadcast %parallel_loop3A_625 : i32 to vector<16xi32>
        %parallel_loop3A_627 = arith.cmpi eq, %parallel_loop3A_624, %parallel_loop3A_626 : vector<16xi32>
        %parallel_loop3A_628 = arith.constant -1 : i32
        %parallel_loop3A_629 = vector.broadcast %parallel_loop3A_628 : i32 to vector<16xi32>
        %parallel_loop3A_630 = arith.select %parallel_loop3A_627, %parallel_loop3A_322, %parallel_loop3A_629 : vector<16xi1>, vector<16xi32>
        %parallel_loop3A_631 = arith.constant 1 : i32
        %parallel_loop3A_632 = arith.index_cast %parallel_loop3A_631 : i32 to index
        %parallel_loop3A_633 = arith.index_cast %parallel_loop3A_318 : i32 to index
        %parallel_loop3A_634 = arith.constant 96 : index
        %parallel_loop3A_635 = tpu.vector_load %arg13[%parallel_loop3A_632, %parallel_loop3A_633, %parallel_loop3A_634] {strides = array<i32>} : memref<2x16x256xi32, #tpu.memory_space<vmem>>, vector<16xi32>,
        tpu.vector_store %arg13[%parallel_loop3A_632, %parallel_loop3A_633, %parallel_loop3A_634], %parallel_loop3A_630 {strides = array<i32>} : memref<2x16x256xi32, #tpu.memory_space<vmem>>, vector<16xi32>,
        %parallel_loop3A_636 = arith.constant 0.000000e+00 : f32
        %parallel_loop3A_637 = vector.broadcast %parallel_loop3A_636 : f32 to vector<16xf32>
        %parallel_loop3A_638 = arith.select %parallel_loop3A_627, %get3A_29, %parallel_loop3A_637 : vector<16xi1>, vector<16xf32>
        %parallel_loop3A_639 = arith.constant 1 : i32
        %parallel_loop3A_640 = arith.index_cast %parallel_loop3A_639 : i32 to index
        %parallel_loop3A_641 = arith.index_cast %parallel_loop3A_318 : i32 to index
        %parallel_loop3A_642 = arith.constant 96 : index
        %parallel_loop3A_643 = tpu.vector_load %arg14[%parallel_loop3A_640, %parallel_loop3A_641, %parallel_loop3A_642] {strides = array<i32>} : memref<2x16x256xf32, #tpu.memory_space<vmem>>, vector<16xf32>,
        tpu.vector_store %arg14[%parallel_loop3A_640, %parallel_loop3A_641, %parallel_loop3A_642], %parallel_loop3A_638 {strides = array<i32>} : memref<2x16x256xf32, #tpu.memory_space<vmem>>, vector<16xf32>,
        %parallel_loop3A_644 = arith.constant 0.000000e+00 : f32
        %parallel_loop3A_645 = vector.broadcast %parallel_loop3A_644 : f32 to vector<16xf32>
        %parallel_loop3A_646 = arith.select %parallel_loop3A_627, %get3A_61, %parallel_loop3A_645 : vector<16xi1>, vector<16xf32>
        %parallel_loop3A_647 = arith.constant 1 : i32
        %parallel_loop3A_648 = arith.index_cast %parallel_loop3A_647 : i32 to index
        %parallel_loop3A_649 = arith.index_cast %parallel_loop3A_318 : i32 to index
        %parallel_loop3A_650 = arith.constant 96 : index
        %parallel_loop3A_651 = tpu.vector_load %arg15[%parallel_loop3A_648, %parallel_loop3A_649, %parallel_loop3A_650] {strides = array<i32>} : memref<2x16x256xf32, #tpu.memory_space<vmem>>, vector<16xf32>,
        tpu.vector_store %arg15[%parallel_loop3A_648, %parallel_loop3A_649, %parallel_loop3A_650], %parallel_loop3A_646 {strides = array<i32>} : memref<2x16x256xf32, #tpu.memory_space<vmem>>, vector<16xf32>,
        %parallel_loop3A_652 = arith.constant 1 : i32
        %parallel_loop3A_653 = arith.index_cast %parallel_loop3A_652 : i32 to index
        %parallel_loop3A_654 = arith.index_cast %parallel_loop3A_318 : i32 to index
        %parallel_loop3A_655 = arith.constant 112 : index
        %parallel_loop3A_656 = tpu.vector_load %arg12[%parallel_loop3A_653, %parallel_loop3A_654, %parallel_loop3A_655] {strides = array<i32>} : memref<2x16x256xi32, #tpu.memory_space<vmem>>, vector<16xi32>,
        %parallel_loop3A_657 = arith.constant 6 : i32
        %parallel_loop3A_658 = vector.broadcast %parallel_loop3A_657 : i32 to vector<16xi32>
        %parallel_loop3A_659 = arith.shrsi %parallel_loop3A_656, %parallel_loop3A_658 : vector<16xi32>
        %parallel_loop3A_660 = tpu.vector_load_idx %arg9[%parallel_loop3A_659] : memref<65536xi32, #tpu.memory_space<vmem>>[vector<16xi32>], vector<16xi32>,
        %parallel_loop3A_661 = arith.constant 1 : i32
        %parallel_loop3A_662 = vector.broadcast %parallel_loop3A_661 : i32 to vector<16xi32>
        %parallel_loop3A_663 = arith.shrsi %parallel_loop3A_656, %parallel_loop3A_662 : vector<16xi32>
        %parallel_loop3A_664 = arith.constant 31 : i32
        %parallel_loop3A_665 = vector.broadcast %parallel_loop3A_664 : i32 to vector<16xi32>
        %parallel_loop3A_666 = arith.andi %parallel_loop3A_663, %parallel_loop3A_665 : vector<16xi32>
        %parallel_loop3A_667 = arith.shrsi %parallel_loop3A_660, %parallel_loop3A_666 : vector<16xi32>
        %parallel_loop3A_668 = arith.andi %parallel_loop3A_667, %parallel_loop3A_656 : vector<16xi32>
        %parallel_loop3A_669 = arith.constant 1 : i32
        %parallel_loop3A_670 = vector.broadcast %parallel_loop3A_669 : i32 to vector<16xi32>
        %parallel_loop3A_671 = arith.andi %parallel_loop3A_668, %parallel_loop3A_670 : vector<16xi32>
        %parallel_loop3A_672 = arith.constant 1 : i32
        %parallel_loop3A_673 = vector.broadcast %parallel_loop3A_672 : i32 to vector<16xi32>
        %parallel_loop3A_674 = arith.cmpi eq, %parallel_loop3A_671, %parallel_loop3A_673 : vector<16xi32>
        %parallel_loop3A_675 = arith.constant -1 : i32
        %parallel_loop3A_676 = vector.broadcast %parallel_loop3A_675 : i32 to vector<16xi32>
        %parallel_loop3A_677 = arith.select %parallel_loop3A_674, %parallel_loop3A_322, %parallel_loop3A_676 : vector<16xi1>, vector<16xi32>
        %parallel_loop3A_678 = arith.constant 1 : i32
        %parallel_loop3A_679 = arith.index_cast %parallel_loop3A_678 : i32 to index
        %parallel_loop3A_680 = arith.index_cast %parallel_loop3A_318 : i32 to index
        %parallel_loop3A_681 = arith.constant 112 : index
        %parallel_loop3A_682 = tpu.vector_load %arg13[%parallel_loop3A_679, %parallel_loop3A_680, %parallel_loop3A_681] {strides = array<i32>} : memref<2x16x256xi32, #tpu.memory_space<vmem>>, vector<16xi32>,
        tpu.vector_store %arg13[%parallel_loop3A_679, %parallel_loop3A_680, %parallel_loop3A_681], %parallel_loop3A_677 {strides = array<i32>} : memref<2x16x256xi32, #tpu.memory_space<vmem>>, vector<16xi32>,
        %parallel_loop3A_683 = arith.constant 0.000000e+00 : f32
        %parallel_loop3A_684 = vector.broadcast %parallel_loop3A_683 : f32 to vector<16xf32>
        %parallel_loop3A_685 = arith.select %parallel_loop3A_674, %get3A_31, %parallel_loop3A_684 : vector<16xi1>, vector<16xf32>
        %parallel_loop3A_686 = arith.constant 1 : i32
        %parallel_loop3A_687 = arith.index_cast %parallel_loop3A_686 : i32 to index
        %parallel_loop3A_688 = arith.index_cast %parallel_loop3A_318 : i32 to index
        %parallel_loop3A_689 = arith.constant 112 : index
        %parallel_loop3A_690 = tpu.vector_load %arg14[%parallel_loop3A_687, %parallel_loop3A_688, %parallel_loop3A_689] {strides = array<i32>} : memref<2x16x256xf32, #tpu.memory_space<vmem>>, vector<16xf32>,
        tpu.vector_store %arg14[%parallel_loop3A_687, %parallel_loop3A_688, %parallel_loop3A_689], %parallel_loop3A_685 {strides = array<i32>} : memref<2x16x256xf32, #tpu.memory_space<vmem>>, vector<16xf32>,
        %parallel_loop3A_691 = arith.constant 0.000000e+00 : f32
        %parallel_loop3A_692 = vector.broadcast %parallel_loop3A_691 : f32 to vector<16xf32>
        %parallel_loop3A_693 = arith.select %parallel_loop3A_674, %get3A_63, %parallel_loop3A_692 : vector<16xi1>, vector<16xf32>
        %parallel_loop3A_694 = arith.constant 1 : i32
        %parallel_loop3A_695 = arith.index_cast %parallel_loop3A_694 : i32 to index
        %parallel_loop3A_696 = arith.index_cast %parallel_loop3A_318 : i32 to index
        %parallel_loop3A_697 = arith.constant 112 : index
        %parallel_loop3A_698 = tpu.vector_load %arg15[%parallel_loop3A_695, %parallel_loop3A_696, %parallel_loop3A_697] {strides = array<i32>} : memref<2x16x256xf32, #tpu.memory_space<vmem>>, vector<16xf32>,
        tpu.vector_store %arg15[%parallel_loop3A_695, %parallel_loop3A_696, %parallel_loop3A_697], %parallel_loop3A_693 {strides = array<i32>} : memref<2x16x256xf32, #tpu.memory_space<vmem>>, vector<16xf32>,
        %parallel_loop3A_699 = arith.constant 1 : i32
        %parallel_loop3A_700 = arith.index_cast %parallel_loop3A_699 : i32 to index
        %parallel_loop3A_701 = arith.index_cast %parallel_loop3A_318 : i32 to index
        %parallel_loop3A_702 = arith.constant 128 : index
        %parallel_loop3A_703 = tpu.vector_load %arg12[%parallel_loop3A_700, %parallel_loop3A_701, %parallel_loop3A_702] {strides = array<i32>} : memref<2x16x256xi32, #tpu.memory_space<vmem>>, vector<16xi32>,
        %parallel_loop3A_704 = arith.constant 6 : i32
        %parallel_loop3A_705 = vector.broadcast %parallel_loop3A_704 : i32 to vector<16xi32>
        %parallel_loop3A_706 = arith.shrsi %parallel_loop3A_703, %parallel_loop3A_705 : vector<16xi32>
        %parallel_loop3A_707 = tpu.vector_load_idx %arg9[%parallel_loop3A_706] : memref<65536xi32, #tpu.memory_space<vmem>>[vector<16xi32>], vector<16xi32>,
        %parallel_loop3A_708 = arith.constant 1 : i32
        %parallel_loop3A_709 = vector.broadcast %parallel_loop3A_708 : i32 to vector<16xi32>
        %parallel_loop3A_710 = arith.shrsi %parallel_loop3A_703, %parallel_loop3A_709 : vector<16xi32>
        %parallel_loop3A_711 = arith.constant 31 : i32
        %parallel_loop3A_712 = vector.broadcast %parallel_loop3A_711 : i32 to vector<16xi32>
        %parallel_loop3A_713 = arith.andi %parallel_loop3A_710, %parallel_loop3A_712 : vector<16xi32>
        %parallel_loop3A_714 = arith.shrsi %parallel_loop3A_707, %parallel_loop3A_713 : vector<16xi32>
        %parallel_loop3A_715 = arith.andi %parallel_loop3A_714, %parallel_loop3A_703 : vector<16xi32>
        %parallel_loop3A_716 = arith.constant 1 : i32
        %parallel_loop3A_717 = vector.broadcast %parallel_loop3A_716 : i32 to vector<16xi32>
        %parallel_loop3A_718 = arith.andi %parallel_loop3A_715, %parallel_loop3A_717 : vector<16xi32>
        %parallel_loop3A_719 = arith.constant 1 : i32
        %parallel_loop3A_720 = vector.broadcast %parallel_loop3A_719 : i32 to vector<16xi32>
        %parallel_loop3A_721 = arith.cmpi eq, %parallel_loop3A_718, %parallel_loop3A_720 : vector<16xi32>
        %parallel_loop3A_722 = arith.constant -1 : i32
        %parallel_loop3A_723 = vector.broadcast %parallel_loop3A_722 : i32 to vector<16xi32>
        %parallel_loop3A_724 = arith.select %parallel_loop3A_721, %parallel_loop3A_322, %parallel_loop3A_723 : vector<16xi1>, vector<16xi32>
        %parallel_loop3A_725 = arith.constant 1 : i32
        %parallel_loop3A_726 = arith.index_cast %parallel_loop3A_725 : i32 to index
        %parallel_loop3A_727 = arith.index_cast %parallel_loop3A_318 : i32 to index
        %parallel_loop3A_728 = arith.constant 128 : index
        %parallel_loop3A_729 = tpu.vector_load %arg13[%parallel_loop3A_726, %parallel_loop3A_727, %parallel_loop3A_728] {strides = array<i32>} : memref<2x16x256xi32, #tpu.memory_space<vmem>>, vector<16xi32>,
        tpu.vector_store %arg13[%parallel_loop3A_726, %parallel_loop3A_727, %parallel_loop3A_728], %parallel_loop3A_724 {strides = array<i32>} : memref<2x16x256xi32, #tpu.memory_space<vmem>>, vector<16xi32>,
        %parallel_loop3A_730 = arith.constant 0.000000e+00 : f32
        %parallel_loop3A_731 = vector.broadcast %parallel_loop3A_730 : f32 to vector<16xf32>
        %parallel_loop3A_732 = arith.select %parallel_loop3A_721, %get3A_33, %parallel_loop3A_731 : vector<16xi1>, vector<16xf32>
        %parallel_loop3A_733 = arith.constant 1 : i32
        %parallel_loop3A_734 = arith.index_cast %parallel_loop3A_733 : i32 to index
        %parallel_loop3A_735 = arith.index_cast %parallel_loop3A_318 : i32 to index
        %parallel_loop3A_736 = arith.constant 128 : index
        %parallel_loop3A_737 = tpu.vector_load %arg14[%parallel_loop3A_734, %parallel_loop3A_735, %parallel_loop3A_736] {strides = array<i32>} : memref<2x16x256xf32, #tpu.memory_space<vmem>>, vector<16xf32>,
        tpu.vector_store %arg14[%parallel_loop3A_734, %parallel_loop3A_735, %parallel_loop3A_736], %parallel_loop3A_732 {strides = array<i32>} : memref<2x16x256xf32, #tpu.memory_space<vmem>>, vector<16xf32>,
        %parallel_loop3A_738 = arith.constant 0.000000e+00 : f32
        %parallel_loop3A_739 = vector.broadcast %parallel_loop3A_738 : f32 to vector<16xf32>
        %parallel_loop3A_740 = arith.select %parallel_loop3A_721, %get3A_65, %parallel_loop3A_739 : vector<16xi1>, vector<16xf32>
        %parallel_loop3A_741 = arith.constant 1 : i32
        %parallel_loop3A_742 = arith.index_cast %parallel_loop3A_741 : i32 to index
        %parallel_loop3A_743 = arith.index_cast %parallel_loop3A_318 : i32 to index
        %parallel_loop3A_744 = arith.constant 128 : index
        %parallel_loop3A_745 = tpu.vector_load %arg15[%parallel_loop3A_742, %parallel_loop3A_743, %parallel_loop3A_744] {strides = array<i32>} : memref<2x16x256xf32, #tpu.memory_space<vmem>>, vector<16xf32>,
        tpu.vector_store %arg15[%parallel_loop3A_742, %parallel_loop3A_743, %parallel_loop3A_744], %parallel_loop3A_740 {strides = array<i32>} : memref<2x16x256xf32, #tpu.memory_space<vmem>>, vector<16xf32>,
        %parallel_loop3A_746 = arith.constant 1 : i32
        %parallel_loop3A_747 = arith.index_cast %parallel_loop3A_746 : i32 to index
        %parallel_loop3A_748 = arith.index_cast %parallel_loop3A_318 : i32 to index
        %parallel_loop3A_749 = arith.constant 144 : index
        %parallel_loop3A_750 = tpu.vector_load %arg12[%parallel_loop3A_747, %parallel_loop3A_748, %parallel_loop3A_749] {strides = array<i32>} : memref<2x16x256xi32, #tpu.memory_space<vmem>>, vector<16xi32>,
        %parallel_loop3A_751 = arith.constant 6 : i32
        %parallel_loop3A_752 = vector.broadcast %parallel_loop3A_751 : i32 to vector<16xi32>
        %parallel_loop3A_753 = arith.shrsi %parallel_loop3A_750, %parallel_loop3A_752 : vector<16xi32>
        %parallel_loop3A_754 = tpu.vector_load_idx %arg9[%parallel_loop3A_753] : memref<65536xi32, #tpu.memory_space<vmem>>[vector<16xi32>], vector<16xi32>,
        %parallel_loop3A_755 = arith.constant 1 : i32
        %parallel_loop3A_756 = vector.broadcast %parallel_loop3A_755 : i32 to vector<16xi32>
        %parallel_loop3A_757 = arith.shrsi %parallel_loop3A_750, %parallel_loop3A_756 : vector<16xi32>
        %parallel_loop3A_758 = arith.constant 31 : i32
        %parallel_loop3A_759 = vector.broadcast %parallel_loop3A_758 : i32 to vector<16xi32>
        %parallel_loop3A_760 = arith.andi %parallel_loop3A_757, %parallel_loop3A_759 : vector<16xi32>
        %parallel_loop3A_761 = arith.shrsi %parallel_loop3A_754, %parallel_loop3A_760 : vector<16xi32>
        %parallel_loop3A_762 = arith.andi %parallel_loop3A_761, %parallel_loop3A_750 : vector<16xi32>
        %parallel_loop3A_763 = arith.constant 1 : i32
        %parallel_loop3A_764 = vector.broadcast %parallel_loop3A_763 : i32 to vector<16xi32>
        %parallel_loop3A_765 = arith.andi %parallel_loop3A_762, %parallel_loop3A_764 : vector<16xi32>
        %parallel_loop3A_766 = arith.constant 1 : i32
        %parallel_loop3A_767 = vector.broadcast %parallel_loop3A_766 : i32 to vector<16xi32>
        %parallel_loop3A_768 = arith.cmpi eq, %parallel_loop3A_765, %parallel_loop3A_767 : vector<16xi32>
        %parallel_loop3A_769 = arith.constant -1 : i32
        %parallel_loop3A_770 = vector.broadcast %parallel_loop3A_769 : i32 to vector<16xi32>
        %parallel_loop3A_771 = arith.select %parallel_loop3A_768, %parallel_loop3A_322, %parallel_loop3A_770 : vector<16xi1>, vector<16xi32>
        %parallel_loop3A_772 = arith.constant 1 : i32
        %parallel_loop3A_773 = arith.index_cast %parallel_loop3A_772 : i32 to index
        %parallel_loop3A_774 = arith.index_cast %parallel_loop3A_318 : i32 to index
        %parallel_loop3A_775 = arith.constant 144 : index
        %parallel_loop3A_776 = tpu.vector_load %arg13[%parallel_loop3A_773, %parallel_loop3A_774, %parallel_loop3A_775] {strides = array<i32>} : memref<2x16x256xi32, #tpu.memory_space<vmem>>, vector<16xi32>,
        tpu.vector_store %arg13[%parallel_loop3A_773, %parallel_loop3A_774, %parallel_loop3A_775], %parallel_loop3A_771 {strides = array<i32>} : memref<2x16x256xi32, #tpu.memory_space<vmem>>, vector<16xi32>,
        %parallel_loop3A_777 = arith.constant 0.000000e+00 : f32
        %parallel_loop3A_778 = vector.broadcast %parallel_loop3A_777 : f32 to vector<16xf32>
        %parallel_loop3A_779 = arith.select %parallel_loop3A_768, %get3A_35, %parallel_loop3A_778 : vector<16xi1>, vector<16xf32>
        %parallel_loop3A_780 = arith.constant 1 : i32
        %parallel_loop3A_781 = arith.index_cast %parallel_loop3A_780 : i32 to index
        %parallel_loop3A_782 = arith.index_cast %parallel_loop3A_318 : i32 to index
        %parallel_loop3A_783 = arith.constant 144 : index
        %parallel_loop3A_784 = tpu.vector_load %arg14[%parallel_loop3A_781, %parallel_loop3A_782, %parallel_loop3A_783] {strides = array<i32>} : memref<2x16x256xf32, #tpu.memory_space<vmem>>, vector<16xf32>,
        tpu.vector_store %arg14[%parallel_loop3A_781, %parallel_loop3A_782, %parallel_loop3A_783], %parallel_loop3A_779 {strides = array<i32>} : memref<2x16x256xf32, #tpu.memory_space<vmem>>, vector<16xf32>,
        %parallel_loop3A_785 = arith.constant 0.000000e+00 : f32
        %parallel_loop3A_786 = vector.broadcast %parallel_loop3A_785 : f32 to vector<16xf32>
        %parallel_loop3A_787 = arith.select %parallel_loop3A_768, %get3A_67, %parallel_loop3A_786 : vector<16xi1>, vector<16xf32>
        %parallel_loop3A_788 = arith.constant 1 : i32
        %parallel_loop3A_789 = arith.index_cast %parallel_loop3A_788 : i32 to index
        %parallel_loop3A_790 = arith.index_cast %parallel_loop3A_318 : i32 to index
        %parallel_loop3A_791 = arith.constant 144 : index
        %parallel_loop3A_792 = tpu.vector_load %arg15[%parallel_loop3A_789, %parallel_loop3A_790, %parallel_loop3A_791] {strides = array<i32>} : memref<2x16x256xf32, #tpu.memory_space<vmem>>, vector<16xf32>,
        tpu.vector_store %arg15[%parallel_loop3A_789, %parallel_loop3A_790, %parallel_loop3A_791], %parallel_loop3A_787 {strides = array<i32>} : memref<2x16x256xf32, #tpu.memory_space<vmem>>, vector<16xf32>,
        %parallel_loop3A_793 = arith.constant 1 : i32
        %parallel_loop3A_794 = arith.index_cast %parallel_loop3A_793 : i32 to index
        %parallel_loop3A_795 = arith.index_cast %parallel_loop3A_318 : i32 to index
        %parallel_loop3A_796 = arith.constant 160 : index
        %parallel_loop3A_797 = tpu.vector_load %arg12[%parallel_loop3A_794, %parallel_loop3A_795, %parallel_loop3A_796] {strides = array<i32>} : memref<2x16x256xi32, #tpu.memory_space<vmem>>, vector<16xi32>,
        %parallel_loop3A_798 = arith.constant 6 : i32
        %parallel_loop3A_799 = vector.broadcast %parallel_loop3A_798 : i32 to vector<16xi32>
        %parallel_loop3A_800 = arith.shrsi %parallel_loop3A_797, %parallel_loop3A_799 : vector<16xi32>
        %parallel_loop3A_801 = tpu.vector_load_idx %arg9[%parallel_loop3A_800] : memref<65536xi32, #tpu.memory_space<vmem>>[vector<16xi32>], vector<16xi32>,
        %parallel_loop3A_802 = arith.constant 1 : i32
        %parallel_loop3A_803 = vector.broadcast %parallel_loop3A_802 : i32 to vector<16xi32>
        %parallel_loop3A_804 = arith.shrsi %parallel_loop3A_797, %parallel_loop3A_803 : vector<16xi32>
        %parallel_loop3A_805 = arith.constant 31 : i32
        %parallel_loop3A_806 = vector.broadcast %parallel_loop3A_805 : i32 to vector<16xi32>
        %parallel_loop3A_807 = arith.andi %parallel_loop3A_804, %parallel_loop3A_806 : vector<16xi32>
        %parallel_loop3A_808 = arith.shrsi %parallel_loop3A_801, %parallel_loop3A_807 : vector<16xi32>
        %parallel_loop3A_809 = arith.andi %parallel_loop3A_808, %parallel_loop3A_797 : vector<16xi32>
        %parallel_loop3A_810 = arith.constant 1 : i32
        %parallel_loop3A_811 = vector.broadcast %parallel_loop3A_810 : i32 to vector<16xi32>
        %parallel_loop3A_812 = arith.andi %parallel_loop3A_809, %parallel_loop3A_811 : vector<16xi32>
        %parallel_loop3A_813 = arith.constant 1 : i32
        %parallel_loop3A_814 = vector.broadcast %parallel_loop3A_813 : i32 to vector<16xi32>
        %parallel_loop3A_815 = arith.cmpi eq, %parallel_loop3A_812, %parallel_loop3A_814 : vector<16xi32>
        %parallel_loop3A_816 = arith.constant -1 : i32
        %parallel_loop3A_817 = vector.broadcast %parallel_loop3A_816 : i32 to vector<16xi32>
        %parallel_loop3A_818 = arith.select %parallel_loop3A_815, %parallel_loop3A_322, %parallel_loop3A_817 : vector<16xi1>, vector<16xi32>
        %parallel_loop3A_819 = arith.constant 1 : i32
        %parallel_loop3A_820 = arith.index_cast %parallel_loop3A_819 : i32 to index
        %parallel_loop3A_821 = arith.index_cast %parallel_loop3A_318 : i32 to index
        %parallel_loop3A_822 = arith.constant 160 : index
        %parallel_loop3A_823 = tpu.vector_load %arg13[%parallel_loop3A_820, %parallel_loop3A_821, %parallel_loop3A_822] {strides = array<i32>} : memref<2x16x256xi32, #tpu.memory_space<vmem>>, vector<16xi32>,
        tpu.vector_store %arg13[%parallel_loop3A_820, %parallel_loop3A_821, %parallel_loop3A_822], %parallel_loop3A_818 {strides = array<i32>} : memref<2x16x256xi32, #tpu.memory_space<vmem>>, vector<16xi32>,
        %parallel_loop3A_824 = arith.constant 0.000000e+00 : f32
        %parallel_loop3A_825 = vector.broadcast %parallel_loop3A_824 : f32 to vector<16xf32>
        %parallel_loop3A_826 = arith.select %parallel_loop3A_815, %get3A_37, %parallel_loop3A_825 : vector<16xi1>, vector<16xf32>
        %parallel_loop3A_827 = arith.constant 1 : i32
        %parallel_loop3A_828 = arith.index_cast %parallel_loop3A_827 : i32 to index
        %parallel_loop3A_829 = arith.index_cast %parallel_loop3A_318 : i32 to index
        %parallel_loop3A_830 = arith.constant 160 : index
        %parallel_loop3A_831 = tpu.vector_load %arg14[%parallel_loop3A_828, %parallel_loop3A_829, %parallel_loop3A_830] {strides = array<i32>} : memref<2x16x256xf32, #tpu.memory_space<vmem>>, vector<16xf32>,
        tpu.vector_store %arg14[%parallel_loop3A_828, %parallel_loop3A_829, %parallel_loop3A_830], %parallel_loop3A_826 {strides = array<i32>} : memref<2x16x256xf32, #tpu.memory_space<vmem>>, vector<16xf32>,
        %parallel_loop3A_832 = arith.constant 0.000000e+00 : f32
        %parallel_loop3A_833 = vector.broadcast %parallel_loop3A_832 : f32 to vector<16xf32>
        %parallel_loop3A_834 = arith.select %parallel_loop3A_815, %get3A_69, %parallel_loop3A_833 : vector<16xi1>, vector<16xf32>
        %parallel_loop3A_835 = arith.constant 1 : i32
        %parallel_loop3A_836 = arith.index_cast %parallel_loop3A_835 : i32 to index
        %parallel_loop3A_837 = arith.index_cast %parallel_loop3A_318 : i32 to index
        %parallel_loop3A_838 = arith.constant 160 : index
        %parallel_loop3A_839 = tpu.vector_load %arg15[%parallel_loop3A_836, %parallel_loop3A_837, %parallel_loop3A_838] {strides = array<i32>} : memref<2x16x256xf32, #tpu.memory_space<vmem>>, vector<16xf32>,
        tpu.vector_store %arg15[%parallel_loop3A_836, %parallel_loop3A_837, %parallel_loop3A_838], %parallel_loop3A_834 {strides = array<i32>} : memref<2x16x256xf32, #tpu.memory_space<vmem>>, vector<16xf32>,
        %parallel_loop3A_840 = arith.constant 1 : i32
        %parallel_loop3A_841 = arith.index_cast %parallel_loop3A_840 : i32 to index
        %parallel_loop3A_842 = arith.index_cast %parallel_loop3A_318 : i32 to index
        %parallel_loop3A_843 = arith.constant 176 : index
        %parallel_loop3A_844 = tpu.vector_load %arg12[%parallel_loop3A_841, %parallel_loop3A_842, %parallel_loop3A_843] {strides = array<i32>} : memref<2x16x256xi32, #tpu.memory_space<vmem>>, vector<16xi32>,
        %parallel_loop3A_845 = arith.constant 6 : i32
        %parallel_loop3A_846 = vector.broadcast %parallel_loop3A_845 : i32 to vector<16xi32>
        %parallel_loop3A_847 = arith.shrsi %parallel_loop3A_844, %parallel_loop3A_846 : vector<16xi32>
        %parallel_loop3A_848 = tpu.vector_load_idx %arg9[%parallel_loop3A_847] : memref<65536xi32, #tpu.memory_space<vmem>>[vector<16xi32>], vector<16xi32>,
        %parallel_loop3A_849 = arith.constant 1 : i32
        %parallel_loop3A_850 = vector.broadcast %parallel_loop3A_849 : i32 to vector<16xi32>
        %parallel_loop3A_851 = arith.shrsi %parallel_loop3A_844, %parallel_loop3A_850 : vector<16xi32>
        %parallel_loop3A_852 = arith.constant 31 : i32
        %parallel_loop3A_853 = vector.broadcast %parallel_loop3A_852 : i32 to vector<16xi32>
        %parallel_loop3A_854 = arith.andi %parallel_loop3A_851, %parallel_loop3A_853 : vector<16xi32>
        %parallel_loop3A_855 = arith.shrsi %parallel_loop3A_848, %parallel_loop3A_854 : vector<16xi32>
        %parallel_loop3A_856 = arith.andi %parallel_loop3A_855, %parallel_loop3A_844 : vector<16xi32>
        %parallel_loop3A_857 = arith.constant 1 : i32
        %parallel_loop3A_858 = vector.broadcast %parallel_loop3A_857 : i32 to vector<16xi32>
        %parallel_loop3A_859 = arith.andi %parallel_loop3A_856, %parallel_loop3A_858 : vector<16xi32>
        %parallel_loop3A_860 = arith.constant 1 : i32
        %parallel_loop3A_861 = vector.broadcast %parallel_loop3A_860 : i32 to vector<16xi32>
        %parallel_loop3A_862 = arith.cmpi eq, %parallel_loop3A_859, %parallel_loop3A_861 : vector<16xi32>
        %parallel_loop3A_863 = arith.constant -1 : i32
        %parallel_loop3A_864 = vector.broadcast %parallel_loop3A_863 : i32 to vector<16xi32>
        %parallel_loop3A_865 = arith.select %parallel_loop3A_862, %parallel_loop3A_322, %parallel_loop3A_864 : vector<16xi1>, vector<16xi32>
        %parallel_loop3A_866 = arith.constant 1 : i32
        %parallel_loop3A_867 = arith.index_cast %parallel_loop3A_866 : i32 to index
        %parallel_loop3A_868 = arith.index_cast %parallel_loop3A_318 : i32 to index
        %parallel_loop3A_869 = arith.constant 176 : index
        %parallel_loop3A_870 = tpu.vector_load %arg13[%parallel_loop3A_867, %parallel_loop3A_868, %parallel_loop3A_869] {strides = array<i32>} : memref<2x16x256xi32, #tpu.memory_space<vmem>>, vector<16xi32>,
        tpu.vector_store %arg13[%parallel_loop3A_867, %parallel_loop3A_868, %parallel_loop3A_869], %parallel_loop3A_865 {strides = array<i32>} : memref<2x16x256xi32, #tpu.memory_space<vmem>>, vector<16xi32>,
        %parallel_loop3A_871 = arith.constant 0.000000e+00 : f32
        %parallel_loop3A_872 = vector.broadcast %parallel_loop3A_871 : f32 to vector<16xf32>
        %parallel_loop3A_873 = arith.select %parallel_loop3A_862, %get3A_39, %parallel_loop3A_872 : vector<16xi1>, vector<16xf32>
        %parallel_loop3A_874 = arith.constant 1 : i32
        %parallel_loop3A_875 = arith.index_cast %parallel_loop3A_874 : i32 to index
        %parallel_loop3A_876 = arith.index_cast %parallel_loop3A_318 : i32 to index
        %parallel_loop3A_877 = arith.constant 176 : index
        %parallel_loop3A_878 = tpu.vector_load %arg14[%parallel_loop3A_875, %parallel_loop3A_876, %parallel_loop3A_877] {strides = array<i32>} : memref<2x16x256xf32, #tpu.memory_space<vmem>>, vector<16xf32>,
        tpu.vector_store %arg14[%parallel_loop3A_875, %parallel_loop3A_876, %parallel_loop3A_877], %parallel_loop3A_873 {strides = array<i32>} : memref<2x16x256xf32, #tpu.memory_space<vmem>>, vector<16xf32>,
        %parallel_loop3A_879 = arith.constant 0.000000e+00 : f32
        %parallel_loop3A_880 = vector.broadcast %parallel_loop3A_879 : f32 to vector<16xf32>
        %parallel_loop3A_881 = arith.select %parallel_loop3A_862, %get3A_71, %parallel_loop3A_880 : vector<16xi1>, vector<16xf32>
        %parallel_loop3A_882 = arith.constant 1 : i32
        %parallel_loop3A_883 = arith.index_cast %parallel_loop3A_882 : i32 to index
        %parallel_loop3A_884 = arith.index_cast %parallel_loop3A_318 : i32 to index
        %parallel_loop3A_885 = arith.constant 176 : index
        %parallel_loop3A_886 = tpu.vector_load %arg15[%parallel_loop3A_883, %parallel_loop3A_884, %parallel_loop3A_885] {strides = array<i32>} : memref<2x16x256xf32, #tpu.memory_space<vmem>>, vector<16xf32>,
        tpu.vector_store %arg15[%parallel_loop3A_883, %parallel_loop3A_884, %parallel_loop3A_885], %parallel_loop3A_881 {strides = array<i32>} : memref<2x16x256xf32, #tpu.memory_space<vmem>>, vector<16xf32>,
        %parallel_loop3A_887 = arith.constant 1 : i32
        %parallel_loop3A_888 = arith.index_cast %parallel_loop3A_887 : i32 to index
        %parallel_loop3A_889 = arith.index_cast %parallel_loop3A_318 : i32 to index
        %parallel_loop3A_890 = arith.constant 192 : index
        %parallel_loop3A_891 = tpu.vector_load %arg12[%parallel_loop3A_888, %parallel_loop3A_889, %parallel_loop3A_890] {strides = array<i32>} : memref<2x16x256xi32, #tpu.memory_space<vmem>>, vector<16xi32>,
        %parallel_loop3A_892 = arith.constant 6 : i32
        %parallel_loop3A_893 = vector.broadcast %parallel_loop3A_892 : i32 to vector<16xi32>
        %parallel_loop3A_894 = arith.shrsi %parallel_loop3A_891, %parallel_loop3A_893 : vector<16xi32>
        %parallel_loop3A_895 = tpu.vector_load_idx %arg9[%parallel_loop3A_894] : memref<65536xi32, #tpu.memory_space<vmem>>[vector<16xi32>], vector<16xi32>,
        %parallel_loop3A_896 = arith.constant 1 : i32
        %parallel_loop3A_897 = vector.broadcast %parallel_loop3A_896 : i32 to vector<16xi32>
        %parallel_loop3A_898 = arith.shrsi %parallel_loop3A_891, %parallel_loop3A_897 : vector<16xi32>
        %parallel_loop3A_899 = arith.constant 31 : i32
        %parallel_loop3A_900 = vector.broadcast %parallel_loop3A_899 : i32 to vector<16xi32>
        %parallel_loop3A_901 = arith.andi %parallel_loop3A_898, %parallel_loop3A_900 : vector<16xi32>
        %parallel_loop3A_902 = arith.shrsi %parallel_loop3A_895, %parallel_loop3A_901 : vector<16xi32>
        %parallel_loop3A_903 = arith.andi %parallel_loop3A_902, %parallel_loop3A_891 : vector<16xi32>
        %parallel_loop3A_904 = arith.constant 1 : i32
        %parallel_loop3A_905 = vector.broadcast %parallel_loop3A_904 : i32 to vector<16xi32>
        %parallel_loop3A_906 = arith.andi %parallel_loop3A_903, %parallel_loop3A_905 : vector<16xi32>
        %parallel_loop3A_907 = arith.constant 1 : i32
        %parallel_loop3A_908 = vector.broadcast %parallel_loop3A_907 : i32 to vector<16xi32>
        %parallel_loop3A_909 = arith.cmpi eq, %parallel_loop3A_906, %parallel_loop3A_908 : vector<16xi32>
        %parallel_loop3A_910 = arith.constant -1 : i32
        %parallel_loop3A_911 = vector.broadcast %parallel_loop3A_910 : i32 to vector<16xi32>
        %parallel_loop3A_912 = arith.select %parallel_loop3A_909, %parallel_loop3A_322, %parallel_loop3A_911 : vector<16xi1>, vector<16xi32>
        %parallel_loop3A_913 = arith.constant 1 : i32
        %parallel_loop3A_914 = arith.index_cast %parallel_loop3A_913 : i32 to index
        %parallel_loop3A_915 = arith.index_cast %parallel_loop3A_318 : i32 to index
        %parallel_loop3A_916 = arith.constant 192 : index
        %parallel_loop3A_917 = tpu.vector_load %arg13[%parallel_loop3A_914, %parallel_loop3A_915, %parallel_loop3A_916] {strides = array<i32>} : memref<2x16x256xi32, #tpu.memory_space<vmem>>, vector<16xi32>,
        tpu.vector_store %arg13[%parallel_loop3A_914, %parallel_loop3A_915, %parallel_loop3A_916], %parallel_loop3A_912 {strides = array<i32>} : memref<2x16x256xi32, #tpu.memory_space<vmem>>, vector<16xi32>,
        %parallel_loop3A_918 = arith.constant 0.000000e+00 : f32
        %parallel_loop3A_919 = vector.broadcast %parallel_loop3A_918 : f32 to vector<16xf32>
        %parallel_loop3A_920 = arith.select %parallel_loop3A_909, %get3A_41, %parallel_loop3A_919 : vector<16xi1>, vector<16xf32>
        %parallel_loop3A_921 = arith.constant 1 : i32
        %parallel_loop3A_922 = arith.index_cast %parallel_loop3A_921 : i32 to index
        %parallel_loop3A_923 = arith.index_cast %parallel_loop3A_318 : i32 to index
        %parallel_loop3A_924 = arith.constant 192 : index
        %parallel_loop3A_925 = tpu.vector_load %arg14[%parallel_loop3A_922, %parallel_loop3A_923, %parallel_loop3A_924] {strides = array<i32>} : memref<2x16x256xf32, #tpu.memory_space<vmem>>, vector<16xf32>,
        tpu.vector_store %arg14[%parallel_loop3A_922, %parallel_loop3A_923, %parallel_loop3A_924], %parallel_loop3A_920 {strides = array<i32>} : memref<2x16x256xf32, #tpu.memory_space<vmem>>, vector<16xf32>,
        %parallel_loop3A_926 = arith.constant 0.000000e+00 : f32
        %parallel_loop3A_927 = vector.broadcast %parallel_loop3A_926 : f32 to vector<16xf32>
        %parallel_loop3A_928 = arith.select %parallel_loop3A_909, %get3A_73, %parallel_loop3A_927 : vector<16xi1>, vector<16xf32>
        %parallel_loop3A_929 = arith.constant 1 : i32
        %parallel_loop3A_930 = arith.index_cast %parallel_loop3A_929 : i32 to index
        %parallel_loop3A_931 = arith.index_cast %parallel_loop3A_318 : i32 to index
        %parallel_loop3A_932 = arith.constant 192 : index
        %parallel_loop3A_933 = tpu.vector_load %arg15[%parallel_loop3A_930, %parallel_loop3A_931, %parallel_loop3A_932] {strides = array<i32>} : memref<2x16x256xf32, #tpu.memory_space<vmem>>, vector<16xf32>,
        tpu.vector_store %arg15[%parallel_loop3A_930, %parallel_loop3A_931, %parallel_loop3A_932], %parallel_loop3A_928 {strides = array<i32>} : memref<2x16x256xf32, #tpu.memory_space<vmem>>, vector<16xf32>,
        %parallel_loop3A_934 = arith.constant 1 : i32
        %parallel_loop3A_935 = arith.index_cast %parallel_loop3A_934 : i32 to index
        %parallel_loop3A_936 = arith.index_cast %parallel_loop3A_318 : i32 to index
        %parallel_loop3A_937 = arith.constant 208 : index
        %parallel_loop3A_938 = tpu.vector_load %arg12[%parallel_loop3A_935, %parallel_loop3A_936, %parallel_loop3A_937] {strides = array<i32>} : memref<2x16x256xi32, #tpu.memory_space<vmem>>, vector<16xi32>,
        %parallel_loop3A_939 = arith.constant 6 : i32
        %parallel_loop3A_940 = vector.broadcast %parallel_loop3A_939 : i32 to vector<16xi32>
        %parallel_loop3A_941 = arith.shrsi %parallel_loop3A_938, %parallel_loop3A_940 : vector<16xi32>
        %parallel_loop3A_942 = tpu.vector_load_idx %arg9[%parallel_loop3A_941] : memref<65536xi32, #tpu.memory_space<vmem>>[vector<16xi32>], vector<16xi32>,
        %parallel_loop3A_943 = arith.constant 1 : i32
        %parallel_loop3A_944 = vector.broadcast %parallel_loop3A_943 : i32 to vector<16xi32>
        %parallel_loop3A_945 = arith.shrsi %parallel_loop3A_938, %parallel_loop3A_944 : vector<16xi32>
        %parallel_loop3A_946 = arith.constant 31 : i32
        %parallel_loop3A_947 = vector.broadcast %parallel_loop3A_946 : i32 to vector<16xi32>
        %parallel_loop3A_948 = arith.andi %parallel_loop3A_945, %parallel_loop3A_947 : vector<16xi32>
        %parallel_loop3A_949 = arith.shrsi %parallel_loop3A_942, %parallel_loop3A_948 : vector<16xi32>
        %parallel_loop3A_950 = arith.andi %parallel_loop3A_949, %parallel_loop3A_938 : vector<16xi32>
        %parallel_loop3A_951 = arith.constant 1 : i32
        %parallel_loop3A_952 = vector.broadcast %parallel_loop3A_951 : i32 to vector<16xi32>
        %parallel_loop3A_953 = arith.andi %parallel_loop3A_950, %parallel_loop3A_952 : vector<16xi32>
        %parallel_loop3A_954 = arith.constant 1 : i32
        %parallel_loop3A_955 = vector.broadcast %parallel_loop3A_954 : i32 to vector<16xi32>
        %parallel_loop3A_956 = arith.cmpi eq, %parallel_loop3A_953, %parallel_loop3A_955 : vector<16xi32>
        %parallel_loop3A_957 = arith.constant -1 : i32
        %parallel_loop3A_958 = vector.broadcast %parallel_loop3A_957 : i32 to vector<16xi32>
        %parallel_loop3A_959 = arith.select %parallel_loop3A_956, %parallel_loop3A_322, %parallel_loop3A_958 : vector<16xi1>, vector<16xi32>
        %parallel_loop3A_960 = arith.constant 1 : i32
        %parallel_loop3A_961 = arith.index_cast %parallel_loop3A_960 : i32 to index
        %parallel_loop3A_962 = arith.index_cast %parallel_loop3A_318 : i32 to index
        %parallel_loop3A_963 = arith.constant 208 : index
        %parallel_loop3A_964 = tpu.vector_load %arg13[%parallel_loop3A_961, %parallel_loop3A_962, %parallel_loop3A_963] {strides = array<i32>} : memref<2x16x256xi32, #tpu.memory_space<vmem>>, vector<16xi32>,
        tpu.vector_store %arg13[%parallel_loop3A_961, %parallel_loop3A_962, %parallel_loop3A_963], %parallel_loop3A_959 {strides = array<i32>} : memref<2x16x256xi32, #tpu.memory_space<vmem>>, vector<16xi32>,
        %parallel_loop3A_965 = arith.constant 0.000000e+00 : f32
        %parallel_loop3A_966 = vector.broadcast %parallel_loop3A_965 : f32 to vector<16xf32>
        %parallel_loop3A_967 = arith.select %parallel_loop3A_956, %get3A_43, %parallel_loop3A_966 : vector<16xi1>, vector<16xf32>
        %parallel_loop3A_968 = arith.constant 1 : i32
        %parallel_loop3A_969 = arith.index_cast %parallel_loop3A_968 : i32 to index
        %parallel_loop3A_970 = arith.index_cast %parallel_loop3A_318 : i32 to index
        %parallel_loop3A_971 = arith.constant 208 : index
        %parallel_loop3A_972 = tpu.vector_load %arg14[%parallel_loop3A_969, %parallel_loop3A_970, %parallel_loop3A_971] {strides = array<i32>} : memref<2x16x256xf32, #tpu.memory_space<vmem>>, vector<16xf32>,
        tpu.vector_store %arg14[%parallel_loop3A_969, %parallel_loop3A_970, %parallel_loop3A_971], %parallel_loop3A_967 {strides = array<i32>} : memref<2x16x256xf32, #tpu.memory_space<vmem>>, vector<16xf32>,
        %parallel_loop3A_973 = arith.constant 0.000000e+00 : f32
        %parallel_loop3A_974 = vector.broadcast %parallel_loop3A_973 : f32 to vector<16xf32>
        %parallel_loop3A_975 = arith.select %parallel_loop3A_956, %get3A_75, %parallel_loop3A_974 : vector<16xi1>, vector<16xf32>
        %parallel_loop3A_976 = arith.constant 1 : i32
        %parallel_loop3A_977 = arith.index_cast %parallel_loop3A_976 : i32 to index
        %parallel_loop3A_978 = arith.index_cast %parallel_loop3A_318 : i32 to index
        %parallel_loop3A_979 = arith.constant 208 : index
        %parallel_loop3A_980 = tpu.vector_load %arg15[%parallel_loop3A_977, %parallel_loop3A_978, %parallel_loop3A_979] {strides = array<i32>} : memref<2x16x256xf32, #tpu.memory_space<vmem>>, vector<16xf32>,
        tpu.vector_store %arg15[%parallel_loop3A_977, %parallel_loop3A_978, %parallel_loop3A_979], %parallel_loop3A_975 {strides = array<i32>} : memref<2x16x256xf32, #tpu.memory_space<vmem>>, vector<16xf32>,
        %parallel_loop3A_981 = arith.constant 1 : i32
        %parallel_loop3A_982 = arith.index_cast %parallel_loop3A_981 : i32 to index
        %parallel_loop3A_983 = arith.index_cast %parallel_loop3A_318 : i32 to index
        %parallel_loop3A_984 = arith.constant 224 : index
        %parallel_loop3A_985 = tpu.vector_load %arg12[%parallel_loop3A_982, %parallel_loop3A_983, %parallel_loop3A_984] {strides = array<i32>} : memref<2x16x256xi32, #tpu.memory_space<vmem>>, vector<16xi32>,
        %parallel_loop3A_986 = arith.constant 6 : i32
        %parallel_loop3A_987 = vector.broadcast %parallel_loop3A_986 : i32 to vector<16xi32>
        %parallel_loop3A_988 = arith.shrsi %parallel_loop3A_985, %parallel_loop3A_987 : vector<16xi32>
        %parallel_loop3A_989 = tpu.vector_load_idx %arg9[%parallel_loop3A_988] : memref<65536xi32, #tpu.memory_space<vmem>>[vector<16xi32>], vector<16xi32>,
        %parallel_loop3A_990 = arith.constant 1 : i32
        %parallel_loop3A_991 = vector.broadcast %parallel_loop3A_990 : i32 to vector<16xi32>
        %parallel_loop3A_992 = arith.shrsi %parallel_loop3A_985, %parallel_loop3A_991 : vector<16xi32>
        %parallel_loop3A_993 = arith.constant 31 : i32
        %parallel_loop3A_994 = vector.broadcast %parallel_loop3A_993 : i32 to vector<16xi32>
        %parallel_loop3A_995 = arith.andi %parallel_loop3A_992, %parallel_loop3A_994 : vector<16xi32>
        %parallel_loop3A_996 = arith.shrsi %parallel_loop3A_989, %parallel_loop3A_995 : vector<16xi32>
        %parallel_loop3A_997 = arith.andi %parallel_loop3A_996, %parallel_loop3A_985 : vector<16xi32>
        %parallel_loop3A_998 = arith.constant 1 : i32
        %parallel_loop3A_999 = vector.broadcast %parallel_loop3A_998 : i32 to vector<16xi32>
        %parallel_loop3A_1000 = arith.andi %parallel_loop3A_997, %parallel_loop3A_999 : vector<16xi32>
        %parallel_loop3A_1001 = arith.constant 1 : i32
        %parallel_loop3A_1002 = vector.broadcast %parallel_loop3A_1001 : i32 to vector<16xi32>
        %parallel_loop3A_1003 = arith.cmpi eq, %parallel_loop3A_1000, %parallel_loop3A_1002 : vector<16xi32>
        %parallel_loop3A_1004 = arith.constant -1 : i32
        %parallel_loop3A_1005 = vector.broadcast %parallel_loop3A_1004 : i32 to vector<16xi32>
        %parallel_loop3A_1006 = arith.select %parallel_loop3A_1003, %parallel_loop3A_322, %parallel_loop3A_1005 : vector<16xi1>, vector<16xi32>
        %parallel_loop3A_1007 = arith.constant 1 : i32
        %parallel_loop3A_1008 = arith.index_cast %parallel_loop3A_1007 : i32 to index
        %parallel_loop3A_1009 = arith.index_cast %parallel_loop3A_318 : i32 to index
        %parallel_loop3A_1010 = arith.constant 224 : index
        %parallel_loop3A_1011 = tpu.vector_load %arg13[%parallel_loop3A_1008, %parallel_loop3A_1009, %parallel_loop3A_1010] {strides = array<i32>} : memref<2x16x256xi32, #tpu.memory_space<vmem>>, vector<16xi32>,
        tpu.vector_store %arg13[%parallel_loop3A_1008, %parallel_loop3A_1009, %parallel_loop3A_1010], %parallel_loop3A_1006 {strides = array<i32>} : memref<2x16x256xi32, #tpu.memory_space<vmem>>, vector<16xi32>,
        %parallel_loop3A_1012 = arith.constant 0.000000e+00 : f32
        %parallel_loop3A_1013 = vector.broadcast %parallel_loop3A_1012 : f32 to vector<16xf32>
        %parallel_loop3A_1014 = arith.select %parallel_loop3A_1003, %get3A_45, %parallel_loop3A_1013 : vector<16xi1>, vector<16xf32>
        %parallel_loop3A_1015 = arith.constant 1 : i32
        %parallel_loop3A_1016 = arith.index_cast %parallel_loop3A_1015 : i32 to index
        %parallel_loop3A_1017 = arith.index_cast %parallel_loop3A_318 : i32 to index
        %parallel_loop3A_1018 = arith.constant 224 : index
        %parallel_loop3A_1019 = tpu.vector_load %arg14[%parallel_loop3A_1016, %parallel_loop3A_1017, %parallel_loop3A_1018] {strides = array<i32>} : memref<2x16x256xf32, #tpu.memory_space<vmem>>, vector<16xf32>,
        tpu.vector_store %arg14[%parallel_loop3A_1016, %parallel_loop3A_1017, %parallel_loop3A_1018], %parallel_loop3A_1014 {strides = array<i32>} : memref<2x16x256xf32, #tpu.memory_space<vmem>>, vector<16xf32>,
        %parallel_loop3A_1020 = arith.constant 0.000000e+00 : f32
        %parallel_loop3A_1021 = vector.broadcast %parallel_loop3A_1020 : f32 to vector<16xf32>
        %parallel_loop3A_1022 = arith.select %parallel_loop3A_1003, %get3A_77, %parallel_loop3A_1021 : vector<16xi1>, vector<16xf32>
        %parallel_loop3A_1023 = arith.constant 1 : i32
        %parallel_loop3A_1024 = arith.index_cast %parallel_loop3A_1023 : i32 to index
        %parallel_loop3A_1025 = arith.index_cast %parallel_loop3A_318 : i32 to index
        %parallel_loop3A_1026 = arith.constant 224 : index
        %parallel_loop3A_1027 = tpu.vector_load %arg15[%parallel_loop3A_1024, %parallel_loop3A_1025, %parallel_loop3A_1026] {strides = array<i32>} : memref<2x16x256xf32, #tpu.memory_space<vmem>>, vector<16xf32>,
        tpu.vector_store %arg15[%parallel_loop3A_1024, %parallel_loop3A_1025, %parallel_loop3A_1026], %parallel_loop3A_1022 {strides = array<i32>} : memref<2x16x256xf32, #tpu.memory_space<vmem>>, vector<16xf32>,
        %parallel_loop3A_1028 = arith.constant 1 : i32
        %parallel_loop3A_1029 = arith.index_cast %parallel_loop3A_1028 : i32 to index
        %parallel_loop3A_1030 = arith.index_cast %parallel_loop3A_318 : i32 to index
        %parallel_loop3A_1031 = arith.constant 240 : index
        %parallel_loop3A_1032 = tpu.vector_load %arg12[%parallel_loop3A_1029, %parallel_loop3A_1030, %parallel_loop3A_1031] {strides = array<i32>} : memref<2x16x256xi32, #tpu.memory_space<vmem>>, vector<16xi32>,
        %parallel_loop3A_1033 = arith.constant 6 : i32
        %parallel_loop3A_1034 = vector.broadcast %parallel_loop3A_1033 : i32 to vector<16xi32>
        %parallel_loop3A_1035 = arith.shrsi %parallel_loop3A_1032, %parallel_loop3A_1034 : vector<16xi32>
        %parallel_loop3A_1036 = tpu.vector_load_idx %arg9[%parallel_loop3A_1035] : memref<65536xi32, #tpu.memory_space<vmem>>[vector<16xi32>], vector<16xi32>,
        %parallel_loop3A_1037 = arith.constant 1 : i32
        %parallel_loop3A_1038 = vector.broadcast %parallel_loop3A_1037 : i32 to vector<16xi32>
        %parallel_loop3A_1039 = arith.shrsi %parallel_loop3A_1032, %parallel_loop3A_1038 : vector<16xi32>
        %parallel_loop3A_1040 = arith.constant 31 : i32
        %parallel_loop3A_1041 = vector.broadcast %parallel_loop3A_1040 : i32 to vector<16xi32>
        %parallel_loop3A_1042 = arith.andi %parallel_loop3A_1039, %parallel_loop3A_1041 : vector<16xi32>
        %parallel_loop3A_1043 = arith.shrsi %parallel_loop3A_1036, %parallel_loop3A_1042 : vector<16xi32>
        %parallel_loop3A_1044 = arith.andi %parallel_loop3A_1043, %parallel_loop3A_1032 : vector<16xi32>
        %parallel_loop3A_1045 = arith.constant 1 : i32
        %parallel_loop3A_1046 = vector.broadcast %parallel_loop3A_1045 : i32 to vector<16xi32>
        %parallel_loop3A_1047 = arith.andi %parallel_loop3A_1044, %parallel_loop3A_1046 : vector<16xi32>
        %parallel_loop3A_1048 = arith.constant 1 : i32
        %parallel_loop3A_1049 = vector.broadcast %parallel_loop3A_1048 : i32 to vector<16xi32>
        %parallel_loop3A_1050 = arith.cmpi eq, %parallel_loop3A_1047, %parallel_loop3A_1049 : vector<16xi32>
        %parallel_loop3A_1051 = arith.constant -1 : i32
        %parallel_loop3A_1052 = vector.broadcast %parallel_loop3A_1051 : i32 to vector<16xi32>
        %parallel_loop3A_1053 = arith.select %parallel_loop3A_1050, %parallel_loop3A_322, %parallel_loop3A_1052 : vector<16xi1>, vector<16xi32>
        %parallel_loop3A_1054 = arith.constant 1 : i32
        %parallel_loop3A_1055 = arith.index_cast %parallel_loop3A_1054 : i32 to index
        %parallel_loop3A_1056 = arith.index_cast %parallel_loop3A_318 : i32 to index
        %parallel_loop3A_1057 = arith.constant 240 : index
        %parallel_loop3A_1058 = tpu.vector_load %arg13[%parallel_loop3A_1055, %parallel_loop3A_1056, %parallel_loop3A_1057] {strides = array<i32>} : memref<2x16x256xi32, #tpu.memory_space<vmem>>, vector<16xi32>,
        tpu.vector_store %arg13[%parallel_loop3A_1055, %parallel_loop3A_1056, %parallel_loop3A_1057], %parallel_loop3A_1053 {strides = array<i32>} : memref<2x16x256xi32, #tpu.memory_space<vmem>>, vector<16xi32>,
        %parallel_loop3A_1059 = arith.constant 0.000000e+00 : f32
        %parallel_loop3A_1060 = vector.broadcast %parallel_loop3A_1059 : f32 to vector<16xf32>
        %parallel_loop3A_1061 = arith.select %parallel_loop3A_1050, %get3A_47, %parallel_loop3A_1060 : vector<16xi1>, vector<16xf32>
        %parallel_loop3A_1062 = arith.constant 1 : i32
        %parallel_loop3A_1063 = arith.index_cast %parallel_loop3A_1062 : i32 to index
        %parallel_loop3A_1064 = arith.index_cast %parallel_loop3A_318 : i32 to index
        %parallel_loop3A_1065 = arith.constant 240 : index
        %parallel_loop3A_1066 = tpu.vector_load %arg14[%parallel_loop3A_1063, %parallel_loop3A_1064, %parallel_loop3A_1065] {strides = array<i32>} : memref<2x16x256xf32, #tpu.memory_space<vmem>>, vector<16xf32>,
        tpu.vector_store %arg14[%parallel_loop3A_1063, %parallel_loop3A_1064, %parallel_loop3A_1065], %parallel_loop3A_1061 {strides = array<i32>} : memref<2x16x256xf32, #tpu.memory_space<vmem>>, vector<16xf32>,
        %parallel_loop3A_1067 = arith.constant 0.000000e+00 : f32
        %parallel_loop3A_1068 = vector.broadcast %parallel_loop3A_1067 : f32 to vector<16xf32>
        %parallel_loop3A_1069 = arith.select %parallel_loop3A_1050, %get3A_79, %parallel_loop3A_1068 : vector<16xi1>, vector<16xf32>
        %parallel_loop3A_1070 = arith.constant 1 : i32
        %parallel_loop3A_1071 = arith.index_cast %parallel_loop3A_1070 : i32 to index
        %parallel_loop3A_1072 = arith.index_cast %parallel_loop3A_318 : i32 to index
        %parallel_loop3A_1073 = arith.constant 240 : index
        %parallel_loop3A_1074 = tpu.vector_load %arg15[%parallel_loop3A_1071, %parallel_loop3A_1072, %parallel_loop3A_1073] {strides = array<i32>} : memref<2x16x256xf32, #tpu.memory_space<vmem>>, vector<16xf32>,
        tpu.vector_store %arg15[%parallel_loop3A_1071, %parallel_loop3A_1072, %parallel_loop3A_1073], %parallel_loop3A_1069 {strides = array<i32>} : memref<2x16x256xf32, #tpu.memory_space<vmem>>, vector<16xf32>,
      } {sc.loop_unroll_factor = 8 : i64, sc.parallel_access}
      %mul3A_276 = arith.constant 16 : i32
      %mul3A_277 = arith.muli %add3A_243, %mul3A_276 : i32
      %add3A_278 = arith.addi %mul3A_2, %mul3A_277 : i32
      %dma_start3A_279 = arith.constant 1 : i32
      %dma_start3A_280 = arith.constant 0 : i32
      %dma_start3A_281 = arith.constant 0 : i32
      %dma_start3A_282 = tpu.memref_slice %arg13[%dma_start3A_279, %dma_start3A_280, %dma_start3A_281] : memref<2x16x256xi32, #tpu.memory_space<vmem>> -> memref<1x16x256xi32, #tpu.memory_space<vmem>>
      %dma_start3A_283 = tpu.memref_squeeze %dma_start3A_282 : memref<1x16x256xi32, #tpu.memory_space<vmem>> -> memref<16x256xi32, #tpu.memory_space<vmem>>
      %dma_start3A_284 = arith.constant 0 : i32
      %dma_start3A_285 = tpu.memref_slice %arg6[%add3A_278, %dma_start3A_284] : memref<16384x256xi32, #tpu.memory_space<hbm>> -> memref<16x256xi32, #tpu.memory_space<hbm>>
      %dma_start3A_286 = arith.constant 0 : i32
      %dma_start3A_287 = tpu.memref_slice %arg6[%add3A_278, %dma_start3A_286] : memref<16384x256xi32, #tpu.memory_space<hbm>> -> memref<16x256xi32, #tpu.memory_space<hbm>>
      %dma_start3A_288 = arith.constant 0 : i32
      %dma_start3A_289 = arith.constant 0 : i32
      %dma_start3A_290 = tpu.memref_slice %arg13[%dma_start3A_279, %dma_start3A_288, %dma_start3A_289] : memref<2x16x256xi32, #tpu.memory_space<vmem>> -> memref<1x16x256xi32, #tpu.memory_space<vmem>>
      %dma_start3A_291 = tpu.memref_squeeze %dma_start3A_290 : memref<1x16x256xi32, #tpu.memory_space<vmem>> -> memref<16x256xi32, #tpu.memory_space<vmem>>
      tpu.enqueue_dma source(%dma_start3A_291 : memref<16x256xi32, #tpu.memory_space<vmem>>) target(%dma_start3A_287 : memref<16x256xi32, #tpu.memory_space<hbm>>) target_semaphore(%arg19 : memref<!tpu.dma_semaphore, #tpu.memory_space<semaphore_mem>>)
      %dma_start3A_292 = arith.constant 1 : i32
      %dma_start3A_293 = arith.constant 0 : i32
      %dma_start3A_294 = arith.constant 0 : i32
      %dma_start3A_295 = tpu.memref_slice %arg14[%dma_start3A_292, %dma_start3A_293, %dma_start3A_294] : memref<2x16x256xf32, #tpu.memory_space<vmem>> -> memref<1x16x256xf32, #tpu.memory_space<vmem>>
      %dma_start3A_296 = tpu.memref_squeeze %dma_start3A_295 : memref<1x16x256xf32, #tpu.memory_space<vmem>> -> memref<16x256xf32, #tpu.memory_space<vmem>>
      %dma_start3A_297 = arith.constant 0 : i32
      %dma_start3A_298 = tpu.memref_slice %arg7[%add3A_278, %dma_start3A_297] : memref<16384x256xf32, #tpu.memory_space<hbm>> -> memref<16x256xf32, #tpu.memory_space<hbm>>
      %dma_start3A_299 = arith.constant 0 : i32
      %dma_start3A_300 = tpu.memref_slice %arg7[%add3A_278, %dma_start3A_299] : memref<16384x256xf32, #tpu.memory_space<hbm>> -> memref<16x256xf32, #tpu.memory_space<hbm>>
      %dma_start3A_301 = arith.constant 0 : i32
      %dma_start3A_302 = arith.constant 0 : i32
      %dma_start3A_303 = tpu.memref_slice %arg14[%dma_start3A_292, %dma_start3A_301, %dma_start3A_302] : memref<2x16x256xf32, #tpu.memory_space<vmem>> -> memref<1x16x256xf32, #tpu.memory_space<vmem>>
      %dma_start3A_304 = tpu.memref_squeeze %dma_start3A_303 : memref<1x16x256xf32, #tpu.memory_space<vmem>> -> memref<16x256xf32, #tpu.memory_space<vmem>>
      tpu.enqueue_dma source(%dma_start3A_304 : memref<16x256xf32, #tpu.memory_space<vmem>>) target(%dma_start3A_300 : memref<16x256xf32, #tpu.memory_space<hbm>>) target_semaphore(%arg19 : memref<!tpu.dma_semaphore, #tpu.memory_space<semaphore_mem>>)
      %dma_start3A_305 = arith.constant 1 : i32
      %dma_start3A_306 = arith.constant 0 : i32
      %dma_start3A_307 = arith.constant 0 : i32
      %dma_start3A_308 = tpu.memref_slice %arg15[%dma_start3A_305, %dma_start3A_306, %dma_start3A_307] : memref<2x16x256xf32, #tpu.memory_space<vmem>> -> memref<1x16x256xf32, #tpu.memory_space<vmem>>
      %dma_start3A_309 = tpu.memref_squeeze %dma_start3A_308 : memref<1x16x256xf32, #tpu.memory_space<vmem>> -> memref<16x256xf32, #tpu.memory_space<vmem>>
      %dma_start3A_310 = arith.constant 0 : i32
      %dma_start3A_311 = tpu.memref_slice %arg8[%add3A_278, %dma_start3A_310] : memref<16384x256xf32, #tpu.memory_space<hbm>> -> memref<16x256xf32, #tpu.memory_space<hbm>>
      %dma_start3A_312 = arith.constant 0 : i32
      %dma_start3A_313 = tpu.memref_slice %arg8[%add3A_278, %dma_start3A_312] : memref<16384x256xf32, #tpu.memory_space<hbm>> -> memref<16x256xf32, #tpu.memory_space<hbm>>
      %dma_start3A_314 = arith.constant 0 : i32
      %dma_start3A_315 = arith.constant 0 : i32
      %dma_start3A_316 = tpu.memref_slice %arg15[%dma_start3A_305, %dma_start3A_314, %dma_start3A_315] : memref<2x16x256xf32, #tpu.memory_space<vmem>> -> memref<1x16x256xf32, #tpu.memory_space<vmem>>
      %dma_start3A_317 = tpu.memref_squeeze %dma_start3A_316 : memref<1x16x256xf32, #tpu.memory_space<vmem>> -> memref<16x256xf32, #tpu.memory_space<vmem>>
      tpu.enqueue_dma source(%dma_start3A_317 : memref<16x256xf32, #tpu.memory_space<vmem>>) target(%dma_start3A_313 : memref<16x256xf32, #tpu.memory_space<hbm>>) target_semaphore(%arg19 : memref<!tpu.dma_semaphore, #tpu.memory_space<semaphore_mem>>)
    }
    %scan3A_84 = arith.constant 16 : i32
    %add3A_85 = arith.constant 480 : i32
    %add3A_86 = arith.addi %mul3A_2, %add3A_85 : i32
    %dma_wait3A = arith.constant 0 : i32
    %dma_wait3A_87 = arith.constant 0 : i32
    %dma_wait3A_88 = arith.constant 0 : i32
    %dma_wait3A_89 = tpu.memref_slice %arg13[%dma_wait3A, %dma_wait3A_87, %dma_wait3A_88] : memref<2x16x256xi32, #tpu.memory_space<vmem>> -> memref<1x16x256xi32, #tpu.memory_space<vmem>>
    %dma_wait3A_90 = tpu.memref_squeeze %dma_wait3A_89 : memref<1x16x256xi32, #tpu.memory_space<vmem>> -> memref<16x256xi32, #tpu.memory_space<vmem>>
    %dma_wait3A_91 = arith.constant 0 : i32
    %dma_wait3A_92 = tpu.memref_slice %arg6[%add3A_86, %dma_wait3A_91] : memref<16384x256xi32, #tpu.memory_space<hbm>> -> memref<16x256xi32, #tpu.memory_space<hbm>>
    %dma_wait3A_93 = arith.constant 0 : i32
    %dma_wait3A_94 = tpu.memref_slice %arg6[%add3A_86, %dma_wait3A_93] : memref<16384x256xi32, #tpu.memory_space<hbm>> -> memref<16x256xi32, #tpu.memory_space<hbm>>
    %dma_wait3A_95 = arith.constant 0 : i32
    %dma_wait3A_96 = arith.constant 0 : i32
    %dma_wait3A_97 = tpu.memref_slice %arg13[%dma_wait3A, %dma_wait3A_95, %dma_wait3A_96] : memref<2x16x256xi32, #tpu.memory_space<vmem>> -> memref<1x16x256xi32, #tpu.memory_space<vmem>>
    %dma_wait3A_98 = tpu.memref_squeeze %dma_wait3A_97 : memref<1x16x256xi32, #tpu.memory_space<vmem>> -> memref<16x256xi32, #tpu.memory_space<vmem>>
    tpu.wait_dma2 semaphore(%arg18 : memref<!tpu.dma_semaphore, #tpu.memory_space<semaphore_mem>>) src(%dma_wait3A_98 : memref<16x256xi32, #tpu.memory_space<vmem>>) dst(%dma_wait3A_94 : memref<16x256xi32, #tpu.memory_space<hbm>>)
    %dma_wait3A_99 = arith.constant 0 : i32
    %dma_wait3A_100 = arith.constant 0 : i32
    %dma_wait3A_101 = arith.constant 0 : i32
    %dma_wait3A_102 = tpu.memref_slice %arg14[%dma_wait3A_99, %dma_wait3A_100, %dma_wait3A_101] : memref<2x16x256xf32, #tpu.memory_space<vmem>> -> memref<1x16x256xf32, #tpu.memory_space<vmem>>
    %dma_wait3A_103 = tpu.memref_squeeze %dma_wait3A_102 : memref<1x16x256xf32, #tpu.memory_space<vmem>> -> memref<16x256xf32, #tpu.memory_space<vmem>>
    %dma_wait3A_104 = arith.constant 0 : i32
    %dma_wait3A_105 = tpu.memref_slice %arg7[%add3A_86, %dma_wait3A_104] : memref<16384x256xf32, #tpu.memory_space<hbm>> -> memref<16x256xf32, #tpu.memory_space<hbm>>
    %dma_wait3A_106 = arith.constant 0 : i32
    %dma_wait3A_107 = tpu.memref_slice %arg7[%add3A_86, %dma_wait3A_106] : memref<16384x256xf32, #tpu.memory_space<hbm>> -> memref<16x256xf32, #tpu.memory_space<hbm>>
    %dma_wait3A_108 = arith.constant 0 : i32
    %dma_wait3A_109 = arith.constant 0 : i32
    %dma_wait3A_110 = tpu.memref_slice %arg14[%dma_wait3A_99, %dma_wait3A_108, %dma_wait3A_109] : memref<2x16x256xf32, #tpu.memory_space<vmem>> -> memref<1x16x256xf32, #tpu.memory_space<vmem>>
    %dma_wait3A_111 = tpu.memref_squeeze %dma_wait3A_110 : memref<1x16x256xf32, #tpu.memory_space<vmem>> -> memref<16x256xf32, #tpu.memory_space<vmem>>
    tpu.wait_dma2 semaphore(%arg18 : memref<!tpu.dma_semaphore, #tpu.memory_space<semaphore_mem>>) src(%dma_wait3A_111 : memref<16x256xf32, #tpu.memory_space<vmem>>) dst(%dma_wait3A_107 : memref<16x256xf32, #tpu.memory_space<hbm>>)
    %dma_wait3A_112 = arith.constant 0 : i32
    %dma_wait3A_113 = arith.constant 0 : i32
    %dma_wait3A_114 = arith.constant 0 : i32
    %dma_wait3A_115 = tpu.memref_slice %arg15[%dma_wait3A_112, %dma_wait3A_113, %dma_wait3A_114] : memref<2x16x256xf32, #tpu.memory_space<vmem>> -> memref<1x16x256xf32, #tpu.memory_space<vmem>>
    %dma_wait3A_116 = tpu.memref_squeeze %dma_wait3A_115 : memref<1x16x256xf32, #tpu.memory_space<vmem>> -> memref<16x256xf32, #tpu.memory_space<vmem>>
    %dma_wait3A_117 = arith.constant 0 : i32
    %dma_wait3A_118 = tpu.memref_slice %arg8[%add3A_86, %dma_wait3A_117] : memref<16384x256xf32, #tpu.memory_space<hbm>> -> memref<16x256xf32, #tpu.memory_space<hbm>>
    %dma_wait3A_119 = arith.constant 0 : i32
    %dma_wait3A_120 = tpu.memref_slice %arg8[%add3A_86, %dma_wait3A_119] : memref<16384x256xf32, #tpu.memory_space<hbm>> -> memref<16x256xf32, #tpu.memory_space<hbm>>
    %dma_wait3A_121 = arith.constant 0 : i32
    %dma_wait3A_122 = arith.constant 0 : i32
    %dma_wait3A_123 = tpu.memref_slice %arg15[%dma_wait3A_112, %dma_wait3A_121, %dma_wait3A_122] : memref<2x16x256xf32, #tpu.memory_space<vmem>> -> memref<1x16x256xf32, #tpu.memory_space<vmem>>
    %dma_wait3A_124 = tpu.memref_squeeze %dma_wait3A_123 : memref<1x16x256xf32, #tpu.memory_space<vmem>> -> memref<16x256xf32, #tpu.memory_space<vmem>>
    tpu.wait_dma2 semaphore(%arg18 : memref<!tpu.dma_semaphore, #tpu.memory_space<semaphore_mem>>) src(%dma_wait3A_124 : memref<16x256xf32, #tpu.memory_space<vmem>>) dst(%dma_wait3A_120 : memref<16x256xf32, #tpu.memory_space<hbm>>)
    %add3A_125 = arith.constant 496 : i32
    %add3A_126 = arith.addi %mul3A_2, %add3A_125 : i32
    %dma_wait3A_127 = arith.constant 1 : i32
    %dma_wait3A_128 = arith.constant 0 : i32
    %dma_wait3A_129 = arith.constant 0 : i32
    %dma_wait3A_130 = tpu.memref_slice %arg13[%dma_wait3A_127, %dma_wait3A_128, %dma_wait3A_129] : memref<2x16x256xi32, #tpu.memory_space<vmem>> -> memref<1x16x256xi32, #tpu.memory_space<vmem>>
    %dma_wait3A_131 = tpu.memref_squeeze %dma_wait3A_130 : memref<1x16x256xi32, #tpu.memory_space<vmem>> -> memref<16x256xi32, #tpu.memory_space<vmem>>
    %dma_wait3A_132 = arith.constant 0 : i32
    %dma_wait3A_133 = tpu.memref_slice %arg6[%add3A_126, %dma_wait3A_132] : memref<16384x256xi32, #tpu.memory_space<hbm>> -> memref<16x256xi32, #tpu.memory_space<hbm>>
    %dma_wait3A_134 = arith.constant 0 : i32
    %dma_wait3A_135 = tpu.memref_slice %arg6[%add3A_126, %dma_wait3A_134] : memref<16384x256xi32, #tpu.memory_space<hbm>> -> memref<16x256xi32, #tpu.memory_space<hbm>>
    %dma_wait3A_136 = arith.constant 0 : i32
    %dma_wait3A_137 = arith.constant 0 : i32
    %dma_wait3A_138 = tpu.memref_slice %arg13[%dma_wait3A_127, %dma_wait3A_136, %dma_wait3A_137] : memref<2x16x256xi32, #tpu.memory_space<vmem>> -> memref<1x16x256xi32, #tpu.memory_space<vmem>>
    %dma_wait3A_139 = tpu.memref_squeeze %dma_wait3A_138 : memref<1x16x256xi32, #tpu.memory_space<vmem>> -> memref<16x256xi32, #tpu.memory_space<vmem>>
    tpu.wait_dma2 semaphore(%arg19 : memref<!tpu.dma_semaphore, #tpu.memory_space<semaphore_mem>>) src(%dma_wait3A_139 : memref<16x256xi32, #tpu.memory_space<vmem>>) dst(%dma_wait3A_135 : memref<16x256xi32, #tpu.memory_space<hbm>>)
    %dma_wait3A_140 = arith.constant 1 : i32
    %dma_wait3A_141 = arith.constant 0 : i32
    %dma_wait3A_142 = arith.constant 0 : i32
    %dma_wait3A_143 = tpu.memref_slice %arg14[%dma_wait3A_140, %dma_wait3A_141, %dma_wait3A_142] : memref<2x16x256xf32, #tpu.memory_space<vmem>> -> memref<1x16x256xf32, #tpu.memory_space<vmem>>
    %dma_wait3A_144 = tpu.memref_squeeze %dma_wait3A_143 : memref<1x16x256xf32, #tpu.memory_space<vmem>> -> memref<16x256xf32, #tpu.memory_space<vmem>>
    %dma_wait3A_145 = arith.constant 0 : i32
    %dma_wait3A_146 = tpu.memref_slice %arg7[%add3A_126, %dma_wait3A_145] : memref<16384x256xf32, #tpu.memory_space<hbm>> -> memref<16x256xf32, #tpu.memory_space<hbm>>
    %dma_wait3A_147 = arith.constant 0 : i32
    %dma_wait3A_148 = tpu.memref_slice %arg7[%add3A_126, %dma_wait3A_147] : memref<16384x256xf32, #tpu.memory_space<hbm>> -> memref<16x256xf32, #tpu.memory_space<hbm>>
    %dma_wait3A_149 = arith.constant 0 : i32
    %dma_wait3A_150 = arith.constant 0 : i32
    %dma_wait3A_151 = tpu.memref_slice %arg14[%dma_wait3A_140, %dma_wait3A_149, %dma_wait3A_150] : memref<2x16x256xf32, #tpu.memory_space<vmem>> -> memref<1x16x256xf32, #tpu.memory_space<vmem>>
    %dma_wait3A_152 = tpu.memref_squeeze %dma_wait3A_151 : memref<1x16x256xf32, #tpu.memory_space<vmem>> -> memref<16x256xf32, #tpu.memory_space<vmem>>
    tpu.wait_dma2 semaphore(%arg19 : memref<!tpu.dma_semaphore, #tpu.memory_space<semaphore_mem>>) src(%dma_wait3A_152 : memref<16x256xf32, #tpu.memory_space<vmem>>) dst(%dma_wait3A_148 : memref<16x256xf32, #tpu.memory_space<hbm>>)
    %dma_wait3A_153 = arith.constant 1 : i32
    %dma_wait3A_154 = arith.constant 0 : i32
    %dma_wait3A_155 = arith.constant 0 : i32
    %dma_wait3A_156 = tpu.memref_slice %arg15[%dma_wait3A_153, %dma_wait3A_154, %dma_wait3A_155] : memref<2x16x256xf32, #tpu.memory_space<vmem>> -> memref<1x16x256xf32, #tpu.memory_space<vmem>>
    %dma_wait3A_157 = tpu.memref_squeeze %dma_wait3A_156 : memref<1x16x256xf32, #tpu.memory_space<vmem>> -> memref<16x256xf32, #tpu.memory_space<vmem>>
    %dma_wait3A_158 = arith.constant 0 : i32
    %dma_wait3A_159 = tpu.memref_slice %arg8[%add3A_126, %dma_wait3A_158] : memref<16384x256xf32, #tpu.memory_space<hbm>> -> memref<16x256xf32, #tpu.memory_space<hbm>>
    %dma_wait3A_160 = arith.constant 0 : i32
    %dma_wait3A_161 = tpu.memref_slice %arg8[%add3A_126, %dma_wait3A_160] : memref<16384x256xf32, #tpu.memory_space<hbm>> -> memref<16x256xf32, #tpu.memory_space<hbm>>
    %dma_wait3A_162 = arith.constant 0 : i32
    %dma_wait3A_163 = arith.constant 0 : i32
    %dma_wait3A_164 = tpu.memref_slice %arg15[%dma_wait3A_153, %dma_wait3A_162, %dma_wait3A_163] : memref<2x16x256xf32, #tpu.memory_space<vmem>> -> memref<1x16x256xf32, #tpu.memory_space<vmem>>
    %dma_wait3A_165 = tpu.memref_squeeze %dma_wait3A_164 : memref<1x16x256xf32, #tpu.memory_space<vmem>> -> memref<16x256xf32, #tpu.memory_space<vmem>>
    tpu.wait_dma2 semaphore(%arg19 : memref<!tpu.dma_semaphore, #tpu.memory_space<semaphore_mem>>) src(%dma_wait3A_165 : memref<16x256xf32, #tpu.memory_space<vmem>>) dst(%dma_wait3A_161 : memref<16x256xf32, #tpu.memory_space<hbm>>)
    return
  }
}

</mosaic_0001>

<sc_bundles>
// kernel: kernel.3.cloned.1.call-start
scs
__scs_entry_jumppad:
0x0: {  	(pc) =	sbr.rel $0x88, $3  }
0x1: {  	(tag) =	ssettag $0x0;
	lr =	simm.s32 $0x1  }
0x2: {  	[smem:$0x3F9C] =	sst lr;
	_ =	strace $0xD0000000  }
0x3: {  	_ = 	snop  }
0x4: {  	_ = 	snop  }
0x5: {  	_ = 	snop  }
0x6: {  	_ = 	snop  }
0x7: {  	_ = 	snop  }
__scs_overlays_trampoline_lowered:
0x8: {  	[smem:$0x3FAB] =	sst s0  }
0x9: {  	[smem:$0x3FAC] =	sst s1  }
0xa: {  	[smem:$0x3FAD] =	sst s2  }
0xb: {  	[smem:$0x3FAE] =	sst s3  }
0xc: {  	[smem:$0x3FAF] =	sst s4  }
0xd: {  	[smem:$0x3FB0] =	sst s5  }
0xe: {  	[smem:$0x3FB1] =	sst s6  }
0xf: {  	[smem:$0x3FB2] =	sst s7  }
0x10: {  	[smem:$0x3FB3] =	sst s8  }
0x11: {  	[smem:$0x3FB4] =	sst s9;
	s0 =	simm.s32 @!p0 $0x0  }
0x12: {  	s1 =	sld [smem:$0x3F9A];
	s0 =	simm.s32 @p0 $0x1  }
0x13: {  	[smem:$0x3FB5] =	sst s0;
	s0 =	simm.s32 @!p1 $0x0  }
0x14: {  	s2 =	sld [smem:$0x3F99];
	s0 =	simm.s32 @p1 $0x1  }
0x15: {  	[smem:$0x3FB6] =	sst s0;
	s0 =	simm.s32 @!p2 $0x0  }
0x16: {  	s3 =	sld [smem:$0x3FDB];
	s0 =	simm.s32 @p2 $0x1  }
0x17: {  	s4 =	simm.s32 $0x1BF5;
	[smem:$0x3FB8] =	sst s0  }
0x18: {  	s0 =	sld [smem:$0x3F9B];
	_ =	swait.ge [sflag:s4], $0x0  }
0x19: {  	s7 =	sld [smem:$0x3F9C]  }
0x1a: {  	s8 =	sadd.s32 $0xFFFFE003, lr  }
0x1b: {  	s9 =	sadd.s32 $0xFFFFFEF7, lr;
	s5 =	simm.s32 $0xFFFFFFFF;
	p2 =	slt.u32 s8, $0xFFFFF086  }
0x1c: {  	p1 =	slt.u32 s9, $0xF7A;
	s5 =	simm.s32 @!p2 $0x0  }
0x1d: {  	s5 =	simm.s32 @p1 $0x1;
	p0 =	seq.s32 s7, s2  }
0x1e: {  	s7 =	smul.u32 @!p0 $0xF7A, s2;
	p2 =	seq.s32 @!p0 s5, $0x0  }
0x1f: {  	s9 =	smul.u32 $0xF7A, s1;
	s8 =	simm.s32 @!p0 $0x1BF5;
	p2 =	por !p2, p0  }
0x20: {  	[sflag:s8] =	ssyncset.s32 @!p0 $0xFFFFF086;
	s6 =	sadd.s32 @!p0 s3, s7;
	s7 =	simm.s32 @!p0 $0x108  }
0x21: {  	s3 =	sadd.s32 s3, s9;
	s6 =	sadd.s32 @!p0 $0x88, s6;
	s7 =	simm.s32 @p2 $0x1082  }
0x22: {  	[simem:s7], [sflag:s8] =	dma.local @!p0 [hbm:s6], $0xF7A  }
0x23: {  	s9 =	sor.u32 $0xD0000000, s2;
	s6 =	simm.s32 $0x108;
	_ =	swait.ge @!p0 [sflag:s8], $0x0  }
0x24: {  	s3 =	sadd.s32 $0x88, s3;
	s6 =	simm.s32 @!p1 $0x1082;
	[sflag:s4] =	ssyncset.s32 $0xFFFFF086  }
0x25: {  	[simem:s6], [sflag:s4] =	dma.local [hbm:s3], $0xF7A  }
0x26: {  	[smem:$0x3F9C] =	sst s1;
	(tag) =	ssettag s2;
	_ =	strace s9  }
0x27: {  	s1 =	sld [smem:$0x3FAC]  }
0x28: {  	s2 =	sld [smem:$0x3FAD]  }
0x29: {  	s4 =	sld [smem:$0x3FAF]  }
0x2a: {  	p0 =	seq.s32 s5, $0x0;
	s5 =	sld [smem:$0x3FB0]  }
0x2b: {  	s6 =	sld [smem:$0x3FB1]  }
0x2c: {  	s7 =	sld [smem:$0x3FB2]  }
0x2d: {  	s3 =	simm.s32 $0x108;
	s8 =	sld [smem:$0x3FB3]  }
0x2e: {  	s3 =	simm.s32 @!p0 $0x1082;
	s9 =	sld [smem:$0x3FB4]  }
0x2f: {  	lr =	sadd.s32 s0, s3;
	s0 =	sld [smem:$0x3FAB]  }
0x30: {  	s3 =	sld [smem:$0x3FAE]  }
0x31: {  	[smem:$0x3FB7] =	sst s10  }
0x32: {  	s10 =	sld [smem:$0x3FB5];
	_ =	sdelay $0x3  }
0x33: {  	p0 =	seq.s32 s10, $0x1;
	s10 =	sld [smem:$0x3FB7];
	_ =	sdelay $0x3  }
0x34: {  	[smem:$0x3FB7] =	sst s10  }
0x35: {  	s10 =	sld [smem:$0x3FB6];
	_ =	sdelay $0x3  }
0x36: {  	p1 =	seq.s32 s10, $0x1;
	s10 =	sld [smem:$0x3FB7];
	_ =	sdelay $0x3  }
0x37: {  	[smem:$0x3FB7] =	sst s10  }
0x38: {  	s10 =	sld [smem:$0x3FB8]  }
0x39: {  	_ = 	snop;
	(pc) =	sbr.ind lr, $3  }
0x3a: {  	_ = 	snop  }
0x3b: {  	_ = 	snop  }
0x3c: {  	p2 =	seq.s32 s10, $0x1;
	s10 =	sld [smem:$0x3FB7]  }
0x3d: {  	_ =	shalt  }
0x3e: {  	_ =	shalt  }
0x3f: {  	_ =	shalt  }
0x40: {  	_ =	shalt  }
0x41: {  	_ =	shalt  }
0x42: {  	_ =	shalt  }
0x43: {  	_ =	shalt  }
0x44: {  	_ =	shalt  }
0x45: {  	_ =	shalt  }
0x46: {  	_ =	shalt  }
0x47: {  	_ =	shalt  }
0x48: {  	_ =	shalt  }
0x49: {  	_ =	shalt  }
0x4a: {  	_ =	shalt  }
0x4b: {  	_ =	shalt  }
0x4c: {  	_ =	shalt  }
0x4d: {  	_ =	shalt  }
0x4e: {  	_ =	shalt  }
0x4f: {  	_ =	shalt  }
0x50: {  	_ =	shalt  }
0x51: {  	_ =	shalt  }
0x52: {  	_ =	shalt  }
0x53: {  	_ =	shalt  }
0x54: {  	_ =	shalt  }
0x55: {  	_ =	shalt  }
0x56: {  	_ =	shalt  }
0x57: {  	_ =	shalt  }
0x58: {  	_ =	shalt  }
0x59: {  	_ =	shalt  }
0x5a: {  	_ =	shalt  }
0x5b: {  	_ =	shalt  }
0x5c: {  	_ =	shalt  }
0x5d: {  	_ =	shalt  }
0x5e: {  	_ =	shalt  }
0x5f: {  	_ =	shalt  }
0x60: {  	_ =	shalt  }
0x61: {  	_ =	shalt  }
0x62: {  	_ =	shalt  }
0x63: {  	_ =	shalt  }
0x64: {  	_ =	shalt  }
0x65: {  	_ =	shalt  }
0x66: {  	_ =	shalt  }
0x67: {  	_ =	shalt  }
0x68: {  	_ =	shalt  }
0x69: {  	_ =	shalt  }
0x6a: {  	_ =	shalt  }
0x6b: {  	_ =	shalt  }
0x6c: {  	_ =	shalt  }
0x6d: {  	_ =	shalt  }
0x6e: {  	_ =	shalt  }
0x6f: {  	_ =	shalt  }
0x70: {  	_ =	shalt  }
0x71: {  	_ =	shalt  }
0x72: {  	_ =	shalt  }
0x73: {  	_ =	shalt  }
0x74: {  	_ =	shalt  }
0x75: {  	_ =	shalt  }
0x76: {  	_ =	shalt  }
0x77: {  	_ =	shalt  }
0x78: {  	_ =	shalt  }
0x79: {  	_ =	shalt  }
0x7a: {  	_ =	shalt  }
0x7b: {  	_ =	shalt  }
0x7c: {  	_ =	shalt  }
0x7d: {  	_ =	shalt  }
0x7e: {  	_ =	shalt  }
0x7f: {  	_ =	shalt  }
0x80: {  	_ =	shalt  }
0x81: {  	_ =	shalt  }
0x82: {  	_ =	shalt  }
0x83: {  	_ =	shalt  }
0x84: {  	_ =	shalt  }
0x85: {  	_ =	shalt  }
0x86: {  	_ =	shalt  }
0x87: {  	_ =	shalt  }
.Lfunc_end0:
.L_simem_size_0:
called_computation_lowered:
.L_overlay_start_0:
0x88: {  	s2 =	sld [smem:$0x3FD9]  }
0x89: {  	s3 =	sld [smem:$0x3FFE];
	_ =	sdelay $0x1  }
0x8a: {  	s1 =	srdreg.scid  }
0x8b: {  	s0 =	sand.u32 $0x1, s1  }
0x8c: {  	s14 =	sshll.u32 s0, $0xA;
	s2 =	sadd.s32 s3, s2  }
0x8d: {  	s2 =	sadd.s32 s2, s14  }
0x8e: {  	[smem:$0x3FC3] =	sst s2  }
0x8f: {  	_ = 	snop  }
0x90: {  	s2 =	sld [smem:$0x3FD0];
	_ =	sdelay $0x2  }
0x91: {  	s15 =	simm.s32 $0xA;
	s4 =	simm.s32 $0x10  }
0x92: {  	[smem:s4], [sflag:s15] =	dma.local [hbm:s2], $0x1  }
0x93: {  	_ =	swait.eq [sflag:s15], $0x1  }
0x94: {  	s16 =	sld [smem:$0x10]  }
0x95: {  	s17 =	sld [smem:$0x11];
	[sflag:s15] =	ssyncset.done $0x0  }
0x96: {  	s5 =	sld [smem:$0x12];
	[sflag:s15] =	ssyncadd.s32 $0xFFFFFFFF  }
0x97: {  	s18 =	sld [smem:$0x13];
	(tm) =	ssettm $0x1  }
0x98: {  	s6 =	sld [smem:$0x3FFB];
	_ =	sdelay $0x3  }
0x99: {  	_ =	strace s6  }
0x9a: {  	s6 =	sld [smem:$0x3FFC];
	_ =	sdelay $0x3  }
0x9b: {  	_ =	strace s6  }
0x9c: {  	s6 =	sld [smem:$0x3FFD];
	_ =	sdelay $0x3  }
0x9d: {  	_ =	strace s6  }
0x9e: {  	_ =	strace $0x8FFFFFFF  }
0x9f: {  	s19 =	sld [smem:$0x3FDB];
	_ =	sdelay $0x1  }
0xa0: {  	s7 =	simm.s32 $_scs_section_size  }
0xa1: {  	s8 =	simm.s32 $_size__tile_overlayer_lowered;
	s9 =	simm.s32 $_tile_overlayer_lowered  }
0xa2: {  	s22 =	simm.s32 $0x1BFF;
	s21 =	sshll.u32 s9, $0x1;
	s6 =	sadd.s32 s7, s19  }
0xa3: {  	s10 =	simm.s32 $0x0;
	s20 =	sshll.u32 s8, $0x1;
	s8 =	sadd.s32 s21, s6  }
0xa4: {  	[timem:s10], [sflag:s22] =	dma.local [hbm:s8], s20  }
0xa5: {  	_ =	swait.ge [sflag:s22], s20  }
0xa6: {  	s7 =	ssub.s32 $0x0, s20;
	[sflag:s22] =	ssyncset.done $0x0  }
0xa7: {  	[sflag:s22] =	ssyncadd.s32 s7;
	_ =	sdelay $0x1  }
0xa8: {  	s23 =	simm.s32 $0x1B8B  }
0xa9: {  	_ =	swait.ge [sflag:s23], $0x1  }
0xaa: {  	[sflag:s23] =	ssyncset.done $0x0  }
0xab: {  	s25 =	simm.s32 $0x1B8E;
	s24 =	sld [smem:$0x3FFE];
	[sflag:s23] =	ssyncadd.s32 $0xFFFFFFFF  }
0xac: {  	s26 =	simm.s32 $execute0_lowered;
	[smem:$0x3FD2] =	sst s25  }
0xad: {  	s8 =	sshll.u32 s26, $0x1;
	_ =	strace $0x80000046;
	[dreg:$0x1] =	wrdreg $0xFFFFFFFF  }
0xae: {  	s28 =	simm.s32 $_size_execute0_lowered;
	s6 =	sadd.s32 s6, s8;
	[dreg:$0x0] =	wrdreg $0x0  }
0xaf: {  	s8 =	sshll.u32 s28, $0x1;
	[dreg:$0x2] =	wrdreg s6  }
0xb0: {  	[dreg:$0x3] =	wrdreg s8  }
0xb1: {  	[dreg:$0x4] =	wrdreg $0xC0  }
0xb2: {  	_ =	task [dreg:s10], $0x5FFFF  }
0xb3: {  	[dreg:$0x1] =	wrdreg $0xFFFFFFFF  }
0xb4: {  	[dreg:$0x0] =	wrdreg $0x60  }
0xb5: {  	[dreg:$0x2] =	wrdreg s24  }
0xb6: {  	[dreg:$0x3] =	wrdreg s18  }
0xb7: {  	[dreg:$0x4] =	wrdreg s16  }
0xb8: {  	[dreg:$0x5] =	wrdreg s17  }
0xb9: {  	[dreg:$0x6] =	wrdreg s5  }
0xba: {  	[dreg:$0x7] =	wrdreg $0x9  }
0xbb: {  	_ =	task.clear_ibuf [dreg:s10], $0x8FFFF;
	_ =	strace $0x90000046  }
0xbc: {  	s29 =	simm.s32 $0x9;
	_ =	strace $0x80000048  }
0xbd: {  	_ =	swait.ge [sflag:s29], $0x1  }
0xbe: {  	[sflag:s29] =	ssyncadd.s32 $0xFFFFFFFF  }
0xbf: {  	_ =	strace $0x90000048  }
0xc0: {  	_ =	sfence  }
0xc1: {  	s30 =	sld [smem:$0x0];
	_ =	sdelay $0x2  }
0xc2: {  	s31 =	sshll.u32 s1, $0xD;
	s1 =	sshrl.u32 s1, $0x2  }
0xc3: {  	s3 =	sand.u32 $0x4000, s31;
	s1 =	sadd.s32 s1, s30  }
0xc4: {  	s0 =	sor.u32 s3, s0;
	s1 =	sshll.u32 s1, $0x11  }
0xc5: {  	s0 =	sor.u32 s1, s0  }
0xc6: {  	s0 =	sadd.s32 $0x8F2B, s0  }
0xc7: {  	[sflag:s0] =	ssyncadd.remote.s32 $0x1  }
0xc8: {  	_ =	sfence.sel $0xFFFF  }
0xc9: {  	[dreg:$0x0] =	wrdreg $0xFFFFFFFF;
	(pc) =	sbr.abs _section_cstart, $3  }
0xca: {  	[dreg:$0x1] =	wrdreg $0xFFFFFFFF  }
0xcb: {  	_ =	task.clear_ibuf [dreg:s10], $0x2FFFF;
	_ =	strace $0x9FFFFFFF  }
0xcc: {  	(tm) =	ssettm $0x7FFFFFFF  }
0xcd: {  	_ =	shalt  }
tec
execute0_lowered:
.L_overlay_start_1:
0x0: {  	(tag) =	ssettag $0x1  }
0x1: {  	s1 =	rddreg [dreg:$0x0]  }
0x2: {  	s3 =	rddreg [dreg:$0x2]  }
0x3: {  	s4 =	rddreg [dreg:$0x3]  }
0x4: {  	s6 =	rddreg [dreg:$0x4];
	s0 =	srdreg.scid  }
0x5: {  	s7 =	simm.s32 $0x0;
	s2 =	stileid.u32;
	s15 =	simm.s32 $0x5  }
0x6: {  	s18 =	simm.s32 $0x11200;
	s19 =	simm.s32 $0x1;
	s20 =	simm.s32 $0x12200  }
0x7: {  	s21 =	simm.s32 $0x14200;
	s22 =	simm.s32 $0x16200;
	s23 =	simm.s32 $0x2  }
0x8: {  	s24 =	simm.s32 $0x13200;
	s25 =	simm.s32 $0x15200;
	s26 =	simm.s32 $0x17200  }
0x9: {  	s28 =	simm.s32 $0x3;
	s29 =	simm.s32 $0x4;
	s30 =	simm.s32 $0x0  }
0xa: {  	s0 =	sand.u32 $0x1, s0;
	[smem:$0x7FF] =	sst s7;
	s2 =	sshll.u32 s2, $0xA  }
0xb: {  	s9 =	sadd.s32 $0x180400, s1;
	s5 =	sshll.u32 s0, $0x9;
	s0 =	ssub.s32 $0x2, s0  }
0xc: {  	s10 =	sadd.s32 $0x200, s1;
	s8 =	sor.u32 s5, s2;
	s31 =	sshrl.u32 s0, $0x1  }
0xd: {  	_ =	strace $0x80000047;
	s5 =	sshll.u32 s8, $0x5;
	s0 =	ssub.s32 s0, s31  }
0xe: {  	s12 =	sor.u32 $0x20, s8;
	s11 =	sadd.s32 s9, s5;
	s13 =	smax.u32 s0, $0x1  }
.LBB2_1:
0xf: {  	s0 =	simm.s32 $0x10200  }
0x10: {  	[tilespmem:s0], [sflag:$0x1] =	stream.linear.gather [hbm4b:s11+s7], $0x1000, $0x38;
	[tilespmem:$0x18200] =	vst v63  }
0x11: {  	s14 =	rddreg [dreg:$0x1]  }
0x12: {  	[tilespmem:s7], [sflag:$0x5] =	stream.linear.gather [hbm4b:s14+s7], $0x10000, $0x38;
	[tilespmem:$0x18200] =	vst v63  }
0x13: {  	_ =	swait.ge [sflag:s15], $0x10000  }
0x14: {  	[sflag:s15] =	ssyncset.done $0x0  }
0x15: {  	s16 =	simm.s32 $0x10000;
	[sflag:s15] =	ssyncadd.s32 $0xFFFF0000  }
0x16: {  	[tilespmem:s16], [sflag:$0x5] =	stream.linear.gather [hbm4b:s1+s7], $0x100, $0x38;
	[tilespmem:$0x18200] =	vst v63  }
0x17: {  	_ =	swait.ge [sflag:s15], $0x100  }
0x18: {  	[sflag:s15] =	ssyncset.done $0x0  }
0x19: {  	s17 =	simm.s32 $0x10100;
	[sflag:s15] =	ssyncadd.s32 $0xFFFFFF00  }
0x1a: {  	[tilespmem:s17], [sflag:$0x5] =	stream.linear.gather [hbm4b:s10+s7], $0x100, $0x38;
	[tilespmem:$0x18200] =	vst v63  }
0x1b: {  	_ =	swait.ge [sflag:s15], $0x100  }
0x1c: {  	[sflag:s15] =	ssyncset.done $0x0  }
0x1d: {  	[sflag:s15] =	ssyncadd.s32 $0xFFFFFF00  }
0x1e: {  	v0 =	vld [tilespmem:$0x10000]  }
0x1f: {  	v1 =	vld [tilespmem:$0x10010]  }
0x20: {  	v2 =	vld [tilespmem:$0x10020]  }
0x21: {  	v3 =	vld [tilespmem:$0x10030]  }
0x22: {  	v4 =	vld [tilespmem:$0x10040]  }
0x23: {  	v5 =	vld [tilespmem:$0x10050]  }
0x24: {  	v6 =	vld [tilespmem:$0x10060]  }
0x25: {  	v7 =	vld [tilespmem:$0x10070]  }
0x26: {  	v8 =	vld [tilespmem:$0x10080]  }
0x27: {  	v9 =	vld [tilespmem:$0x10090]  }
0x28: {  	v10 =	vld [tilespmem:$0x100A0]  }
0x29: {  	v11 =	vld [tilespmem:$0x100B0]  }
0x2a: {  	v12 =	vld [tilespmem:$0x100C0]  }
0x2b: {  	v13 =	vld [tilespmem:$0x100D0]  }
0x2c: {  	v14 =	vld [tilespmem:$0x100E0]  }
0x2d: {  	v15 =	vld [tilespmem:$0x100F0]  }
0x2e: {  	v16 =	vld [tilespmem:$0x10100]  }
0x2f: {  	v17 =	vld [tilespmem:$0x10110]  }
0x30: {  	v18 =	vld [tilespmem:$0x10120]  }
0x31: {  	v19 =	vld [tilespmem:$0x10130]  }
0x32: {  	v20 =	vld [tilespmem:$0x10140]  }
0x33: {  	v21 =	vld [tilespmem:$0x10150]  }
0x34: {  	v22 =	vld [tilespmem:$0x10160]  }
0x35: {  	v23 =	vld [tilespmem:$0x10170]  }
0x36: {  	v24 =	vld [tilespmem:$0x10180]  }
0x37: {  	v25 =	vld [tilespmem:$0x10190]  }
0x38: {  	v26 =	vld [tilespmem:$0x101A0]  }
0x39: {  	v27 =	vld [tilespmem:$0x101B0]  }
0x3a: {  	v28 =	vld [tilespmem:$0x101C0]  }
0x3b: {  	v29 =	vld [tilespmem:$0x101D0]  }
0x3c: {  	v30 =	vld [tilespmem:$0x101E0]  }
0x3d: {  	s31 =	simm.s32 $0x0;
	v31 =	vld [tilespmem:$0x101F0]  }
.LBB2_2:
0x3e: {  	s0 =	sshll.u32 s31, $0x5  }
0x3f: {  	s2 =	sadd.s32 s0, s8  }
0x40: {  	s2 =	sshll.u32 s2, $0x5  }
0x41: {  	s2 =	sadd.s32 s9, s2  }
0x42: {  	s2 =	sadd.s32 $0x200, s2  }
0x43: {  	[tilespmem:s18], [sflag:$0x2] =	stream.linear.gather [hbm4b:s2+s7], $0x1000, $0x38;
	[tilespmem:$0x18200] =	vst v63  }
0x44: {  	_ =	swait.ge [sflag:s19], $0x1000  }
0x45: {  	p0 =	seq.s32 s31, $0x0;
	[sflag:s19] =	ssyncset.done $0x0  }
0x46: {  	s14 =	simm.s32 @!p0 $0x3;
	[sflag:s19] =	ssyncadd.s32 $0xFFFFF000  }
0x47: {  	_ =	swait.ge @!p0 [sflag:s14], $0x1000  }
0x48: {  	[sflag:s14] =	ssyncset.done @!p0 $0x0  }
0x49: {  	[sflag:s14] =	ssyncadd.s32 @!p0 $0xFFFFF000  }
0x4a: {  	_ =	swait.ge @!p0 [sflag:s14], $0x1000  }
0x4b: {  	[sflag:s14] =	ssyncset.done @!p0 $0x0  }
0x4c: {  	[sflag:s14] =	ssyncadd.s32 @!p0 $0xFFFFF000  }
0x4d: {  	_ =	swait.ge @!p0 [sflag:s14], $0x1000  }
0x4e: {  	s5 =	sshll.u32 s31, $0x1;
	s16 =	simm.s32 $0x0;
	[sflag:s14] =	ssyncset.done @!p0 $0x0  }
0x4f: {  	p1 =	por $0x1, $0x1;
	s2 =	sor.u32 s8, s0;
	[sflag:s14] =	ssyncadd.s32 @!p0 $0xFFFFF000  }
.LBB2_3:
0x50: {  	s14 =	sshll.u32 s16, $0x8  }
0x51: {  	v32 =	vld [tilespmem:s14+$0x10200];
	_ =	sdelay $0x4  }
0x52: {  	v33 =	vshra.s32 v32, $0x6;
	_ =	sdelay $0x4  }
0x53: {  	v33 =	vld.idx.msk [tilespmem:v33+s7+$0x0], $0xffff;
	_ =	sdelay $0x2  }
0x54: {  	v35 =	vld [tilespmem:s14+$0x10210];
	v34 =	vshrl.u32 v32, $0x1  }
0x55: {  	v34 =	vand.u32 $0x1F, v34  }
0x56: {  	v33 =	vshrl.u32 v33, v34  }
0x57: {  	v32 =	vand.u32 v33, v32  }
0x58: {  	s16 =	sor.u32 s2, s16;
	v33 =	vand.u32 $0x1, v32  }
0x59: {  	v53 =	vshra.s32 v35, $0x6;
	v32 =	vmov s16;
	vm0 =	veq.s32 v33, $0x0  }
0x5a: {  	v54 =	vsel vm0, $0xFFFFFFFF, v32  }
0x5b: {  	v55 =	vsel vm0, $0x0, v0;
	[tilespmem:s14+$0x12200] =	vst v54  }
0x5c: {  	v56 =	vsel vm0, $0x0, v16;
	[tilespmem:s14+$0x14200] =	vst v55  }
0x5d: {  	[tilespmem:s14+$0x16200] =	vst v56  }
0x5e: {  	v33 =	vld.idx.msk [tilespmem:v53+s7+$0x0], $0xffff;
	_ =	sdelay $0x2  }
0x5f: {  	v36 =	vld [tilespmem:s14+$0x10220];
	v57 =	vshrl.u32 v35, $0x1  }
0x60: {  	v34 =	vand.u32 $0x1F, v57  }
0x61: {  	v33 =	vshrl.u32 v33, v34  }
0x62: {  	v33 =	vand.u32 v33, v35  }
0x63: {  	v33 =	vand.u32 $0x1, v33  }
0x64: {  	v58 =	vshra.s32 v36, $0x6;
	vm11 =	veq.s32 v33, $0x0  }
0x65: {  	v59 =	vsel vm11, $0xFFFFFFFF, v32  }
0x66: {  	v60 =	vsel vm11, $0x0, v1;
	[tilespmem:s14+$0x12210] =	vst v59  }
0x67: {  	v61 =	vsel vm11, $0x0, v17;
	[tilespmem:s14+$0x14210] =	vst v60  }
0x68: {  	[tilespmem:s14+$0x16210] =	vst v61  }
0x69: {  	v33 =	vld.idx.msk [tilespmem:v58+s7+$0x0], $0xffff;
	_ =	sdelay $0x2  }
0x6a: {  	v63 =	vld [tilespmem:s14+$0x10230];
	v62 =	vshrl.u32 v36, $0x1  }
0x6b: {  	v34 =	vand.u32 $0x1F, v62  }
0x6c: {  	v33 =	vshrl.u32 v33, v34  }
0x6d: {  	v33 =	vand.u32 v33, v36  }
0x6e: {  	v33 =	vand.u32 $0x1, v33  }
0x6f: {  	v39 =	vshra.s32 v63, $0x6;
	vm12 =	veq.s32 v33, $0x0  }
0x70: {  	v40 =	vsel vm12, $0xFFFFFFFF, v32  }
0x71: {  	v41 =	vsel vm12, $0x0, v2;
	[tilespmem:s14+$0x12220] =	vst v40  }
0x72: {  	v42 =	vsel vm12, $0x0, v18;
	[tilespmem:s14+$0x14220] =	vst v41  }
0x73: {  	[tilespmem:s14+$0x16220] =	vst v42  }
0x74: {  	v33 =	vld.idx.msk [tilespmem:v39+s7+$0x0], $0xffff;
	_ =	sdelay $0x2  }
0x75: {  	v44 =	vld [tilespmem:s14+$0x10240];
	v43 =	vshrl.u32 v63, $0x1  }
0x76: {  	v34 =	vand.u32 $0x1F, v43  }
0x77: {  	v33 =	vshrl.u32 v33, v34  }
0x78: {  	v45 =	vld [tilespmem:s14+$0x10280];
	v33 =	vand.u32 v33, v63  }
0x79: {  	v33 =	vand.u32 $0x1, v33  }
0x7a: {  	v46 =	vshra.s32 v44, $0x6;
	vm13 =	veq.s32 v33, $0x0  }
0x7b: {  	v47 =	vsel vm13, $0xFFFFFFFF, v32  }
0x7c: {  	v48 =	vsel vm13, $0x0, v3;
	[tilespmem:s14+$0x12230] =	vst v47  }
0x7d: {  	v37 =	vshra.s32 v45, $0x6;
	v49 =	vsel vm13, $0x0, v19;
	[tilespmem:s14+$0x14230] =	vst v48  }
0x7e: {  	[tilespmem:s14+$0x16230] =	vst v49  }
0x7f: {  	v33 =	vld.idx.msk [tilespmem:v46+s7+$0x0], $0xffff;
	_ =	sdelay $0x1  }
0x80: {  	v38 =	vld [tilespmem:s14+$0x10250]  }
0x81: {  	v50 =	vshrl.u32 v44, $0x1;
	v37 =	vld.idx.msk [tilespmem:v37+s7+$0x0], $0xffff  }
0x82: {  	v35 =	vand.u32 $0x1F, v50  }
0x83: {  	v52 =	vld [tilespmem:s14+$0x10290];
	v33 =	vshrl.u32 v33, v35  }
0x84: {  	v51 =	vshrl.u32 v45, $0x1;
	v33 =	vand.u32 v33, v44  }
0x85: {  	v35 =	vand.u32 $0x1F, v51;
	v33 =	vand.u32 $0x1, v33  }
0x86: {  	v53 =	vshra.s32 v38, $0x6;
	v35 =	vshrl.u32 v37, v35;
	vm14 =	veq.s32 v33, $0x0  }
0x87: {  	v34 =	vand.u32 v35, v45;
	v54 =	vsel vm14, $0xFFFFFFFF, v32  }
0x88: {  	s17 =	sor.u32 $0x1, s16;
	v57 =	vshra.s32 v52, $0x6;
	v34 =	vand.u32 $0x1, v34;
	v55 =	vsel vm14, $0x0, v4;
	[tilespmem:s14+$0x12240] =	vst v54  }
0x89: {  	v35 =	vmov s17;
	v56 =	vsel vm14, $0x0, v20;
	vm15 =	veq.s32 v34, $0x0;
	[tilespmem:s14+$0x14240] =	vst v55  }
0x8a: {  	[tilespmem:s14+$0x16240] =	vst v56;
	v58 =	vsel vm15, $0xFFFFFFFF, v35  }
0x8b: {  	v59 =	vsel vm15, $0x0, v0;
	v33 =	vld.idx.msk [tilespmem:v53+s7+$0x0], $0xffff;
	[tilespmem:s14+$0x12280] =	vst v58  }
0x8c: {  	v60 =	vsel vm15, $0x0, v16;
	[tilespmem:s14+$0x14280] =	vst v59  }
0x8d: {  	v39 =	vld [tilespmem:s14+$0x10260];
	[tilespmem:s14+$0x16280] =	vst v60  }
0x8e: {  	v61 =	vshrl.u32 v38, $0x1;
	v34 =	vld.idx.msk [tilespmem:v57+s7+$0x0], $0xffff  }
0x8f: {  	v37 =	vand.u32 $0x1F, v61  }
0x90: {  	v33 =	vshrl.u32 v33, v37  }
0x91: {  	v62 =	vshrl.u32 v52, $0x1;
	v63 =	vld [tilespmem:s14+$0x102A0];
	v33 =	vand.u32 v33, v38  }
0x92: {  	v37 =	vand.u32 $0x1F, v62;
	v33 =	vand.u32 $0x1, v33  }
0x93: {  	v40 =	vshra.s32 v39, $0x6;
	v34 =	vshrl.u32 v34, v37;
	vm4 =	veq.s32 v33, $0x0  }
0x94: {  	v34 =	vand.u32 v34, v52;
	v41 =	vsel vm4, $0xFFFFFFFF, v32  }
0x95: {  	v34 =	vand.u32 $0x1, v34;
	v42 =	vsel vm4, $0x0, v5;
	[tilespmem:s14+$0x12250] =	vst v41  }
0x96: {  	v44 =	vshra.s32 v63, $0x6;
	v43 =	vsel vm4, $0x0, v21;
	vm5 =	veq.s32 v34, $0x0;
	[tilespmem:s14+$0x14250] =	vst v42  }
0x97: {  	[tilespmem:s14+$0x16250] =	vst v43;
	v45 =	vsel vm5, $0xFFFFFFFF, v35  }
0x98: {  	v46 =	vsel vm5, $0x0, v1;
	v33 =	vld.idx.msk [tilespmem:v40+s7+$0x0], $0xffff;
	[tilespmem:s14+$0x12290] =	vst v45  }
0x99: {  	v47 =	vsel vm5, $0x0, v17;
	[tilespmem:s14+$0x14290] =	vst v46  }
0x9a: {  	v48 =	vld [tilespmem:s14+$0x10270];
	[tilespmem:s14+$0x16290] =	vst v47  }
0x9b: {  	v49 =	vshrl.u32 v39, $0x1;
	v34 =	vld.idx.msk [tilespmem:v44+s7+$0x0], $0xffff  }
0x9c: {  	v36 =	vand.u32 $0x1F, v49  }
0x9d: {  	v33 =	vshrl.u32 v33, v36  }
0x9e: {  	v50 =	vshrl.u32 v63, $0x1;
	v51 =	vld [tilespmem:s14+$0x102B0];
	v33 =	vand.u32 v33, v39  }
0x9f: {  	v36 =	vand.u32 $0x1F, v50;
	v33 =	vand.u32 $0x1, v33  }
0xa0: {  	v52 =	vshra.s32 v48, $0x6;
	v34 =	vshrl.u32 v34, v36;
	vm6 =	veq.s32 v33, $0x0  }
0xa1: {  	v34 =	vand.u32 v34, v63;
	v53 =	vsel vm6, $0xFFFFFFFF, v32  }
0xa2: {  	v34 =	vand.u32 $0x1, v34;
	v54 =	vsel vm6, $0x0, v6;
	[tilespmem:s14+$0x12260] =	vst v53  }
0xa3: {  	v56 =	vshra.s32 v51, $0x6;
	v55 =	vsel vm6, $0x0, v22;
	vm7 =	veq.s32 v34, $0x0;
	[tilespmem:s14+$0x14260] =	vst v54  }
0xa4: {  	[tilespmem:s14+$0x16260] =	vst v55;
	v57 =	vsel vm7, $0xFFFFFFFF, v35  }
0xa5: {  	v58 =	vsel vm7, $0x0, v2;
	v33 =	vld.idx.msk [tilespmem:v52+s7+$0x0], $0xffff;
	[tilespmem:s14+$0x122A0] =	vst v57  }
0xa6: {  	v59 =	vsel vm7, $0x0, v18;
	[tilespmem:s14+$0x142A0] =	vst v58  }
0xa7: {  	v60 =	vld [tilespmem:s14+$0x10600];
	[tilespmem:s14+$0x162A0] =	vst v59  }
0xa8: {  	v61 =	vshrl.u32 v48, $0x1;
	v34 =	vld.idx.msk [tilespmem:v56+s7+$0x0], $0xffff  }
0xa9: {  	v36 =	vand.u32 $0x1F, v61  }
0xaa: {  	v33 =	vshrl.u32 v33, v36  }
0xab: {  	v62 =	vshrl.u32 v51, $0x1;
	v63 =	vld [tilespmem:s14+$0x102C0];
	v33 =	vand.u32 v33, v48  }
0xac: {  	v36 =	vand.u32 $0x1F, v62;
	v33 =	vand.u32 $0x1, v33  }
0xad: {  	v40 =	vshra.s32 v60, $0x6;
	v34 =	vshrl.u32 v34, v36;
	vm8 =	veq.s32 v33, $0x0  }
0xae: {  	v34 =	vand.u32 v34, v51;
	v41 =	vsel vm8, $0xFFFFFFFF, v32  }
0xaf: {  	v34 =	vand.u32 $0x1, v34;
	v42 =	vsel vm8, $0x0, v7;
	[tilespmem:s14+$0x12270] =	vst v41  }
0xb0: {  	v44 =	vshra.s32 v63, $0x6;
	v43 =	vsel vm8, $0x0, v23;
	vm9 =	veq.s32 v34, $0x0;
	[tilespmem:s14+$0x14270] =	vst v42  }
0xb1: {  	[tilespmem:s14+$0x16270] =	vst v43;
	v45 =	vsel vm9, $0xFFFFFFFF, v35  }
0xb2: {  	v46 =	vsel vm9, $0x0, v3;
	v33 =	vld.idx.msk [tilespmem:v40+s7+$0x0], $0xffff;
	[tilespmem:s14+$0x122B0] =	vst v45  }
0xb3: {  	v47 =	vsel vm9, $0x0, v19;
	[tilespmem:s14+$0x142B0] =	vst v46  }
0xb4: {  	v48 =	vld [tilespmem:s14+$0x10610];
	[tilespmem:s14+$0x162B0] =	vst v47  }
0xb5: {  	v49 =	vshrl.u32 v60, $0x1;
	v34 =	vld.idx.msk [tilespmem:v44+s7+$0x0], $0xffff  }
0xb6: {  	v36 =	vand.u32 $0x1F, v49  }
0xb7: {  	v33 =	vshrl.u32 v33, v36  }
0xb8: {  	v50 =	vshrl.u32 v63, $0x1;
	v51 =	vld [tilespmem:s14+$0x102D0];
	v33 =	vand.u32 v33, v60  }
0xb9: {  	v36 =	vand.u32 $0x1F, v50;
	v33 =	vand.u32 $0x1, v33  }
0xba: {  	v52 =	vshra.s32 v48, $0x6;
	v34 =	vshrl.u32 v34, v36;
	vm10 =	veq.s32 v33, $0x0  }
0xbb: {  	v34 =	vand.u32 v34, v63;
	v53 =	vsel vm10, $0xFFFFFFFF, v32  }
0xbc: {  	v34 =	vand.u32 $0x1, v34;
	v54 =	vsel vm10, $0x0, v8;
	[tilespmem:s14+$0x12600] =	vst v53  }
0xbd: {  	v56 =	vshra.s32 v51, $0x6;
	v55 =	vsel vm10, $0x0, v24;
	vm11 =	veq.s32 v34, $0x0;
	[tilespmem:s14+$0x14600] =	vst v54  }
0xbe: {  	[tilespmem:s14+$0x16600] =	vst v55;
	v57 =	vsel vm11, $0xFFFFFFFF, v35  }
0xbf: {  	v58 =	vsel vm11, $0x0, v4;
	v33 =	vld.idx.msk [tilespmem:v52+s7+$0x0], $0xffff;
	[tilespmem:s14+$0x122C0] =	vst v57  }
0xc0: {  	v59 =	vsel vm11, $0x0, v20;
	[tilespmem:s14+$0x142C0] =	vst v58  }
0xc1: {  	v60 =	vld [tilespmem:s14+$0x10620];
	[tilespmem:s14+$0x162C0] =	vst v59  }
0xc2: {  	v61 =	vshrl.u32 v48, $0x1;
	v34 =	vld.idx.msk [tilespmem:v56+s7+$0x0], $0xffff  }
0xc3: {  	v36 =	vand.u32 $0x1F, v61  }
0xc4: {  	v33 =	vshrl.u32 v33, v36  }
0xc5: {  	v62 =	vshrl.u32 v51, $0x1;
	v63 =	vld [tilespmem:s14+$0x102E0];
	v33 =	vand.u32 v33, v48  }
0xc6: {  	v36 =	vand.u32 $0x1F, v62;
	v33 =	vand.u32 $0x1, v33  }
0xc7: {  	v40 =	vshra.s32 v60, $0x6;
	v34 =	vshrl.u32 v34, v36;
	vm12 =	veq.s32 v33, $0x0  }
0xc8: {  	v34 =	vand.u32 v34, v51;
	v41 =	vsel vm12, $0xFFFFFFFF, v32  }
0xc9: {  	v34 =	vand.u32 $0x1, v34;
	v42 =	vsel vm12, $0x0, v9;
	[tilespmem:s14+$0x12610] =	vst v41  }
0xca: {  	v44 =	vshra.s32 v63, $0x6;
	v43 =	vsel vm12, $0x0, v25;
	vm13 =	veq.s32 v34, $0x0;
	[tilespmem:s14+$0x14610] =	vst v42  }
0xcb: {  	[tilespmem:s14+$0x16610] =	vst v43;
	v45 =	vsel vm13, $0xFFFFFFFF, v35  }
0xcc: {  	v46 =	vsel vm13, $0x0, v5;
	v33 =	vld.idx.msk [tilespmem:v40+s7+$0x0], $0xffff;
	[tilespmem:s14+$0x122D0] =	vst v45  }
0xcd: {  	v47 =	vsel vm13, $0x0, v21;
	[tilespmem:s14+$0x142D0] =	vst v46  }
0xce: {  	v48 =	vld [tilespmem:s14+$0x10630];
	[tilespmem:s14+$0x162D0] =	vst v47  }
0xcf: {  	v49 =	vshrl.u32 v60, $0x1;
	v34 =	vld.idx.msk [tilespmem:v44+s7+$0x0], $0xffff  }
0xd0: {  	v36 =	vand.u32 $0x1F, v49  }
0xd1: {  	v33 =	vshrl.u32 v33, v36  }
0xd2: {  	v50 =	vshrl.u32 v63, $0x1;
	v51 =	vld [tilespmem:s14+$0x102F0];
	v33 =	vand.u32 v33, v60  }
0xd3: {  	v36 =	vand.u32 $0x1F, v50;
	v33 =	vand.u32 $0x1, v33  }
0xd4: {  	v52 =	vshra.s32 v48, $0x6;
	v34 =	vshrl.u32 v34, v36;
	vm14 =	veq.s32 v33, $0x0  }
0xd5: {  	v34 =	vand.u32 v34, v63;
	v53 =	vsel vm14, $0xFFFFFFFF, v32  }
0xd6: {  	v34 =	vand.u32 $0x1, v34;
	v54 =	vsel vm14, $0x0, v10;
	[tilespmem:s14+$0x12620] =	vst v53  }
0xd7: {  	v56 =	vshra.s32 v51, $0x6;
	v55 =	vsel vm14, $0x0, v26;
	vm15 =	veq.s32 v34, $0x0;
	[tilespmem:s14+$0x14620] =	vst v54  }
0xd8: {  	[tilespmem:s14+$0x16620] =	vst v55;
	v57 =	vsel vm15, $0xFFFFFFFF, v35  }
0xd9: {  	v58 =	vsel vm15, $0x0, v6;
	v33 =	vld.idx.msk [tilespmem:v52+s7+$0x0], $0xffff;
	[tilespmem:s14+$0x122E0] =	vst v57  }
0xda: {  	v59 =	vsel vm15, $0x0, v22;
	[tilespmem:s14+$0x142E0] =	vst v58  }
0xdb: {  	v60 =	vld [tilespmem:s14+$0x10640];
	[tilespmem:s14+$0x162E0] =	vst v59  }
0xdc: {  	v61 =	vshrl.u32 v48, $0x1;
	v34 =	vld.idx.msk [tilespmem:v56+s7+$0x0], $0xffff  }
0xdd: {  	v36 =	vand.u32 $0x1F, v61  }
0xde: {  	v33 =	vshrl.u32 v33, v36  }
0xdf: {  	v62 =	vshrl.u32 v51, $0x1;
	v63 =	vld [tilespmem:s14+$0x10680];
	v33 =	vand.u32 v33, v48  }
0xe0: {  	v36 =	vand.u32 $0x1F, v62;
	v33 =	vand.u32 $0x1, v33  }
0xe1: {  	v40 =	vshra.s32 v60, $0x6;
	v34 =	vshrl.u32 v34, v36;
	vm4 =	veq.s32 v33, $0x0  }
0xe2: {  	v34 =	vand.u32 v34, v51;
	v41 =	vsel vm4, $0xFFFFFFFF, v32  }
0xe3: {  	v34 =	vand.u32 $0x1, v34;
	v42 =	vsel vm4, $0x0, v11;
	[tilespmem:s14+$0x12630] =	vst v41  }
0xe4: {  	v44 =	vshra.s32 v63, $0x6;
	v43 =	vsel vm4, $0x0, v27;
	vm5 =	veq.s32 v34, $0x0;
	[tilespmem:s14+$0x14630] =	vst v42  }
0xe5: {  	[tilespmem:s14+$0x16630] =	vst v43;
	v45 =	vsel vm5, $0xFFFFFFFF, v35  }
0xe6: {  	v46 =	vsel vm5, $0x0, v7;
	v33 =	vld.idx.msk [tilespmem:v40+s7+$0x0], $0xffff;
	[tilespmem:s14+$0x122F0] =	vst v45  }
0xe7: {  	v47 =	vsel vm5, $0x0, v23;
	[tilespmem:s14+$0x142F0] =	vst v46  }
0xe8: {  	v48 =	vld [tilespmem:s14+$0x10650];
	[tilespmem:s14+$0x162F0] =	vst v47  }
0xe9: {  	v49 =	vshrl.u32 v60, $0x1;
	v34 =	vld.idx.msk [tilespmem:v44+s7+$0x0], $0xffff  }
0xea: {  	v36 =	vand.u32 $0x1F, v49  }
0xeb: {  	v33 =	vshrl.u32 v33, v36  }
0xec: {  	v50 =	vshrl.u32 v63, $0x1;
	v51 =	vld [tilespmem:s14+$0x10690];
	v33 =	vand.u32 v33, v60  }
0xed: {  	v36 =	vand.u32 $0x1F, v50;
	v33 =	vand.u32 $0x1, v33  }
0xee: {  	v52 =	vshra.s32 v48, $0x6;
	v34 =	vshrl.u32 v34, v36;
	vm6 =	veq.s32 v33, $0x0  }
0xef: {  	v34 =	vand.u32 v34, v63;
	v53 =	vsel vm6, $0xFFFFFFFF, v32  }
0xf0: {  	v34 =	vand.u32 $0x1, v34;
	v54 =	vsel vm6, $0x0, v12;
	[tilespmem:s14+$0x12640] =	vst v53  }
0xf1: {  	v56 =	vshra.s32 v51, $0x6;
	v55 =	vsel vm6, $0x0, v28;
	vm7 =	veq.s32 v34, $0x0;
	[tilespmem:s14+$0x14640] =	vst v54  }
0xf2: {  	[tilespmem:s14+$0x16640] =	vst v55;
	v57 =	vsel vm7, $0xFFFFFFFF, v35  }
0xf3: {  	v58 =	vsel vm7, $0x0, v8;
	v33 =	vld.idx.msk [tilespmem:v52+s7+$0x0], $0xffff;
	[tilespmem:s14+$0x12680] =	vst v57  }
0xf4: {  	v59 =	vsel vm7, $0x0, v24;
	[tilespmem:s14+$0x14680] =	vst v58  }
0xf5: {  	v60 =	vld [tilespmem:s14+$0x10660];
	[tilespmem:s14+$0x16680] =	vst v59  }
0xf6: {  	v61 =	vshrl.u32 v48, $0x1;
	v34 =	vld.idx.msk [tilespmem:v56+s7+$0x0], $0xffff  }
0xf7: {  	v36 =	vand.u32 $0x1F, v61  }
0xf8: {  	v33 =	vshrl.u32 v33, v36  }
0xf9: {  	v62 =	vshrl.u32 v51, $0x1;
	v63 =	vld [tilespmem:s14+$0x106A0];
	v33 =	vand.u32 v33, v48  }
0xfa: {  	v36 =	vand.u32 $0x1F, v62;
	v33 =	vand.u32 $0x1, v33  }
0xfb: {  	v40 =	vshra.s32 v60, $0x6;
	v34 =	vshrl.u32 v34, v36;
	vm8 =	veq.s32 v33, $0x0  }
0xfc: {  	v34 =	vand.u32 v34, v51;
	v41 =	vsel vm8, $0xFFFFFFFF, v32  }
0xfd: {  	v34 =	vand.u32 $0x1, v34;
	v42 =	vsel vm8, $0x0, v13;
	[tilespmem:s14+$0x12650] =	vst v41  }
0xfe: {  	v44 =	vshra.s32 v63, $0x6;
	v43 =	vsel vm8, $0x0, v29;
	vm9 =	veq.s32 v34, $0x0;
	[tilespmem:s14+$0x14650] =	vst v42  }
0xff: {  	[tilespmem:s14+$0x16650] =	vst v43;
	v45 =	vsel vm9, $0xFFFFFFFF, v35  }
0x100: {  	v46 =	vsel vm9, $0x0, v9;
	v33 =	vld.idx.msk [tilespmem:v40+s7+$0x0], $0xffff;
	[tilespmem:s14+$0x12690] =	vst v45  }
0x101: {  	v47 =	vsel vm9, $0x0, v25;
	[tilespmem:s14+$0x14690] =	vst v46  }
0x102: {  	v48 =	vld [tilespmem:s14+$0x10670];
	[tilespmem:s14+$0x16690] =	vst v47  }
0x103: {  	v49 =	vshrl.u32 v60, $0x1;
	v34 =	vld.idx.msk [tilespmem:v44+s7+$0x0], $0xffff  }
0x104: {  	v36 =	vand.u32 $0x1F, v49  }
0x105: {  	v33 =	vshrl.u32 v33, v36  }
0x106: {  	v50 =	vshrl.u32 v63, $0x1;
	v51 =	vld [tilespmem:s14+$0x106B0];
	v33 =	vand.u32 v33, v60  }
0x107: {  	v36 =	vand.u32 $0x1F, v50;
	v33 =	vand.u32 $0x1, v33  }
0x108: {  	v52 =	vshra.s32 v48, $0x6;
	v34 =	vshrl.u32 v34, v36;
	vm10 =	veq.s32 v33, $0x0  }
0x109: {  	v34 =	vand.u32 v34, v63;
	v53 =	vsel vm10, $0xFFFFFFFF, v32  }
0x10a: {  	v34 =	vand.u32 $0x1, v34;
	v54 =	vsel vm10, $0x0, v14;
	[tilespmem:s14+$0x12660] =	vst v53  }
0x10b: {  	v56 =	vshra.s32 v51, $0x6;
	v55 =	vsel vm10, $0x0, v30;
	vm11 =	veq.s32 v34, $0x0;
	[tilespmem:s14+$0x14660] =	vst v54  }
0x10c: {  	[tilespmem:s14+$0x16660] =	vst v55;
	v57 =	vsel vm11, $0xFFFFFFFF, v35  }
0x10d: {  	v58 =	vsel vm11, $0x0, v10;
	v33 =	vld.idx.msk [tilespmem:v52+s7+$0x0], $0xffff;
	[tilespmem:s14+$0x126A0] =	vst v57  }
0x10e: {  	v59 =	vsel vm11, $0x0, v26;
	[tilespmem:s14+$0x146A0] =	vst v58  }
0x10f: {  	[tilespmem:s14+$0x166A0] =	vst v59  }
0x110: {  	v60 =	vshrl.u32 v48, $0x1;
	v34 =	vld.idx.msk [tilespmem:v56+s7+$0x0], $0xffff  }
0x111: {  	v36 =	vand.u32 $0x1F, v60  }
0x112: {  	v33 =	vshrl.u32 v33, v36  }
0x113: {  	v61 =	vshrl.u32 v51, $0x1;
	v33 =	vand.u32 v33, v48  }
0x114: {  	v36 =	vand.u32 $0x1F, v61;
	v33 =	vand.u32 $0x1, v33  }
0x115: {  	v62 =	vshrl.u32 v34, v36;
	vm12 =	veq.s32 v33, $0x0  }
0x116: {  	v33 =	vand.u32 v62, v51;
	v32 =	vsel vm12, $0xFFFFFFFF, v32  }
0x117: {  	v63 =	vsel vm12, $0x0, v15;
	v33 =	vand.u32 $0x1, v33;
	[tilespmem:s14+$0x12670] =	vst v32  }
0x118: {  	v36 =	vsel vm12, $0x0, v31;
	[tilespmem:s14+$0x14670] =	vst v63;
	vm13 =	veq.s32 v33, $0x0  }
0x119: {  	[tilespmem:s14+$0x16670] =	vst v36;
	v37 =	vsel vm13, $0xFFFFFFFF, v35  }
0x11a: {  	v38 =	vsel vm13, $0x0, v11;
	[tilespmem:s14+$0x126B0] =	vst v37  }
0x11b: {  	v39 =	vsel vm13, $0x0, v27;
	[tilespmem:s14+$0x146B0] =	vst v38  }
0x11c: {  	[tilespmem:s14+$0x166B0] =	vst v39  }
0x11d: {  	v36 =	vld [tilespmem:s14+$0x106C0]  }
0x11e: {  	v40 =	vld [tilespmem:s14+$0x10300];
	_ =	sdelay $0x4  }
0x11f: {  	v41 =	vshra.s32 v40, $0x6;
	_ =	sdelay $0x4  }
0x120: {  	v33 =	vld.idx.msk [tilespmem:v41+s7+$0x0], $0xffff;
	_ =	sdelay $0x2  }
0x121: {  	v43 =	vld [tilespmem:s14+$0x10310];
	v42 =	vshrl.u32 v40, $0x1  }
0x122: {  	v34 =	vand.u32 $0x1F, v42  }
0x123: {  	v33 =	vshrl.u32 v33, v34  }
0x124: {  	v32 =	vand.u32 v33, v40  }
0x125: {  	s17 =	sor.u32 $0x2, s16;
	v32 =	vand.u32 $0x1, v32  }
0x126: {  	v44 =	vshra.s32 v43, $0x6;
	v34 =	vmov s17;
	vm14 =	veq.s32 v32, $0x0  }
0x127: {  	v45 =	vsel vm14, $0xFFFFFFFF, v34  }
0x128: {  	v46 =	vsel vm14, $0x0, v0;
	[tilespmem:s14+$0x12300] =	vst v45  }
0x129: {  	v47 =	vsel vm14, $0x0, v16;
	[tilespmem:s14+$0x14300] =	vst v46  }
0x12a: {  	[tilespmem:s14+$0x16300] =	vst v47  }
0x12b: {  	v32 =	vld.idx.msk [tilespmem:v44+s7+$0x0], $0xffff;
	_ =	sdelay $0x2  }
0x12c: {  	v49 =	vld [tilespmem:s14+$0x10320];
	v48 =	vshrl.u32 v43, $0x1  }
0x12d: {  	v33 =	vand.u32 $0x1F, v48  }
0x12e: {  	v32 =	vshrl.u32 v32, v33  }
0x12f: {  	v32 =	vand.u32 v32, v43  }
0x130: {  	v32 =	vand.u32 $0x1, v32  }
0x131: {  	v50 =	vshra.s32 v49, $0x6;
	vm15 =	veq.s32 v32, $0x0  }
0x132: {  	v51 =	vsel vm15, $0xFFFFFFFF, v34  }
0x133: {  	v52 =	vsel vm15, $0x0, v1;
	[tilespmem:s14+$0x12310] =	vst v51  }
0x134: {  	v53 =	vsel vm15, $0x0, v17;
	[tilespmem:s14+$0x14310] =	vst v52  }
0x135: {  	[tilespmem:s14+$0x16310] =	vst v53  }
0x136: {  	v32 =	vld.idx.msk [tilespmem:v50+s7+$0x0], $0xffff;
	_ =	sdelay $0x2  }
0x137: {  	v55 =	vld [tilespmem:s14+$0x10330];
	v54 =	vshrl.u32 v49, $0x1  }
0x138: {  	v33 =	vand.u32 $0x1F, v54  }
0x139: {  	v32 =	vshrl.u32 v32, v33  }
0x13a: {  	v32 =	vand.u32 v32, v49  }
0x13b: {  	v32 =	vand.u32 $0x1, v32  }
0x13c: {  	v56 =	vshra.s32 v55, $0x6;
	vm4 =	veq.s32 v32, $0x0  }
0x13d: {  	v57 =	vsel vm4, $0xFFFFFFFF, v34  }
0x13e: {  	v58 =	vsel vm4, $0x0, v2;
	[tilespmem:s14+$0x12320] =	vst v57  }
0x13f: {  	v59 =	vsel vm4, $0x0, v18;
	[tilespmem:s14+$0x14320] =	vst v58  }
0x140: {  	[tilespmem:s14+$0x16320] =	vst v59  }
0x141: {  	v32 =	vld.idx.msk [tilespmem:v56+s7+$0x0], $0xffff;
	_ =	sdelay $0x2  }
0x142: {  	v61 =	vld [tilespmem:s14+$0x10340];
	v60 =	vshrl.u32 v55, $0x1  }
0x143: {  	v33 =	vand.u32 $0x1F, v60  }
0x144: {  	v32 =	vshrl.u32 v32, v33  }
0x145: {  	v62 =	vld [tilespmem:s14+$0x10380];
	v32 =	vand.u32 v32, v55  }
0x146: {  	v32 =	vand.u32 $0x1, v32  }
0x147: {  	v63 =	vshra.s32 v61, $0x6;
	vm5 =	veq.s32 v32, $0x0  }
0x148: {  	v42 =	vsel vm5, $0xFFFFFFFF, v34  }
0x149: {  	v43 =	vsel vm5, $0x0, v3;
	[tilespmem:s14+$0x12330] =	vst v42  }
0x14a: {  	v45 =	vshra.s32 v62, $0x6;
	v44 =	vsel vm5, $0x0, v19;
	[tilespmem:s14+$0x14330] =	vst v43  }
0x14b: {  	[tilespmem:s14+$0x16330] =	vst v44  }
0x14c: {  	v32 =	vld.idx.msk [tilespmem:v63+s7+$0x0], $0xffff;
	_ =	sdelay $0x1  }
0x14d: {  	v46 =	vld [tilespmem:s14+$0x10350]  }
0x14e: {  	v40 =	vshrl.u32 v61, $0x1;
	v39 =	vld.idx.msk [tilespmem:v45+s7+$0x0], $0xffff  }
0x14f: {  	v40 =	vand.u32 $0x1F, v40  }
0x150: {  	v48 =	vld [tilespmem:s14+$0x10390];
	v32 =	vshrl.u32 v32, v40  }
0x151: {  	v47 =	vshrl.u32 v62, $0x1;
	v32 =	vand.u32 v32, v61  }
0x152: {  	v38 =	vand.u32 $0x1F, v47;
	v32 =	vand.u32 $0x1, v32  }
0x153: {  	v41 =	vshra.s32 v46, $0x6;
	v49 =	vshrl.u32 v39, v38;
	vm6 =	veq.s32 v32, $0x0  }
0x154: {  	v32 =	vand.u32 v49, v62;
	v50 =	vsel vm6, $0xFFFFFFFF, v34  }
0x155: {  	s17 =	sor.u32 $0x3, s16;
	v54 =	vshra.s32 v48, $0x6;
	v51 =	vsel vm6, $0x0, v4;
	v53 =	vand.u32 $0x1, v32;
	[tilespmem:s14+$0x12340] =	vst v50  }
0x156: {  	v52 =	vsel vm6, $0x0, v20;
	v32 =	vmov s17;
	[tilespmem:s14+$0x14340] =	vst v51;
	vm7 =	veq.s32 v53, $0x0  }
0x157: {  	[tilespmem:s14+$0x16340] =	vst v52;
	v55 =	vsel vm7, $0xFFFFFFFF, v32  }
0x158: {  	v56 =	vld.idx.msk [tilespmem:v41+s7+$0x0], $0xffff;
	v57 =	vsel vm7, $0x0, v0;
	[tilespmem:s14+$0x12380] =	vst v55  }
0x159: {  	v58 =	vsel vm7, $0x0, v16;
	[tilespmem:s14+$0x14380] =	vst v57  }
0x15a: {  	v59 =	vld [tilespmem:s14+$0x10360];
	[tilespmem:s14+$0x16380] =	vst v58  }
0x15b: {  	v60 =	vshrl.u32 v46, $0x1;
	v33 =	vld.idx.msk [tilespmem:v54+s7+$0x0], $0xffff  }
0x15c: {  	v38 =	vand.u32 $0x1F, v60  }
0x15d: {  	v38 =	vshrl.u32 v56, v38  }
0x15e: {  	v61 =	vshrl.u32 v48, $0x1;
	v62 =	vld [tilespmem:s14+$0x103A0];
	v37 =	vand.u32 v38, v46  }
0x15f: {  	v38 =	vand.u32 $0x1F, v61;
	v37 =	vand.u32 $0x1, v37  }
0x160: {  	v63 =	vshra.s32 v59, $0x6;
	v33 =	vshrl.u32 v33, v38;
	vm8 =	veq.s32 v37, $0x0  }
0x161: {  	v33 =	vand.u32 v33, v48;
	v42 =	vsel vm8, $0xFFFFFFFF, v34  }
0x162: {  	v43 =	vsel vm8, $0x0, v5;
	v33 =	vand.u32 $0x1, v33;
	[tilespmem:s14+$0x12350] =	vst v42  }
0x163: {  	v45 =	vshra.s32 v62, $0x6;
	v44 =	vsel vm8, $0x0, v21;
	[tilespmem:s14+$0x14350] =	vst v43;
	vm9 =	veq.s32 v33, $0x0  }
0x164: {  	[tilespmem:s14+$0x16350] =	vst v44;
	v46 =	vsel vm9, $0xFFFFFFFF, v32  }
0x165: {  	v37 =	vld.idx.msk [tilespmem:v63+s7+$0x0], $0xffff;
	v47 =	vsel vm9, $0x0, v1;
	[tilespmem:s14+$0x12390] =	vst v46  }
0x166: {  	v48 =	vsel vm9, $0x0, v17;
	[tilespmem:s14+$0x14390] =	vst v47  }
0x167: {  	v49 =	vld [tilespmem:s14+$0x10370];
	[tilespmem:s14+$0x16390] =	vst v48  }
0x168: {  	v50 =	vshrl.u32 v59, $0x1;
	v33 =	vld.idx.msk [tilespmem:v45+s7+$0x0], $0xffff  }
0x169: {  	v38 =	vand.u32 $0x1F, v50  }
0x16a: {  	v37 =	vshrl.u32 v37, v38  }
0x16b: {  	v52 =	vld [tilespmem:s14+$0x103B0];
	v51 =	vshrl.u32 v62, $0x1;
	v37 =	vand.u32 v37, v59  }
0x16c: {  	v38 =	vand.u32 $0x1F, v51;
	v37 =	vand.u32 $0x1, v37  }
0x16d: {  	v53 =	vshra.s32 v49, $0x6;
	v33 =	vshrl.u32 v33, v38;
	vm10 =	veq.s32 v37, $0x0  }
0x16e: {  	v33 =	vand.u32 v33, v62;
	v54 =	vsel vm10, $0xFFFFFFFF, v34  }
0x16f: {  	v55 =	vsel vm10, $0x0, v6;
	v33 =	vand.u32 $0x1, v33;
	[tilespmem:s14+$0x12360] =	vst v54  }
0x170: {  	v57 =	vshra.s32 v52, $0x6;
	v56 =	vsel vm10, $0x0, v22;
	[tilespmem:s14+$0x14360] =	vst v55;
	vm11 =	veq.s32 v33, $0x0  }
0x171: {  	[tilespmem:s14+$0x16360] =	vst v56;
	v58 =	vsel vm11, $0xFFFFFFFF, v32  }
0x172: {  	v37 =	vld.idx.msk [tilespmem:v53+s7+$0x0], $0xffff;
	v59 =	vsel vm11, $0x0, v2;
	[tilespmem:s14+$0x123A0] =	vst v58  }
0x173: {  	v60 =	vsel vm11, $0x0, v18;
	[tilespmem:s14+$0x143A0] =	vst v59  }
0x174: {  	v61 =	vld [tilespmem:s14+$0x10700];
	[tilespmem:s14+$0x163A0] =	vst v60  }
0x175: {  	v62 =	vshrl.u32 v49, $0x1;
	v33 =	vld.idx.msk [tilespmem:v57+s7+$0x0], $0xffff  }
0x176: {  	v38 =	vand.u32 $0x1F, v62  }
0x177: {  	v37 =	vshrl.u32 v37, v38  }
0x178: {  	v44 =	vld [tilespmem:s14+$0x103C0];
	v63 =	vshrl.u32 v52, $0x1;
	v37 =	vand.u32 v37, v49  }
0x179: {  	v38 =	vand.u32 $0x1F, v63;
	v37 =	vand.u32 $0x1, v37  }
0x17a: {  	v45 =	vshra.s32 v61, $0x6;
	v33 =	vshrl.u32 v33, v38;
	vm12 =	veq.s32 v37, $0x0  }
0x17b: {  	v33 =	vand.u32 v33, v52;
	v46 =	vsel vm12, $0xFFFFFFFF, v34  }
0x17c: {  	v47 =	vsel vm12, $0x0, v7;
	v33 =	vand.u32 $0x1, v33;
	[tilespmem:s14+$0x12370] =	vst v46  }
0x17d: {  	v49 =	vshra.s32 v44, $0x6;
	v48 =	vsel vm12, $0x0, v23;
	[tilespmem:s14+$0x14370] =	vst v47;
	vm13 =	veq.s32 v33, $0x0  }
0x17e: {  	[tilespmem:s14+$0x16370] =	vst v48;
	v50 =	vsel vm13, $0xFFFFFFFF, v32  }
0x17f: {  	v37 =	vld.idx.msk [tilespmem:v45+s7+$0x0], $0xffff;
	v51 =	vsel vm13, $0x0, v3;
	[tilespmem:s14+$0x123B0] =	vst v50  }
0x180: {  	v52 =	vsel vm13, $0x0, v19;
	[tilespmem:s14+$0x143B0] =	vst v51  }
0x181: {  	v53 =	vld [tilespmem:s14+$0x10710];
	[tilespmem:s14+$0x163B0] =	vst v52  }
0x182: {  	v54 =	vshrl.u32 v61, $0x1;
	v33 =	vld.idx.msk [tilespmem:v49+s7+$0x0], $0xffff  }
0x183: {  	v38 =	vand.u32 $0x1F, v54  }
0x184: {  	v37 =	vshrl.u32 v37, v38  }
0x185: {  	v55 =	vshrl.u32 v44, $0x1;
	v56 =	vld [tilespmem:s14+$0x103D0];
	v37 =	vand.u32 v37, v61  }
0x186: {  	v38 =	vand.u32 $0x1F, v55;
	v37 =	vand.u32 $0x1, v37  }
0x187: {  	v57 =	vshra.s32 v53, $0x6;
	v33 =	vshrl.u32 v33, v38;
	vm14 =	veq.s32 v37, $0x0  }
0x188: {  	v33 =	vand.u32 v33, v44;
	v58 =	vsel vm14, $0xFFFFFFFF, v34  }
0x189: {  	v59 =	vsel vm14, $0x0, v8;
	v33 =	vand.u32 $0x1, v33;
	[tilespmem:s14+$0x12700] =	vst v58  }
0x18a: {  	v61 =	vshra.s32 v56, $0x6;
	v60 =	vsel vm14, $0x0, v24;
	[tilespmem:s14+$0x14700] =	vst v59;
	vm15 =	veq.s32 v33, $0x0  }
0x18b: {  	v63 =	vld [tilespmem:s14+$0x10400];
	[tilespmem:s14+$0x16700] =	vst v60;
	v62 =	vsel vm15, $0xFFFFFFFF, v32  }
0x18c: {  	v37 =	vld.idx.msk [tilespmem:v57+s7+$0x0], $0xffff;
	v48 =	vsel vm15, $0x0, v4;
	[tilespmem:s14+$0x123C0] =	vst v62  }
0x18d: {  	v49 =	vsel vm15, $0x0, v20;
	[tilespmem:s14+$0x143C0] =	vst v48  }
0x18e: {  	v42 =	vld [tilespmem:s14+$0x10720];
	[tilespmem:s14+$0x163C0] =	vst v49  }
0x18f: {  	v50 =	vshrl.u32 v53, $0x1;
	v33 =	vld.idx.msk [tilespmem:v61+s7+$0x0], $0xffff  }
0x190: {  	v38 =	vand.u32 $0x1F, v50  }
0x191: {  	v43 =	vshra.s32 v63, $0x6;
	v37 =	vshrl.u32 v37, v38  }
0x192: {  	v41 =	vld [tilespmem:s14+$0x103E0];
	v51 =	vshrl.u32 v56, $0x1;
	v37 =	vand.u32 v37, v53  }
0x193: {  	v38 =	vand.u32 $0x1F, v51;
	v37 =	vand.u32 $0x1, v37  }
0x194: {  	v52 =	vshra.s32 v42, $0x6;
	v33 =	vshrl.u32 v33, v38;
	vm4 =	veq.s32 v37, $0x0  }
0x195: {  	v33 =	vand.u32 v33, v56;
	v53 =	vsel vm4, $0xFFFFFFFF, v34  }
0x196: {  	v54 =	vld.idx.msk [tilespmem:v43+s7+$0x0], $0xffff;
	v55 =	vsel vm4, $0x0, v9;
	v33 =	vand.u32 $0x1, v33;
	[tilespmem:s14+$0x12710] =	vst v53  }
0x197: {  	v46 =	vld [tilespmem:s14+$0x10730];
	v57 =	vshra.s32 v41, $0x6;
	v56 =	vsel vm4, $0x0, v25;
	[tilespmem:s14+$0x14710] =	vst v55;
	vm5 =	veq.s32 v33, $0x0  }
0x198: {  	v44 =	vld [tilespmem:s14+$0x10410];
	[tilespmem:s14+$0x16710] =	vst v56;
	v58 =	vsel vm5, $0xFFFFFFFF, v32  }
0x199: {  	v59 =	vshrl.u32 v63, $0x1;
	v37 =	vld.idx.msk [tilespmem:v52+s7+$0x0], $0xffff;
	v60 =	vsel vm5, $0x0, v5;
	[tilespmem:s14+$0x123D0] =	vst v58  }
0x19a: {  	v43 =	vand.u32 $0x1F, v59;
	v61 =	vsel vm5, $0x0, v21;
	[tilespmem:s14+$0x143D0] =	vst v60  }
0x19b: {  	v45 =	vshrl.u32 v42, $0x1;
	v39 =	vshrl.u32 v54, v43;
	[tilespmem:s14+$0x163D0] =	vst v61  }
0x19c: {  	v47 =	vand.u32 $0x1F, v45;
	v62 =	vshra.s32 v36, $0x6;
	v63 =	vand.u32 v39, v63;
	v48 =	vld.idx.msk [tilespmem:v57+s7+$0x0], $0xffff  }
0x19d: {  	v54 =	vshra.s32 v46, $0x6;
	v49 =	vshra.s32 v44, $0x6;
	v38 =	vand.u32 $0x1, v63  }
0x19e: {  	s17 =	sor.u32 $0x4, s16;
	v51 =	vshrl.u32 v41, $0x1;
	vm6 =	veq.s32 v38, $0x0;
	v37 =	vshrl.u32 v37, v47  }
0x19f: {  	v45 =	vld [tilespmem:s14+$0x103F0];
	v33 =	vmov s17;
	v53 =	vsel vm6, $0x0, v16;
	v37 =	vand.u32 v37, v42  }
0x1a0: {  	v50 =	vsel vm6, $0xFFFFFFFF, v33;
	[tilespmem:s14+$0x16400] =	vst v53;
	v42 =	vand.u32 $0x1F, v51;
	v37 =	vand.u32 $0x1, v37  }
0x1a1: {  	v52 =	vsel vm6, $0x0, v0;
	[tilespmem:s14+$0x12400] =	vst v50;
	v40 =	vshrl.u32 v48, v42;
	vm7 =	veq.s32 v37, $0x0  }
0x1a2: {  	v43 =	vld.idx.msk [tilespmem:v62+s7+$0x0], $0xffff;
	[tilespmem:s14+$0x14400] =	vst v52;
	v40 =	vand.u32 v40, v41;
	v56 =	vsel vm7, $0xFFFFFFFF, v34  }
0x1a3: {  	v38 =	vld.idx.msk [tilespmem:v49+s7+$0x0], $0xffff;
	v57 =	vsel vm7, $0x0, v10;
	v40 =	vand.u32 $0x1, v40;
	[tilespmem:s14+$0x12720] =	vst v56  }
0x1a4: {  	v59 =	vshra.s32 v45, $0x6;
	v58 =	vsel vm7, $0x0, v26;
	[tilespmem:s14+$0x14720] =	vst v57;
	vm8 =	veq.s32 v40, $0x0  }
0x1a5: {  	v55 =	vshrl.u32 v36, $0x1;
	[tilespmem:s14+$0x16720] =	vst v58;
	v60 =	vsel vm8, $0xFFFFFFFF, v32  }
0x1a6: {  	v39 =	vand.u32 $0x1F, v55;
	v61 =	vshrl.u32 v44, $0x1;
	v37 =	vld.idx.msk [tilespmem:v54+s7+$0x0], $0xffff;
	v62 =	vsel vm8, $0x0, v6;
	[tilespmem:s14+$0x123E0] =	vst v60  }
0x1a7: {  	v39 =	vshrl.u32 v43, v39;
	v43 =	vld [tilespmem:s14+$0x10420];
	v63 =	vand.u32 $0x1F, v61;
	v47 =	vsel vm8, $0x0, v22;
	[tilespmem:s14+$0x143E0] =	vst v62  }
0x1a8: {  	v53 =	vshrl.u32 v45, $0x1;
	v36 =	vand.u32 v39, v36;
	v38 =	vshrl.u32 v38, v63;
	[tilespmem:s14+$0x163E0] =	vst v47  }
0x1a9: {  	v49 =	vshrl.u32 v46, $0x1;
	v36 =	vand.u32 $0x1, v36;
	v38 =	vand.u32 v38, v44;
	v40 =	vld.idx.msk [tilespmem:v59+s7+$0x0], $0xffff  }
0x1aa: {  	vm9 =	veq.s32 v36, $0x0;
	v36 =	vld [tilespmem:s14+$0x10740];
	v41 =	vand.u32 $0x1F, v49;
	v38 =	vand.u32 $0x1, v38  }
0x1ab: {  	v48 =	vsel vm9, $0xFFFFFFFF, v35;
	vm1 =	veq.s32 v38, $0x0;
	v37 =	vshrl.u32 v37, v41  }
0x1ac: {  	v50 =	vshra.s32 v43, $0x6;
	[tilespmem:s14+$0x126C0] =	vst v48;
	v44 =	vld [tilespmem:s14+$0x10780];
	v52 =	vsel vm1, $0xFFFFFFFF, v33;
	v37 =	vand.u32 v37, v46  }
0x1ad: {  	v42 =	vand.u32 $0x1F, v53;
	v54 =	vsel vm1, $0x0, v1;
	[tilespmem:s14+$0x12410] =	vst v52;
	v37 =	vand.u32 $0x1, v37  }
0x1ae: {  	v55 =	vsel vm1, $0x0, v17;
	[tilespmem:s14+$0x14410] =	vst v54;
	v40 =	vshrl.u32 v40, v42;
	vm10 =	veq.s32 v37, $0x0  }
0x1af: {  	v56 =	vshra.s32 v36, $0x6;
	[tilespmem:s14+$0x16410] =	vst v55;
	v40 =	vand.u32 v40, v45;
	v57 =	vsel vm10, $0xFFFFFFFF, v34  }
0x1b0: {  	v58 =	vsel vm10, $0x0, v11;
	v40 =	vand.u32 $0x1, v40;
	[tilespmem:s14+$0x12730] =	vst v57  }
0x1b1: {  	v38 =	vld.idx.msk [tilespmem:v50+s7+$0x0], $0xffff;
	v60 =	vshra.s32 v44, $0x6;
	v59 =	vsel vm10, $0x0, v27;
	[tilespmem:s14+$0x14730] =	vst v58;
	vm11 =	veq.s32 v40, $0x0  }
0x1b2: {  	v46 =	vld [tilespmem:s14+$0x106D0];
	[tilespmem:s14+$0x16730] =	vst v59;
	v62 =	vsel vm11, $0xFFFFFFFF, v32  }
0x1b3: {  	v45 =	vld [tilespmem:s14+$0x10430];
	v47 =	vsel vm11, $0x0, v7;
	[tilespmem:s14+$0x123F0] =	vst v62  }
0x1b4: {  	v63 =	vshrl.u32 v43, $0x1;
	v37 =	vld.idx.msk [tilespmem:v56+s7+$0x0], $0xffff;
	v48 =	vsel vm11, $0x0, v23;
	[tilespmem:s14+$0x143F0] =	vst v47  }
0x1b5: {  	v42 =	vand.u32 $0x1F, v63;
	[tilespmem:s14+$0x163F0] =	vst v48  }
0x1b6: {  	v51 =	vsel vm9, $0x0, v12;
	v49 =	vsel vm9, $0x0, v28;
	v38 =	vshrl.u32 v38, v42;
	v40 =	vld.idx.msk [tilespmem:v60+s7+$0x0], $0xffff  }
0x1b7: {  	v50 =	vshrl.u32 v36, $0x1;
	v38 =	vand.u32 v38, v43;
	v61 =	vshra.s32 v46, $0x6  }
0x1b8: {  	v54 =	vshrl.u32 v44, $0x1;
	v39 =	vand.u32 $0x1F, v50;
	v38 =	vand.u32 $0x1, v38  }
0x1b9: {  	[tilespmem:s14+$0x146C0] =	vst v51;
	vm12 =	veq.s32 v38, $0x0;
	v47 =	vld [tilespmem:s14+$0x10790];
	v51 =	vshra.s32 v45, $0x6;
	v37 =	vshrl.u32 v37, v39  }
0x1ba: {  	[tilespmem:s14+$0x166C0] =	vst v49;
	v53 =	vsel vm12, $0xFFFFFFFF, v33;
	v36 =	vand.u32 v37, v36;
	v37 =	vand.u32 $0x1F, v54  }
0x1bb: {  	v55 =	vsel vm12, $0x0, v2;
	[tilespmem:s14+$0x12420] =	vst v53;
	v36 =	vand.u32 $0x1, v36;
	v57 =	vshrl.u32 v40, v37  }
0x1bc: {  	v56 =	vsel vm12, $0x0, v18;
	[tilespmem:s14+$0x14420] =	vst v55;
	v41 =	vld.idx.msk [tilespmem:v61+s7+$0x0], $0xffff;
	vm13 =	veq.s32 v36, $0x0;
	v36 =	vand.u32 v57, v44  }
0x1bd: {  	[tilespmem:s14+$0x16420] =	vst v56;
	v39 =	vld [tilespmem:s14+$0x10750];
	v36 =	vand.u32 $0x1, v36  }
0x1be: {  	v63 =	vshra.s32 v47, $0x6;
	v38 =	vld.idx.msk [tilespmem:v51+s7+$0x0], $0xffff;
	vm14 =	veq.s32 v36, $0x0  }
0x1bf: {  	v52 =	vshrl.u32 v46, $0x1;
	v48 =	vsel vm14, $0xFFFFFFFF, v32  }
0x1c0: {  	v42 =	vand.u32 $0x1F, v52;
	v49 =	vshrl.u32 v45, $0x1;
	v50 =	vsel vm14, $0x0, v8;
	[tilespmem:s14+$0x12780] =	vst v48  }
0x1c1: {  	v43 =	vand.u32 $0x1F, v49;
	v44 =	vld [tilespmem:s14+$0x10440];
	v58 =	vshrl.u32 v41, v42;
	v51 =	vsel vm14, $0x0, v24;
	[tilespmem:s14+$0x14780] =	vst v50  }
0x1c2: {  	v59 =	vsel vm13, $0xFFFFFFFF, v34;
	v41 =	vld [tilespmem:s14+$0x106E0];
	v61 =	vshra.s32 v39, $0x6;
	v37 =	vand.u32 v58, v46;
	[tilespmem:s14+$0x16780] =	vst v51  }
0x1c3: {  	v60 =	vsel vm13, $0x0, v12;
	[tilespmem:s14+$0x12740] =	vst v59;
	v37 =	vand.u32 $0x1, v37;
	v38 =	vshrl.u32 v38, v43;
	v36 =	vld.idx.msk [tilespmem:v63+s7+$0x0], $0xffff  }
0x1c4: {  	v62 =	vsel vm13, $0x0, v28;
	[tilespmem:s14+$0x14740] =	vst v60;
	vm15 =	veq.s32 v37, $0x0;
	v54 =	vand.u32 v38, v45  }
0x1c5: {  	[tilespmem:s14+$0x16740] =	vst v62;
	v60 =	vshrl.u32 v47, $0x1;
	v52 =	vsel vm15, $0xFFFFFFFF, v35;
	v37 =	vand.u32 $0x1, v54  }
0x1c6: {  	v46 =	vld [tilespmem:s14+$0x107A0];
	v57 =	vshra.s32 v44, $0x6;
	v55 =	vsel vm15, $0x0, v13;
	[tilespmem:s14+$0x126D0] =	vst v52;
	vm4 =	veq.s32 v37, $0x0  }
0x1c7: {  	v62 =	vand.u32 $0x1F, v60;
	v53 =	vshra.s32 v41, $0x6;
	v42 =	vld.idx.msk [tilespmem:v61+s7+$0x0], $0xffff;
	[tilespmem:s14+$0x146D0] =	vst v55;
	v59 =	vsel vm4, $0xFFFFFFFF, v33  }
0x1c8: {  	v61 =	vsel vm4, $0x0, v3;
	[tilespmem:s14+$0x12430] =	vst v59;
	v36 =	vshrl.u32 v36, v62  }
0x1c9: {  	v63 =	vsel vm4, $0x0, v19;
	[tilespmem:s14+$0x14430] =	vst v61;
	v36 =	vand.u32 v36, v47  }
0x1ca: {  	v58 =	vshrl.u32 v39, $0x1;
	v56 =	vsel vm15, $0x0, v29;
	[tilespmem:s14+$0x16430] =	vst v63;
	v36 =	vand.u32 $0x1, v36  }
0x1cb: {  	v38 =	vand.u32 $0x1F, v58;
	[tilespmem:s14+$0x166D0] =	vst v56;
	v48 =	vshra.s32 v46, $0x6;
	v37 =	vld.idx.msk [tilespmem:v57+s7+$0x0], $0xffff;
	vm6 =	veq.s32 v36, $0x0  }
0x1cc: {  	v43 =	vld.idx.msk [tilespmem:v53+s7+$0x0], $0xffff;
	v38 =	vshrl.u32 v42, v38;
	v49 =	vsel vm6, $0xFFFFFFFF, v32  }
0x1cd: {  	v38 =	vand.u32 v38, v39;
	v39 =	vld [tilespmem:s14+$0x10760];
	v52 =	vsel vm6, $0x0, v9;
	[tilespmem:s14+$0x12790] =	vst v49  }
0x1ce: {  	v50 =	vshrl.u32 v44, $0x1;
	v45 =	vshrl.u32 v41, $0x1;
	v53 =	vsel vm6, $0x0, v25;
	[tilespmem:s14+$0x14790] =	vst v52  }
0x1cf: {  	v40 =	vand.u32 $0x1F, v45;
	v42 =	vand.u32 $0x1F, v50;
	v38 =	vand.u32 $0x1, v38;
	[tilespmem:s14+$0x16790] =	vst v53  }
0x1d0: {  	v59 =	vshrl.u32 v46, $0x1;
	vm5 =	veq.s32 v38, $0x0;
	v37 =	vshrl.u32 v37, v42;
	v36 =	vld.idx.msk [tilespmem:v48+s7+$0x0], $0xffff  }
0x1d1: {  	v38 =	vsel vm5, $0xFFFFFFFF, v34;
	v37 =	vand.u32 v37, v44;
	v40 =	vshrl.u32 v43, v40;
	v43 =	vld [tilespmem:s14+$0x10450]  }
0x1d2: {  	v54 =	vsel vm5, $0x0, v13;
	[tilespmem:s14+$0x12750] =	vst v38;
	v37 =	vand.u32 $0x1, v37;
	v51 =	vshra.s32 v39, $0x6  }
0x1d3: {  	v55 =	vsel vm5, $0x0, v29;
	[tilespmem:s14+$0x14750] =	vst v54;
	v40 =	vand.u32 v40, v41;
	v41 =	vld [tilespmem:s14+$0x106F0];
	vm8 =	veq.s32 v37, $0x0  }
0x1d4: {  	v45 =	vld [tilespmem:s14+$0x107B0];
	v44 =	vand.u32 $0x1F, v59;
	[tilespmem:s14+$0x16750] =	vst v55;
	v57 =	vsel vm8, $0xFFFFFFFF, v33  }
0x1d5: {  	v40 =	vand.u32 $0x1, v40;
	v60 =	vsel vm8, $0x0, v4;
	v61 =	vsel vm8, $0x0, v20;
	[tilespmem:s14+$0x12440] =	vst v57  }
0x1d6: {  	vm7 =	veq.s32 v40, $0x0;
	[tilespmem:s14+$0x14440] =	vst v60;
	v36 =	vshrl.u32 v36, v44;
	v56 =	vshra.s32 v43, $0x6  }
0x1d7: {  	[tilespmem:s14+$0x16440] =	vst v61;
	v40 =	vsel vm7, $0xFFFFFFFF, v35;
	v36 =	vand.u32 v36, v46;
	v38 =	vld.idx.msk [tilespmem:v51+s7+$0x0], $0xffff  }
0x1d8: {  	v49 =	vld [tilespmem:s14+$0x10770];
	v62 =	vsel vm7, $0x0, v14;
	[tilespmem:s14+$0x126E0] =	vst v40;
	v58 =	vshra.s32 v41, $0x6;
	v36 =	vand.u32 $0x1, v36  }
0x1d9: {  	v63 =	vsel vm7, $0x0, v30;
	v44 =	vld [tilespmem:s14+$0x10480];
	[tilespmem:s14+$0x146E0] =	vst v62;
	v51 =	vshra.s32 v45, $0x6;
	vm9 =	veq.s32 v36, $0x0  }
0x1da: {  	v48 =	vshrl.u32 v39, $0x1;
	[tilespmem:s14+$0x166E0] =	vst v63;
	v46 =	vld [tilespmem:s14+$0x10460];
	v52 =	vsel vm9, $0xFFFFFFFF, v32  }
0x1db: {  	v48 =	vand.u32 $0x1F, v48;
	v54 =	vsel vm9, $0x0, v10;
	[tilespmem:s14+$0x127A0] =	vst v52;
	v37 =	vld.idx.msk [tilespmem:v56+s7+$0x0], $0xffff  }
0x1dc: {  	v53 =	vshrl.u32 v43, $0x1;
	v57 =	vsel vm9, $0x0, v26;
	[tilespmem:s14+$0x147A0] =	vst v54;
	v38 =	vshrl.u32 v38, v48  }
0x1dd: {  	v50 =	vshrl.u32 v41, $0x1;
	v55 =	vand.u32 $0x1F, v53;
	[tilespmem:s14+$0x167A0] =	vst v57;
	v42 =	vld.idx.msk [tilespmem:v58+s7+$0x0], $0xffff;
	v38 =	vand.u32 v38, v39  }
0x1de: {  	v53 =	vshra.s32 v44, $0x6;
	v56 =	vshra.s32 v49, $0x6;
	v36 =	vld.idx.msk [tilespmem:v51+s7+$0x0], $0xffff;
	v38 =	vand.u32 $0x1, v38  }
0x1df: {  	v63 =	vshra.s32 v46, $0x6;
	v58 =	vand.u32 $0x1F, v50;
	vm10 =	veq.s32 v38, $0x0  }
0x1e0: {  	v37 =	vshrl.u32 v37, v55;
	v59 =	vsel vm10, $0xFFFFFFFF, v34;
	v61 =	vsel vm10, $0x0, v14  }
0x1e1: {  	v62 =	vsel vm10, $0x0, v30;
	v55 =	vshrl.u32 v45, $0x1;
	v37 =	vand.u32 v37, v43;
	[tilespmem:s14+$0x12760] =	vst v59  }
0x1e2: {  	v60 =	vshrl.u32 v42, v58;
	[tilespmem:s14+$0x14760] =	vst v61;
	v42 =	vld [tilespmem:s14+$0x10500];
	v57 =	vand.u32 $0x1F, v55;
	v37 =	vand.u32 $0x1, v37  }
0x1e3: {  	v48 =	vld [tilespmem:s14+$0x10580];
	[tilespmem:s14+$0x16760] =	vst v62;
	v38 =	vand.u32 v60, v41;
	v59 =	vshrl.u32 v36, v57;
	vm11 =	veq.s32 v37, $0x0  }
0x1e4: {  	v54 =	vld.idx.msk [tilespmem:v56+s7+$0x0], $0xffff;
	v60 =	vshrl.u32 v49, $0x1;
	v38 =	vand.u32 $0x1, v38;
	v52 =	vsel vm11, $0xFFFFFFFF, v33  }
0x1e5: {  	v47 =	vld [tilespmem:s14+$0x107C0];
	v57 =	vshrl.u32 v46, $0x1;
	v56 =	vsel vm11, $0x0, v5;
	vm12 =	veq.s32 v38, $0x0;
	[tilespmem:s14+$0x12450] =	vst v52  }
0x1e6: {  	v36 =	vand.u32 $0x1F, v60;
	v58 =	vsel vm11, $0x0, v21;
	[tilespmem:s14+$0x14450] =	vst v56;
	v39 =	vsel vm12, $0xFFFFFFFF, v35  }
0x1e7: {  	v50 =	vld.idx.msk [tilespmem:v53+s7+$0x0], $0xffff;
	[tilespmem:s14+$0x16450] =	vst v58;
	v35 =	vand.u32 v59, v45;
	v40 =	vsel vm12, $0x0, v15;
	v61 =	vshra.s32 v42, $0x6  }
0x1e8: {  	v38 =	vsel vm12, $0x0, v31;
	v58 =	vshrl.u32 v44, $0x1;
	v52 =	vshra.s32 v48, $0x6;
	v37 =	vld.idx.msk [tilespmem:v63+s7+$0x0], $0xffff  }
0x1e9: {  	v51 =	vld [tilespmem:s14+$0x10490];
	v35 =	vand.u32 $0x1, v35;
	v60 =	vshrl.u32 v42, $0x1;
	v36 =	vshrl.u32 v54, v36  }
0x1ea: {  	vm13 =	veq.s32 v35, $0x0;
	v35 =	vand.u32 $0x1F, v57;
	v54 =	vshra.s32 v47, $0x6  }
0x1eb: {  	v41 =	vand.u32 v36, v49;
	v62 =	vsel vm13, $0xFFFFFFFF, v32;
	v49 =	vand.u32 $0x1F, v58  }
0x1ec: {  	v63 =	vsel vm13, $0x0, v11;
	v53 =	vsel vm13, $0x0, v27;
	v59 =	vshrl.u32 v50, v49;
	v45 =	vld.idx.msk [tilespmem:v61+s7+$0x0], $0xffff  }
0x1ed: {  	v49 =	vshrl.u32 v47, $0x1;
	v35 =	vshrl.u32 v37, v35;
	v37 =	vand.u32 v59, v44  }
0x1ee: {  	s17 =	sor.u32 $0x5, s16;
	v50 =	vld [tilespmem:s14+$0x10510];
	[tilespmem:s14+$0x127B0] =	vst v62;
	v62 =	vand.u32 $0x1F, v60;
	v61 =	vshra.s32 v51, $0x6;
	v37 =	vand.u32 $0x1, v37  }
0x1ef: {  	v46 =	vand.u32 v35, v46;
	v35 =	vmov s17;
	vm14 =	veq.s32 v37, $0x0  }
0x1f0: {  	[tilespmem:s14+$0x147B0] =	vst v63;
	v49 =	vand.u32 $0x1F, v49;
	v44 =	vld.idx.msk [tilespmem:v52+s7+$0x0], $0xffff;
	v59 =	vshrl.u32 v48, $0x1;
	v56 =	vsel vm14, $0xFFFFFFFF, v35  }
0x1f1: {  	v63 =	vand.u32 $0x1, v46;
	v57 =	vsel vm14, $0x0, v0;
	[tilespmem:s14+$0x12480] =	vst v56;
	v36 =	vshrl.u32 v45, v62  }
0x1f2: {  	v55 =	vld [tilespmem:s14+$0x10470];
	v58 =	vsel vm14, $0x0, v16;
	vm4 =	veq.s32 v63, $0x0;
	[tilespmem:s14+$0x14480] =	vst v57;
	v42 =	vand.u32 v36, v42  }
0x1f3: {  	v52 =	vld [tilespmem:s14+$0x10590];
	s17 =	sor.u32 $0x6, s16;
	v60 =	vshra.s32 v50, $0x6;
	[tilespmem:s14+$0x16480] =	vst v58;
	v63 =	vsel vm4, $0xFFFFFFFF, v33;
	v42 =	vand.u32 $0x1, v42  }
0x1f4: {  	[tilespmem:s14+$0x167B0] =	vst v53;
	s16 =	sor.u32 $0x7, s16;
	v45 =	vand.u32 $0x1F, v59;
	v61 =	vld.idx.msk [tilespmem:v61+s7+$0x0], $0xffff;
	v36 =	vmov s17;
	vm15 =	veq.s32 v42, $0x0  }
0x1f5: {  	v37 =	vmov s16;
	[tilespmem:s14+$0x12460] =	vst v63;
	v44 =	vshrl.u32 v44, v45;
	v62 =	vsel vm15, $0xFFFFFFFF, v36  }
0x1f6: {  	v46 =	vld.idx.msk [tilespmem:v54+s7+$0x0], $0xffff;
	v56 =	vshrl.u32 v51, $0x1;
	v44 =	vand.u32 v44, v48;
	v53 =	vsel vm15, $0x0, v0;
	[tilespmem:s14+$0x12500] =	vst v62  }
0x1f7: {  	v58 =	vand.u32 $0x1F, v56;
	v44 =	vand.u32 $0x1, v44;
	v57 =	vsel vm15, $0x0, v16;
	[tilespmem:s14+$0x14500] =	vst v53;
	v53 =	vld [tilespmem:s14+$0x104A0]  }
0x1f8: {  	v63 =	vsel vm4, $0x0, v22;
	vm5 =	veq.s32 v44, $0x0;
	v44 =	vshra.s32 v52, $0x6;
	[tilespmem:s14+$0x16500] =	vst v57  }
0x1f9: {  	v54 =	vshra.s32 v55, $0x6;
	[tilespmem:s14+$0x16460] =	vst v63;
	v59 =	vsel vm5, $0xFFFFFFFF, v37;
	v43 =	vshrl.u32 v61, v58;
	v42 =	vld.idx.msk [tilespmem:v60+s7+$0x0], $0xffff  }
0x1fa: {  	v56 =	vshrl.u32 v50, $0x1;
	v62 =	vsel vm5, $0x0, v16;
	[tilespmem:s14+$0x12580] =	vst v59;
	v43 =	vand.u32 v43, v51  }
0x1fb: {  	v46 =	vshrl.u32 v46, v49;
	v49 =	vld [tilespmem:s14+$0x105A0];
	v60 =	vsel vm5, $0x0, v0;
	[tilespmem:s14+$0x16580] =	vst v62;
	v43 =	vand.u32 $0x1, v43  }
0x1fc: {  	v61 =	vsel vm4, $0x0, v6;
	v57 =	vld [tilespmem:s14+$0x10520];
	[tilespmem:s14+$0x14580] =	vst v60;
	vm6 =	veq.s32 v43, $0x0;
	v58 =	vshra.s32 v53, $0x6  }
0x1fd: {  	v63 =	vshrl.u32 v52, $0x1;
	[tilespmem:s14+$0x14460] =	vst v61;
	v59 =	vand.u32 $0x1F, v56;
	v44 =	vld.idx.msk [tilespmem:v44+s7+$0x0], $0xffff;
	v60 =	vsel vm6, $0xFFFFFFFF, v35  }
0x1fe: {  	v45 =	vand.u32 v46, v47;
	v61 =	vsel vm6, $0x0, v1;
	[tilespmem:s14+$0x12490] =	vst v60;
	v42 =	vshrl.u32 v42, v59  }
0x1ff: {  	v45 =	vand.u32 $0x1, v45;
	v46 =	vld.idx.msk [tilespmem:v54+s7+$0x0], $0xffff;
	v62 =	vsel vm6, $0x0, v17;
	[tilespmem:s14+$0x14490] =	vst v61;
	v42 =	vand.u32 v42, v50  }
0x200: {  	v56 =	vshrl.u32 v55, $0x1;
	v54 =	vand.u32 $0x1F, v63;
	[tilespmem:s14+$0x16490] =	vst v62;
	v42 =	vand.u32 $0x1, v42  }
0x201: {  	v63 =	vshra.s32 v49, $0x6;
	vm7 =	veq.s32 v42, $0x0;
	v42 =	vshra.s32 v57, $0x6;
	v43 =	vld.idx.msk [tilespmem:v58+s7+$0x0], $0xffff  }
0x202: {  	v62 =	vshrl.u32 v53, $0x1;
	v44 =	vshrl.u32 v44, v54;
	v58 =	vsel vm7, $0xFFFFFFFF, v36  }
0x203: {  	v59 =	vand.u32 $0x1F, v56;
	v60 =	vsel vm7, $0x0, v1;
	v44 =	vand.u32 v44, v52;
	[tilespmem:s14+$0x12510] =	vst v58  }
0x204: {  	v46 =	vshrl.u32 v46, v59;
	v50 =	vld [tilespmem:s14+$0x104B0];
	v61 =	vsel vm7, $0x0, v17;
	[tilespmem:s14+$0x14510] =	vst v60;
	v44 =	vand.u32 $0x1, v44  }
0x205: {  	v46 =	vand.u32 v46, v55;
	v54 =	vand.u32 $0x1F, v62;
	[tilespmem:s14+$0x16510] =	vst v61;
	vm8 =	veq.s32 v44, $0x0  }
0x206: {  	v46 =	vand.u32 $0x1, v46;
	v55 =	vsel vm8, $0xFFFFFFFF, v37;
	v42 =	vld.idx.msk [tilespmem:v42+s7+$0x0], $0xffff;
	v43 =	vshrl.u32 v43, v54  }
0x207: {  	vm9 =	veq.s32 v46, $0x0;
	v56 =	vsel vm8, $0x0, v1;
	[tilespmem:s14+$0x12590] =	vst v55;
	v43 =	vand.u32 v43, v53  }
0x208: {  	v47 =	vld [tilespmem:s14+$0x10800];
	v59 =	vsel vm9, $0xFFFFFFFF, v33;
	v58 =	vsel vm8, $0x0, v17;
	[tilespmem:s14+$0x14590] =	vst v56;
	v43 =	vand.u32 $0x1, v43  }
0x209: {  	v51 =	vld [tilespmem:s14+$0x10530];
	v60 =	vshrl.u32 v57, $0x1;
	[tilespmem:s14+$0x16590] =	vst v58;
	vm10 =	veq.s32 v43, $0x0;
	v43 =	vshra.s32 v50, $0x6  }
0x20a: {  	vm12 =	veq.s32 v45, $0x0;
	v61 =	vand.u32 $0x1F, v60;
	[tilespmem:s14+$0x12470] =	vst v59;
	v44 =	vld.idx.msk [tilespmem:v63+s7+$0x0], $0xffff;
	v62 =	vsel vm10, $0xFFFFFFFF, v35  }
0x20b: {  	v52 =	vsel vm12, $0x0, v28;
	v42 =	vshrl.u32 v42, v61;
	v56 =	vsel vm10, $0x0, v2;
	[tilespmem:s14+$0x124A0] =	vst v62  }
0x20c: {  	v59 =	vshrl.u32 v49, $0x1;
	v58 =	vsel vm10, $0x0, v18;
	v42 =	vand.u32 v42, v57;
	[tilespmem:s14+$0x144A0] =	vst v56  }
0x20d: {  	v60 =	vand.u32 $0x1F, v59;
	v55 =	vsel vm12, $0x0, v12;
	v53 =	vld [tilespmem:s14+$0x105B0];
	[tilespmem:s14+$0x164A0] =	vst v58;
	v42 =	vand.u32 $0x1, v42  }
0x20e: {  	v63 =	vsel vm9, $0x0, v7;
	vm11 =	veq.s32 v42, $0x0;
	v42 =	vshra.s32 v51, $0x6;
	v43 =	vld.idx.msk [tilespmem:v43+s7+$0x0], $0xffff  }
0x20f: {  	[tilespmem:s14+$0x14470] =	vst v63;
	v63 =	vshra.s32 v47, $0x6;
	v44 =	vshrl.u32 v44, v60;
	v62 =	vsel vm11, $0xFFFFFFFF, v36  }
0x210: {  	v61 =	vsel vm9, $0x0, v23;
	v44 =	vand.u32 v44, v49;
	v56 =	vsel vm11, $0x0, v2;
	[tilespmem:s14+$0x12520] =	vst v62  }
0x211: {  	v54 =	vld [tilespmem:s14+$0x104C0];
	v58 =	vshrl.u32 v50, $0x1;
	v44 =	vand.u32 $0x1, v44;
	v57 =	vsel vm11, $0x0, v18;
	[tilespmem:s14+$0x14520] =	vst v56  }
0x212: {  	v45 =	vld [tilespmem:s14+$0x107D0];
	v59 =	vand.u32 $0x1F, v58;
	vm13 =	veq.s32 v44, $0x0;
	v44 =	vshra.s32 v53, $0x6;
	[tilespmem:s14+$0x16520] =	vst v57  }
0x213: {  	[tilespmem:s14+$0x16470] =	vst v61;
	v49 =	vsel vm12, $0xFFFFFFFF, v32;
	v60 =	vsel vm13, $0xFFFFFFFF, v37;
	v42 =	vld.idx.msk [tilespmem:v42+s7+$0x0], $0xffff;
	v43 =	vshrl.u32 v43, v59  }
0x214: {  	v48 =	vld.idx.msk [tilespmem:v63+s7+$0x0], $0xffff;
	v63 =	vshrl.u32 v51, $0x1;
	v61 =	vsel vm13, $0x0, v2;
	[tilespmem:s14+$0x125A0] =	vst v60;
	v43 =	vand.u32 v43, v50  }
0x215: {  	v58 =	vand.u32 $0x1F, v63;
	v62 =	vsel vm13, $0x0, v18;
	[tilespmem:s14+$0x145A0] =	vst v61;
	v43 =	vand.u32 $0x1, v43  }
0x216: {  	v63 =	vshrl.u32 v53, $0x1;
	v57 =	vld [tilespmem:s14+$0x10540];
	[tilespmem:s14+$0x165A0] =	vst v62;
	vm14 =	veq.s32 v43, $0x0;
	v43 =	vshra.s32 v54, $0x6  }
0x217: {  	[tilespmem:s14+$0x127C0] =	vst v49;
	v44 =	vld.idx.msk [tilespmem:v44+s7+$0x0], $0xffff;
	v59 =	vshrl.u32 v47, $0x1;
	v50 =	vshra.s32 v45, $0x6;
	v60 =	vsel vm14, $0xFFFFFFFF, v35  }
0x218: {  	v49 =	vand.u32 $0x1F, v59;
	v42 =	vshrl.u32 v42, v58;
	v61 =	vsel vm14, $0x0, v3;
	[tilespmem:s14+$0x124B0] =	vst v60  }
0x219: {  	v59 =	vand.u32 $0x1F, v63;
	v62 =	vsel vm14, $0x0, v19;
	v42 =	vand.u32 v42, v51;
	[tilespmem:s14+$0x144B0] =	vst v61  }
0x21a: {  	v56 =	vld [tilespmem:s14+$0x105C0];
	v63 =	vshrl.u32 v54, $0x1;
	v48 =	vshrl.u32 v48, v49;
	[tilespmem:s14+$0x164B0] =	vst v62;
	v42 =	vand.u32 $0x1, v42  }
0x21b: {  	[tilespmem:s14+$0x167C0] =	vst v52;
	v47 =	vand.u32 v48, v47;
	v58 =	vshra.s32 v57, $0x6;
	vm15 =	veq.s32 v42, $0x0;
	v43 =	vld.idx.msk [tilespmem:v43+s7+$0x0], $0xffff  }
0x21c: {  	[tilespmem:s14+$0x147C0] =	vst v55;
	v47 =	vand.u32 $0x1, v47;
	v44 =	vshrl.u32 v44, v59;
	v60 =	vsel vm15, $0xFFFFFFFF, v36  }
0x21d: {  	vm5 =	veq.s32 v47, $0x0;
	v44 =	vand.u32 v44, v53;
	v61 =	vsel vm15, $0x0, v3;
	[tilespmem:s14+$0x12530] =	vst v60  }
0x21e: {  	v51 =	vld [tilespmem:s14+$0x104D0];
	v53 =	vand.u32 $0x1F, v63;
	v44 =	vand.u32 $0x1, v44;
	v62 =	vsel vm15, $0x0, v19;
	[tilespmem:s14+$0x14530] =	vst v61  }
0x21f: {  	v47 =	vld [tilespmem:s14+$0x10810];
	v59 =	vsel vm5, $0xFFFFFFFF, v33;
	vm4 =	veq.s32 v44, $0x0;
	v44 =	vshra.s32 v56, $0x6;
	[tilespmem:s14+$0x16530] =	vst v62  }
0x220: {  	v41 =	vand.u32 $0x1, v41;
	[tilespmem:s14+$0x12800] =	vst v59;
	v55 =	vsel vm4, $0xFFFFFFFF, v37;
	v42 =	vld.idx.msk [tilespmem:v58+s7+$0x0], $0xffff;
	v43 =	vshrl.u32 v43, v53  }
0x221: {  	v46 =	vshrl.u32 v45, $0x1;
	v60 =	vsel vm4, $0x0, v19;
	[tilespmem:s14+$0x125B0] =	vst v55;
	v43 =	vand.u32 v43, v54  }
0x222: {  	v50 =	vld.idx.msk [tilespmem:v50+s7+$0x0], $0xffff;
	v61 =	vsel vm5, $0x0, v8;
	v58 =	vsel vm4, $0x0, v3;
	[tilespmem:s14+$0x165B0] =	vst v60;
	v43 =	vand.u32 $0x1, v43  }
0x223: {  	v48 =	vld [tilespmem:s14+$0x10550];
	v62 =	vshrl.u32 v57, $0x1;
	[tilespmem:s14+$0x145B0] =	vst v58;
	vm6 =	veq.s32 v43, $0x0;
	v43 =	vshra.s32 v51, $0x6  }
0x224: {  	v46 =	vand.u32 $0x1F, v46;
	v63 =	vand.u32 $0x1F, v62;
	[tilespmem:s14+$0x14800] =	vst v61;
	v44 =	vld.idx.msk [tilespmem:v44+s7+$0x0], $0xffff;
	v59 =	vsel vm6, $0xFFFFFFFF, v35  }
0x225: {  	v49 =	vshra.s32 v47, $0x6;
	v42 =	vshrl.u32 v42, v63;
	v60 =	vsel vm6, $0x0, v4;
	[tilespmem:s14+$0x124C0] =	vst v59  }
0x226: {  	v62 =	vshrl.u32 v56, $0x1;
	v42 =	vand.u32 v42, v57;
	v61 =	vsel vm6, $0x0, v20;
	[tilespmem:s14+$0x144C0] =	vst v60  }
0x227: {  	v55 =	vld [tilespmem:s14+$0x105D0];
	v58 =	vsel vm5, $0x0, v24;
	v46 =	vshrl.u32 v50, v46;
	v42 =	vand.u32 $0x1, v42;
	[tilespmem:s14+$0x164C0] =	vst v61  }
0x228: {  	v63 =	vshra.s32 v48, $0x6;
	v57 =	vand.u32 $0x1F, v62;
	vm7 =	veq.s32 v42, $0x0;
	v43 =	vld.idx.msk [tilespmem:v43+s7+$0x0], $0xffff  }
0x229: {  	[tilespmem:s14+$0x16800] =	vst v58;
	v45 =	vand.u32 v46, v45;
	v44 =	vshrl.u32 v44, v57;
	v58 =	vsel vm7, $0xFFFFFFFF, v36  }
0x22a: {  	v52 =	vld [tilespmem:s14+$0x104E0];
	v45 =	vand.u32 $0x1, v45;
	v59 =	vsel vm7, $0x0, v4;
	v44 =	vand.u32 v44, v56;
	[tilespmem:s14+$0x12540] =	vst v58  }
0x22b: {  	v61 =	vshrl.u32 v51, $0x1;
	v60 =	vsel vm7, $0x0, v20;
	[tilespmem:s14+$0x14540] =	vst v59;
	v44 =	vand.u32 $0x1, v44  }
0x22c: {  	v46 =	vld.idx.msk [tilespmem:v49+s7+$0x0], $0xffff;
	v62 =	vand.u32 $0x1F, v61;
	[tilespmem:s14+$0x16540] =	vst v60;
	vm8 =	veq.s32 v44, $0x0;
	v44 =	vshra.s32 v55, $0x6  }
0x22d: {  	v54 =	vshrl.u32 v55, $0x1;
	v42 =	vld.idx.msk [tilespmem:v63+s7+$0x0], $0xffff;
	v63 =	vsel vm8, $0xFFFFFFFF, v37;
	v43 =	vshrl.u32 v43, v62  }
0x22e: {  	v56 =	vshrl.u32 v47, $0x1;
	v57 =	vsel vm8, $0x0, v4;
	[tilespmem:s14+$0x125C0] =	vst v63;
	v43 =	vand.u32 v43, v51  }
0x22f: {  	v61 =	vshra.s32 v52, $0x6;
	v59 =	vsel vm8, $0x0, v20;
	[tilespmem:s14+$0x145C0] =	vst v57;
	v43 =	vand.u32 $0x1, v43  }
0x230: {  	v58 =	vand.u32 $0x1F, v56;
	v60 =	vshrl.u32 v48, $0x1;
	[tilespmem:s14+$0x165C0] =	vst v59;
	v51 =	vld [tilespmem:s14+$0x10560];
	vm9 =	veq.s32 v43, $0x0  }
0x231: {  	v46 =	vshrl.u32 v46, v58;
	v62 =	vand.u32 $0x1F, v60;
	v44 =	vld.idx.msk [tilespmem:v44+s7+$0x0], $0xffff;
	v63 =	vsel vm9, $0xFFFFFFFF, v35  }
0x232: {  	v46 =	vand.u32 v46, v47;
	v42 =	vshrl.u32 v42, v62;
	v50 =	vsel vm9, $0x0, v5;
	[tilespmem:s14+$0x124D0] =	vst v63  }
0x233: {  	v46 =	vand.u32 $0x1, v46;
	v42 =	vand.u32 v42, v48;
	v53 =	vsel vm9, $0x0, v21;
	[tilespmem:s14+$0x144D0] =	vst v50  }
0x234: {  	v49 =	vld [tilespmem:s14+$0x105E0];
	v57 =	vand.u32 $0x1F, v54;
	vm11 =	veq.s32 v46, $0x0;
	v42 =	vand.u32 $0x1, v42;
	[tilespmem:s14+$0x164D0] =	vst v53  }
0x235: {  	v59 =	vsel vm11, $0xFFFFFFFF, v33;
	vm10 =	veq.s32 v42, $0x0;
	v56 =	vshra.s32 v51, $0x6;
	v43 =	vld.idx.msk [tilespmem:v61+s7+$0x0], $0xffff  }
0x236: {  	vm13 =	veq.s32 v45, $0x0;
	[tilespmem:s14+$0x12810] =	vst v59;
	v50 =	vld [tilespmem:s14+$0x10820];
	v58 =	vsel vm10, $0xFFFFFFFF, v36;
	v44 =	vshrl.u32 v44, v57  }
0x237: {  	v60 =	vsel vm10, $0x0, v5;
	v62 =	vsel vm10, $0x0, v21;
	[tilespmem:s14+$0x12550] =	vst v58;
	v44 =	vand.u32 v44, v55  }
0x238: {  	v53 =	vld [tilespmem:s14+$0x104F0];
	v61 =	vshrl.u32 v52, $0x1;
	[tilespmem:s14+$0x14550] =	vst v60;
	v60 =	vsel vm11, $0x0, v9;
	v44 =	vand.u32 $0x1, v44  }
0x239: {  	[tilespmem:s14+$0x16550] =	vst v62;
	v48 =	vand.u32 $0x1F, v61;
	vm12 =	veq.s32 v44, $0x0;
	v44 =	vshra.s32 v49, $0x6  }
0x23a: {  	v47 =	vsel vm13, $0x0, v13;
	[tilespmem:s14+$0x14810] =	vst v60;
	v63 =	vsel vm12, $0xFFFFFFFF, v37;
	v42 =	vld.idx.msk [tilespmem:v56+s7+$0x0], $0xffff;
	v43 =	vshrl.u32 v43, v48  }
0x23b: {  	v57 =	vsel vm12, $0x0, v5;
	v59 =	vshra.s32 v50, $0x6;
	[tilespmem:s14+$0x125D0] =	vst v63;
	v43 =	vand.u32 v43, v52  }
0x23c: {  	v62 =	vshrl.u32 v51, $0x1;
	v58 =	vsel vm12, $0x0, v21;
	[tilespmem:s14+$0x145D0] =	vst v57;
	v43 =	vand.u32 $0x1, v43  }
0x23d: {  	v54 =	vld [tilespmem:s14+$0x10570];
	v61 =	vsel vm11, $0x0, v25;
	[tilespmem:s14+$0x165D0] =	vst v58;
	v63 =	vshra.s32 v53, $0x6;
	vm14 =	veq.s32 v43, $0x0  }
0x23e: {  	v46 =	vsel vm13, $0xFFFFFFFF, v32;
	[tilespmem:s14+$0x16810] =	vst v61;
	v56 =	vand.u32 $0x1F, v62;
	v44 =	vld.idx.msk [tilespmem:v44+s7+$0x0], $0xffff;
	v57 =	vsel vm14, $0xFFFFFFFF, v35  }
0x23f: {  	vm9 =	veq.s32 v41, $0x0;
	v58 =	vsel vm14, $0x0, v6;
	v42 =	vshrl.u32 v42, v56;
	[tilespmem:s14+$0x124E0] =	vst v57  }
0x240: {  	v60 =	vshrl.u32 v49, $0x1;
	v45 =	vld.idx.msk [tilespmem:v59+s7+$0x0], $0xffff;
	v59 =	vsel vm14, $0x0, v22;
	[tilespmem:s14+$0x144E0] =	vst v58;
	v42 =	vand.u32 v42, v51  }
0x241: {  	v55 =	vld [tilespmem:s14+$0x105F0];
	v61 =	vand.u32 $0x1F, v60;
	v60 =	vshrl.u32 v53, $0x1;
	[tilespmem:s14+$0x164E0] =	vst v59;
	v42 =	vand.u32 $0x1, v42  }
0x242: {  	v62 =	vshrl.u32 v50, $0x1;
	v63 =	vld.idx.msk [tilespmem:v63+s7+$0x0], $0xffff;
	vm15 =	veq.s32 v42, $0x0;
	v42 =	vshra.s32 v54, $0x6  }
0x243: {  	[tilespmem:s14+$0x127D0] =	vst v46;
	v46 =	vand.u32 $0x1F, v62;
	v48 =	vshrl.u32 v44, v61;
	v56 =	vsel vm15, $0xFFFFFFFF, v36  }
0x244: {  	v61 =	vand.u32 $0x1F, v60;
	v48 =	vand.u32 v48, v49;
	v57 =	vsel vm15, $0x0, v6;
	[tilespmem:s14+$0x12560] =	vst v56  }
0x245: {  	v44 =	vld [tilespmem:s14+$0x10880];
	v45 =	vshrl.u32 v45, v46;
	v58 =	vsel vm15, $0x0, v22;
	v59 =	vand.u32 $0x1, v48;
	[tilespmem:s14+$0x14560] =	vst v57  }
0x246: {  	v43 =	vld [tilespmem:s14+$0x107E0];
	v46 =	vshra.s32 v55, $0x6;
	[tilespmem:s14+$0x16560] =	vst v58;
	vm4 =	veq.s32 v59, $0x0;
	v45 =	vand.u32 v45, v50  }
0x247: {  	[tilespmem:s14+$0x147D0] =	vst v47;
	v58 =	vshrl.u32 v54, $0x1;
	v62 =	vsel vm4, $0xFFFFFFFF, v37;
	v47 =	vshrl.u32 v63, v61;
	v42 =	vld.idx.msk [tilespmem:v42+s7+$0x0], $0xffff  }
0x248: {  	v45 =	vand.u32 $0x1, v45;
	v63 =	vsel vm4, $0x0, v6;
	[tilespmem:s14+$0x125E0] =	vst v62;
	v53 =	vand.u32 v47, v53  }
0x249: {  	v48 =	vld [tilespmem:s14+$0x10830];
	v56 =	vsel vm4, $0x0, v22;
	vm5 =	veq.s32 v45, $0x0;
	[tilespmem:s14+$0x145E0] =	vst v63;
	v45 =	vand.u32 $0x1, v53  }
0x24a: {  	v50 =	vld [tilespmem:s14+$0x10900];
	[tilespmem:s14+$0x165E0] =	vst v56;
	v59 =	vshra.s32 v44, $0x6;
	v57 =	vsel vm5, $0xFFFFFFFF, v33;
	vm6 =	veq.s32 v45, $0x0  }
0x24b: {  	v52 =	vsel vm13, $0x0, v29;
	v60 =	vand.u32 $0x1F, v58;
	v46 =	vld.idx.msk [tilespmem:v46+s7+$0x0], $0xffff;
	[tilespmem:s14+$0x12820] =	vst v57;
	v61 =	vsel vm6, $0xFFFFFFFF, v35  }
0x24c: {  	v49 =	vshra.s32 v43, $0x6;
	v63 =	vsel vm6, $0x0, v7;
	[tilespmem:s14+$0x124F0] =	vst v61;
	v42 =	vshrl.u32 v42, v60  }
0x24d: {  	v47 =	vld [tilespmem:s14+$0x10890];
	v62 =	vsel vm5, $0x0, v10;
	v56 =	vsel vm6, $0x0, v23;
	[tilespmem:s14+$0x144F0] =	vst v63;
	v42 =	vand.u32 v42, v54  }
0x24e: {  	v53 =	vld [tilespmem:s14+$0x10980];
	v57 =	vshrl.u32 v55, $0x1;
	v51 =	vshra.s32 v48, $0x6;
	[tilespmem:s14+$0x164F0] =	vst v56;
	v42 =	vand.u32 $0x1, v42  }
0x24f: {  	[tilespmem:s14+$0x167D0] =	vst v52;
	v58 =	vand.u32 $0x1F, v57;
	v45 =	vld.idx.msk [tilespmem:v59+s7+$0x0], $0xffff;
	vm7 =	veq.s32 v42, $0x0;
	v42 =	vshra.s32 v50, $0x6  }
0x250: {  	[tilespmem:s14+$0x14820] =	vst v62;
	v61 =	vsel vm5, $0x0, v26;
	v46 =	vshrl.u32 v46, v58;
	v59 =	vsel vm7, $0xFFFFFFFF, v36  }
0x251: {  	v63 =	vshrl.u32 v44, $0x1;
	v46 =	vand.u32 v46, v55;
	v60 =	vsel vm7, $0x0, v7;
	[tilespmem:s14+$0x12570] =	vst v59  }
0x252: {  	v52 =	vld [tilespmem:s14+$0x10910];
	v57 =	vand.u32 $0x1F, v63;
	v46 =	vand.u32 $0x1, v46;
	v62 =	vsel vm7, $0x0, v23;
	[tilespmem:s14+$0x14570] =	vst v60  }
0x253: {  	v49 =	vld.idx.msk [tilespmem:v49+s7+$0x0], $0xffff;
	v63 =	vshra.s32 v47, $0x6;
	v56 =	vshra.s32 v53, $0x6;
	vm8 =	veq.s32 v46, $0x0;
	[tilespmem:s14+$0x16570] =	vst v62  }
0x254: {  	[tilespmem:s14+$0x16820] =	vst v61;
	v55 =	vshrl.u32 v48, $0x1;
	v41 =	vshrl.u32 v45, v57;
	v58 =	vsel vm8, $0xFFFFFFFF, v37;
	v42 =	vld.idx.msk [tilespmem:v42+s7+$0x0], $0xffff  }
0x255: {  	v59 =	vshrl.u32 v43, $0x1;
	v60 =	vsel vm8, $0x0, v7;
	v41 =	vand.u32 v41, v44;
	[tilespmem:s14+$0x125F0] =	vst v58  }
0x256: {  	v51 =	vld.idx.msk [tilespmem:v51+s7+$0x0], $0xffff;
	v61 =	vsel vm8, $0x0, v23;
	v62 =	vshrl.u32 v50, $0x1;
	[tilespmem:s14+$0x145F0] =	vst v60;
	v41 =	vand.u32 $0x1, v41  }
0x257: {  	v45 =	vand.u32 $0x1F, v59;
	[tilespmem:s14+$0x165F0] =	vst v61;
	v54 =	vand.u32 $0x1F, v62;
	vm10 =	veq.s32 v41, $0x0  }
0x258: {  	v59 =	vshrl.u32 v53, $0x1;
	v60 =	vshra.s32 v52, $0x6;
	v46 =	vld.idx.msk [tilespmem:v56+s7+$0x0], $0xffff;
	v56 =	vsel vm10, $0xFFFFFFFF, v35  }
0x259: {  	v45 =	vshrl.u32 v49, v45;
	v57 =	vsel vm10, $0x0, v8;
	[tilespmem:s14+$0x12880] =	vst v56;
	v42 =	vshrl.u32 v42, v54  }
0x25a: {  	v49 =	vand.u32 $0x1F, v55;
	v58 =	vsel vm10, $0x0, v24;
	[tilespmem:s14+$0x14880] =	vst v57;
	v42 =	vand.u32 v42, v50  }
0x25b: {  	v61 =	vand.u32 $0x1F, v59;
	v49 =	vshrl.u32 v51, v49;
	[tilespmem:s14+$0x16880] =	vst v58;
	v54 =	vld [tilespmem:s14+$0x10990];
	v42 =	vand.u32 $0x1, v42  }
0x25c: {  	v57 =	vshrl.u32 v47, $0x1;
	v41 =	vld.idx.msk [tilespmem:v63+s7+$0x0], $0xffff;
	v63 =	vand.u32 v49, v48;
	vm11 =	veq.s32 v42, $0x0  }
0x25d: {  	v58 =	vand.u32 $0x1F, v57;
	v44 =	vshrl.u32 v46, v61;
	v62 =	vsel vm11, $0xFFFFFFFF, v36  }
0x25e: {  	v46 =	vand.u32 $0x1, v63;
	v44 =	vand.u32 v44, v53;
	v55 =	vsel vm11, $0x0, v8;
	[tilespmem:s14+$0x12900] =	vst v62  }
0x25f: {  	vm13 =	veq.s32 v46, $0x0;
	v44 =	vand.u32 $0x1, v44;
	v50 =	vld [tilespmem:s14+$0x108A0];
	v56 =	vsel vm11, $0x0, v24;
	[tilespmem:s14+$0x14900] =	vst v55  }
0x260: {  	v63 =	vsel vm13, $0x0, v11;
	vm12 =	veq.s32 v44, $0x0;
	[tilespmem:s14+$0x16900] =	vst v56;
	v44 =	vshra.s32 v54, $0x6  }
0x261: {  	v41 =	vshrl.u32 v41, v58;
	[tilespmem:s14+$0x14830] =	vst v63;
	v59 =	vsel vm12, $0xFFFFFFFF, v37;
	v49 =	vld.idx.msk [tilespmem:v60+s7+$0x0], $0xffff  }
0x262: {  	v46 =	vld [tilespmem:s14+$0x10840];
	v61 =	vsel vm12, $0x0, v24;
	v41 =	vand.u32 v41, v47;
	[tilespmem:s14+$0x12980] =	vst v59  }
0x263: {  	v57 =	vshrl.u32 v52, $0x1;
	v41 =	vand.u32 $0x1, v41;
	[tilespmem:s14+$0x16980] =	vst v61;
	v60 =	vsel vm12, $0x0, v8  }
0x264: {  	v53 =	vld [tilespmem:s14+$0x10920];
	v62 =	vsel vm13, $0xFFFFFFFF, v33;
	vm14 =	veq.s32 v41, $0x0;
	v58 =	vshra.s32 v50, $0x6;
	[tilespmem:s14+$0x14980] =	vst v60  }
0x265: {  	v43 =	vand.u32 v45, v43;
	v59 =	vand.u32 $0x1F, v57;
	[tilespmem:s14+$0x12830] =	vst v62;
	v62 =	vsel vm14, $0x0, v9;
	v44 =	vld.idx.msk [tilespmem:v44+s7+$0x0], $0xffff  }
0x266: {  	v43 =	vand.u32 $0x1, v43;
	v63 =	vsel vm14, $0x0, v25;
	[tilespmem:s14+$0x14890] =	vst v62;
	v41 =	vshrl.u32 v49, v59  }
0x267: {  	v61 =	vshra.s32 v46, $0x6;
	v60 =	vsel vm14, $0xFFFFFFFF, v35;
	[tilespmem:s14+$0x16890] =	vst v63;
	v41 =	vand.u32 v41, v52  }
0x268: {  	v51 =	vld [tilespmem:s14+$0x109A0];
	v48 =	vsel vm13, $0x0, v27;
	v56 =	vshrl.u32 v54, $0x1;
	[tilespmem:s14+$0x12890] =	vst v60;
	v41 =	vand.u32 $0x1, v41  }
0x269: {  	v57 =	vand.u32 $0x1F, v56;
	v58 =	vld.idx.msk [tilespmem:v58+s7+$0x0], $0xffff;
	v52 =	vshra.s32 v53, $0x6;
	vm15 =	veq.s32 v41, $0x0  }
0x26a: {  	[tilespmem:s14+$0x16830] =	vst v48;
	v42 =	vsel vm9, $0xFFFFFFFF, v34;
	v44 =	vshrl.u32 v44, v57;
	v59 =	vsel vm15, $0xFFFFFFFF, v36  }
0x26b: {  	v34 =	vsel vm9, $0x0, v31;
	v60 =	vsel vm15, $0x0, v9;
	[tilespmem:s14+$0x12910] =	vst v59;
	v44 =	vand.u32 v44, v54  }
0x26c: {  	v62 =	vshrl.u32 v50, $0x1;
	v45 =	vld.idx.msk [tilespmem:v61+s7+$0x0], $0xffff;
	v61 =	vsel vm15, $0x0, v25;
	[tilespmem:s14+$0x14910] =	vst v60;
	v44 =	vand.u32 $0x1, v44  }
0x26d: {  	v63 =	vand.u32 $0x1F, v62;
	v54 =	vld [tilespmem:s14+$0x108B0];
	[tilespmem:s14+$0x16910] =	vst v61;
	vm4 =	veq.s32 v44, $0x0;
	v44 =	vshra.s32 v51, $0x6  }
0x26e: {  	v47 =	vshrl.u32 v58, v63;
	v58 =	vshrl.u32 v46, $0x1;
	v56 =	vld.idx.msk [tilespmem:v52+s7+$0x0], $0xffff;
	v57 =	vsel vm4, $0xFFFFFFFF, v37  }
0x26f: {  	v61 =	vshrl.u32 v53, $0x1;
	v48 =	vand.u32 $0x1F, v58;
	v59 =	vsel vm4, $0x0, v9;
	[tilespmem:s14+$0x12990] =	vst v57  }
0x270: {  	v47 =	vand.u32 v47, v50;
	v63 =	vand.u32 $0x1F, v61;
	v60 =	vsel vm4, $0x0, v25;
	[tilespmem:s14+$0x14990] =	vst v59  }
0x271: {  	v52 =	vld [tilespmem:s14+$0x10930];
	v58 =	vshrl.u32 v51, $0x1;
	v45 =	vshrl.u32 v45, v48;
	v47 =	vand.u32 $0x1, v47;
	[tilespmem:s14+$0x16990] =	vst v60  }
0x272: {  	[tilespmem:s14+$0x126F0] =	vst v39;
	vm5 =	veq.s32 v47, $0x0;
	v48 =	vand.u32 v45, v46;
	v62 =	vshra.s32 v54, $0x6;
	v44 =	vld.idx.msk [tilespmem:v44+s7+$0x0], $0xffff  }
0x273: {  	[tilespmem:s14+$0x146F0] =	vst v40;
	v50 =	vsel vm5, $0xFFFFFFFF, v35;
	v40 =	vand.u32 $0x1, v48;
	v55 =	vshrl.u32 v56, v63  }
0x274: {  	v57 =	vsel vm5, $0x0, v26;
	v60 =	vand.u32 $0x1F, v58;
	[tilespmem:s14+$0x128A0] =	vst v50;
	v46 =	vand.u32 v55, v53  }
0x275: {  	v48 =	vld [tilespmem:s14+$0x109B0];
	[tilespmem:s14+$0x168A0] =	vst v57;
	vm7 =	veq.s32 v40, $0x0;
	v56 =	vsel vm5, $0x0, v10;
	v46 =	vand.u32 $0x1, v46  }
0x276: {  	v47 =	vld [tilespmem:s14+$0x108C0];
	v59 =	vshra.s32 v52, $0x6;
	v50 =	vsel vm7, $0xFFFFFFFF, v33;
	[tilespmem:s14+$0x148A0] =	vst v56;
	vm6 =	veq.s32 v46, $0x0  }
0x277: {  	v41 =	vsel vm9, $0x0, v15;
	[tilespmem:s14+$0x12840] =	vst v50;
	v61 =	vld.idx.msk [tilespmem:v62+s7+$0x0], $0xffff;
	v62 =	vsel vm6, $0xFFFFFFFF, v36;
	v63 =	vshrl.u32 v44, v60  }
0x278: {  	v49 =	vld [tilespmem:s14+$0x10850];
	vm9 =	veq.s32 v43, $0x0;
	v53 =	vsel vm6, $0x0, v10;
	[tilespmem:s14+$0x12920] =	vst v62;
	v40 =	vand.u32 v63, v51  }
0x279: {  	v55 =	vshrl.u32 v54, $0x1;
	v56 =	vsel vm6, $0x0, v26;
	[tilespmem:s14+$0x14920] =	vst v53;
	v40 =	vand.u32 $0x1, v40  }
0x27a: {  	v43 =	vld [tilespmem:s14+$0x107F0];
	v50 =	vsel vm9, $0x0, v14;
	v39 =	vshra.s32 v48, $0x6;
	[tilespmem:s14+$0x16920] =	vst v56;
	vm8 =	veq.s32 v40, $0x0  }
0x27b: {  	[tilespmem:s14+$0x166F0] =	vst v38;
	v46 =	vand.u32 $0x1F, v55;
	v62 =	vsel vm7, $0x0, v28;
	v40 =	vld.idx.msk [tilespmem:v59+s7+$0x0], $0xffff;
	v57 =	vsel vm8, $0xFFFFFFFF, v37  }
0x27c: {  	v56 =	vshra.s32 v47, $0x6;
	v38 =	vshrl.u32 v61, v46;
	v58 =	vsel vm8, $0x0, v10;
	[tilespmem:s14+$0x129A0] =	vst v57  }
0x27d: {  	v53 =	vld [tilespmem:s14+$0x109C0];
	v60 =	vshra.s32 v49, $0x6;
	v59 =	vsel vm8, $0x0, v26;
	v38 =	vand.u32 v38, v54;
	[tilespmem:s14+$0x149A0] =	vst v58  }
0x27e: {  	v44 =	vsel vm9, $0xFFFFFFFF, v32;
	v63 =	vshrl.u32 v52, $0x1;
	v54 =	vld [tilespmem:s14+$0x10940];
	v38 =	vand.u32 $0x1, v38;
	[tilespmem:s14+$0x169A0] =	vst v59  }
0x27f: {  	[tilespmem:s14+$0x16840] =	vst v62;
	v61 =	vsel vm7, $0x0, v12;
	v57 =	vand.u32 $0x1F, v63;
	vm10 =	veq.s32 v38, $0x0;
	v39 =	vld.idx.msk [tilespmem:v39+s7+$0x0], $0xffff  }
0x280: {  	v46 =	vshra.s32 v43, $0x6;
	[tilespmem:s14+$0x14840] =	vst v61;
	v58 =	vsel vm10, $0xFFFFFFFF, v35;
	v40 =	vshrl.u32 v40, v57  }
0x281: {  	v61 =	vshrl.u32 v48, $0x1;
	v59 =	vsel vm10, $0x0, v11;
	[tilespmem:s14+$0x128B0] =	vst v58;
	v40 =	vand.u32 v40, v52  }
0x282: {  	v51 =	vld.idx.msk [tilespmem:v60+s7+$0x0], $0xffff;
	v63 =	vand.u32 $0x1F, v61;
	v60 =	vsel vm10, $0x0, v27;
	[tilespmem:s14+$0x148B0] =	vst v59;
	v40 =	vand.u32 $0x1, v40  }
0x283: {  	v45 =	vld [tilespmem:s14+$0x108D0];
	[tilespmem:s14+$0x168B0] =	vst v60;
	v58 =	vshrl.u32 v47, $0x1;
	v62 =	vshra.s32 v54, $0x6;
	vm11 =	veq.s32 v40, $0x0  }
0x284: {  	[tilespmem:s14+$0x127E0] =	vst v44;
	v59 =	vshra.s32 v53, $0x6;
	v38 =	vld.idx.msk [tilespmem:v56+s7+$0x0], $0xffff;
	v39 =	vshrl.u32 v39, v63;
	v55 =	vsel vm11, $0xFFFFFFFF, v36  }
0x285: {  	v52 =	vshrl.u32 v49, $0x1;
	v39 =	vand.u32 v39, v48;
	v56 =	vsel vm11, $0x0, v11;
	[tilespmem:s14+$0x12930] =	vst v55  }
0x286: {  	v44 =	vand.u32 $0x1F, v52;
	v57 =	vsel vm11, $0x0, v27;
	[tilespmem:s14+$0x14930] =	vst v56;
	v39 =	vand.u32 $0x1, v39  }
0x287: {  	v52 =	vshrl.u32 v43, $0x1;
	v44 =	vshrl.u32 v51, v44;
	[tilespmem:s14+$0x16930] =	vst v57;
	vm2 =	veq.s32 v39, $0x0  }
0x288: {  	[tilespmem:s14+$0x12770] =	vst v42;
	v44 =	vand.u32 v44, v49;
	v48 =	vand.u32 $0x1F, v58;
	v40 =	vld.idx.msk [tilespmem:v62+s7+$0x0], $0xffff;
	v60 =	vsel vm2, $0xFFFFFFFF, v37  }
0x289: {  	v58 =	vshra.s32 v45, $0x6;
	v38 =	vshrl.u32 v38, v48;
	v61 =	vsel vm2, $0x0, v11;
	[tilespmem:s14+$0x129B0] =	vst v60  }
0x28a: {  	v44 =	vand.u32 $0x1, v44;
	v63 =	vsel vm2, $0x0, v27;
	v38 =	vand.u32 v38, v47;
	[tilespmem:s14+$0x149B0] =	vst v61  }
0x28b: {  	v55 =	vshrl.u32 v54, $0x1;
	vm12 =	veq.s32 v44, $0x0;
	v44 =	vld [tilespmem:s14+$0x10950];
	[tilespmem:s14+$0x169B0] =	vst v63;
	v38 =	vand.u32 $0x1, v38  }
0x28c: {  	[tilespmem:s14+$0x147E0] =	vst v50;
	v62 =	vsel vm9, $0x0, v30;
	v47 =	vand.u32 $0x1F, v55;
	v39 =	vld.idx.msk [tilespmem:v59+s7+$0x0], $0xffff;
	vm13 =	veq.s32 v38, $0x0  }
0x28d: {  	v49 =	vld [tilespmem:s14+$0x109D0];
	[tilespmem:s14+$0x167E0] =	vst v62;
	v56 =	vsel vm12, $0xFFFFFFFF, v33;
	v60 =	vsel vm13, $0xFFFFFFFF, v35;
	v40 =	vshrl.u32 v40, v47  }
0x28e: {  	v62 =	vshrl.u32 v53, $0x1;
	v57 =	vld.idx.msk [tilespmem:v46+s7+$0x0], $0xffff;
	v61 =	vsel vm13, $0x0, v12;
	[tilespmem:s14+$0x128C0] =	vst v60;
	v40 =	vand.u32 v40, v54  }
0x28f: {  	v51 =	vsel vm12, $0x0, v29;
	v46 =	vld [tilespmem:s14+$0x109E0];
	v63 =	vsel vm13, $0x0, v28;
	[tilespmem:s14+$0x148C0] =	vst v61;
	v40 =	vand.u32 $0x1, v40  }
0x290: {  	v48 =	vand.u32 $0x1F, v62;
	v59 =	vand.u32 $0x1F, v52;
	[tilespmem:s14+$0x168C0] =	vst v63;
	vm14 =	veq.s32 v40, $0x0;
	v40 =	vld [tilespmem:s14+$0x10860]  }
0x291: {  	[tilespmem:s14+$0x12850] =	vst v56;
	v52 =	vsel vm12, $0x0, v13;
	v54 =	vshra.s32 v44, $0x6;
	v38 =	vld.idx.msk [tilespmem:v58+s7+$0x0], $0xffff;
	v39 =	vshrl.u32 v39, v48  }
0x292: {  	[tilespmem:s14+$0x16850] =	vst v51;
	v60 =	vshrl.u32 v45, $0x1;
	v55 =	vsel vm14, $0xFFFFFFFF, v36;
	v39 =	vand.u32 v39, v53  }
0x293: {  	v58 =	vshra.s32 v49, $0x6;
	v56 =	vsel vm14, $0x0, v12;
	[tilespmem:s14+$0x12940] =	vst v55;
	v39 =	vand.u32 $0x1, v39  }
0x294: {  	v50 =	vld [tilespmem:s14+$0x108E0];
	v42 =	vshrl.u32 v57, v59;
	v57 =	vsel vm14, $0x0, v28;
	[tilespmem:s14+$0x14940] =	vst v56;
	vm15 =	veq.s32 v39, $0x0  }
0x295: {  	v47 =	vand.u32 $0x1F, v60;
	[tilespmem:s14+$0x16940] =	vst v57;
	v61 =	vsel vm15, $0xFFFFFFFF, v37;
	v59 =	vshra.s32 v40, $0x6  }
0x296: {  	v51 =	vshra.s32 v46, $0x6;
	v48 =	vld.idx.msk [tilespmem:v54+s7+$0x0], $0xffff;
	v38 =	vshrl.u32 v38, v47;
	v62 =	vsel vm15, $0x0, v12;
	[tilespmem:s14+$0x129C0] =	vst v61  }
0x297: {  	v42 =	vand.u32 v42, v43;
	v63 =	vsel vm15, $0x0, v28;
	v38 =	vand.u32 v38, v45;
	[tilespmem:s14+$0x149C0] =	vst v62  }
0x298: {  	v42 =	vand.u32 $0x1, v42;
	v53 =	vshrl.u32 v44, $0x1;
	v45 =	vld [tilespmem:s14+$0x10960];
	[tilespmem:s14+$0x169C0] =	vst v63;
	v38 =	vand.u32 $0x1, v38  }
0x299: {  	[tilespmem:s14+$0x14850] =	vst v52;
	vm4 =	veq.s32 v42, $0x0;
	v55 =	vshra.s32 v50, $0x6;
	v39 =	vld.idx.msk [tilespmem:v58+s7+$0x0], $0xffff;
	vm5 =	veq.s32 v38, $0x0  }
0x29a: {  	[tilespmem:s14+$0x16770] =	vst v34;
	v43 =	vand.u32 $0x1F, v53;
	v32 =	vsel vm4, $0xFFFFFFFF, v32;
	v57 =	vsel vm5, $0xFFFFFFFF, v35;
	v54 =	vld.idx.msk [tilespmem:v59+s7+$0x0], $0xffff  }
0x29b: {  	v52 =	vshrl.u32 v40, $0x1;
	v58 =	vsel vm5, $0x0, v13;
	v43 =	vshrl.u32 v48, v43;
	[tilespmem:s14+$0x128D0] =	vst v57  }
0x29c: {  	v60 =	vsel vm5, $0x0, v29;
	[tilespmem:s14+$0x148D0] =	vst v58;
	v43 =	vand.u32 v43, v44;
	v59 =	vshrl.u32 v49, $0x1  }
0x29d: {  	v56 =	vand.u32 $0x1F, v52;
	[tilespmem:s14+$0x168D0] =	vst v60;
	v43 =	vand.u32 $0x1, v43;
	v44 =	vand.u32 $0x1F, v59  }
0x29e: {  	[tilespmem:s14+$0x14770] =	vst v41;
	v61 =	vshra.s32 v45, $0x6;
	v63 =	vld.idx.msk [tilespmem:v55+s7+$0x0], $0xffff;
	vm6 =	veq.s32 v43, $0x0;
	v39 =	vshrl.u32 v39, v44  }
0x29f: {  	[tilespmem:s14+$0x127F0] =	vst v32;
	v47 =	vsel vm6, $0xFFFFFFFF, v36;
	v39 =	vand.u32 v39, v49;
	v62 =	vshrl.u32 v54, v56  }
0x2a0: {  	v48 =	vsel vm6, $0x0, v13;
	[tilespmem:s14+$0x12950] =	vst v47;
	v39 =	vand.u32 $0x1, v39;
	v32 =	vand.u32 v62, v40;
	v40 =	vld [tilespmem:s14+$0x10870]  }
0x2a1: {  	v52 =	vshrl.u32 v50, $0x1;
	[tilespmem:s14+$0x14950] =	vst v48;
	v49 =	vsel vm6, $0x0, v29;
	vm7 =	veq.s32 v39, $0x0  }
0x2a2: {  	v41 =	vand.u32 $0x1F, v52;
	v43 =	vld [tilespmem:s14+$0x108F0];
	[tilespmem:s14+$0x16950] =	vst v49;
	v53 =	vsel vm7, $0xFFFFFFFF, v37  }
0x2a3: {  	v60 =	vshrl.u32 v45, $0x1;
	v34 =	vshrl.u32 v63, v41;
	v42 =	vld.idx.msk [tilespmem:v61+s7+$0x0], $0xffff;
	v54 =	vsel vm7, $0x0, v13;
	[tilespmem:s14+$0x129D0] =	vst v53  }
0x2a4: {  	v56 =	vsel vm4, $0x0, v15;
	v55 =	vsel vm7, $0x0, v29;
	v32 =	vand.u32 $0x1, v32;
	[tilespmem:s14+$0x149D0] =	vst v54  }
0x2a5: {  	v47 =	vld [tilespmem:s14+$0x10970];
	v34 =	vand.u32 v34, v50;
	[tilespmem:s14+$0x169D0] =	vst v55;
	vm8 =	veq.s32 v32, $0x0;
	v58 =	vshra.s32 v40, $0x6  }
0x2a6: {  	v50 =	vshrl.u32 v46, $0x1;
	[tilespmem:s14+$0x147F0] =	vst v56;
	v34 =	vand.u32 $0x1, v34;
	v39 =	vld.idx.msk [tilespmem:v51+s7+$0x0], $0xffff;
	v57 =	vsel vm8, $0xFFFFFFFF, v33  }
0x2a7: {  	v62 =	vand.u32 $0x1F, v60;
	v48 =	vshra.s32 v43, $0x6;
	v59 =	vsel vm8, $0x0, v14;
	[tilespmem:s14+$0x12860] =	vst v57  }
0x2a8: {  	vm9 =	veq.s32 v34, $0x0;
	v61 =	vsel vm8, $0x0, v30;
	[tilespmem:s14+$0x14860] =	vst v59;
	v34 =	vshrl.u32 v42, v62  }
0x2a9: {  	v63 =	vsel vm9, $0xFFFFFFFF, v35;
	v49 =	vsel vm9, $0x0, v14;
	[tilespmem:s14+$0x16860] =	vst v61;
	v34 =	vand.u32 v34, v45;
	v45 =	vld [tilespmem:s14+$0x109F0]  }
0x2aa: {  	v52 =	vsel vm9, $0x0, v30;
	[tilespmem:s14+$0x128E0] =	vst v63;
	v42 =	vand.u32 $0x1F, v50;
	v34 =	vand.u32 $0x1, v34;
	v51 =	vld.idx.msk [tilespmem:v58+s7+$0x0], $0xffff  }
0x2ab: {  	v54 =	vshra.s32 v47, $0x6;
	[tilespmem:s14+$0x148E0] =	vst v49;
	vm10 =	veq.s32 v34, $0x0;
	v53 =	vshrl.u32 v39, v42  }
0x2ac: {  	[tilespmem:s14+$0x168E0] =	vst v52;
	v55 =	vshrl.u32 v40, $0x1;
	v34 =	vand.u32 v53, v46;
	v56 =	vsel vm10, $0xFFFFFFFF, v36  }
0x2ad: {  	v57 =	vld.idx.msk [tilespmem:v48+s7+$0x0], $0xffff;
	v39 =	vand.u32 $0x1F, v55;
	v59 =	vsel vm10, $0x0, v30;
	[tilespmem:s14+$0x12960] =	vst v56;
	v34 =	vand.u32 $0x1, v34  }
0x2ae: {  	[tilespmem:s14+$0x16960] =	vst v59;
	v58 =	vsel vm10, $0x0, v14;
	vm11 =	veq.s32 v34, $0x0;
	v60 =	vshra.s32 v45, $0x6  }
0x2af: {  	[tilespmem:s14+$0x14960] =	vst v58;
	v61 =	vsel vm11, $0xFFFFFFFF, v37;
	v32 =	vshrl.u32 v51, v39  }
0x2b0: {  	v62 =	vshrl.u32 v43, $0x1;
	v63 =	vsel vm11, $0x0, v14;
	v38 =	vld.idx.msk [tilespmem:v54+s7+$0x0], $0xffff;
	[tilespmem:s14+$0x129E0] =	vst v61;
	v32 =	vand.u32 v32, v40  }
0x2b1: {  	v46 =	vand.u32 $0x1F, v62;
	v44 =	vsel vm11, $0x0, v30;
	[tilespmem:s14+$0x149E0] =	vst v63;
	v32 =	vand.u32 $0x1, v32  }
0x2b2: {  	v48 =	vsel vm4, $0x0, v31;
	v49 =	vshrl.u32 v57, v46;
	[tilespmem:s14+$0x169E0] =	vst v44;
	vm12 =	veq.s32 v32, $0x0  }
0x2b3: {  	v50 =	vshrl.u32 v47, $0x1;
	[tilespmem:s14+$0x167F0] =	vst v48;
	v34 =	vld.idx.msk [tilespmem:v60+s7+$0x0], $0xffff;
	v32 =	vand.u32 v49, v43;
	v33 =	vsel vm12, $0xFFFFFFFF, v33  }
0x2b4: {  	v39 =	vand.u32 $0x1F, v50;
	v51 =	vsel vm12, $0x0, v15;
	v32 =	vand.u32 $0x1, v32;
	[tilespmem:s14+$0x12870] =	vst v33  }
0x2b5: {  	v53 =	vshrl.u32 v38, v39;
	v52 =	vsel vm12, $0x0, v31;
	[tilespmem:s14+$0x14870] =	vst v51;
	vm13 =	veq.s32 v32, $0x0  }
0x2b6: {  	v55 =	vshrl.u32 v45, $0x1;
	[tilespmem:s14+$0x16870] =	vst v52;
	v32 =	vand.u32 v53, v47;
	v54 =	vsel vm13, $0xFFFFFFFF, v35  }
0x2b7: {  	v56 =	vsel vm13, $0x0, v15;
	v32 =	vand.u32 $0x1, v32;
	v35 =	vand.u32 $0x1F, v55;
	[tilespmem:s14+$0x128F0] =	vst v54  }
0x2b8: {  	v57 =	vsel vm13, $0x0, v31;
	[tilespmem:s14+$0x148F0] =	vst v56;
	vm14 =	veq.s32 v32, $0x0;
	v58 =	vshrl.u32 v34, v35  }
0x2b9: {  	[tilespmem:s14+$0x168F0] =	vst v57;
	v32 =	vand.u32 v58, v45;
	v59 =	vsel vm14, $0xFFFFFFFF, v36  }
0x2ba: {  	p2 =	por p1, p1;
	v60 =	vsel vm14, $0x0, v15;
	[tilespmem:s14+$0x12970] =	vst v59;
	v32 =	vand.u32 $0x1, v32  }
.Ltmp0:
0x2bb: {  	v61 =	vsel vm14, $0x0, v31;
	[tilespmem:s14+$0x14970] =	vst v60;
	vm15 =	veq.s32 v32, $0x0;
	(pc) =	sbr.rel @p2 .LBB2_3-.Ltmp0, $4  }
0x2bc: {  	[tilespmem:s14+$0x16970] =	vst v61;
	v32 =	vsel vm15, $0xFFFFFFFF, v37  }
0x2bd: {  	v62 =	vsel vm15, $0x0, v15;
	[tilespmem:s14+$0x129F0] =	vst v32  }
0x2be: {  	v63 =	vsel vm15, $0x0, v31;
	[tilespmem:s14+$0x149F0] =	vst v62  }
0x2bf: {  	p1 =	por $0x0, $0x0;
	s16 =	simm.s32 $0x8;
	[tilespmem:s14+$0x169F0] =	vst v63  }
0x2c0: {  	s2 =	sshll.u32 s2, $0x5;
	s16 =	sor.u32 $0x1, s5  }
0x2c1: {  	s14 =	sadd.s32 s3, s2;
	p1 =	sgt.u32 s16, $0x1E  }
0x2c2: {  	[hbm4b:s14+s7] =	stream.linear.scatter [tilespmem:s20], [sflag:$0x3], $0x1000, $0x38;
	[tilespmem:$0x18200] =	vst v63  }
0x2c3: {  	s17 =	sadd.s32 s4, s2;
	s0 =	sadd.s32 @!p1 s0, s12  }
0x2c4: {  	[hbm4b:s17+s7] =	stream.linear.scatter [tilespmem:s21], [sflag:$0x3], $0x1000, $0x38;
	[tilespmem:$0x18200] =	vst v63  }
0x2c5: {  	s2 =	sadd.s32 s6, s2;
	s0 =	sshll.u32 @!p1 s0, $0x5  }
0x2c6: {  	[hbm4b:s2+s7] =	stream.linear.scatter [tilespmem:s22], [sflag:$0x3], $0x1000, $0x38;
	[tilespmem:$0x18200] =	vst v63  }
0x2c7: {  	s5 =	simm.s32 @!p1 $0x0;
	s14 =	simm.s32 @!p1 $0x10200;
	s0 =	sadd.s32 @!p1 s9, s0  }
0x2c8: {  	[tilespmem:s14], [sflag:$0x1] =	stream.linear.gather @!p1 [hbm4b:s0+s5], $0x1000, $0x38;
	[tilespmem:$0x18200] =	vst v63  }
0x2c9: {  	_ =	swait.ge [sflag:s23], $0x1000  }
0x2ca: {  	[sflag:s23] =	ssyncset.done $0x0  }
0x2cb: {  	s5 =	simm.s32 @!p0 $0x4;
	[sflag:s23] =	ssyncadd.s32 $0xFFFFF000  }
0x2cc: {  	_ =	swait.ge @!p0 [sflag:s5], $0x1000  }
0x2cd: {  	[sflag:s5] =	ssyncset.done @!p0 $0x0  }
0x2ce: {  	[sflag:s5] =	ssyncadd.s32 @!p0 $0xFFFFF000  }
0x2cf: {  	_ =	swait.ge @!p0 [sflag:s5], $0x1000  }
0x2d0: {  	[sflag:s5] =	ssyncset.done @!p0 $0x0  }
0x2d1: {  	[sflag:s5] =	ssyncadd.s32 @!p0 $0xFFFFF000  }
0x2d2: {  	s17 =	sshll.u32 s16, $0x4;
	_ =	swait.ge @!p0 [sflag:s5], $0x1000  }
0x2d3: {  	s0 =	sadd.s32 s8, s17;
	[sflag:s5] =	ssyncset.done @!p0 $0x0  }
0x2d4: {  	[sflag:s5] =	ssyncadd.s32 @!p0 $0xFFFFF000;
	s5 =	simm.s32 $0x0;
	p0 =	por $0x1, $0x1  }
.LBB2_5:
0x2d5: {  	s2 =	sshll.u32 s5, $0x8  }
0x2d6: {  	v32 =	vld [tilespmem:s2+$0x11200];
	_ =	sdelay $0x4  }
0x2d7: {  	v33 =	vshra.s32 v32, $0x6;
	_ =	sdelay $0x4  }
0x2d8: {  	v33 =	vld.idx.msk [tilespmem:v33+s7+$0x0], $0xffff;
	_ =	sdelay $0x2  }
0x2d9: {  	v35 =	vld [tilespmem:s2+$0x11210];
	v34 =	vshrl.u32 v32, $0x1  }
0x2da: {  	v34 =	vand.u32 $0x1F, v34  }
0x2db: {  	v33 =	vshrl.u32 v33, v34  }
0x2dc: {  	v32 =	vand.u32 v33, v32  }
0x2dd: {  	s5 =	sor.u32 s0, s5;
	v33 =	vand.u32 $0x1, v32  }
0x2de: {  	v53 =	vshra.s32 v35, $0x6;
	v32 =	vmov s5;
	vm0 =	veq.s32 v33, $0x0  }
0x2df: {  	v54 =	vsel vm0, $0xFFFFFFFF, v32  }
0x2e0: {  	v55 =	vsel vm0, $0x0, v0;
	[tilespmem:s2+$0x13200] =	vst v54  }
0x2e1: {  	v56 =	vsel vm0, $0x0, v16;
	[tilespmem:s2+$0x15200] =	vst v55  }
0x2e2: {  	[tilespmem:s2+$0x17200] =	vst v56  }
0x2e3: {  	v33 =	vld.idx.msk [tilespmem:v53+s7+$0x0], $0xffff;
	_ =	sdelay $0x2  }
0x2e4: {  	v36 =	vld [tilespmem:s2+$0x11220];
	v57 =	vshrl.u32 v35, $0x1  }
0x2e5: {  	v34 =	vand.u32 $0x1F, v57  }
0x2e6: {  	v33 =	vshrl.u32 v33, v34  }
0x2e7: {  	v33 =	vand.u32 v33, v35  }
0x2e8: {  	v33 =	vand.u32 $0x1, v33  }
0x2e9: {  	v58 =	vshra.s32 v36, $0x6;
	vm11 =	veq.s32 v33, $0x0  }
0x2ea: {  	v59 =	vsel vm11, $0xFFFFFFFF, v32  }
0x2eb: {  	v60 =	vsel vm11, $0x0, v1;
	[tilespmem:s2+$0x13210] =	vst v59  }
0x2ec: {  	v61 =	vsel vm11, $0x0, v17;
	[tilespmem:s2+$0x15210] =	vst v60  }
0x2ed: {  	[tilespmem:s2+$0x17210] =	vst v61  }
0x2ee: {  	v33 =	vld.idx.msk [tilespmem:v58+s7+$0x0], $0xffff;
	_ =	sdelay $0x2  }
0x2ef: {  	v63 =	vld [tilespmem:s2+$0x11230];
	v62 =	vshrl.u32 v36, $0x1  }
0x2f0: {  	v34 =	vand.u32 $0x1F, v62  }
0x2f1: {  	v33 =	vshrl.u32 v33, v34  }
0x2f2: {  	v33 =	vand.u32 v33, v36  }
0x2f3: {  	v33 =	vand.u32 $0x1, v33  }
0x2f4: {  	v39 =	vshra.s32 v63, $0x6;
	vm12 =	veq.s32 v33, $0x0  }
0x2f5: {  	v40 =	vsel vm12, $0xFFFFFFFF, v32  }
0x2f6: {  	v41 =	vsel vm12, $0x0, v2;
	[tilespmem:s2+$0x13220] =	vst v40  }
0x2f7: {  	v42 =	vsel vm12, $0x0, v18;
	[tilespmem:s2+$0x15220] =	vst v41  }
0x2f8: {  	[tilespmem:s2+$0x17220] =	vst v42  }
0x2f9: {  	v33 =	vld.idx.msk [tilespmem:v39+s7+$0x0], $0xffff;
	_ =	sdelay $0x2  }
0x2fa: {  	v44 =	vld [tilespmem:s2+$0x11240];
	v43 =	vshrl.u32 v63, $0x1  }
0x2fb: {  	v34 =	vand.u32 $0x1F, v43  }
0x2fc: {  	v33 =	vshrl.u32 v33, v34  }
0x2fd: {  	v45 =	vld [tilespmem:s2+$0x11280];
	v33 =	vand.u32 v33, v63  }
0x2fe: {  	v33 =	vand.u32 $0x1, v33  }
0x2ff: {  	v46 =	vshra.s32 v44, $0x6;
	vm13 =	veq.s32 v33, $0x0  }
0x300: {  	v47 =	vsel vm13, $0xFFFFFFFF, v32  }
0x301: {  	v48 =	vsel vm13, $0x0, v3;
	[tilespmem:s2+$0x13230] =	vst v47  }
0x302: {  	v37 =	vshra.s32 v45, $0x6;
	v49 =	vsel vm13, $0x0, v19;
	[tilespmem:s2+$0x15230] =	vst v48  }
0x303: {  	[tilespmem:s2+$0x17230] =	vst v49  }
0x304: {  	v33 =	vld.idx.msk [tilespmem:v46+s7+$0x0], $0xffff;
	_ =	sdelay $0x1  }
0x305: {  	v38 =	vld [tilespmem:s2+$0x11250]  }
0x306: {  	v50 =	vshrl.u32 v44, $0x1;
	v37 =	vld.idx.msk [tilespmem:v37+s7+$0x0], $0xffff  }
0x307: {  	v35 =	vand.u32 $0x1F, v50  }
0x308: {  	v52 =	vld [tilespmem:s2+$0x11290];
	v33 =	vshrl.u32 v33, v35  }
0x309: {  	v51 =	vshrl.u32 v45, $0x1;
	v33 =	vand.u32 v33, v44  }
0x30a: {  	v35 =	vand.u32 $0x1F, v51;
	v33 =	vand.u32 $0x1, v33  }
0x30b: {  	v53 =	vshra.s32 v38, $0x6;
	v35 =	vshrl.u32 v37, v35;
	vm14 =	veq.s32 v33, $0x0  }
0x30c: {  	v34 =	vand.u32 v35, v45;
	v54 =	vsel vm14, $0xFFFFFFFF, v32  }
0x30d: {  	s14 =	sor.u32 $0x1, s5;
	v57 =	vshra.s32 v52, $0x6;
	v34 =	vand.u32 $0x1, v34;
	v55 =	vsel vm14, $0x0, v4;
	[tilespmem:s2+$0x13240] =	vst v54  }
0x30e: {  	v35 =	vmov s14;
	v56 =	vsel vm14, $0x0, v20;
	vm15 =	veq.s32 v34, $0x0;
	[tilespmem:s2+$0x15240] =	vst v55  }
0x30f: {  	[tilespmem:s2+$0x17240] =	vst v56;
	v58 =	vsel vm15, $0xFFFFFFFF, v35  }
0x310: {  	v59 =	vsel vm15, $0x0, v0;
	v33 =	vld.idx.msk [tilespmem:v53+s7+$0x0], $0xffff;
	[tilespmem:s2+$0x13280] =	vst v58  }
0x311: {  	v60 =	vsel vm15, $0x0, v16;
	[tilespmem:s2+$0x15280] =	vst v59  }
0x312: {  	v39 =	vld [tilespmem:s2+$0x11260];
	[tilespmem:s2+$0x17280] =	vst v60  }
0x313: {  	v61 =	vshrl.u32 v38, $0x1;
	v34 =	vld.idx.msk [tilespmem:v57+s7+$0x0], $0xffff  }
0x314: {  	v37 =	vand.u32 $0x1F, v61  }
0x315: {  	v33 =	vshrl.u32 v33, v37  }
0x316: {  	v62 =	vshrl.u32 v52, $0x1;
	v63 =	vld [tilespmem:s2+$0x112A0];
	v33 =	vand.u32 v33, v38  }
0x317: {  	v37 =	vand.u32 $0x1F, v62;
	v33 =	vand.u32 $0x1, v33  }
0x318: {  	v40 =	vshra.s32 v39, $0x6;
	v34 =	vshrl.u32 v34, v37;
	vm4 =	veq.s32 v33, $0x0  }
0x319: {  	v34 =	vand.u32 v34, v52;
	v41 =	vsel vm4, $0xFFFFFFFF, v32  }
0x31a: {  	v34 =	vand.u32 $0x1, v34;
	v42 =	vsel vm4, $0x0, v5;
	[tilespmem:s2+$0x13250] =	vst v41  }
0x31b: {  	v44 =	vshra.s32 v63, $0x6;
	v43 =	vsel vm4, $0x0, v21;
	vm5 =	veq.s32 v34, $0x0;
	[tilespmem:s2+$0x15250] =	vst v42  }
0x31c: {  	[tilespmem:s2+$0x17250] =	vst v43;
	v45 =	vsel vm5, $0xFFFFFFFF, v35  }
0x31d: {  	v46 =	vsel vm5, $0x0, v1;
	v33 =	vld.idx.msk [tilespmem:v40+s7+$0x0], $0xffff;
	[tilespmem:s2+$0x13290] =	vst v45  }
0x31e: {  	v47 =	vsel vm5, $0x0, v17;
	[tilespmem:s2+$0x15290] =	vst v46  }
0x31f: {  	v48 =	vld [tilespmem:s2+$0x11270];
	[tilespmem:s2+$0x17290] =	vst v47  }
0x320: {  	v49 =	vshrl.u32 v39, $0x1;
	v34 =	vld.idx.msk [tilespmem:v44+s7+$0x0], $0xffff  }
0x321: {  	v36 =	vand.u32 $0x1F, v49  }
0x322: {  	v33 =	vshrl.u32 v33, v36  }
0x323: {  	v50 =	vshrl.u32 v63, $0x1;
	v51 =	vld [tilespmem:s2+$0x112B0];
	v33 =	vand.u32 v33, v39  }
0x324: {  	v36 =	vand.u32 $0x1F, v50;
	v33 =	vand.u32 $0x1, v33  }
0x325: {  	v52 =	vshra.s32 v48, $0x6;
	v34 =	vshrl.u32 v34, v36;
	vm6 =	veq.s32 v33, $0x0  }
0x326: {  	v34 =	vand.u32 v34, v63;
	v53 =	vsel vm6, $0xFFFFFFFF, v32  }
0x327: {  	v34 =	vand.u32 $0x1, v34;
	v54 =	vsel vm6, $0x0, v6;
	[tilespmem:s2+$0x13260] =	vst v53  }
0x328: {  	v56 =	vshra.s32 v51, $0x6;
	v55 =	vsel vm6, $0x0, v22;
	vm7 =	veq.s32 v34, $0x0;
	[tilespmem:s2+$0x15260] =	vst v54  }
0x329: {  	[tilespmem:s2+$0x17260] =	vst v55;
	v57 =	vsel vm7, $0xFFFFFFFF, v35  }
0x32a: {  	v58 =	vsel vm7, $0x0, v2;
	v33 =	vld.idx.msk [tilespmem:v52+s7+$0x0], $0xffff;
	[tilespmem:s2+$0x132A0] =	vst v57  }
0x32b: {  	v59 =	vsel vm7, $0x0, v18;
	[tilespmem:s2+$0x152A0] =	vst v58  }
0x32c: {  	v60 =	vld [tilespmem:s2+$0x11600];
	[tilespmem:s2+$0x172A0] =	vst v59  }
0x32d: {  	v61 =	vshrl.u32 v48, $0x1;
	v34 =	vld.idx.msk [tilespmem:v56+s7+$0x0], $0xffff  }
0x32e: {  	v36 =	vand.u32 $0x1F, v61  }
0x32f: {  	v33 =	vshrl.u32 v33, v36  }
0x330: {  	v62 =	vshrl.u32 v51, $0x1;
	v63 =	vld [tilespmem:s2+$0x112C0];
	v33 =	vand.u32 v33, v48  }
0x331: {  	v36 =	vand.u32 $0x1F, v62;
	v33 =	vand.u32 $0x1, v33  }
0x332: {  	v40 =	vshra.s32 v60, $0x6;
	v34 =	vshrl.u32 v34, v36;
	vm8 =	veq.s32 v33, $0x0  }
0x333: {  	v34 =	vand.u32 v34, v51;
	v41 =	vsel vm8, $0xFFFFFFFF, v32  }
0x334: {  	v34 =	vand.u32 $0x1, v34;
	v42 =	vsel vm8, $0x0, v7;
	[tilespmem:s2+$0x13270] =	vst v41  }
0x335: {  	v44 =	vshra.s32 v63, $0x6;
	v43 =	vsel vm8, $0x0, v23;
	vm9 =	veq.s32 v34, $0x0;
	[tilespmem:s2+$0x15270] =	vst v42  }
0x336: {  	[tilespmem:s2+$0x17270] =	vst v43;
	v45 =	vsel vm9, $0xFFFFFFFF, v35  }
0x337: {  	v46 =	vsel vm9, $0x0, v3;
	v33 =	vld.idx.msk [tilespmem:v40+s7+$0x0], $0xffff;
	[tilespmem:s2+$0x132B0] =	vst v45  }
0x338: {  	v47 =	vsel vm9, $0x0, v19;
	[tilespmem:s2+$0x152B0] =	vst v46  }
0x339: {  	v48 =	vld [tilespmem:s2+$0x11610];
	[tilespmem:s2+$0x172B0] =	vst v47  }
0x33a: {  	v49 =	vshrl.u32 v60, $0x1;
	v34 =	vld.idx.msk [tilespmem:v44+s7+$0x0], $0xffff  }
0x33b: {  	v36 =	vand.u32 $0x1F, v49  }
0x33c: {  	v33 =	vshrl.u32 v33, v36  }
0x33d: {  	v50 =	vshrl.u32 v63, $0x1;
	v51 =	vld [tilespmem:s2+$0x112D0];
	v33 =	vand.u32 v33, v60  }
0x33e: {  	v36 =	vand.u32 $0x1F, v50;
	v33 =	vand.u32 $0x1, v33  }
0x33f: {  	v52 =	vshra.s32 v48, $0x6;
	v34 =	vshrl.u32 v34, v36;
	vm10 =	veq.s32 v33, $0x0  }
0x340: {  	v34 =	vand.u32 v34, v63;
	v53 =	vsel vm10, $0xFFFFFFFF, v32  }
0x341: {  	v34 =	vand.u32 $0x1, v34;
	v54 =	vsel vm10, $0x0, v8;
	[tilespmem:s2+$0x13600] =	vst v53  }
0x342: {  	v56 =	vshra.s32 v51, $0x6;
	v55 =	vsel vm10, $0x0, v24;
	vm11 =	veq.s32 v34, $0x0;
	[tilespmem:s2+$0x15600] =	vst v54  }
0x343: {  	[tilespmem:s2+$0x17600] =	vst v55;
	v57 =	vsel vm11, $0xFFFFFFFF, v35  }
0x344: {  	v58 =	vsel vm11, $0x0, v4;
	v33 =	vld.idx.msk [tilespmem:v52+s7+$0x0], $0xffff;
	[tilespmem:s2+$0x132C0] =	vst v57  }
0x345: {  	v59 =	vsel vm11, $0x0, v20;
	[tilespmem:s2+$0x152C0] =	vst v58  }
0x346: {  	v60 =	vld [tilespmem:s2+$0x11620];
	[tilespmem:s2+$0x172C0] =	vst v59  }
0x347: {  	v61 =	vshrl.u32 v48, $0x1;
	v34 =	vld.idx.msk [tilespmem:v56+s7+$0x0], $0xffff  }
0x348: {  	v36 =	vand.u32 $0x1F, v61  }
0x349: {  	v33 =	vshrl.u32 v33, v36  }
0x34a: {  	v62 =	vshrl.u32 v51, $0x1;
	v63 =	vld [tilespmem:s2+$0x112E0];
	v33 =	vand.u32 v33, v48  }
0x34b: {  	v36 =	vand.u32 $0x1F, v62;
	v33 =	vand.u32 $0x1, v33  }
0x34c: {  	v40 =	vshra.s32 v60, $0x6;
	v34 =	vshrl.u32 v34, v36;
	vm12 =	veq.s32 v33, $0x0  }
0x34d: {  	v34 =	vand.u32 v34, v51;
	v41 =	vsel vm12, $0xFFFFFFFF, v32  }
0x34e: {  	v34 =	vand.u32 $0x1, v34;
	v42 =	vsel vm12, $0x0, v9;
	[tilespmem:s2+$0x13610] =	vst v41  }
0x34f: {  	v44 =	vshra.s32 v63, $0x6;
	v43 =	vsel vm12, $0x0, v25;
	vm13 =	veq.s32 v34, $0x0;
	[tilespmem:s2+$0x15610] =	vst v42  }
0x350: {  	[tilespmem:s2+$0x17610] =	vst v43;
	v45 =	vsel vm13, $0xFFFFFFFF, v35  }
0x351: {  	v46 =	vsel vm13, $0x0, v5;
	v33 =	vld.idx.msk [tilespmem:v40+s7+$0x0], $0xffff;
	[tilespmem:s2+$0x132D0] =	vst v45  }
0x352: {  	v47 =	vsel vm13, $0x0, v21;
	[tilespmem:s2+$0x152D0] =	vst v46  }
0x353: {  	v48 =	vld [tilespmem:s2+$0x11630];
	[tilespmem:s2+$0x172D0] =	vst v47  }
0x354: {  	v49 =	vshrl.u32 v60, $0x1;
	v34 =	vld.idx.msk [tilespmem:v44+s7+$0x0], $0xffff  }
0x355: {  	v36 =	vand.u32 $0x1F, v49  }
0x356: {  	v33 =	vshrl.u32 v33, v36  }
0x357: {  	v50 =	vshrl.u32 v63, $0x1;
	v51 =	vld [tilespmem:s2+$0x112F0];
	v33 =	vand.u32 v33, v60  }
0x358: {  	v36 =	vand.u32 $0x1F, v50;
	v33 =	vand.u32 $0x1, v33  }
0x359: {  	v52 =	vshra.s32 v48, $0x6;
	v34 =	vshrl.u32 v34, v36;
	vm14 =	veq.s32 v33, $0x0  }
0x35a: {  	v34 =	vand.u32 v34, v63;
	v53 =	vsel vm14, $0xFFFFFFFF, v32  }
0x35b: {  	v34 =	vand.u32 $0x1, v34;
	v54 =	vsel vm14, $0x0, v10;
	[tilespmem:s2+$0x13620] =	vst v53  }
0x35c: {  	v56 =	vshra.s32 v51, $0x6;
	v55 =	vsel vm14, $0x0, v26;
	vm15 =	veq.s32 v34, $0x0;
	[tilespmem:s2+$0x15620] =	vst v54  }
0x35d: {  	[tilespmem:s2+$0x17620] =	vst v55;
	v57 =	vsel vm15, $0xFFFFFFFF, v35  }
0x35e: {  	v58 =	vsel vm15, $0x0, v6;
	v33 =	vld.idx.msk [tilespmem:v52+s7+$0x0], $0xffff;
	[tilespmem:s2+$0x132E0] =	vst v57  }
0x35f: {  	v59 =	vsel vm15, $0x0, v22;
	[tilespmem:s2+$0x152E0] =	vst v58  }
0x360: {  	v60 =	vld [tilespmem:s2+$0x11640];
	[tilespmem:s2+$0x172E0] =	vst v59  }
0x361: {  	v61 =	vshrl.u32 v48, $0x1;
	v34 =	vld.idx.msk [tilespmem:v56+s7+$0x0], $0xffff  }
0x362: {  	v36 =	vand.u32 $0x1F, v61  }
0x363: {  	v33 =	vshrl.u32 v33, v36  }
0x364: {  	v62 =	vshrl.u32 v51, $0x1;
	v63 =	vld [tilespmem:s2+$0x11680];
	v33 =	vand.u32 v33, v48  }
0x365: {  	v36 =	vand.u32 $0x1F, v62;
	v33 =	vand.u32 $0x1, v33  }
0x366: {  	v40 =	vshra.s32 v60, $0x6;
	v34 =	vshrl.u32 v34, v36;
	vm4 =	veq.s32 v33, $0x0  }
0x367: {  	v34 =	vand.u32 v34, v51;
	v41 =	vsel vm4, $0xFFFFFFFF, v32  }
0x368: {  	v34 =	vand.u32 $0x1, v34;
	v42 =	vsel vm4, $0x0, v11;
	[tilespmem:s2+$0x13630] =	vst v41  }
0x369: {  	v44 =	vshra.s32 v63, $0x6;
	v43 =	vsel vm4, $0x0, v27;
	vm5 =	veq.s32 v34, $0x0;
	[tilespmem:s2+$0x15630] =	vst v42  }
0x36a: {  	[tilespmem:s2+$0x17630] =	vst v43;
	v45 =	vsel vm5, $0xFFFFFFFF, v35  }
0x36b: {  	v46 =	vsel vm5, $0x0, v7;
	v33 =	vld.idx.msk [tilespmem:v40+s7+$0x0], $0xffff;
	[tilespmem:s2+$0x132F0] =	vst v45  }
0x36c: {  	v47 =	vsel vm5, $0x0, v23;
	[tilespmem:s2+$0x152F0] =	vst v46  }
0x36d: {  	v48 =	vld [tilespmem:s2+$0x11650];
	[tilespmem:s2+$0x172F0] =	vst v47  }
0x36e: {  	v49 =	vshrl.u32 v60, $0x1;
	v34 =	vld.idx.msk [tilespmem:v44+s7+$0x0], $0xffff  }
0x36f: {  	v36 =	vand.u32 $0x1F, v49  }
0x370: {  	v33 =	vshrl.u32 v33, v36  }
0x371: {  	v50 =	vshrl.u32 v63, $0x1;
	v51 =	vld [tilespmem:s2+$0x11690];
	v33 =	vand.u32 v33, v60  }
0x372: {  	v36 =	vand.u32 $0x1F, v50;
	v33 =	vand.u32 $0x1, v33  }
0x373: {  	v52 =	vshra.s32 v48, $0x6;
	v34 =	vshrl.u32 v34, v36;
	vm6 =	veq.s32 v33, $0x0  }
0x374: {  	v34 =	vand.u32 v34, v63;
	v53 =	vsel vm6, $0xFFFFFFFF, v32  }
0x375: {  	v34 =	vand.u32 $0x1, v34;
	v54 =	vsel vm6, $0x0, v12;
	[tilespmem:s2+$0x13640] =	vst v53  }
0x376: {  	v56 =	vshra.s32 v51, $0x6;
	v55 =	vsel vm6, $0x0, v28;
	vm7 =	veq.s32 v34, $0x0;
	[tilespmem:s2+$0x15640] =	vst v54  }
0x377: {  	[tilespmem:s2+$0x17640] =	vst v55;
	v57 =	vsel vm7, $0xFFFFFFFF, v35  }
0x378: {  	v58 =	vsel vm7, $0x0, v8;
	v33 =	vld.idx.msk [tilespmem:v52+s7+$0x0], $0xffff;
	[tilespmem:s2+$0x13680] =	vst v57  }
0x379: {  	v59 =	vsel vm7, $0x0, v24;
	[tilespmem:s2+$0x15680] =	vst v58  }
0x37a: {  	v60 =	vld [tilespmem:s2+$0x11660];
	[tilespmem:s2+$0x17680] =	vst v59  }
0x37b: {  	v61 =	vshrl.u32 v48, $0x1;
	v34 =	vld.idx.msk [tilespmem:v56+s7+$0x0], $0xffff  }
0x37c: {  	v36 =	vand.u32 $0x1F, v61  }
0x37d: {  	v33 =	vshrl.u32 v33, v36  }
0x37e: {  	v62 =	vshrl.u32 v51, $0x1;
	v63 =	vld [tilespmem:s2+$0x116A0];
	v33 =	vand.u32 v33, v48  }
0x37f: {  	v36 =	vand.u32 $0x1F, v62;
	v33 =	vand.u32 $0x1, v33  }
0x380: {  	v40 =	vshra.s32 v60, $0x6;
	v34 =	vshrl.u32 v34, v36;
	vm8 =	veq.s32 v33, $0x0  }
0x381: {  	v34 =	vand.u32 v34, v51;
	v41 =	vsel vm8, $0xFFFFFFFF, v32  }
0x382: {  	v34 =	vand.u32 $0x1, v34;
	v42 =	vsel vm8, $0x0, v13;
	[tilespmem:s2+$0x13650] =	vst v41  }
0x383: {  	v44 =	vshra.s32 v63, $0x6;
	v43 =	vsel vm8, $0x0, v29;
	vm9 =	veq.s32 v34, $0x0;
	[tilespmem:s2+$0x15650] =	vst v42  }
0x384: {  	[tilespmem:s2+$0x17650] =	vst v43;
	v45 =	vsel vm9, $0xFFFFFFFF, v35  }
0x385: {  	v46 =	vsel vm9, $0x0, v9;
	v33 =	vld.idx.msk [tilespmem:v40+s7+$0x0], $0xffff;
	[tilespmem:s2+$0x13690] =	vst v45  }
0x386: {  	v47 =	vsel vm9, $0x0, v25;
	[tilespmem:s2+$0x15690] =	vst v46  }
0x387: {  	v48 =	vld [tilespmem:s2+$0x11670];
	[tilespmem:s2+$0x17690] =	vst v47  }
0x388: {  	v49 =	vshrl.u32 v60, $0x1;
	v34 =	vld.idx.msk [tilespmem:v44+s7+$0x0], $0xffff  }
0x389: {  	v36 =	vand.u32 $0x1F, v49  }
0x38a: {  	v33 =	vshrl.u32 v33, v36  }
0x38b: {  	v50 =	vshrl.u32 v63, $0x1;
	v51 =	vld [tilespmem:s2+$0x116B0];
	v33 =	vand.u32 v33, v60  }
0x38c: {  	v36 =	vand.u32 $0x1F, v50;
	v33 =	vand.u32 $0x1, v33  }
0x38d: {  	v52 =	vshra.s32 v48, $0x6;
	v34 =	vshrl.u32 v34, v36;
	vm10 =	veq.s32 v33, $0x0  }
0x38e: {  	v34 =	vand.u32 v34, v63;
	v53 =	vsel vm10, $0xFFFFFFFF, v32  }
0x38f: {  	v34 =	vand.u32 $0x1, v34;
	v54 =	vsel vm10, $0x0, v14;
	[tilespmem:s2+$0x13660] =	vst v53  }
0x390: {  	v56 =	vshra.s32 v51, $0x6;
	v55 =	vsel vm10, $0x0, v30;
	vm11 =	veq.s32 v34, $0x0;
	[tilespmem:s2+$0x15660] =	vst v54  }
0x391: {  	[tilespmem:s2+$0x17660] =	vst v55;
	v57 =	vsel vm11, $0xFFFFFFFF, v35  }
0x392: {  	v58 =	vsel vm11, $0x0, v10;
	v33 =	vld.idx.msk [tilespmem:v52+s7+$0x0], $0xffff;
	[tilespmem:s2+$0x136A0] =	vst v57  }
0x393: {  	v59 =	vsel vm11, $0x0, v26;
	[tilespmem:s2+$0x156A0] =	vst v58  }
0x394: {  	[tilespmem:s2+$0x176A0] =	vst v59  }
0x395: {  	v60 =	vshrl.u32 v48, $0x1;
	v34 =	vld.idx.msk [tilespmem:v56+s7+$0x0], $0xffff  }
0x396: {  	v36 =	vand.u32 $0x1F, v60  }
0x397: {  	v33 =	vshrl.u32 v33, v36  }
0x398: {  	v61 =	vshrl.u32 v51, $0x1;
	v33 =	vand.u32 v33, v48  }
0x399: {  	v36 =	vand.u32 $0x1F, v61;
	v33 =	vand.u32 $0x1, v33  }
0x39a: {  	v62 =	vshrl.u32 v34, v36;
	vm12 =	veq.s32 v33, $0x0  }
0x39b: {  	v33 =	vand.u32 v62, v51;
	v32 =	vsel vm12, $0xFFFFFFFF, v32  }
0x39c: {  	v63 =	vsel vm12, $0x0, v15;
	v33 =	vand.u32 $0x1, v33;
	[tilespmem:s2+$0x13670] =	vst v32  }
0x39d: {  	v36 =	vsel vm12, $0x0, v31;
	[tilespmem:s2+$0x15670] =	vst v63;
	vm13 =	veq.s32 v33, $0x0  }
0x39e: {  	[tilespmem:s2+$0x17670] =	vst v36;
	v37 =	vsel vm13, $0xFFFFFFFF, v35  }
0x39f: {  	v38 =	vsel vm13, $0x0, v11;
	[tilespmem:s2+$0x136B0] =	vst v37  }
0x3a0: {  	v39 =	vsel vm13, $0x0, v27;
	[tilespmem:s2+$0x156B0] =	vst v38  }
0x3a1: {  	[tilespmem:s2+$0x176B0] =	vst v39  }
0x3a2: {  	v36 =	vld [tilespmem:s2+$0x116C0]  }
0x3a3: {  	v40 =	vld [tilespmem:s2+$0x11300];
	_ =	sdelay $0x4  }
0x3a4: {  	v41 =	vshra.s32 v40, $0x6;
	_ =	sdelay $0x4  }
0x3a5: {  	v33 =	vld.idx.msk [tilespmem:v41+s7+$0x0], $0xffff;
	_ =	sdelay $0x2  }
0x3a6: {  	v43 =	vld [tilespmem:s2+$0x11310];
	v42 =	vshrl.u32 v40, $0x1  }
0x3a7: {  	v34 =	vand.u32 $0x1F, v42  }
0x3a8: {  	v33 =	vshrl.u32 v33, v34  }
0x3a9: {  	v32 =	vand.u32 v33, v40  }
0x3aa: {  	s17 =	sor.u32 $0x2, s5;
	v32 =	vand.u32 $0x1, v32  }
0x3ab: {  	v44 =	vshra.s32 v43, $0x6;
	v34 =	vmov s17;
	vm14 =	veq.s32 v32, $0x0  }
0x3ac: {  	v45 =	vsel vm14, $0xFFFFFFFF, v34  }
0x3ad: {  	v46 =	vsel vm14, $0x0, v0;
	[tilespmem:s2+$0x13300] =	vst v45  }
0x3ae: {  	v47 =	vsel vm14, $0x0, v16;
	[tilespmem:s2+$0x15300] =	vst v46  }
0x3af: {  	[tilespmem:s2+$0x17300] =	vst v47  }
0x3b0: {  	v32 =	vld.idx.msk [tilespmem:v44+s7+$0x0], $0xffff;
	_ =	sdelay $0x2  }
0x3b1: {  	v49 =	vld [tilespmem:s2+$0x11320];
	v48 =	vshrl.u32 v43, $0x1  }
0x3b2: {  	v33 =	vand.u32 $0x1F, v48  }
0x3b3: {  	v32 =	vshrl.u32 v32, v33  }
0x3b4: {  	v32 =	vand.u32 v32, v43  }
0x3b5: {  	v32 =	vand.u32 $0x1, v32  }
0x3b6: {  	v50 =	vshra.s32 v49, $0x6;
	vm15 =	veq.s32 v32, $0x0  }
0x3b7: {  	v51 =	vsel vm15, $0xFFFFFFFF, v34  }
0x3b8: {  	v52 =	vsel vm15, $0x0, v1;
	[tilespmem:s2+$0x13310] =	vst v51  }
0x3b9: {  	v53 =	vsel vm15, $0x0, v17;
	[tilespmem:s2+$0x15310] =	vst v52  }
0x3ba: {  	[tilespmem:s2+$0x17310] =	vst v53  }
0x3bb: {  	v32 =	vld.idx.msk [tilespmem:v50+s7+$0x0], $0xffff;
	_ =	sdelay $0x2  }
0x3bc: {  	v55 =	vld [tilespmem:s2+$0x11330];
	v54 =	vshrl.u32 v49, $0x1  }
0x3bd: {  	v33 =	vand.u32 $0x1F, v54  }
0x3be: {  	v32 =	vshrl.u32 v32, v33  }
0x3bf: {  	v32 =	vand.u32 v32, v49  }
0x3c0: {  	v32 =	vand.u32 $0x1, v32  }
0x3c1: {  	v56 =	vshra.s32 v55, $0x6;
	vm4 =	veq.s32 v32, $0x0  }
0x3c2: {  	v57 =	vsel vm4, $0xFFFFFFFF, v34  }
0x3c3: {  	v58 =	vsel vm4, $0x0, v2;
	[tilespmem:s2+$0x13320] =	vst v57  }
0x3c4: {  	v59 =	vsel vm4, $0x0, v18;
	[tilespmem:s2+$0x15320] =	vst v58  }
0x3c5: {  	[tilespmem:s2+$0x17320] =	vst v59  }
0x3c6: {  	v32 =	vld.idx.msk [tilespmem:v56+s7+$0x0], $0xffff;
	_ =	sdelay $0x2  }
0x3c7: {  	v61 =	vld [tilespmem:s2+$0x11340];
	v60 =	vshrl.u32 v55, $0x1  }
0x3c8: {  	v33 =	vand.u32 $0x1F, v60  }
0x3c9: {  	v32 =	vshrl.u32 v32, v33  }
0x3ca: {  	v62 =	vld [tilespmem:s2+$0x11380];
	v32 =	vand.u32 v32, v55  }
0x3cb: {  	v32 =	vand.u32 $0x1, v32  }
0x3cc: {  	v63 =	vshra.s32 v61, $0x6;
	vm5 =	veq.s32 v32, $0x0  }
0x3cd: {  	v42 =	vsel vm5, $0xFFFFFFFF, v34  }
0x3ce: {  	v43 =	vsel vm5, $0x0, v3;
	[tilespmem:s2+$0x13330] =	vst v42  }
0x3cf: {  	v45 =	vshra.s32 v62, $0x6;
	v44 =	vsel vm5, $0x0, v19;
	[tilespmem:s2+$0x15330] =	vst v43  }
0x3d0: {  	[tilespmem:s2+$0x17330] =	vst v44  }
0x3d1: {  	v32 =	vld.idx.msk [tilespmem:v63+s7+$0x0], $0xffff;
	_ =	sdelay $0x1  }
0x3d2: {  	v46 =	vld [tilespmem:s2+$0x11350]  }
0x3d3: {  	v40 =	vshrl.u32 v61, $0x1;
	v39 =	vld.idx.msk [tilespmem:v45+s7+$0x0], $0xffff  }
0x3d4: {  	v40 =	vand.u32 $0x1F, v40  }
0x3d5: {  	v48 =	vld [tilespmem:s2+$0x11390];
	v32 =	vshrl.u32 v32, v40  }
0x3d6: {  	v47 =	vshrl.u32 v62, $0x1;
	v32 =	vand.u32 v32, v61  }
0x3d7: {  	v38 =	vand.u32 $0x1F, v47;
	v32 =	vand.u32 $0x1, v32  }
0x3d8: {  	v41 =	vshra.s32 v46, $0x6;
	v49 =	vshrl.u32 v39, v38;
	vm6 =	veq.s32 v32, $0x0  }
0x3d9: {  	v32 =	vand.u32 v49, v62;
	v50 =	vsel vm6, $0xFFFFFFFF, v34  }
0x3da: {  	s16 =	sor.u32 $0x3, s5;
	v54 =	vshra.s32 v48, $0x6;
	v51 =	vsel vm6, $0x0, v4;
	v53 =	vand.u32 $0x1, v32;
	[tilespmem:s2+$0x13340] =	vst v50  }
0x3db: {  	v52 =	vsel vm6, $0x0, v20;
	v32 =	vmov s16;
	[tilespmem:s2+$0x15340] =	vst v51;
	vm7 =	veq.s32 v53, $0x0  }
0x3dc: {  	[tilespmem:s2+$0x17340] =	vst v52;
	v55 =	vsel vm7, $0xFFFFFFFF, v32  }
0x3dd: {  	v56 =	vld.idx.msk [tilespmem:v41+s7+$0x0], $0xffff;
	v57 =	vsel vm7, $0x0, v0;
	[tilespmem:s2+$0x13380] =	vst v55  }
0x3de: {  	v58 =	vsel vm7, $0x0, v16;
	[tilespmem:s2+$0x15380] =	vst v57  }
0x3df: {  	v59 =	vld [tilespmem:s2+$0x11360];
	[tilespmem:s2+$0x17380] =	vst v58  }
0x3e0: {  	v60 =	vshrl.u32 v46, $0x1;
	v33 =	vld.idx.msk [tilespmem:v54+s7+$0x0], $0xffff  }
0x3e1: {  	v38 =	vand.u32 $0x1F, v60  }
0x3e2: {  	v38 =	vshrl.u32 v56, v38  }
0x3e3: {  	v61 =	vshrl.u32 v48, $0x1;
	v62 =	vld [tilespmem:s2+$0x113A0];
	v37 =	vand.u32 v38, v46  }
0x3e4: {  	v38 =	vand.u32 $0x1F, v61;
	v37 =	vand.u32 $0x1, v37  }
0x3e5: {  	v63 =	vshra.s32 v59, $0x6;
	v33 =	vshrl.u32 v33, v38;
	vm8 =	veq.s32 v37, $0x0  }
0x3e6: {  	v33 =	vand.u32 v33, v48;
	v42 =	vsel vm8, $0xFFFFFFFF, v34  }
0x3e7: {  	v43 =	vsel vm8, $0x0, v5;
	v33 =	vand.u32 $0x1, v33;
	[tilespmem:s2+$0x13350] =	vst v42  }
0x3e8: {  	v45 =	vshra.s32 v62, $0x6;
	v44 =	vsel vm8, $0x0, v21;
	[tilespmem:s2+$0x15350] =	vst v43;
	vm9 =	veq.s32 v33, $0x0  }
0x3e9: {  	[tilespmem:s2+$0x17350] =	vst v44;
	v46 =	vsel vm9, $0xFFFFFFFF, v32  }
0x3ea: {  	v37 =	vld.idx.msk [tilespmem:v63+s7+$0x0], $0xffff;
	v47 =	vsel vm9, $0x0, v1;
	[tilespmem:s2+$0x13390] =	vst v46  }
0x3eb: {  	v48 =	vsel vm9, $0x0, v17;
	[tilespmem:s2+$0x15390] =	vst v47  }
0x3ec: {  	v49 =	vld [tilespmem:s2+$0x11370];
	[tilespmem:s2+$0x17390] =	vst v48  }
0x3ed: {  	v50 =	vshrl.u32 v59, $0x1;
	v33 =	vld.idx.msk [tilespmem:v45+s7+$0x0], $0xffff  }
0x3ee: {  	v38 =	vand.u32 $0x1F, v50  }
0x3ef: {  	v37 =	vshrl.u32 v37, v38  }
0x3f0: {  	v52 =	vld [tilespmem:s2+$0x113B0];
	v51 =	vshrl.u32 v62, $0x1;
	v37 =	vand.u32 v37, v59  }
0x3f1: {  	v38 =	vand.u32 $0x1F, v51;
	v37 =	vand.u32 $0x1, v37  }
0x3f2: {  	v53 =	vshra.s32 v49, $0x6;
	v33 =	vshrl.u32 v33, v38;
	vm10 =	veq.s32 v37, $0x0  }
0x3f3: {  	v33 =	vand.u32 v33, v62;
	v54 =	vsel vm10, $0xFFFFFFFF, v34  }
0x3f4: {  	v55 =	vsel vm10, $0x0, v6;
	v33 =	vand.u32 $0x1, v33;
	[tilespmem:s2+$0x13360] =	vst v54  }
0x3f5: {  	v57 =	vshra.s32 v52, $0x6;
	v56 =	vsel vm10, $0x0, v22;
	[tilespmem:s2+$0x15360] =	vst v55;
	vm11 =	veq.s32 v33, $0x0  }
0x3f6: {  	[tilespmem:s2+$0x17360] =	vst v56;
	v58 =	vsel vm11, $0xFFFFFFFF, v32  }
0x3f7: {  	v37 =	vld.idx.msk [tilespmem:v53+s7+$0x0], $0xffff;
	v59 =	vsel vm11, $0x0, v2;
	[tilespmem:s2+$0x133A0] =	vst v58  }
0x3f8: {  	v60 =	vsel vm11, $0x0, v18;
	[tilespmem:s2+$0x153A0] =	vst v59  }
0x3f9: {  	v61 =	vld [tilespmem:s2+$0x11700];
	[tilespmem:s2+$0x173A0] =	vst v60  }
0x3fa: {  	v62 =	vshrl.u32 v49, $0x1;
	v33 =	vld.idx.msk [tilespmem:v57+s7+$0x0], $0xffff  }
0x3fb: {  	v38 =	vand.u32 $0x1F, v62  }
0x3fc: {  	v37 =	vshrl.u32 v37, v38  }
0x3fd: {  	v44 =	vld [tilespmem:s2+$0x113C0];
	v63 =	vshrl.u32 v52, $0x1;
	v37 =	vand.u32 v37, v49  }
0x3fe: {  	v38 =	vand.u32 $0x1F, v63;
	v37 =	vand.u32 $0x1, v37  }
0x3ff: {  	v45 =	vshra.s32 v61, $0x6;
	v33 =	vshrl.u32 v33, v38;
	vm12 =	veq.s32 v37, $0x0  }
0x400: {  	v33 =	vand.u32 v33, v52;
	v46 =	vsel vm12, $0xFFFFFFFF, v34  }
0x401: {  	v47 =	vsel vm12, $0x0, v7;
	v33 =	vand.u32 $0x1, v33;
	[tilespmem:s2+$0x13370] =	vst v46  }
0x402: {  	v49 =	vshra.s32 v44, $0x6;
	v48 =	vsel vm12, $0x0, v23;
	[tilespmem:s2+$0x15370] =	vst v47;
	vm13 =	veq.s32 v33, $0x0  }
0x403: {  	[tilespmem:s2+$0x17370] =	vst v48;
	v50 =	vsel vm13, $0xFFFFFFFF, v32  }
0x404: {  	v37 =	vld.idx.msk [tilespmem:v45+s7+$0x0], $0xffff;
	v51 =	vsel vm13, $0x0, v3;
	[tilespmem:s2+$0x133B0] =	vst v50  }
0x405: {  	v52 =	vsel vm13, $0x0, v19;
	[tilespmem:s2+$0x153B0] =	vst v51  }
0x406: {  	v53 =	vld [tilespmem:s2+$0x11710];
	[tilespmem:s2+$0x173B0] =	vst v52  }
0x407: {  	v54 =	vshrl.u32 v61, $0x1;
	v33 =	vld.idx.msk [tilespmem:v49+s7+$0x0], $0xffff  }
0x408: {  	v38 =	vand.u32 $0x1F, v54  }
0x409: {  	v37 =	vshrl.u32 v37, v38  }
0x40a: {  	v55 =	vshrl.u32 v44, $0x1;
	v56 =	vld [tilespmem:s2+$0x113D0];
	v37 =	vand.u32 v37, v61  }
0x40b: {  	v38 =	vand.u32 $0x1F, v55;
	v37 =	vand.u32 $0x1, v37  }
0x40c: {  	v57 =	vshra.s32 v53, $0x6;
	v33 =	vshrl.u32 v33, v38;
	vm14 =	veq.s32 v37, $0x0  }
0x40d: {  	v33 =	vand.u32 v33, v44;
	v58 =	vsel vm14, $0xFFFFFFFF, v34  }
0x40e: {  	v59 =	vsel vm14, $0x0, v8;
	v33 =	vand.u32 $0x1, v33;
	[tilespmem:s2+$0x13700] =	vst v58  }
0x40f: {  	v61 =	vshra.s32 v56, $0x6;
	v60 =	vsel vm14, $0x0, v24;
	[tilespmem:s2+$0x15700] =	vst v59;
	vm15 =	veq.s32 v33, $0x0  }
0x410: {  	v63 =	vld [tilespmem:s2+$0x11400];
	[tilespmem:s2+$0x17700] =	vst v60;
	v62 =	vsel vm15, $0xFFFFFFFF, v32  }
0x411: {  	v37 =	vld.idx.msk [tilespmem:v57+s7+$0x0], $0xffff;
	v48 =	vsel vm15, $0x0, v4;
	[tilespmem:s2+$0x133C0] =	vst v62  }
0x412: {  	v49 =	vsel vm15, $0x0, v20;
	[tilespmem:s2+$0x153C0] =	vst v48  }
0x413: {  	v42 =	vld [tilespmem:s2+$0x11720];
	[tilespmem:s2+$0x173C0] =	vst v49  }
0x414: {  	v50 =	vshrl.u32 v53, $0x1;
	v33 =	vld.idx.msk [tilespmem:v61+s7+$0x0], $0xffff  }
0x415: {  	v38 =	vand.u32 $0x1F, v50  }
0x416: {  	v43 =	vshra.s32 v63, $0x6;
	v37 =	vshrl.u32 v37, v38  }
0x417: {  	v41 =	vld [tilespmem:s2+$0x113E0];
	v51 =	vshrl.u32 v56, $0x1;
	v37 =	vand.u32 v37, v53  }
0x418: {  	v38 =	vand.u32 $0x1F, v51;
	v37 =	vand.u32 $0x1, v37  }
0x419: {  	v52 =	vshra.s32 v42, $0x6;
	v33 =	vshrl.u32 v33, v38;
	vm4 =	veq.s32 v37, $0x0  }
0x41a: {  	v33 =	vand.u32 v33, v56;
	v53 =	vsel vm4, $0xFFFFFFFF, v34  }
0x41b: {  	v54 =	vld.idx.msk [tilespmem:v43+s7+$0x0], $0xffff;
	v55 =	vsel vm4, $0x0, v9;
	v33 =	vand.u32 $0x1, v33;
	[tilespmem:s2+$0x13710] =	vst v53  }
0x41c: {  	v46 =	vld [tilespmem:s2+$0x11730];
	v57 =	vshra.s32 v41, $0x6;
	v56 =	vsel vm4, $0x0, v25;
	[tilespmem:s2+$0x15710] =	vst v55;
	vm5 =	veq.s32 v33, $0x0  }
0x41d: {  	v44 =	vld [tilespmem:s2+$0x11410];
	[tilespmem:s2+$0x17710] =	vst v56;
	v58 =	vsel vm5, $0xFFFFFFFF, v32  }
0x41e: {  	v59 =	vshrl.u32 v63, $0x1;
	v37 =	vld.idx.msk [tilespmem:v52+s7+$0x0], $0xffff;
	v60 =	vsel vm5, $0x0, v5;
	[tilespmem:s2+$0x133D0] =	vst v58  }
0x41f: {  	v43 =	vand.u32 $0x1F, v59;
	v61 =	vsel vm5, $0x0, v21;
	[tilespmem:s2+$0x153D0] =	vst v60  }
0x420: {  	v45 =	vshrl.u32 v42, $0x1;
	v39 =	vshrl.u32 v54, v43;
	[tilespmem:s2+$0x173D0] =	vst v61  }
0x421: {  	v47 =	vand.u32 $0x1F, v45;
	v62 =	vshra.s32 v36, $0x6;
	v63 =	vand.u32 v39, v63;
	v48 =	vld.idx.msk [tilespmem:v57+s7+$0x0], $0xffff  }
0x422: {  	v54 =	vshra.s32 v46, $0x6;
	v49 =	vshra.s32 v44, $0x6;
	v38 =	vand.u32 $0x1, v63  }
0x423: {  	s17 =	sor.u32 $0x4, s5;
	v51 =	vshrl.u32 v41, $0x1;
	vm6 =	veq.s32 v38, $0x0;
	v37 =	vshrl.u32 v37, v47  }
0x424: {  	v45 =	vld [tilespmem:s2+$0x113F0];
	v33 =	vmov s17;
	v53 =	vsel vm6, $0x0, v16;
	v37 =	vand.u32 v37, v42  }
0x425: {  	v50 =	vsel vm6, $0xFFFFFFFF, v33;
	[tilespmem:s2+$0x17400] =	vst v53;
	v42 =	vand.u32 $0x1F, v51;
	v37 =	vand.u32 $0x1, v37  }
0x426: {  	v52 =	vsel vm6, $0x0, v0;
	[tilespmem:s2+$0x13400] =	vst v50;
	v40 =	vshrl.u32 v48, v42;
	vm7 =	veq.s32 v37, $0x0  }
0x427: {  	v43 =	vld.idx.msk [tilespmem:v62+s7+$0x0], $0xffff;
	[tilespmem:s2+$0x15400] =	vst v52;
	v40 =	vand.u32 v40, v41;
	v56 =	vsel vm7, $0xFFFFFFFF, v34  }
0x428: {  	v38 =	vld.idx.msk [tilespmem:v49+s7+$0x0], $0xffff;
	v57 =	vsel vm7, $0x0, v10;
	v40 =	vand.u32 $0x1, v40;
	[tilespmem:s2+$0x13720] =	vst v56  }
0x429: {  	v59 =	vshra.s32 v45, $0x6;
	v58 =	vsel vm7, $0x0, v26;
	[tilespmem:s2+$0x15720] =	vst v57;
	vm8 =	veq.s32 v40, $0x0  }
0x42a: {  	v55 =	vshrl.u32 v36, $0x1;
	[tilespmem:s2+$0x17720] =	vst v58;
	v60 =	vsel vm8, $0xFFFFFFFF, v32  }
0x42b: {  	v39 =	vand.u32 $0x1F, v55;
	v61 =	vshrl.u32 v44, $0x1;
	v37 =	vld.idx.msk [tilespmem:v54+s7+$0x0], $0xffff;
	v62 =	vsel vm8, $0x0, v6;
	[tilespmem:s2+$0x133E0] =	vst v60  }
0x42c: {  	v39 =	vshrl.u32 v43, v39;
	v43 =	vld [tilespmem:s2+$0x11420];
	v63 =	vand.u32 $0x1F, v61;
	v47 =	vsel vm8, $0x0, v22;
	[tilespmem:s2+$0x153E0] =	vst v62  }
0x42d: {  	v53 =	vshrl.u32 v45, $0x1;
	v36 =	vand.u32 v39, v36;
	v38 =	vshrl.u32 v38, v63;
	[tilespmem:s2+$0x173E0] =	vst v47  }
0x42e: {  	v49 =	vshrl.u32 v46, $0x1;
	v36 =	vand.u32 $0x1, v36;
	v38 =	vand.u32 v38, v44;
	v40 =	vld.idx.msk [tilespmem:v59+s7+$0x0], $0xffff  }
0x42f: {  	vm9 =	veq.s32 v36, $0x0;
	v36 =	vld [tilespmem:s2+$0x11740];
	v41 =	vand.u32 $0x1F, v49;
	v38 =	vand.u32 $0x1, v38  }
0x430: {  	v48 =	vsel vm9, $0xFFFFFFFF, v35;
	vm1 =	veq.s32 v38, $0x0;
	v37 =	vshrl.u32 v37, v41  }
0x431: {  	v50 =	vshra.s32 v43, $0x6;
	[tilespmem:s2+$0x136C0] =	vst v48;
	v44 =	vld [tilespmem:s2+$0x11780];
	v52 =	vsel vm1, $0xFFFFFFFF, v33;
	v37 =	vand.u32 v37, v46  }
0x432: {  	v42 =	vand.u32 $0x1F, v53;
	v54 =	vsel vm1, $0x0, v1;
	[tilespmem:s2+$0x13410] =	vst v52;
	v37 =	vand.u32 $0x1, v37  }
0x433: {  	v55 =	vsel vm1, $0x0, v17;
	[tilespmem:s2+$0x15410] =	vst v54;
	v40 =	vshrl.u32 v40, v42;
	vm10 =	veq.s32 v37, $0x0  }
0x434: {  	v56 =	vshra.s32 v36, $0x6;
	[tilespmem:s2+$0x17410] =	vst v55;
	v40 =	vand.u32 v40, v45;
	v57 =	vsel vm10, $0xFFFFFFFF, v34  }
0x435: {  	v58 =	vsel vm10, $0x0, v11;
	v40 =	vand.u32 $0x1, v40;
	[tilespmem:s2+$0x13730] =	vst v57  }
0x436: {  	v38 =	vld.idx.msk [tilespmem:v50+s7+$0x0], $0xffff;
	v60 =	vshra.s32 v44, $0x6;
	v59 =	vsel vm10, $0x0, v27;
	[tilespmem:s2+$0x15730] =	vst v58;
	vm11 =	veq.s32 v40, $0x0  }
0x437: {  	v46 =	vld [tilespmem:s2+$0x116D0];
	[tilespmem:s2+$0x17730] =	vst v59;
	v62 =	vsel vm11, $0xFFFFFFFF, v32  }
0x438: {  	v45 =	vld [tilespmem:s2+$0x11430];
	v47 =	vsel vm11, $0x0, v7;
	[tilespmem:s2+$0x133F0] =	vst v62  }
0x439: {  	v63 =	vshrl.u32 v43, $0x1;
	v37 =	vld.idx.msk [tilespmem:v56+s7+$0x0], $0xffff;
	v48 =	vsel vm11, $0x0, v23;
	[tilespmem:s2+$0x153F0] =	vst v47  }
0x43a: {  	v42 =	vand.u32 $0x1F, v63;
	[tilespmem:s2+$0x173F0] =	vst v48  }
0x43b: {  	v51 =	vsel vm9, $0x0, v12;
	v49 =	vsel vm9, $0x0, v28;
	v38 =	vshrl.u32 v38, v42;
	v40 =	vld.idx.msk [tilespmem:v60+s7+$0x0], $0xffff  }
0x43c: {  	v50 =	vshrl.u32 v36, $0x1;
	v38 =	vand.u32 v38, v43;
	v61 =	vshra.s32 v46, $0x6  }
0x43d: {  	v54 =	vshrl.u32 v44, $0x1;
	v39 =	vand.u32 $0x1F, v50;
	v38 =	vand.u32 $0x1, v38  }
0x43e: {  	[tilespmem:s2+$0x156C0] =	vst v51;
	vm12 =	veq.s32 v38, $0x0;
	v47 =	vld [tilespmem:s2+$0x11790];
	v51 =	vshra.s32 v45, $0x6;
	v37 =	vshrl.u32 v37, v39  }
0x43f: {  	[tilespmem:s2+$0x176C0] =	vst v49;
	v53 =	vsel vm12, $0xFFFFFFFF, v33;
	v36 =	vand.u32 v37, v36;
	v37 =	vand.u32 $0x1F, v54  }
0x440: {  	v55 =	vsel vm12, $0x0, v2;
	[tilespmem:s2+$0x13420] =	vst v53;
	v36 =	vand.u32 $0x1, v36;
	v57 =	vshrl.u32 v40, v37  }
0x441: {  	v56 =	vsel vm12, $0x0, v18;
	[tilespmem:s2+$0x15420] =	vst v55;
	v41 =	vld.idx.msk [tilespmem:v61+s7+$0x0], $0xffff;
	vm13 =	veq.s32 v36, $0x0;
	v36 =	vand.u32 v57, v44  }
0x442: {  	[tilespmem:s2+$0x17420] =	vst v56;
	v39 =	vld [tilespmem:s2+$0x11750];
	v36 =	vand.u32 $0x1, v36  }
0x443: {  	v63 =	vshra.s32 v47, $0x6;
	v38 =	vld.idx.msk [tilespmem:v51+s7+$0x0], $0xffff;
	vm14 =	veq.s32 v36, $0x0  }
0x444: {  	v52 =	vshrl.u32 v46, $0x1;
	v48 =	vsel vm14, $0xFFFFFFFF, v32  }
0x445: {  	v42 =	vand.u32 $0x1F, v52;
	v49 =	vshrl.u32 v45, $0x1;
	v50 =	vsel vm14, $0x0, v8;
	[tilespmem:s2+$0x13780] =	vst v48  }
0x446: {  	v43 =	vand.u32 $0x1F, v49;
	v44 =	vld [tilespmem:s2+$0x11440];
	v58 =	vshrl.u32 v41, v42;
	v51 =	vsel vm14, $0x0, v24;
	[tilespmem:s2+$0x15780] =	vst v50  }
0x447: {  	v59 =	vsel vm13, $0xFFFFFFFF, v34;
	v41 =	vld [tilespmem:s2+$0x116E0];
	v61 =	vshra.s32 v39, $0x6;
	v37 =	vand.u32 v58, v46;
	[tilespmem:s2+$0x17780] =	vst v51  }
0x448: {  	v60 =	vsel vm13, $0x0, v12;
	[tilespmem:s2+$0x13740] =	vst v59;
	v37 =	vand.u32 $0x1, v37;
	v38 =	vshrl.u32 v38, v43;
	v36 =	vld.idx.msk [tilespmem:v63+s7+$0x0], $0xffff  }
0x449: {  	v62 =	vsel vm13, $0x0, v28;
	[tilespmem:s2+$0x15740] =	vst v60;
	vm15 =	veq.s32 v37, $0x0;
	v54 =	vand.u32 v38, v45  }
0x44a: {  	[tilespmem:s2+$0x17740] =	vst v62;
	v60 =	vshrl.u32 v47, $0x1;
	v52 =	vsel vm15, $0xFFFFFFFF, v35;
	v37 =	vand.u32 $0x1, v54  }
0x44b: {  	v46 =	vld [tilespmem:s2+$0x117A0];
	v57 =	vshra.s32 v44, $0x6;
	v55 =	vsel vm15, $0x0, v13;
	[tilespmem:s2+$0x136D0] =	vst v52;
	vm4 =	veq.s32 v37, $0x0  }
0x44c: {  	v62 =	vand.u32 $0x1F, v60;
	v53 =	vshra.s32 v41, $0x6;
	v42 =	vld.idx.msk [tilespmem:v61+s7+$0x0], $0xffff;
	[tilespmem:s2+$0x156D0] =	vst v55;
	v59 =	vsel vm4, $0xFFFFFFFF, v33  }
0x44d: {  	v61 =	vsel vm4, $0x0, v3;
	[tilespmem:s2+$0x13430] =	vst v59;
	v36 =	vshrl.u32 v36, v62  }
0x44e: {  	v63 =	vsel vm4, $0x0, v19;
	[tilespmem:s2+$0x15430] =	vst v61;
	v36 =	vand.u32 v36, v47  }
0x44f: {  	v58 =	vshrl.u32 v39, $0x1;
	v56 =	vsel vm15, $0x0, v29;
	[tilespmem:s2+$0x17430] =	vst v63;
	v36 =	vand.u32 $0x1, v36  }
0x450: {  	v38 =	vand.u32 $0x1F, v58;
	[tilespmem:s2+$0x176D0] =	vst v56;
	v48 =	vshra.s32 v46, $0x6;
	v37 =	vld.idx.msk [tilespmem:v57+s7+$0x0], $0xffff;
	vm6 =	veq.s32 v36, $0x0  }
0x451: {  	v43 =	vld.idx.msk [tilespmem:v53+s7+$0x0], $0xffff;
	v38 =	vshrl.u32 v42, v38;
	v49 =	vsel vm6, $0xFFFFFFFF, v32  }
0x452: {  	v38 =	vand.u32 v38, v39;
	v39 =	vld [tilespmem:s2+$0x11760];
	v52 =	vsel vm6, $0x0, v9;
	[tilespmem:s2+$0x13790] =	vst v49  }
0x453: {  	v50 =	vshrl.u32 v44, $0x1;
	v45 =	vshrl.u32 v41, $0x1;
	v53 =	vsel vm6, $0x0, v25;
	[tilespmem:s2+$0x15790] =	vst v52  }
0x454: {  	v40 =	vand.u32 $0x1F, v45;
	v42 =	vand.u32 $0x1F, v50;
	v38 =	vand.u32 $0x1, v38;
	[tilespmem:s2+$0x17790] =	vst v53  }
0x455: {  	v59 =	vshrl.u32 v46, $0x1;
	vm5 =	veq.s32 v38, $0x0;
	v37 =	vshrl.u32 v37, v42;
	v36 =	vld.idx.msk [tilespmem:v48+s7+$0x0], $0xffff  }
0x456: {  	v38 =	vsel vm5, $0xFFFFFFFF, v34;
	v37 =	vand.u32 v37, v44;
	v40 =	vshrl.u32 v43, v40;
	v43 =	vld [tilespmem:s2+$0x11450]  }
0x457: {  	v54 =	vsel vm5, $0x0, v13;
	[tilespmem:s2+$0x13750] =	vst v38;
	v37 =	vand.u32 $0x1, v37;
	v51 =	vshra.s32 v39, $0x6  }
0x458: {  	v55 =	vsel vm5, $0x0, v29;
	[tilespmem:s2+$0x15750] =	vst v54;
	v40 =	vand.u32 v40, v41;
	v41 =	vld [tilespmem:s2+$0x116F0];
	vm8 =	veq.s32 v37, $0x0  }
0x459: {  	v45 =	vld [tilespmem:s2+$0x117B0];
	v44 =	vand.u32 $0x1F, v59;
	[tilespmem:s2+$0x17750] =	vst v55;
	v57 =	vsel vm8, $0xFFFFFFFF, v33  }
0x45a: {  	v40 =	vand.u32 $0x1, v40;
	v60 =	vsel vm8, $0x0, v4;
	v61 =	vsel vm8, $0x0, v20;
	[tilespmem:s2+$0x13440] =	vst v57  }
0x45b: {  	vm7 =	veq.s32 v40, $0x0;
	[tilespmem:s2+$0x15440] =	vst v60;
	v36 =	vshrl.u32 v36, v44;
	v56 =	vshra.s32 v43, $0x6  }
0x45c: {  	[tilespmem:s2+$0x17440] =	vst v61;
	v40 =	vsel vm7, $0xFFFFFFFF, v35;
	v36 =	vand.u32 v36, v46;
	v38 =	vld.idx.msk [tilespmem:v51+s7+$0x0], $0xffff  }
0x45d: {  	v49 =	vld [tilespmem:s2+$0x11770];
	v62 =	vsel vm7, $0x0, v14;
	[tilespmem:s2+$0x136E0] =	vst v40;
	v58 =	vshra.s32 v41, $0x6;
	v36 =	vand.u32 $0x1, v36  }
0x45e: {  	v63 =	vsel vm7, $0x0, v30;
	v44 =	vld [tilespmem:s2+$0x11480];
	[tilespmem:s2+$0x156E0] =	vst v62;
	v51 =	vshra.s32 v45, $0x6;
	vm9 =	veq.s32 v36, $0x0  }
0x45f: {  	v48 =	vshrl.u32 v39, $0x1;
	[tilespmem:s2+$0x176E0] =	vst v63;
	v46 =	vld [tilespmem:s2+$0x11460];
	v52 =	vsel vm9, $0xFFFFFFFF, v32  }
0x460: {  	v48 =	vand.u32 $0x1F, v48;
	v54 =	vsel vm9, $0x0, v10;
	[tilespmem:s2+$0x137A0] =	vst v52;
	v37 =	vld.idx.msk [tilespmem:v56+s7+$0x0], $0xffff  }
0x461: {  	v53 =	vshrl.u32 v43, $0x1;
	v57 =	vsel vm9, $0x0, v26;
	[tilespmem:s2+$0x157A0] =	vst v54;
	v38 =	vshrl.u32 v38, v48  }
0x462: {  	v50 =	vshrl.u32 v41, $0x1;
	v55 =	vand.u32 $0x1F, v53;
	[tilespmem:s2+$0x177A0] =	vst v57;
	v42 =	vld.idx.msk [tilespmem:v58+s7+$0x0], $0xffff;
	v38 =	vand.u32 v38, v39  }
0x463: {  	v53 =	vshra.s32 v44, $0x6;
	v56 =	vshra.s32 v49, $0x6;
	v36 =	vld.idx.msk [tilespmem:v51+s7+$0x0], $0xffff;
	v38 =	vand.u32 $0x1, v38  }
0x464: {  	v63 =	vshra.s32 v46, $0x6;
	v58 =	vand.u32 $0x1F, v50;
	vm10 =	veq.s32 v38, $0x0  }
0x465: {  	v37 =	vshrl.u32 v37, v55;
	v59 =	vsel vm10, $0xFFFFFFFF, v34;
	v61 =	vsel vm10, $0x0, v14  }
0x466: {  	v62 =	vsel vm10, $0x0, v30;
	v55 =	vshrl.u32 v45, $0x1;
	v37 =	vand.u32 v37, v43;
	[tilespmem:s2+$0x13760] =	vst v59  }
0x467: {  	v60 =	vshrl.u32 v42, v58;
	[tilespmem:s2+$0x15760] =	vst v61;
	v42 =	vld [tilespmem:s2+$0x11500];
	v57 =	vand.u32 $0x1F, v55;
	v37 =	vand.u32 $0x1, v37  }
0x468: {  	v48 =	vld [tilespmem:s2+$0x11580];
	[tilespmem:s2+$0x17760] =	vst v62;
	v38 =	vand.u32 v60, v41;
	v59 =	vshrl.u32 v36, v57;
	vm11 =	veq.s32 v37, $0x0  }
0x469: {  	v54 =	vld.idx.msk [tilespmem:v56+s7+$0x0], $0xffff;
	v60 =	vshrl.u32 v49, $0x1;
	v38 =	vand.u32 $0x1, v38;
	v52 =	vsel vm11, $0xFFFFFFFF, v33  }
0x46a: {  	v47 =	vld [tilespmem:s2+$0x117C0];
	v57 =	vshrl.u32 v46, $0x1;
	v56 =	vsel vm11, $0x0, v5;
	vm12 =	veq.s32 v38, $0x0;
	[tilespmem:s2+$0x13450] =	vst v52  }
0x46b: {  	v36 =	vand.u32 $0x1F, v60;
	v58 =	vsel vm11, $0x0, v21;
	[tilespmem:s2+$0x15450] =	vst v56;
	v39 =	vsel vm12, $0xFFFFFFFF, v35  }
0x46c: {  	v50 =	vld.idx.msk [tilespmem:v53+s7+$0x0], $0xffff;
	[tilespmem:s2+$0x17450] =	vst v58;
	v35 =	vand.u32 v59, v45;
	v40 =	vsel vm12, $0x0, v15;
	v61 =	vshra.s32 v42, $0x6  }
0x46d: {  	v38 =	vsel vm12, $0x0, v31;
	v58 =	vshrl.u32 v44, $0x1;
	v52 =	vshra.s32 v48, $0x6;
	v37 =	vld.idx.msk [tilespmem:v63+s7+$0x0], $0xffff  }
0x46e: {  	v51 =	vld [tilespmem:s2+$0x11490];
	v35 =	vand.u32 $0x1, v35;
	v60 =	vshrl.u32 v42, $0x1;
	v36 =	vshrl.u32 v54, v36  }
0x46f: {  	vm13 =	veq.s32 v35, $0x0;
	v35 =	vand.u32 $0x1F, v57;
	v54 =	vshra.s32 v47, $0x6  }
0x470: {  	v41 =	vand.u32 v36, v49;
	v62 =	vsel vm13, $0xFFFFFFFF, v32;
	v49 =	vand.u32 $0x1F, v58  }
0x471: {  	v63 =	vsel vm13, $0x0, v11;
	v53 =	vsel vm13, $0x0, v27;
	v59 =	vshrl.u32 v50, v49;
	v45 =	vld.idx.msk [tilespmem:v61+s7+$0x0], $0xffff  }
0x472: {  	v49 =	vshrl.u32 v47, $0x1;
	v35 =	vshrl.u32 v37, v35;
	v37 =	vand.u32 v59, v44  }
0x473: {  	s16 =	sor.u32 $0x5, s5;
	v50 =	vld [tilespmem:s2+$0x11510];
	[tilespmem:s2+$0x137B0] =	vst v62;
	v62 =	vand.u32 $0x1F, v60;
	v61 =	vshra.s32 v51, $0x6;
	v37 =	vand.u32 $0x1, v37  }
0x474: {  	v46 =	vand.u32 v35, v46;
	v35 =	vmov s16;
	vm14 =	veq.s32 v37, $0x0  }
0x475: {  	[tilespmem:s2+$0x157B0] =	vst v63;
	v49 =	vand.u32 $0x1F, v49;
	v44 =	vld.idx.msk [tilespmem:v52+s7+$0x0], $0xffff;
	v59 =	vshrl.u32 v48, $0x1;
	v56 =	vsel vm14, $0xFFFFFFFF, v35  }
0x476: {  	v63 =	vand.u32 $0x1, v46;
	v57 =	vsel vm14, $0x0, v0;
	[tilespmem:s2+$0x13480] =	vst v56;
	v36 =	vshrl.u32 v45, v62  }
0x477: {  	v55 =	vld [tilespmem:s2+$0x11470];
	v58 =	vsel vm14, $0x0, v16;
	vm4 =	veq.s32 v63, $0x0;
	[tilespmem:s2+$0x15480] =	vst v57;
	v42 =	vand.u32 v36, v42  }
0x478: {  	s17 =	sor.u32 $0x6, s5;
	v52 =	vld [tilespmem:s2+$0x11590];
	v60 =	vshra.s32 v50, $0x6;
	[tilespmem:s2+$0x17480] =	vst v58;
	v63 =	vsel vm4, $0xFFFFFFFF, v33;
	v42 =	vand.u32 $0x1, v42  }
0x479: {  	s5 =	sor.u32 $0x7, s5;
	[tilespmem:s2+$0x177B0] =	vst v53;
	v45 =	vand.u32 $0x1F, v59;
	v61 =	vld.idx.msk [tilespmem:v61+s7+$0x0], $0xffff;
	v36 =	vmov s17;
	vm15 =	veq.s32 v42, $0x0  }
0x47a: {  	v37 =	vmov s5;
	[tilespmem:s2+$0x13460] =	vst v63;
	v44 =	vshrl.u32 v44, v45;
	v62 =	vsel vm15, $0xFFFFFFFF, v36  }
0x47b: {  	v46 =	vld.idx.msk [tilespmem:v54+s7+$0x0], $0xffff;
	v56 =	vshrl.u32 v51, $0x1;
	v44 =	vand.u32 v44, v48;
	v53 =	vsel vm15, $0x0, v0;
	[tilespmem:s2+$0x13500] =	vst v62  }
0x47c: {  	v58 =	vand.u32 $0x1F, v56;
	v44 =	vand.u32 $0x1, v44;
	v57 =	vsel vm15, $0x0, v16;
	[tilespmem:s2+$0x15500] =	vst v53;
	v53 =	vld [tilespmem:s2+$0x114A0]  }
0x47d: {  	v63 =	vsel vm4, $0x0, v22;
	vm5 =	veq.s32 v44, $0x0;
	v44 =	vshra.s32 v52, $0x6;
	[tilespmem:s2+$0x17500] =	vst v57  }
0x47e: {  	v54 =	vshra.s32 v55, $0x6;
	[tilespmem:s2+$0x17460] =	vst v63;
	v59 =	vsel vm5, $0xFFFFFFFF, v37;
	v43 =	vshrl.u32 v61, v58;
	v42 =	vld.idx.msk [tilespmem:v60+s7+$0x0], $0xffff  }
0x47f: {  	v56 =	vshrl.u32 v50, $0x1;
	v62 =	vsel vm5, $0x0, v16;
	[tilespmem:s2+$0x13580] =	vst v59;
	v43 =	vand.u32 v43, v51  }
0x480: {  	v46 =	vshrl.u32 v46, v49;
	v49 =	vld [tilespmem:s2+$0x115A0];
	v60 =	vsel vm5, $0x0, v0;
	[tilespmem:s2+$0x17580] =	vst v62;
	v43 =	vand.u32 $0x1, v43  }
0x481: {  	v61 =	vsel vm4, $0x0, v6;
	v57 =	vld [tilespmem:s2+$0x11520];
	[tilespmem:s2+$0x15580] =	vst v60;
	vm6 =	veq.s32 v43, $0x0;
	v58 =	vshra.s32 v53, $0x6  }
0x482: {  	v63 =	vshrl.u32 v52, $0x1;
	[tilespmem:s2+$0x15460] =	vst v61;
	v59 =	vand.u32 $0x1F, v56;
	v44 =	vld.idx.msk [tilespmem:v44+s7+$0x0], $0xffff;
	v60 =	vsel vm6, $0xFFFFFFFF, v35  }
0x483: {  	v45 =	vand.u32 v46, v47;
	v61 =	vsel vm6, $0x0, v1;
	[tilespmem:s2+$0x13490] =	vst v60;
	v42 =	vshrl.u32 v42, v59  }
0x484: {  	v45 =	vand.u32 $0x1, v45;
	v46 =	vld.idx.msk [tilespmem:v54+s7+$0x0], $0xffff;
	v62 =	vsel vm6, $0x0, v17;
	[tilespmem:s2+$0x15490] =	vst v61;
	v42 =	vand.u32 v42, v50  }
0x485: {  	v56 =	vshrl.u32 v55, $0x1;
	v54 =	vand.u32 $0x1F, v63;
	[tilespmem:s2+$0x17490] =	vst v62;
	v42 =	vand.u32 $0x1, v42  }
0x486: {  	v63 =	vshra.s32 v49, $0x6;
	vm7 =	veq.s32 v42, $0x0;
	v42 =	vshra.s32 v57, $0x6;
	v43 =	vld.idx.msk [tilespmem:v58+s7+$0x0], $0xffff  }
0x487: {  	v62 =	vshrl.u32 v53, $0x1;
	v44 =	vshrl.u32 v44, v54;
	v58 =	vsel vm7, $0xFFFFFFFF, v36  }
0x488: {  	v59 =	vand.u32 $0x1F, v56;
	v60 =	vsel vm7, $0x0, v1;
	v44 =	vand.u32 v44, v52;
	[tilespmem:s2+$0x13510] =	vst v58  }
0x489: {  	v46 =	vshrl.u32 v46, v59;
	v50 =	vld [tilespmem:s2+$0x114B0];
	v61 =	vsel vm7, $0x0, v17;
	[tilespmem:s2+$0x15510] =	vst v60;
	v44 =	vand.u32 $0x1, v44  }
0x48a: {  	v46 =	vand.u32 v46, v55;
	v54 =	vand.u32 $0x1F, v62;
	[tilespmem:s2+$0x17510] =	vst v61;
	vm8 =	veq.s32 v44, $0x0  }
0x48b: {  	v46 =	vand.u32 $0x1, v46;
	v55 =	vsel vm8, $0xFFFFFFFF, v37;
	v42 =	vld.idx.msk [tilespmem:v42+s7+$0x0], $0xffff;
	v43 =	vshrl.u32 v43, v54  }
0x48c: {  	vm9 =	veq.s32 v46, $0x0;
	v56 =	vsel vm8, $0x0, v1;
	[tilespmem:s2+$0x13590] =	vst v55;
	v43 =	vand.u32 v43, v53  }
0x48d: {  	v47 =	vld [tilespmem:s2+$0x11800];
	v59 =	vsel vm9, $0xFFFFFFFF, v33;
	v58 =	vsel vm8, $0x0, v17;
	[tilespmem:s2+$0x15590] =	vst v56;
	v43 =	vand.u32 $0x1, v43  }
0x48e: {  	v51 =	vld [tilespmem:s2+$0x11530];
	v60 =	vshrl.u32 v57, $0x1;
	[tilespmem:s2+$0x17590] =	vst v58;
	vm10 =	veq.s32 v43, $0x0;
	v43 =	vshra.s32 v50, $0x6  }
0x48f: {  	vm12 =	veq.s32 v45, $0x0;
	v61 =	vand.u32 $0x1F, v60;
	[tilespmem:s2+$0x13470] =	vst v59;
	v44 =	vld.idx.msk [tilespmem:v63+s7+$0x0], $0xffff;
	v62 =	vsel vm10, $0xFFFFFFFF, v35  }
0x490: {  	v52 =	vsel vm12, $0x0, v28;
	v42 =	vshrl.u32 v42, v61;
	v56 =	vsel vm10, $0x0, v2;
	[tilespmem:s2+$0x134A0] =	vst v62  }
0x491: {  	v59 =	vshrl.u32 v49, $0x1;
	v58 =	vsel vm10, $0x0, v18;
	v42 =	vand.u32 v42, v57;
	[tilespmem:s2+$0x154A0] =	vst v56  }
0x492: {  	v60 =	vand.u32 $0x1F, v59;
	v55 =	vsel vm12, $0x0, v12;
	v53 =	vld [tilespmem:s2+$0x115B0];
	[tilespmem:s2+$0x174A0] =	vst v58;
	v42 =	vand.u32 $0x1, v42  }
0x493: {  	v63 =	vsel vm9, $0x0, v7;
	vm11 =	veq.s32 v42, $0x0;
	v42 =	vshra.s32 v51, $0x6;
	v43 =	vld.idx.msk [tilespmem:v43+s7+$0x0], $0xffff  }
0x494: {  	[tilespmem:s2+$0x15470] =	vst v63;
	v63 =	vshra.s32 v47, $0x6;
	v44 =	vshrl.u32 v44, v60;
	v62 =	vsel vm11, $0xFFFFFFFF, v36  }
0x495: {  	v61 =	vsel vm9, $0x0, v23;
	v44 =	vand.u32 v44, v49;
	v56 =	vsel vm11, $0x0, v2;
	[tilespmem:s2+$0x13520] =	vst v62  }
0x496: {  	v54 =	vld [tilespmem:s2+$0x114C0];
	v58 =	vshrl.u32 v50, $0x1;
	v44 =	vand.u32 $0x1, v44;
	v57 =	vsel vm11, $0x0, v18;
	[tilespmem:s2+$0x15520] =	vst v56  }
0x497: {  	v45 =	vld [tilespmem:s2+$0x117D0];
	v59 =	vand.u32 $0x1F, v58;
	vm13 =	veq.s32 v44, $0x0;
	v44 =	vshra.s32 v53, $0x6;
	[tilespmem:s2+$0x17520] =	vst v57  }
0x498: {  	[tilespmem:s2+$0x17470] =	vst v61;
	v49 =	vsel vm12, $0xFFFFFFFF, v32;
	v60 =	vsel vm13, $0xFFFFFFFF, v37;
	v42 =	vld.idx.msk [tilespmem:v42+s7+$0x0], $0xffff;
	v43 =	vshrl.u32 v43, v59  }
0x499: {  	v48 =	vld.idx.msk [tilespmem:v63+s7+$0x0], $0xffff;
	v63 =	vshrl.u32 v51, $0x1;
	v61 =	vsel vm13, $0x0, v2;
	[tilespmem:s2+$0x135A0] =	vst v60;
	v43 =	vand.u32 v43, v50  }
0x49a: {  	v58 =	vand.u32 $0x1F, v63;
	v62 =	vsel vm13, $0x0, v18;
	[tilespmem:s2+$0x155A0] =	vst v61;
	v43 =	vand.u32 $0x1, v43  }
0x49b: {  	v63 =	vshrl.u32 v53, $0x1;
	v57 =	vld [tilespmem:s2+$0x11540];
	[tilespmem:s2+$0x175A0] =	vst v62;
	vm14 =	veq.s32 v43, $0x0;
	v43 =	vshra.s32 v54, $0x6  }
0x49c: {  	[tilespmem:s2+$0x137C0] =	vst v49;
	v44 =	vld.idx.msk [tilespmem:v44+s7+$0x0], $0xffff;
	v59 =	vshrl.u32 v47, $0x1;
	v50 =	vshra.s32 v45, $0x6;
	v60 =	vsel vm14, $0xFFFFFFFF, v35  }
0x49d: {  	v49 =	vand.u32 $0x1F, v59;
	v42 =	vshrl.u32 v42, v58;
	v61 =	vsel vm14, $0x0, v3;
	[tilespmem:s2+$0x134B0] =	vst v60  }
0x49e: {  	v59 =	vand.u32 $0x1F, v63;
	v62 =	vsel vm14, $0x0, v19;
	v42 =	vand.u32 v42, v51;
	[tilespmem:s2+$0x154B0] =	vst v61  }
0x49f: {  	v56 =	vld [tilespmem:s2+$0x115C0];
	v63 =	vshrl.u32 v54, $0x1;
	v48 =	vshrl.u32 v48, v49;
	[tilespmem:s2+$0x174B0] =	vst v62;
	v42 =	vand.u32 $0x1, v42  }
0x4a0: {  	[tilespmem:s2+$0x177C0] =	vst v52;
	v47 =	vand.u32 v48, v47;
	v58 =	vshra.s32 v57, $0x6;
	vm15 =	veq.s32 v42, $0x0;
	v43 =	vld.idx.msk [tilespmem:v43+s7+$0x0], $0xffff  }
0x4a1: {  	[tilespmem:s2+$0x157C0] =	vst v55;
	v47 =	vand.u32 $0x1, v47;
	v44 =	vshrl.u32 v44, v59;
	v60 =	vsel vm15, $0xFFFFFFFF, v36  }
0x4a2: {  	vm5 =	veq.s32 v47, $0x0;
	v44 =	vand.u32 v44, v53;
	v61 =	vsel vm15, $0x0, v3;
	[tilespmem:s2+$0x13530] =	vst v60  }
0x4a3: {  	v51 =	vld [tilespmem:s2+$0x114D0];
	v53 =	vand.u32 $0x1F, v63;
	v44 =	vand.u32 $0x1, v44;
	v62 =	vsel vm15, $0x0, v19;
	[tilespmem:s2+$0x15530] =	vst v61  }
0x4a4: {  	v47 =	vld [tilespmem:s2+$0x11810];
	v59 =	vsel vm5, $0xFFFFFFFF, v33;
	vm4 =	veq.s32 v44, $0x0;
	v44 =	vshra.s32 v56, $0x6;
	[tilespmem:s2+$0x17530] =	vst v62  }
0x4a5: {  	v41 =	vand.u32 $0x1, v41;
	[tilespmem:s2+$0x13800] =	vst v59;
	v55 =	vsel vm4, $0xFFFFFFFF, v37;
	v42 =	vld.idx.msk [tilespmem:v58+s7+$0x0], $0xffff;
	v43 =	vshrl.u32 v43, v53  }
0x4a6: {  	v46 =	vshrl.u32 v45, $0x1;
	v60 =	vsel vm4, $0x0, v19;
	[tilespmem:s2+$0x135B0] =	vst v55;
	v43 =	vand.u32 v43, v54  }
0x4a7: {  	v50 =	vld.idx.msk [tilespmem:v50+s7+$0x0], $0xffff;
	v61 =	vsel vm5, $0x0, v8;
	v58 =	vsel vm4, $0x0, v3;
	[tilespmem:s2+$0x175B0] =	vst v60;
	v43 =	vand.u32 $0x1, v43  }
0x4a8: {  	v48 =	vld [tilespmem:s2+$0x11550];
	v62 =	vshrl.u32 v57, $0x1;
	[tilespmem:s2+$0x155B0] =	vst v58;
	vm6 =	veq.s32 v43, $0x0;
	v43 =	vshra.s32 v51, $0x6  }
0x4a9: {  	v46 =	vand.u32 $0x1F, v46;
	v63 =	vand.u32 $0x1F, v62;
	[tilespmem:s2+$0x15800] =	vst v61;
	v44 =	vld.idx.msk [tilespmem:v44+s7+$0x0], $0xffff;
	v59 =	vsel vm6, $0xFFFFFFFF, v35  }
0x4aa: {  	v49 =	vshra.s32 v47, $0x6;
	v42 =	vshrl.u32 v42, v63;
	v60 =	vsel vm6, $0x0, v4;
	[tilespmem:s2+$0x134C0] =	vst v59  }
0x4ab: {  	v62 =	vshrl.u32 v56, $0x1;
	v42 =	vand.u32 v42, v57;
	v61 =	vsel vm6, $0x0, v20;
	[tilespmem:s2+$0x154C0] =	vst v60  }
0x4ac: {  	v55 =	vld [tilespmem:s2+$0x115D0];
	v58 =	vsel vm5, $0x0, v24;
	v46 =	vshrl.u32 v50, v46;
	v42 =	vand.u32 $0x1, v42;
	[tilespmem:s2+$0x174C0] =	vst v61  }
0x4ad: {  	v63 =	vshra.s32 v48, $0x6;
	v57 =	vand.u32 $0x1F, v62;
	vm7 =	veq.s32 v42, $0x0;
	v43 =	vld.idx.msk [tilespmem:v43+s7+$0x0], $0xffff  }
0x4ae: {  	[tilespmem:s2+$0x17800] =	vst v58;
	v45 =	vand.u32 v46, v45;
	v44 =	vshrl.u32 v44, v57;
	v58 =	vsel vm7, $0xFFFFFFFF, v36  }
0x4af: {  	v52 =	vld [tilespmem:s2+$0x114E0];
	v45 =	vand.u32 $0x1, v45;
	v59 =	vsel vm7, $0x0, v4;
	v44 =	vand.u32 v44, v56;
	[tilespmem:s2+$0x13540] =	vst v58  }
0x4b0: {  	v61 =	vshrl.u32 v51, $0x1;
	v60 =	vsel vm7, $0x0, v20;
	[tilespmem:s2+$0x15540] =	vst v59;
	v44 =	vand.u32 $0x1, v44  }
0x4b1: {  	v46 =	vld.idx.msk [tilespmem:v49+s7+$0x0], $0xffff;
	v62 =	vand.u32 $0x1F, v61;
	[tilespmem:s2+$0x17540] =	vst v60;
	vm8 =	veq.s32 v44, $0x0;
	v44 =	vshra.s32 v55, $0x6  }
0x4b2: {  	v54 =	vshrl.u32 v55, $0x1;
	v42 =	vld.idx.msk [tilespmem:v63+s7+$0x0], $0xffff;
	v63 =	vsel vm8, $0xFFFFFFFF, v37;
	v43 =	vshrl.u32 v43, v62  }
0x4b3: {  	v56 =	vshrl.u32 v47, $0x1;
	v57 =	vsel vm8, $0x0, v4;
	[tilespmem:s2+$0x135C0] =	vst v63;
	v43 =	vand.u32 v43, v51  }
0x4b4: {  	v61 =	vshra.s32 v52, $0x6;
	v59 =	vsel vm8, $0x0, v20;
	[tilespmem:s2+$0x155C0] =	vst v57;
	v43 =	vand.u32 $0x1, v43  }
0x4b5: {  	v58 =	vand.u32 $0x1F, v56;
	v60 =	vshrl.u32 v48, $0x1;
	[tilespmem:s2+$0x175C0] =	vst v59;
	v51 =	vld [tilespmem:s2+$0x11560];
	vm9 =	veq.s32 v43, $0x0  }
0x4b6: {  	v46 =	vshrl.u32 v46, v58;
	v62 =	vand.u32 $0x1F, v60;
	v44 =	vld.idx.msk [tilespmem:v44+s7+$0x0], $0xffff;
	v63 =	vsel vm9, $0xFFFFFFFF, v35  }
0x4b7: {  	v46 =	vand.u32 v46, v47;
	v42 =	vshrl.u32 v42, v62;
	v50 =	vsel vm9, $0x0, v5;
	[tilespmem:s2+$0x134D0] =	vst v63  }
0x4b8: {  	v46 =	vand.u32 $0x1, v46;
	v42 =	vand.u32 v42, v48;
	v53 =	vsel vm9, $0x0, v21;
	[tilespmem:s2+$0x154D0] =	vst v50  }
0x4b9: {  	v49 =	vld [tilespmem:s2+$0x115E0];
	v57 =	vand.u32 $0x1F, v54;
	vm11 =	veq.s32 v46, $0x0;
	v42 =	vand.u32 $0x1, v42;
	[tilespmem:s2+$0x174D0] =	vst v53  }
0x4ba: {  	v59 =	vsel vm11, $0xFFFFFFFF, v33;
	vm10 =	veq.s32 v42, $0x0;
	v56 =	vshra.s32 v51, $0x6;
	v43 =	vld.idx.msk [tilespmem:v61+s7+$0x0], $0xffff  }
0x4bb: {  	vm13 =	veq.s32 v45, $0x0;
	[tilespmem:s2+$0x13810] =	vst v59;
	v50 =	vld [tilespmem:s2+$0x11820];
	v58 =	vsel vm10, $0xFFFFFFFF, v36;
	v44 =	vshrl.u32 v44, v57  }
0x4bc: {  	v60 =	vsel vm10, $0x0, v5;
	v62 =	vsel vm10, $0x0, v21;
	[tilespmem:s2+$0x13550] =	vst v58;
	v44 =	vand.u32 v44, v55  }
0x4bd: {  	v53 =	vld [tilespmem:s2+$0x114F0];
	v61 =	vshrl.u32 v52, $0x1;
	[tilespmem:s2+$0x15550] =	vst v60;
	v60 =	vsel vm11, $0x0, v9;
	v44 =	vand.u32 $0x1, v44  }
0x4be: {  	[tilespmem:s2+$0x17550] =	vst v62;
	v48 =	vand.u32 $0x1F, v61;
	vm12 =	veq.s32 v44, $0x0;
	v44 =	vshra.s32 v49, $0x6  }
0x4bf: {  	v47 =	vsel vm13, $0x0, v13;
	[tilespmem:s2+$0x15810] =	vst v60;
	v63 =	vsel vm12, $0xFFFFFFFF, v37;
	v42 =	vld.idx.msk [tilespmem:v56+s7+$0x0], $0xffff;
	v43 =	vshrl.u32 v43, v48  }
0x4c0: {  	v57 =	vsel vm12, $0x0, v5;
	v59 =	vshra.s32 v50, $0x6;
	[tilespmem:s2+$0x135D0] =	vst v63;
	v43 =	vand.u32 v43, v52  }
0x4c1: {  	v62 =	vshrl.u32 v51, $0x1;
	v58 =	vsel vm12, $0x0, v21;
	[tilespmem:s2+$0x155D0] =	vst v57;
	v43 =	vand.u32 $0x1, v43  }
0x4c2: {  	v54 =	vld [tilespmem:s2+$0x11570];
	v61 =	vsel vm11, $0x0, v25;
	[tilespmem:s2+$0x175D0] =	vst v58;
	v63 =	vshra.s32 v53, $0x6;
	vm14 =	veq.s32 v43, $0x0  }
0x4c3: {  	v46 =	vsel vm13, $0xFFFFFFFF, v32;
	[tilespmem:s2+$0x17810] =	vst v61;
	v56 =	vand.u32 $0x1F, v62;
	v44 =	vld.idx.msk [tilespmem:v44+s7+$0x0], $0xffff;
	v57 =	vsel vm14, $0xFFFFFFFF, v35  }
0x4c4: {  	vm9 =	veq.s32 v41, $0x0;
	v58 =	vsel vm14, $0x0, v6;
	v42 =	vshrl.u32 v42, v56;
	[tilespmem:s2+$0x134E0] =	vst v57  }
0x4c5: {  	v60 =	vshrl.u32 v49, $0x1;
	v45 =	vld.idx.msk [tilespmem:v59+s7+$0x0], $0xffff;
	v59 =	vsel vm14, $0x0, v22;
	[tilespmem:s2+$0x154E0] =	vst v58;
	v42 =	vand.u32 v42, v51  }
0x4c6: {  	v55 =	vld [tilespmem:s2+$0x115F0];
	v61 =	vand.u32 $0x1F, v60;
	v60 =	vshrl.u32 v53, $0x1;
	[tilespmem:s2+$0x174E0] =	vst v59;
	v42 =	vand.u32 $0x1, v42  }
0x4c7: {  	v62 =	vshrl.u32 v50, $0x1;
	v63 =	vld.idx.msk [tilespmem:v63+s7+$0x0], $0xffff;
	vm15 =	veq.s32 v42, $0x0;
	v42 =	vshra.s32 v54, $0x6  }
0x4c8: {  	[tilespmem:s2+$0x137D0] =	vst v46;
	v46 =	vand.u32 $0x1F, v62;
	v48 =	vshrl.u32 v44, v61;
	v56 =	vsel vm15, $0xFFFFFFFF, v36  }
0x4c9: {  	v61 =	vand.u32 $0x1F, v60;
	v48 =	vand.u32 v48, v49;
	v57 =	vsel vm15, $0x0, v6;
	[tilespmem:s2+$0x13560] =	vst v56  }
0x4ca: {  	v44 =	vld [tilespmem:s2+$0x11880];
	v45 =	vshrl.u32 v45, v46;
	v58 =	vsel vm15, $0x0, v22;
	v59 =	vand.u32 $0x1, v48;
	[tilespmem:s2+$0x15560] =	vst v57  }
0x4cb: {  	v43 =	vld [tilespmem:s2+$0x117E0];
	v46 =	vshra.s32 v55, $0x6;
	[tilespmem:s2+$0x17560] =	vst v58;
	vm4 =	veq.s32 v59, $0x0;
	v45 =	vand.u32 v45, v50  }
0x4cc: {  	[tilespmem:s2+$0x157D0] =	vst v47;
	v58 =	vshrl.u32 v54, $0x1;
	v62 =	vsel vm4, $0xFFFFFFFF, v37;
	v47 =	vshrl.u32 v63, v61;
	v42 =	vld.idx.msk [tilespmem:v42+s7+$0x0], $0xffff  }
0x4cd: {  	v45 =	vand.u32 $0x1, v45;
	v63 =	vsel vm4, $0x0, v6;
	[tilespmem:s2+$0x135E0] =	vst v62;
	v53 =	vand.u32 v47, v53  }
0x4ce: {  	v48 =	vld [tilespmem:s2+$0x11830];
	v56 =	vsel vm4, $0x0, v22;
	vm5 =	veq.s32 v45, $0x0;
	[tilespmem:s2+$0x155E0] =	vst v63;
	v45 =	vand.u32 $0x1, v53  }
0x4cf: {  	v50 =	vld [tilespmem:s2+$0x11900];
	[tilespmem:s2+$0x175E0] =	vst v56;
	v59 =	vshra.s32 v44, $0x6;
	v57 =	vsel vm5, $0xFFFFFFFF, v33;
	vm6 =	veq.s32 v45, $0x0  }
0x4d0: {  	v52 =	vsel vm13, $0x0, v29;
	v60 =	vand.u32 $0x1F, v58;
	v46 =	vld.idx.msk [tilespmem:v46+s7+$0x0], $0xffff;
	[tilespmem:s2+$0x13820] =	vst v57;
	v61 =	vsel vm6, $0xFFFFFFFF, v35  }
0x4d1: {  	v49 =	vshra.s32 v43, $0x6;
	v63 =	vsel vm6, $0x0, v7;
	[tilespmem:s2+$0x134F0] =	vst v61;
	v42 =	vshrl.u32 v42, v60  }
0x4d2: {  	v47 =	vld [tilespmem:s2+$0x11890];
	v62 =	vsel vm5, $0x0, v10;
	v56 =	vsel vm6, $0x0, v23;
	[tilespmem:s2+$0x154F0] =	vst v63;
	v42 =	vand.u32 v42, v54  }
0x4d3: {  	v53 =	vld [tilespmem:s2+$0x11980];
	v57 =	vshrl.u32 v55, $0x1;
	v51 =	vshra.s32 v48, $0x6;
	[tilespmem:s2+$0x174F0] =	vst v56;
	v42 =	vand.u32 $0x1, v42  }
0x4d4: {  	[tilespmem:s2+$0x177D0] =	vst v52;
	v58 =	vand.u32 $0x1F, v57;
	v45 =	vld.idx.msk [tilespmem:v59+s7+$0x0], $0xffff;
	vm7 =	veq.s32 v42, $0x0;
	v42 =	vshra.s32 v50, $0x6  }
0x4d5: {  	[tilespmem:s2+$0x15820] =	vst v62;
	v61 =	vsel vm5, $0x0, v26;
	v46 =	vshrl.u32 v46, v58;
	v59 =	vsel vm7, $0xFFFFFFFF, v36  }
0x4d6: {  	v63 =	vshrl.u32 v44, $0x1;
	v46 =	vand.u32 v46, v55;
	v60 =	vsel vm7, $0x0, v7;
	[tilespmem:s2+$0x13570] =	vst v59  }
0x4d7: {  	v52 =	vld [tilespmem:s2+$0x11910];
	v57 =	vand.u32 $0x1F, v63;
	v46 =	vand.u32 $0x1, v46;
	v62 =	vsel vm7, $0x0, v23;
	[tilespmem:s2+$0x15570] =	vst v60  }
0x4d8: {  	v49 =	vld.idx.msk [tilespmem:v49+s7+$0x0], $0xffff;
	v63 =	vshra.s32 v47, $0x6;
	v56 =	vshra.s32 v53, $0x6;
	vm8 =	veq.s32 v46, $0x0;
	[tilespmem:s2+$0x17570] =	vst v62  }
0x4d9: {  	[tilespmem:s2+$0x17820] =	vst v61;
	v55 =	vshrl.u32 v48, $0x1;
	v41 =	vshrl.u32 v45, v57;
	v58 =	vsel vm8, $0xFFFFFFFF, v37;
	v42 =	vld.idx.msk [tilespmem:v42+s7+$0x0], $0xffff  }
0x4da: {  	v59 =	vshrl.u32 v43, $0x1;
	v60 =	vsel vm8, $0x0, v7;
	v41 =	vand.u32 v41, v44;
	[tilespmem:s2+$0x135F0] =	vst v58  }
0x4db: {  	v51 =	vld.idx.msk [tilespmem:v51+s7+$0x0], $0xffff;
	v61 =	vsel vm8, $0x0, v23;
	v62 =	vshrl.u32 v50, $0x1;
	[tilespmem:s2+$0x155F0] =	vst v60;
	v41 =	vand.u32 $0x1, v41  }
0x4dc: {  	v45 =	vand.u32 $0x1F, v59;
	[tilespmem:s2+$0x175F0] =	vst v61;
	v54 =	vand.u32 $0x1F, v62;
	vm10 =	veq.s32 v41, $0x0  }
0x4dd: {  	v59 =	vshrl.u32 v53, $0x1;
	v60 =	vshra.s32 v52, $0x6;
	v46 =	vld.idx.msk [tilespmem:v56+s7+$0x0], $0xffff;
	v56 =	vsel vm10, $0xFFFFFFFF, v35  }
0x4de: {  	v45 =	vshrl.u32 v49, v45;
	v57 =	vsel vm10, $0x0, v8;
	[tilespmem:s2+$0x13880] =	vst v56;
	v42 =	vshrl.u32 v42, v54  }
0x4df: {  	v49 =	vand.u32 $0x1F, v55;
	v58 =	vsel vm10, $0x0, v24;
	[tilespmem:s2+$0x15880] =	vst v57;
	v42 =	vand.u32 v42, v50  }
0x4e0: {  	v61 =	vand.u32 $0x1F, v59;
	v49 =	vshrl.u32 v51, v49;
	[tilespmem:s2+$0x17880] =	vst v58;
	v54 =	vld [tilespmem:s2+$0x11990];
	v42 =	vand.u32 $0x1, v42  }
0x4e1: {  	v57 =	vshrl.u32 v47, $0x1;
	v41 =	vld.idx.msk [tilespmem:v63+s7+$0x0], $0xffff;
	v63 =	vand.u32 v49, v48;
	vm11 =	veq.s32 v42, $0x0  }
0x4e2: {  	v58 =	vand.u32 $0x1F, v57;
	v44 =	vshrl.u32 v46, v61;
	v62 =	vsel vm11, $0xFFFFFFFF, v36  }
0x4e3: {  	v46 =	vand.u32 $0x1, v63;
	v44 =	vand.u32 v44, v53;
	v55 =	vsel vm11, $0x0, v8;
	[tilespmem:s2+$0x13900] =	vst v62  }
0x4e4: {  	vm13 =	veq.s32 v46, $0x0;
	v44 =	vand.u32 $0x1, v44;
	v50 =	vld [tilespmem:s2+$0x118A0];
	v56 =	vsel vm11, $0x0, v24;
	[tilespmem:s2+$0x15900] =	vst v55  }
0x4e5: {  	v63 =	vsel vm13, $0x0, v11;
	vm12 =	veq.s32 v44, $0x0;
	[tilespmem:s2+$0x17900] =	vst v56;
	v44 =	vshra.s32 v54, $0x6  }
0x4e6: {  	v41 =	vshrl.u32 v41, v58;
	[tilespmem:s2+$0x15830] =	vst v63;
	v59 =	vsel vm12, $0xFFFFFFFF, v37;
	v49 =	vld.idx.msk [tilespmem:v60+s7+$0x0], $0xffff  }
0x4e7: {  	v46 =	vld [tilespmem:s2+$0x11840];
	v61 =	vsel vm12, $0x0, v24;
	v41 =	vand.u32 v41, v47;
	[tilespmem:s2+$0x13980] =	vst v59  }
0x4e8: {  	v57 =	vshrl.u32 v52, $0x1;
	v41 =	vand.u32 $0x1, v41;
	[tilespmem:s2+$0x17980] =	vst v61;
	v60 =	vsel vm12, $0x0, v8  }
0x4e9: {  	v53 =	vld [tilespmem:s2+$0x11920];
	v62 =	vsel vm13, $0xFFFFFFFF, v33;
	vm14 =	veq.s32 v41, $0x0;
	v58 =	vshra.s32 v50, $0x6;
	[tilespmem:s2+$0x15980] =	vst v60  }
0x4ea: {  	v43 =	vand.u32 v45, v43;
	v59 =	vand.u32 $0x1F, v57;
	[tilespmem:s2+$0x13830] =	vst v62;
	v62 =	vsel vm14, $0x0, v9;
	v44 =	vld.idx.msk [tilespmem:v44+s7+$0x0], $0xffff  }
0x4eb: {  	v43 =	vand.u32 $0x1, v43;
	v63 =	vsel vm14, $0x0, v25;
	[tilespmem:s2+$0x15890] =	vst v62;
	v41 =	vshrl.u32 v49, v59  }
0x4ec: {  	v61 =	vshra.s32 v46, $0x6;
	v60 =	vsel vm14, $0xFFFFFFFF, v35;
	[tilespmem:s2+$0x17890] =	vst v63;
	v41 =	vand.u32 v41, v52  }
0x4ed: {  	v51 =	vld [tilespmem:s2+$0x119A0];
	v48 =	vsel vm13, $0x0, v27;
	v56 =	vshrl.u32 v54, $0x1;
	[tilespmem:s2+$0x13890] =	vst v60;
	v41 =	vand.u32 $0x1, v41  }
0x4ee: {  	v57 =	vand.u32 $0x1F, v56;
	v58 =	vld.idx.msk [tilespmem:v58+s7+$0x0], $0xffff;
	v52 =	vshra.s32 v53, $0x6;
	vm15 =	veq.s32 v41, $0x0  }
0x4ef: {  	[tilespmem:s2+$0x17830] =	vst v48;
	v42 =	vsel vm9, $0xFFFFFFFF, v34;
	v44 =	vshrl.u32 v44, v57;
	v59 =	vsel vm15, $0xFFFFFFFF, v36  }
0x4f0: {  	v34 =	vsel vm9, $0x0, v31;
	v60 =	vsel vm15, $0x0, v9;
	[tilespmem:s2+$0x13910] =	vst v59;
	v44 =	vand.u32 v44, v54  }
0x4f1: {  	v62 =	vshrl.u32 v50, $0x1;
	v45 =	vld.idx.msk [tilespmem:v61+s7+$0x0], $0xffff;
	v61 =	vsel vm15, $0x0, v25;
	[tilespmem:s2+$0x15910] =	vst v60;
	v44 =	vand.u32 $0x1, v44  }
0x4f2: {  	v63 =	vand.u32 $0x1F, v62;
	v54 =	vld [tilespmem:s2+$0x118B0];
	[tilespmem:s2+$0x17910] =	vst v61;
	vm4 =	veq.s32 v44, $0x0;
	v44 =	vshra.s32 v51, $0x6  }
0x4f3: {  	v47 =	vshrl.u32 v58, v63;
	v58 =	vshrl.u32 v46, $0x1;
	v56 =	vld.idx.msk [tilespmem:v52+s7+$0x0], $0xffff;
	v57 =	vsel vm4, $0xFFFFFFFF, v37  }
0x4f4: {  	v61 =	vshrl.u32 v53, $0x1;
	v48 =	vand.u32 $0x1F, v58;
	v59 =	vsel vm4, $0x0, v9;
	[tilespmem:s2+$0x13990] =	vst v57  }
0x4f5: {  	v47 =	vand.u32 v47, v50;
	v63 =	vand.u32 $0x1F, v61;
	v60 =	vsel vm4, $0x0, v25;
	[tilespmem:s2+$0x15990] =	vst v59  }
0x4f6: {  	v52 =	vld [tilespmem:s2+$0x11930];
	v58 =	vshrl.u32 v51, $0x1;
	v45 =	vshrl.u32 v45, v48;
	v47 =	vand.u32 $0x1, v47;
	[tilespmem:s2+$0x17990] =	vst v60  }
0x4f7: {  	[tilespmem:s2+$0x136F0] =	vst v39;
	vm5 =	veq.s32 v47, $0x0;
	v48 =	vand.u32 v45, v46;
	v62 =	vshra.s32 v54, $0x6;
	v44 =	vld.idx.msk [tilespmem:v44+s7+$0x0], $0xffff  }
0x4f8: {  	[tilespmem:s2+$0x156F0] =	vst v40;
	v50 =	vsel vm5, $0xFFFFFFFF, v35;
	v40 =	vand.u32 $0x1, v48;
	v55 =	vshrl.u32 v56, v63  }
0x4f9: {  	v57 =	vsel vm5, $0x0, v26;
	v60 =	vand.u32 $0x1F, v58;
	[tilespmem:s2+$0x138A0] =	vst v50;
	v46 =	vand.u32 v55, v53  }
0x4fa: {  	v48 =	vld [tilespmem:s2+$0x119B0];
	[tilespmem:s2+$0x178A0] =	vst v57;
	vm7 =	veq.s32 v40, $0x0;
	v56 =	vsel vm5, $0x0, v10;
	v46 =	vand.u32 $0x1, v46  }
0x4fb: {  	v47 =	vld [tilespmem:s2+$0x118C0];
	v59 =	vshra.s32 v52, $0x6;
	v50 =	vsel vm7, $0xFFFFFFFF, v33;
	[tilespmem:s2+$0x158A0] =	vst v56;
	vm6 =	veq.s32 v46, $0x0  }
0x4fc: {  	v41 =	vsel vm9, $0x0, v15;
	[tilespmem:s2+$0x13840] =	vst v50;
	v61 =	vld.idx.msk [tilespmem:v62+s7+$0x0], $0xffff;
	v62 =	vsel vm6, $0xFFFFFFFF, v36;
	v63 =	vshrl.u32 v44, v60  }
0x4fd: {  	v49 =	vld [tilespmem:s2+$0x11850];
	vm9 =	veq.s32 v43, $0x0;
	v53 =	vsel vm6, $0x0, v10;
	[tilespmem:s2+$0x13920] =	vst v62;
	v40 =	vand.u32 v63, v51  }
0x4fe: {  	v55 =	vshrl.u32 v54, $0x1;
	v56 =	vsel vm6, $0x0, v26;
	[tilespmem:s2+$0x15920] =	vst v53;
	v40 =	vand.u32 $0x1, v40  }
0x4ff: {  	v43 =	vld [tilespmem:s2+$0x117F0];
	v50 =	vsel vm9, $0x0, v14;
	v39 =	vshra.s32 v48, $0x6;
	[tilespmem:s2+$0x17920] =	vst v56;
	vm8 =	veq.s32 v40, $0x0  }
0x500: {  	[tilespmem:s2+$0x176F0] =	vst v38;
	v46 =	vand.u32 $0x1F, v55;
	v62 =	vsel vm7, $0x0, v28;
	v40 =	vld.idx.msk [tilespmem:v59+s7+$0x0], $0xffff;
	v57 =	vsel vm8, $0xFFFFFFFF, v37  }
0x501: {  	v56 =	vshra.s32 v47, $0x6;
	v38 =	vshrl.u32 v61, v46;
	v58 =	vsel vm8, $0x0, v10;
	[tilespmem:s2+$0x139A0] =	vst v57  }
0x502: {  	v53 =	vld [tilespmem:s2+$0x119C0];
	v60 =	vshra.s32 v49, $0x6;
	v59 =	vsel vm8, $0x0, v26;
	v38 =	vand.u32 v38, v54;
	[tilespmem:s2+$0x159A0] =	vst v58  }
0x503: {  	v44 =	vsel vm9, $0xFFFFFFFF, v32;
	v63 =	vshrl.u32 v52, $0x1;
	v54 =	vld [tilespmem:s2+$0x11940];
	v38 =	vand.u32 $0x1, v38;
	[tilespmem:s2+$0x179A0] =	vst v59  }
0x504: {  	[tilespmem:s2+$0x17840] =	vst v62;
	v61 =	vsel vm7, $0x0, v12;
	v57 =	vand.u32 $0x1F, v63;
	vm10 =	veq.s32 v38, $0x0;
	v39 =	vld.idx.msk [tilespmem:v39+s7+$0x0], $0xffff  }
0x505: {  	v46 =	vshra.s32 v43, $0x6;
	[tilespmem:s2+$0x15840] =	vst v61;
	v58 =	vsel vm10, $0xFFFFFFFF, v35;
	v40 =	vshrl.u32 v40, v57  }
0x506: {  	v61 =	vshrl.u32 v48, $0x1;
	v59 =	vsel vm10, $0x0, v11;
	[tilespmem:s2+$0x138B0] =	vst v58;
	v40 =	vand.u32 v40, v52  }
0x507: {  	v51 =	vld.idx.msk [tilespmem:v60+s7+$0x0], $0xffff;
	v63 =	vand.u32 $0x1F, v61;
	v60 =	vsel vm10, $0x0, v27;
	[tilespmem:s2+$0x158B0] =	vst v59;
	v40 =	vand.u32 $0x1, v40  }
0x508: {  	v45 =	vld [tilespmem:s2+$0x118D0];
	[tilespmem:s2+$0x178B0] =	vst v60;
	v58 =	vshrl.u32 v47, $0x1;
	v62 =	vshra.s32 v54, $0x6;
	vm11 =	veq.s32 v40, $0x0  }
0x509: {  	[tilespmem:s2+$0x137E0] =	vst v44;
	v59 =	vshra.s32 v53, $0x6;
	v38 =	vld.idx.msk [tilespmem:v56+s7+$0x0], $0xffff;
	v39 =	vshrl.u32 v39, v63;
	v55 =	vsel vm11, $0xFFFFFFFF, v36  }
0x50a: {  	v52 =	vshrl.u32 v49, $0x1;
	v39 =	vand.u32 v39, v48;
	v56 =	vsel vm11, $0x0, v11;
	[tilespmem:s2+$0x13930] =	vst v55  }
0x50b: {  	v44 =	vand.u32 $0x1F, v52;
	v57 =	vsel vm11, $0x0, v27;
	[tilespmem:s2+$0x15930] =	vst v56;
	v39 =	vand.u32 $0x1, v39  }
0x50c: {  	v52 =	vshrl.u32 v43, $0x1;
	v44 =	vshrl.u32 v51, v44;
	[tilespmem:s2+$0x17930] =	vst v57;
	vm2 =	veq.s32 v39, $0x0  }
0x50d: {  	[tilespmem:s2+$0x13770] =	vst v42;
	v44 =	vand.u32 v44, v49;
	v48 =	vand.u32 $0x1F, v58;
	v40 =	vld.idx.msk [tilespmem:v62+s7+$0x0], $0xffff;
	v60 =	vsel vm2, $0xFFFFFFFF, v37  }
0x50e: {  	v58 =	vshra.s32 v45, $0x6;
	v38 =	vshrl.u32 v38, v48;
	v61 =	vsel vm2, $0x0, v11;
	[tilespmem:s2+$0x139B0] =	vst v60  }
0x50f: {  	v44 =	vand.u32 $0x1, v44;
	v63 =	vsel vm2, $0x0, v27;
	v38 =	vand.u32 v38, v47;
	[tilespmem:s2+$0x159B0] =	vst v61  }
0x510: {  	v55 =	vshrl.u32 v54, $0x1;
	vm12 =	veq.s32 v44, $0x0;
	v44 =	vld [tilespmem:s2+$0x11950];
	[tilespmem:s2+$0x179B0] =	vst v63;
	v38 =	vand.u32 $0x1, v38  }
0x511: {  	[tilespmem:s2+$0x157E0] =	vst v50;
	v62 =	vsel vm9, $0x0, v30;
	v47 =	vand.u32 $0x1F, v55;
	v39 =	vld.idx.msk [tilespmem:v59+s7+$0x0], $0xffff;
	vm13 =	veq.s32 v38, $0x0  }
0x512: {  	v49 =	vld [tilespmem:s2+$0x119D0];
	[tilespmem:s2+$0x177E0] =	vst v62;
	v56 =	vsel vm12, $0xFFFFFFFF, v33;
	v60 =	vsel vm13, $0xFFFFFFFF, v35;
	v40 =	vshrl.u32 v40, v47  }
0x513: {  	v62 =	vshrl.u32 v53, $0x1;
	v57 =	vld.idx.msk [tilespmem:v46+s7+$0x0], $0xffff;
	v61 =	vsel vm13, $0x0, v12;
	[tilespmem:s2+$0x138C0] =	vst v60;
	v40 =	vand.u32 v40, v54  }
0x514: {  	v51 =	vsel vm12, $0x0, v29;
	v46 =	vld [tilespmem:s2+$0x119E0];
	v63 =	vsel vm13, $0x0, v28;
	[tilespmem:s2+$0x158C0] =	vst v61;
	v40 =	vand.u32 $0x1, v40  }
0x515: {  	v48 =	vand.u32 $0x1F, v62;
	v59 =	vand.u32 $0x1F, v52;
	[tilespmem:s2+$0x178C0] =	vst v63;
	vm14 =	veq.s32 v40, $0x0;
	v40 =	vld [tilespmem:s2+$0x11860]  }
0x516: {  	[tilespmem:s2+$0x13850] =	vst v56;
	v52 =	vsel vm12, $0x0, v13;
	v54 =	vshra.s32 v44, $0x6;
	v38 =	vld.idx.msk [tilespmem:v58+s7+$0x0], $0xffff;
	v39 =	vshrl.u32 v39, v48  }
0x517: {  	[tilespmem:s2+$0x17850] =	vst v51;
	v60 =	vshrl.u32 v45, $0x1;
	v55 =	vsel vm14, $0xFFFFFFFF, v36;
	v39 =	vand.u32 v39, v53  }
0x518: {  	v58 =	vshra.s32 v49, $0x6;
	v56 =	vsel vm14, $0x0, v12;
	[tilespmem:s2+$0x13940] =	vst v55;
	v39 =	vand.u32 $0x1, v39  }
0x519: {  	v50 =	vld [tilespmem:s2+$0x118E0];
	v42 =	vshrl.u32 v57, v59;
	v57 =	vsel vm14, $0x0, v28;
	[tilespmem:s2+$0x15940] =	vst v56;
	vm15 =	veq.s32 v39, $0x0  }
0x51a: {  	v47 =	vand.u32 $0x1F, v60;
	[tilespmem:s2+$0x17940] =	vst v57;
	v61 =	vsel vm15, $0xFFFFFFFF, v37;
	v59 =	vshra.s32 v40, $0x6  }
0x51b: {  	v51 =	vshra.s32 v46, $0x6;
	v48 =	vld.idx.msk [tilespmem:v54+s7+$0x0], $0xffff;
	v38 =	vshrl.u32 v38, v47;
	v62 =	vsel vm15, $0x0, v12;
	[tilespmem:s2+$0x139C0] =	vst v61  }
0x51c: {  	v42 =	vand.u32 v42, v43;
	v63 =	vsel vm15, $0x0, v28;
	v38 =	vand.u32 v38, v45;
	[tilespmem:s2+$0x159C0] =	vst v62  }
0x51d: {  	v42 =	vand.u32 $0x1, v42;
	v53 =	vshrl.u32 v44, $0x1;
	v45 =	vld [tilespmem:s2+$0x11960];
	[tilespmem:s2+$0x179C0] =	vst v63;
	v38 =	vand.u32 $0x1, v38  }
0x51e: {  	[tilespmem:s2+$0x15850] =	vst v52;
	vm4 =	veq.s32 v42, $0x0;
	v55 =	vshra.s32 v50, $0x6;
	v39 =	vld.idx.msk [tilespmem:v58+s7+$0x0], $0xffff;
	vm5 =	veq.s32 v38, $0x0  }
0x51f: {  	[tilespmem:s2+$0x17770] =	vst v34;
	v43 =	vand.u32 $0x1F, v53;
	v32 =	vsel vm4, $0xFFFFFFFF, v32;
	v57 =	vsel vm5, $0xFFFFFFFF, v35;
	v54 =	vld.idx.msk [tilespmem:v59+s7+$0x0], $0xffff  }
0x520: {  	v52 =	vshrl.u32 v40, $0x1;
	v58 =	vsel vm5, $0x0, v13;
	v43 =	vshrl.u32 v48, v43;
	[tilespmem:s2+$0x138D0] =	vst v57  }
0x521: {  	v60 =	vsel vm5, $0x0, v29;
	[tilespmem:s2+$0x158D0] =	vst v58;
	v43 =	vand.u32 v43, v44;
	v59 =	vshrl.u32 v49, $0x1  }
0x522: {  	v56 =	vand.u32 $0x1F, v52;
	[tilespmem:s2+$0x178D0] =	vst v60;
	v43 =	vand.u32 $0x1, v43;
	v44 =	vand.u32 $0x1F, v59  }
0x523: {  	[tilespmem:s2+$0x15770] =	vst v41;
	v61 =	vshra.s32 v45, $0x6;
	v63 =	vld.idx.msk [tilespmem:v55+s7+$0x0], $0xffff;
	vm6 =	veq.s32 v43, $0x0;
	v39 =	vshrl.u32 v39, v44  }
0x524: {  	[tilespmem:s2+$0x137F0] =	vst v32;
	v47 =	vsel vm6, $0xFFFFFFFF, v36;
	v39 =	vand.u32 v39, v49;
	v62 =	vshrl.u32 v54, v56  }
0x525: {  	v48 =	vsel vm6, $0x0, v13;
	[tilespmem:s2+$0x13950] =	vst v47;
	v39 =	vand.u32 $0x1, v39;
	v32 =	vand.u32 v62, v40;
	v40 =	vld [tilespmem:s2+$0x11870]  }
0x526: {  	v52 =	vshrl.u32 v50, $0x1;
	[tilespmem:s2+$0x15950] =	vst v48;
	v49 =	vsel vm6, $0x0, v29;
	vm7 =	veq.s32 v39, $0x0  }
0x527: {  	v41 =	vand.u32 $0x1F, v52;
	v43 =	vld [tilespmem:s2+$0x118F0];
	[tilespmem:s2+$0x17950] =	vst v49;
	v53 =	vsel vm7, $0xFFFFFFFF, v37  }
0x528: {  	v60 =	vshrl.u32 v45, $0x1;
	v34 =	vshrl.u32 v63, v41;
	v42 =	vld.idx.msk [tilespmem:v61+s7+$0x0], $0xffff;
	v54 =	vsel vm7, $0x0, v13;
	[tilespmem:s2+$0x139D0] =	vst v53  }
0x529: {  	v56 =	vsel vm4, $0x0, v15;
	v55 =	vsel vm7, $0x0, v29;
	v32 =	vand.u32 $0x1, v32;
	[tilespmem:s2+$0x159D0] =	vst v54  }
0x52a: {  	v47 =	vld [tilespmem:s2+$0x11970];
	v34 =	vand.u32 v34, v50;
	[tilespmem:s2+$0x179D0] =	vst v55;
	vm8 =	veq.s32 v32, $0x0;
	v58 =	vshra.s32 v40, $0x6  }
0x52b: {  	v50 =	vshrl.u32 v46, $0x1;
	[tilespmem:s2+$0x157F0] =	vst v56;
	v34 =	vand.u32 $0x1, v34;
	v39 =	vld.idx.msk [tilespmem:v51+s7+$0x0], $0xffff;
	v57 =	vsel vm8, $0xFFFFFFFF, v33  }
0x52c: {  	v62 =	vand.u32 $0x1F, v60;
	v48 =	vshra.s32 v43, $0x6;
	v59 =	vsel vm8, $0x0, v14;
	[tilespmem:s2+$0x13860] =	vst v57  }
0x52d: {  	vm9 =	veq.s32 v34, $0x0;
	v61 =	vsel vm8, $0x0, v30;
	[tilespmem:s2+$0x15860] =	vst v59;
	v34 =	vshrl.u32 v42, v62  }
0x52e: {  	v63 =	vsel vm9, $0xFFFFFFFF, v35;
	v49 =	vsel vm9, $0x0, v14;
	[tilespmem:s2+$0x17860] =	vst v61;
	v34 =	vand.u32 v34, v45;
	v45 =	vld [tilespmem:s2+$0x119F0]  }
0x52f: {  	v52 =	vsel vm9, $0x0, v30;
	[tilespmem:s2+$0x138E0] =	vst v63;
	v42 =	vand.u32 $0x1F, v50;
	v34 =	vand.u32 $0x1, v34;
	v51 =	vld.idx.msk [tilespmem:v58+s7+$0x0], $0xffff  }
0x530: {  	v54 =	vshra.s32 v47, $0x6;
	[tilespmem:s2+$0x158E0] =	vst v49;
	vm10 =	veq.s32 v34, $0x0;
	v53 =	vshrl.u32 v39, v42  }
0x531: {  	[tilespmem:s2+$0x178E0] =	vst v52;
	v55 =	vshrl.u32 v40, $0x1;
	v34 =	vand.u32 v53, v46;
	v56 =	vsel vm10, $0xFFFFFFFF, v36  }
0x532: {  	v57 =	vld.idx.msk [tilespmem:v48+s7+$0x0], $0xffff;
	v39 =	vand.u32 $0x1F, v55;
	v59 =	vsel vm10, $0x0, v30;
	[tilespmem:s2+$0x13960] =	vst v56;
	v34 =	vand.u32 $0x1, v34  }
0x533: {  	[tilespmem:s2+$0x17960] =	vst v59;
	v58 =	vsel vm10, $0x0, v14;
	vm11 =	veq.s32 v34, $0x0;
	v60 =	vshra.s32 v45, $0x6  }
0x534: {  	[tilespmem:s2+$0x15960] =	vst v58;
	v61 =	vsel vm11, $0xFFFFFFFF, v37;
	v32 =	vshrl.u32 v51, v39  }
0x535: {  	v62 =	vshrl.u32 v43, $0x1;
	v63 =	vsel vm11, $0x0, v14;
	v38 =	vld.idx.msk [tilespmem:v54+s7+$0x0], $0xffff;
	[tilespmem:s2+$0x139E0] =	vst v61;
	v32 =	vand.u32 v32, v40  }
0x536: {  	v46 =	vand.u32 $0x1F, v62;
	v44 =	vsel vm11, $0x0, v30;
	[tilespmem:s2+$0x159E0] =	vst v63;
	v32 =	vand.u32 $0x1, v32  }
0x537: {  	v48 =	vsel vm4, $0x0, v31;
	v49 =	vshrl.u32 v57, v46;
	[tilespmem:s2+$0x179E0] =	vst v44;
	vm12 =	veq.s32 v32, $0x0  }
0x538: {  	v50 =	vshrl.u32 v47, $0x1;
	[tilespmem:s2+$0x177F0] =	vst v48;
	v34 =	vld.idx.msk [tilespmem:v60+s7+$0x0], $0xffff;
	v32 =	vand.u32 v49, v43;
	v33 =	vsel vm12, $0xFFFFFFFF, v33  }
0x539: {  	v39 =	vand.u32 $0x1F, v50;
	v51 =	vsel vm12, $0x0, v15;
	v32 =	vand.u32 $0x1, v32;
	[tilespmem:s2+$0x13870] =	vst v33  }
0x53a: {  	v53 =	vshrl.u32 v38, v39;
	v52 =	vsel vm12, $0x0, v31;
	[tilespmem:s2+$0x15870] =	vst v51;
	vm13 =	veq.s32 v32, $0x0  }
0x53b: {  	v55 =	vshrl.u32 v45, $0x1;
	[tilespmem:s2+$0x17870] =	vst v52;
	v32 =	vand.u32 v53, v47;
	v54 =	vsel vm13, $0xFFFFFFFF, v35  }
0x53c: {  	v56 =	vsel vm13, $0x0, v15;
	v32 =	vand.u32 $0x1, v32;
	v35 =	vand.u32 $0x1F, v55;
	[tilespmem:s2+$0x138F0] =	vst v54  }
0x53d: {  	v57 =	vsel vm13, $0x0, v31;
	[tilespmem:s2+$0x158F0] =	vst v56;
	vm14 =	veq.s32 v32, $0x0;
	v58 =	vshrl.u32 v34, v35  }
0x53e: {  	[tilespmem:s2+$0x178F0] =	vst v57;
	v32 =	vand.u32 v58, v45;
	v59 =	vsel vm14, $0xFFFFFFFF, v36  }
0x53f: {  	p1 =	por p0, p0;
	v60 =	vsel vm14, $0x0, v15;
	[tilespmem:s2+$0x13970] =	vst v59;
	v32 =	vand.u32 $0x1, v32  }
.Ltmp1:
0x540: {  	v61 =	vsel vm14, $0x0, v31;
	[tilespmem:s2+$0x15970] =	vst v60;
	vm15 =	veq.s32 v32, $0x0;
	(pc) =	sbr.rel @p1 .LBB2_5-.Ltmp1, $4  }
0x541: {  	[tilespmem:s2+$0x17970] =	vst v61;
	v32 =	vsel vm15, $0xFFFFFFFF, v37  }
0x542: {  	v62 =	vsel vm15, $0x0, v15;
	[tilespmem:s2+$0x139F0] =	vst v32  }
0x543: {  	v63 =	vsel vm15, $0x0, v31;
	[tilespmem:s2+$0x159F0] =	vst v62  }
0x544: {  	p0 =	por $0x0, $0x0;
	s5 =	simm.s32 $0x8;
	[tilespmem:s2+$0x179F0] =	vst v63  }
0x545: {  	s0 =	sshll.u32 s0, $0x5;
	s31 =	sadd.s32 $0x1, s31  }
0x546: {  	s2 =	sadd.s32 s3, s0;
	p0 =	sne.s32 s31, $0x10  }
0x547: {  	[hbm4b:s2+s7] =	stream.linear.scatter [tilespmem:s24], [sflag:$0x4], $0x1000, $0x38;
	[tilespmem:$0x18200] =	vst v63  }
.Ltmp2:
0x548: {  	_ = 	snop;
	(pc) =	sbr.rel @p0 .LBB2_2-.Ltmp2, $4  }
0x549: {  	s17 =	sadd.s32 s4, s0  }
0x54a: {  	[hbm4b:s17+s7] =	stream.linear.scatter [tilespmem:s25], [sflag:$0x4], $0x1000, $0x38;
	[tilespmem:$0x18200] =	vst v63  }
0x54b: {  	s0 =	sadd.s32 s6, s0  }
0x54c: {  	[hbm4b:s0+s7] =	stream.linear.scatter [tilespmem:s26], [sflag:$0x4], $0x1000, $0x38;
	[tilespmem:$0x18200] =	vst v63  }
0x54d: {  	_ =	swait.ge [sflag:s28], $0x1000  }
0x54e: {  	[sflag:s28] =	ssyncset.done $0x0  }
0x54f: {  	[sflag:s28] =	ssyncadd.s32 $0xFFFFF000  }
0x550: {  	_ =	swait.ge [sflag:s28], $0x1000  }
0x551: {  	[sflag:s28] =	ssyncset.done $0x0  }
0x552: {  	[sflag:s28] =	ssyncadd.s32 $0xFFFFF000  }
0x553: {  	_ =	swait.ge [sflag:s28], $0x1000  }
0x554: {  	[sflag:s28] =	ssyncset.done $0x0  }
0x555: {  	[sflag:s28] =	ssyncadd.s32 $0xFFFFF000  }
0x556: {  	_ =	swait.ge [sflag:s29], $0x1000  }
0x557: {  	[sflag:s29] =	ssyncset.done $0x0  }
0x558: {  	s30 =	sadd.s32 $0x1, s30;
	[sflag:s29] =	ssyncadd.s32 $0xFFFFF000  }
0x559: {  	p0 =	sne.s32 s30, s13;
	_ =	swait.ge [sflag:s29], $0x1000  }
.Ltmp3:
0x55a: {  	[sflag:s29] =	ssyncset.done $0x0;
	(pc) =	sbr.rel @p0 .LBB2_1-.Ltmp3, $4  }
0x55b: {  	[sflag:s29] =	ssyncadd.s32 $0xFFFFF000  }
0x55c: {  	_ =	swait.ge [sflag:s29], $0x1000  }
0x55d: {  	[sflag:s29] =	ssyncset.done $0x0  }
0x55e: {  	[sflag:s29] =	ssyncadd.s32 $0xFFFFF000  }
0x55f: {  	_ =	sfence.sel $0x180000  }
0x560: {  	[bflag:$0x0] =	sbarrier.arrive $0xFFFF  }
0x561: {  	_ =	strace $0x90000047  }
0x562: {  	s0 =	stileid.u32;
	[bflag:$0x2] =	sbarrier.arrive $0xFFFF  }
0x563: {  	p0 =	sne.s32 s0, $0x0;
	s0 =	rddreg [dreg:$0x5]  }
0x564: {  	s0 =	sadd.s32 @!p0 $0x100000, s0  }
0x565: {  	[sflag:s0] =	ssyncadd.tile.s32 @!p0 $0x1;
	_ =	shalt  }
.Lfunc_end2:
_tile_overlayer_lowered:
.L_overlay_start_2:
0x566: {  	(tag) =	ssettag $0x2  }
0x567: {  	s0 =	rddreg [dreg:$0x0];
	s2 =	stileid.u32  }
0x568: {  	s1 =	rddreg [dreg:$0x1];
	p0 =	sne.s32 s2, $0x0  }
0x569: {  	s3 =	rddreg [dreg:$0x2];
	[bflag:$0x3] =	sbarrier.arrive $0xFFFF;
	s2 =	simm.s32 @!p0 $0x1C05  }
0x56a: {  	[timem:s3], [sflag:s2] =	dma.local @!p0 [hbm:s0], s1  }
0x56b: {  	s0 =	simm.s32 @!p0 $0x5  }
0x56c: {  	_ =	swait.ge @!p0 [sflag:s0], s1  }
0x56d: {  	s1 =	ssub.s32 @!p0 $0x0, s1;
	[sflag:s0] =	ssyncset.done @!p0 $0x0  }
0x56e: {  	[sflag:s0] =	ssyncadd.s32 @!p0 s1  }
0x56f: {  	[bflag:$0x3] =	sbarrier.arrive $0xFFFF  }
0x570: {  	_ =	shalt  }

</sc_bundles>
